<compile_context>
chip_gen: v7x
topology: tpu7x:2x2x1
jax: 0.10.2.dev20260603
libtpu: 0.0.44.dev20260713+nightly
codegen_flags: <defaults>
</compile_context>

<pallas_src>
import numpy as np
import jax
import jax.numpy as jnp
from jax import lax
from jax.experimental import pallas as pl

N = 512
TRIU = N * (N + 1) // 2
SUB = 8
LANE = TRIU // SUB

_ROW_NP, _COL_NP = np.triu_indices(N, k=0)
_C_NP = np.where(_ROW_NP != _COL_NP, np.float32(2.0 ** 0.25), np.float32(1.0))
_C_NP = _C_NP.reshape(1, SUB, LANE)


def _body(x_ref, c_ref, o_ref):
    x = x_ref[0]
    for r in range(N):
        off = r * N - r * (r - 1) // 2
        ln = N - r
        s0, c0 = divmod(off, LANE)
        if c0 + ln <= LANE:
            o_ref[0, s0, pl.ds(c0, ln)] = x[r, r:]
        else:
            l0 = LANE - c0
            o_ref[0, s0, pl.ds(c0, l0)] = x[r, r:r + l0]
            o_ref[0, s0 + 1, pl.ds(0, ln - l0)] = x[r, r + l0:]
    v = o_ref[0]
    c = c_ref[0]
    norm2 = jnp.sum(jnp.abs(v) * (c * c))
    rnorm = lax.rsqrt(norm2)
    a = jnp.abs(v)
    o_ref[0] = v * (c * rnorm) * lax.rsqrt(jnp.maximum(a, jnp.float32(1e-37)))


def kernel(x):
    B = x.shape[0]
    c = jnp.asarray(_C_NP)
    out = pl.pallas_call(
        _body,
        grid=(B,),
        in_specs=[
            pl.BlockSpec((1, N, N), lambda b: (b, 0, 0)),
            pl.BlockSpec((1, SUB, LANE), lambda b: (0, 0, 0)),
        ],
        out_specs=pl.BlockSpec((1, SUB, LANE), lambda b: (b, 0, 0)),
        out_shape=jax.ShapeDtypeStruct((B, SUB, LANE), jnp.float32),
    )(x, c)
    return out.reshape(B, TRIU)

# --- scband reference (transcript-rebuilt; emitter-appended) ---
"""Pipeline reference for scband-flatten-spd-17789754540872 (READ-ONLY COPY).

The authoritative reference and input builder live on the scoring server;
editing this copy changes nothing except your own understanding.
"""

import jax, jax.numpy as jnp
import numpy as np

N = 512
ROW_NP, COL_NP = np.triu_indices(N, k=0)
ROW = jnp.asarray(ROW_NP, dtype=jnp.int32)
COL = jnp.asarray(COL_NP, dtype=jnp.int32)
OFFDIAG = jnp.asarray(ROW_NP != COL_NP)


def setup_inputs(seed: int = 0) -> dict:
    key = jax.random.key(seed)
    x = jax.random.normal(key, (128, N, N), dtype=jnp.float32)
    return {"x": x}


def reference(x):
    # gather upper-triangular (incl. main diagonal) entries: [B, N, N] -> [B, N*(N+1)/2]
    out = x[:, ROW, COL]
    # sqrt2: scale off-diagonal entries by sqrt(2)
    scale = jnp.where(OFFDIAG, jnp.sqrt(jnp.float32(2.0)), jnp.float32(1.0))
    out = out * scale
    # norm: signed square root then L2-normalize along last dim
    out = jnp.sign(out) * jnp.sqrt(jnp.abs(out))
    out = out / jnp.linalg.norm(out, axis=-1, keepdims=True)
    return out

if __name__ == "__main__":
    import jax
    _d = setup_inputs()
    print(jax.jit(kernel)(*tuple(_d.values())))

</pallas_src>

<mosaic_0001>
module attributes {stable_mosaic.version = 14 : i64} {
  func.func @_body(%arg0: i32, %arg1: memref<1x512x512xf32, #tpu.memory_space<vmem>>, %arg2: memref<1x8x16416xf32, #tpu.memory_space<vmem>>, %arg3: memref<1x8x16416xf32, #tpu.memory_space<vmem>>) attributes {dimension_semantics = [#tpu.dimension_semantics<arbitrary>], iteration_bounds = array<i64: 128>, scalar_prefetch = 0 : i64, scratch_operands = 0 : i64, tpu.core_type = #tpu.core_type<tc>, window_params = [{transform_indices = @transform_0, window_bounds = array<i64: 1, 512, 512>}, {pipeline_mode = #tpu.pipeline_mode<synchronous>, transform_indices = @transform_1, window_bounds = array<i64: 1, 8, 16416>}, {transform_indices = @transform_2, window_bounds = array<i64: 1, 8, 16416>}]} {
    %get3A = arith.constant 0 : index
    %get3A_0 = arith.constant 0 : index
    %get3A_1 = arith.constant 0 : index
    %get3A_2 = vector.load %arg1[%get3A, %get3A_0, %get3A_1] : memref<1x512x512xf32, #tpu.memory_space<vmem>>, vector<1x512x512xf32>
    %get3A_3 = vector.shape_cast %get3A_2 : vector<1x512x512xf32> to vector<512x512xf32>
    %slice3A = vector.extract_strided_slice %get3A_3 {offsets = [0, 0], sizes = [1, 512], strides = [1, 1]} : vector<512x512xf32> to vector<1x512xf32>
    %squeeze3A = vector.shape_cast %slice3A : vector<1x512xf32> to vector<512xf32>
    %swap3A = arith.constant 0 : index
    %swap3A_4 = arith.constant 0 : index
    %swap3A_5 = arith.constant 0 : index
    %swap3A_6 = vector.load %arg3[%swap3A, %swap3A_4, %swap3A_5] : memref<1x8x16416xf32, #tpu.memory_space<vmem>>, vector<1x1x512xf32>
    %swap3A_7 = vector.shape_cast %swap3A_6 : vector<1x1x512xf32> to vector<512xf32>
    %swap3A_8 = vector.shape_cast %squeeze3A : vector<512xf32> to vector<1x1x512xf32>
    tpu.vector_store %arg3[%swap3A, %swap3A_4, %swap3A_5], %swap3A_8 {strides = array<i32>} : memref<1x8x16416xf32, #tpu.memory_space<vmem>>, vector<1x1x512xf32>,
    %slice3A_9 = vector.extract_strided_slice %get3A_3 {offsets = [1, 1], sizes = [1, 511], strides = [1, 1]} : vector<512x512xf32> to vector<1x511xf32>
    %squeeze3A_10 = vector.shape_cast %slice3A_9 : vector<1x511xf32> to vector<511xf32>
    %swap3A_11 = arith.constant 0 : index
    %swap3A_12 = arith.constant 0 : index
    %swap3A_13 = arith.constant 512 : index
    %swap3A_14 = vector.load %arg3[%swap3A_11, %swap3A_12, %swap3A_13] : memref<1x8x16416xf32, #tpu.memory_space<vmem>>, vector<1x1x511xf32>
    %swap3A_15 = vector.shape_cast %swap3A_14 : vector<1x1x511xf32> to vector<511xf32>
    %swap3A_16 = vector.shape_cast %squeeze3A_10 : vector<511xf32> to vector<1x1x511xf32>
    tpu.vector_store %arg3[%swap3A_11, %swap3A_12, %swap3A_13], %swap3A_16 {strides = array<i32>} : memref<1x8x16416xf32, #tpu.memory_space<vmem>>, vector<1x1x511xf32>,
    %slice3A_17 = vector.extract_strided_slice %get3A_3 {offsets = [2, 2], sizes = [1, 510], strides = [1, 1]} : vector<512x512xf32> to vector<1x510xf32>
    %squeeze3A_18 = vector.shape_cast %slice3A_17 : vector<1x510xf32> to vector<510xf32>
    %swap3A_19 = arith.constant 0 : index
    %swap3A_20 = arith.constant 0 : index
    %swap3A_21 = arith.constant 1023 : index
    %swap3A_22 = vector.load %arg3[%swap3A_19, %swap3A_20, %swap3A_21] : memref<1x8x16416xf32, #tpu.memory_space<vmem>>, vector<1x1x510xf32>
    %swap3A_23 = vector.shape_cast %swap3A_22 : vector<1x1x510xf32> to vector<510xf32>
    %swap3A_24 = vector.shape_cast %squeeze3A_18 : vector<510xf32> to vector<1x1x510xf32>
    tpu.vector_store %arg3[%swap3A_19, %swap3A_20, %swap3A_21], %swap3A_24 {strides = array<i32>} : memref<1x8x16416xf32, #tpu.memory_space<vmem>>, vector<1x1x510xf32>,
    %slice3A_25 = vector.extract_strided_slice %get3A_3 {offsets = [3, 3], sizes = [1, 509], strides = [1, 1]} : vector<512x512xf32> to vector<1x509xf32>
    %squeeze3A_26 = vector.shape_cast %slice3A_25 : vector<1x509xf32> to vector<509xf32>
    %swap3A_27 = arith.constant 0 : index
    %swap3A_28 = arith.constant 0 : index
    %swap3A_29 = arith.constant 1533 : index
    %swap3A_30 = vector.load %arg3[%swap3A_27, %swap3A_28, %swap3A_29] : memref<1x8x16416xf32, #tpu.memory_space<vmem>>, vector<1x1x509xf32>
    %swap3A_31 = vector.shape_cast %swap3A_30 : vector<1x1x509xf32> to vector<509xf32>
    %swap3A_32 = vector.shape_cast %squeeze3A_26 : vector<509xf32> to vector<1x1x509xf32>
    tpu.vector_store %arg3[%swap3A_27, %swap3A_28, %swap3A_29], %swap3A_32 {strides = array<i32>} : memref<1x8x16416xf32, #tpu.memory_space<vmem>>, vector<1x1x509xf32>,
    %slice3A_33 = vector.extract_strided_slice %get3A_3 {offsets = [4, 4], sizes = [1, 508], strides = [1, 1]} : vector<512x512xf32> to vector<1x508xf32>
    %squeeze3A_34 = vector.shape_cast %slice3A_33 : vector<1x508xf32> to vector<508xf32>
    %swap3A_35 = arith.constant 0 : index
    %swap3A_36 = arith.constant 0 : index
    %swap3A_37 = arith.constant 2042 : index
    %swap3A_38 = vector.load %arg3[%swap3A_35, %swap3A_36, %swap3A_37] : memref<1x8x16416xf32, #tpu.memory_space<vmem>>, vector<1x1x508xf32>
    %swap3A_39 = vector.shape_cast %swap3A_38 : vector<1x1x508xf32> to vector<508xf32>
    %swap3A_40 = vector.shape_cast %squeeze3A_34 : vector<508xf32> to vector<1x1x508xf32>
    tpu.vector_store %arg3[%swap3A_35, %swap3A_36, %swap3A_37], %swap3A_40 {strides = array<i32>} : memref<1x8x16416xf32, #tpu.memory_space<vmem>>, vector<1x1x508xf32>,
    %slice3A_41 = vector.extract_strided_slice %get3A_3 {offsets = [5, 5], sizes = [1, 507], strides = [1, 1]} : vector<512x512xf32> to vector<1x507xf32>
    %squeeze3A_42 = vector.shape_cast %slice3A_41 : vector<1x507xf32> to vector<507xf32>
    %swap3A_43 = arith.constant 0 : index
    %swap3A_44 = arith.constant 0 : index
    %swap3A_45 = arith.constant 2550 : index
    %swap3A_46 = vector.load %arg3[%swap3A_43, %swap3A_44, %swap3A_45] : memref<1x8x16416xf32, #tpu.memory_space<vmem>>, vector<1x1x507xf32>
    %swap3A_47 = vector.shape_cast %swap3A_46 : vector<1x1x507xf32> to vector<507xf32>
    %swap3A_48 = vector.shape_cast %squeeze3A_42 : vector<507xf32> to vector<1x1x507xf32>
    tpu.vector_store %arg3[%swap3A_43, %swap3A_44, %swap3A_45], %swap3A_48 {strides = array<i32>} : memref<1x8x16416xf32, #tpu.memory_space<vmem>>, vector<1x1x507xf32>,
    %slice3A_49 = vector.extract_strided_slice %get3A_3 {offsets = [6, 6], sizes = [1, 506], strides = [1, 1]} : vector<512x512xf32> to vector<1x506xf32>
    %squeeze3A_50 = vector.shape_cast %slice3A_49 : vector<1x506xf32> to vector<506xf32>
    %swap3A_51 = arith.constant 0 : index
    %swap3A_52 = arith.constant 0 : index
    %swap3A_53 = arith.constant 3057 : index
    %swap3A_54 = vector.load %arg3[%swap3A_51, %swap3A_52, %swap3A_53] : memref<1x8x16416xf32, #tpu.memory_space<vmem>>, vector<1x1x506xf32>
    %swap3A_55 = vector.shape_cast %swap3A_54 : vector<1x1x506xf32> to vector<506xf32>
    %swap3A_56 = vector.shape_cast %squeeze3A_50 : vector<506xf32> to vector<1x1x506xf32>
    tpu.vector_store %arg3[%swap3A_51, %swap3A_52, %swap3A_53], %swap3A_56 {strides = array<i32>} : memref<1x8x16416xf32, #tpu.memory_space<vmem>>, vector<1x1x506xf32>,
    %slice3A_57 = vector.extract_strided_slice %get3A_3 {offsets = [7, 7], sizes = [1, 505], strides = [1, 1]} : vector<512x512xf32> to vector<1x505xf32>
    %squeeze3A_58 = vector.shape_cast %slice3A_57 : vector<1x505xf32> to vector<505xf32>
    %swap3A_59 = arith.constant 0 : index
    %swap3A_60 = arith.constant 0 : index
    %swap3A_61 = arith.constant 3563 : index
    %swap3A_62 = vector.load %arg3[%swap3A_59, %swap3A_60, %swap3A_61] : memref<1x8x16416xf32, #tpu.memory_space<vmem>>, vector<1x1x505xf32>
    %swap3A_63 = vector.shape_cast %swap3A_62 : vector<1x1x505xf32> to vector<505xf32>
    %swap3A_64 = vector.shape_cast %squeeze3A_58 : vector<505xf32> to vector<1x1x505xf32>
    tpu.vector_store %arg3[%swap3A_59, %swap3A_60, %swap3A_61], %swap3A_64 {strides = array<i32>} : memref<1x8x16416xf32, #tpu.memory_space<vmem>>, vector<1x1x505xf32>,
    %slice3A_65 = vector.extract_strided_slice %get3A_3 {offsets = [8, 8], sizes = [1, 504], strides = [1, 1]} : vector<512x512xf32> to vector<1x504xf32>
    %squeeze3A_66 = vector.shape_cast %slice3A_65 : vector<1x504xf32> to vector<504xf32>
    %swap3A_67 = arith.constant 0 : index
    %swap3A_68 = arith.constant 0 : index
    %swap3A_69 = arith.constant 4068 : index
    %swap3A_70 = vector.load %arg3[%swap3A_67, %swap3A_68, %swap3A_69] : memref<1x8x16416xf32, #tpu.memory_space<vmem>>, vector<1x1x504xf32>
    %swap3A_71 = vector.shape_cast %swap3A_70 : vector<1x1x504xf32> to vector<504xf32>
    %swap3A_72 = vector.shape_cast %squeeze3A_66 : vector<504xf32> to vector<1x1x504xf32>
    tpu.vector_store %arg3[%swap3A_67, %swap3A_68, %swap3A_69], %swap3A_72 {strides = array<i32>} : memref<1x8x16416xf32, #tpu.memory_space<vmem>>, vector<1x1x504xf32>,
    %slice3A_73 = vector.extract_strided_slice %get3A_3 {offsets = [9, 9], sizes = [1, 503], strides = [1, 1]} : vector<512x512xf32> to vector<1x503xf32>
    %squeeze3A_74 = vector.shape_cast %slice3A_73 : vector<1x503xf32> to vector<503xf32>
    %swap3A_75 = arith.constant 0 : index
    %swap3A_76 = arith.constant 0 : index
    %swap3A_77 = arith.constant 4572 : index
    %swap3A_78 = vector.load %arg3[%swap3A_75, %swap3A_76, %swap3A_77] : memref<1x8x16416xf32, #tpu.memory_space<vmem>>, vector<1x1x503xf32>
    %swap3A_79 = vector.shape_cast %swap3A_78 : vector<1x1x503xf32> to vector<503xf32>
    %swap3A_80 = vector.shape_cast %squeeze3A_74 : vector<503xf32> to vector<1x1x503xf32>
    tpu.vector_store %arg3[%swap3A_75, %swap3A_76, %swap3A_77], %swap3A_80 {strides = array<i32>} : memref<1x8x16416xf32, #tpu.memory_space<vmem>>, vector<1x1x503xf32>,
    %slice3A_81 = vector.extract_strided_slice %get3A_3 {offsets = [10, 10], sizes = [1, 502], strides = [1, 1]} : vector<512x512xf32> to vector<1x502xf32>
    %squeeze3A_82 = vector.shape_cast %slice3A_81 : vector<1x502xf32> to vector<502xf32>
    %swap3A_83 = arith.constant 0 : index
    %swap3A_84 = arith.constant 0 : index
    %swap3A_85 = arith.constant 5075 : index
    %swap3A_86 = vector.load %arg3[%swap3A_83, %swap3A_84, %swap3A_85] : memref<1x8x16416xf32, #tpu.memory_space<vmem>>, vector<1x1x502xf32>
    %swap3A_87 = vector.shape_cast %swap3A_86 : vector<1x1x502xf32> to vector<502xf32>
    %swap3A_88 = vector.shape_cast %squeeze3A_82 : vector<502xf32> to vector<1x1x502xf32>
    tpu.vector_store %arg3[%swap3A_83, %swap3A_84, %swap3A_85], %swap3A_88 {strides = array<i32>} : memref<1x8x16416xf32, #tpu.memory_space<vmem>>, vector<1x1x502xf32>,
    %slice3A_89 = vector.extract_strided_slice %get3A_3 {offsets = [11, 11], sizes = [1, 501], strides = [1, 1]} : vector<512x512xf32> to vector<1x501xf32>
    %squeeze3A_90 = vector.shape_cast %slice3A_89 : vector<1x501xf32> to vector<501xf32>
    %swap3A_91 = arith.constant 0 : index
    %swap3A_92 = arith.constant 0 : index
    %swap3A_93 = arith.constant 5577 : index
    %swap3A_94 = vector.load %arg3[%swap3A_91, %swap3A_92, %swap3A_93] : memref<1x8x16416xf32, #tpu.memory_space<vmem>>, vector<1x1x501xf32>
    %swap3A_95 = vector.shape_cast %swap3A_94 : vector<1x1x501xf32> to vector<501xf32>
    %swap3A_96 = vector.shape_cast %squeeze3A_90 : vector<501xf32> to vector<1x1x501xf32>
    tpu.vector_store %arg3[%swap3A_91, %swap3A_92, %swap3A_93], %swap3A_96 {strides = array<i32>} : memref<1x8x16416xf32, #tpu.memory_space<vmem>>, vector<1x1x501xf32>,
    %slice3A_97 = vector.extract_strided_slice %get3A_3 {offsets = [12, 12], sizes = [1, 500], strides = [1, 1]} : vector<512x512xf32> to vector<1x500xf32>
    %squeeze3A_98 = vector.shape_cast %slice3A_97 : vector<1x500xf32> to vector<500xf32>
    %swap3A_99 = arith.constant 0 : index
    %swap3A_100 = arith.constant 0 : index
    %swap3A_101 = arith.constant 6078 : index
    %swap3A_102 = vector.load %arg3[%swap3A_99, %swap3A_100, %swap3A_101] : memref<1x8x16416xf32, #tpu.memory_space<vmem>>, vector<1x1x500xf32>
    %swap3A_103 = vector.shape_cast %swap3A_102 : vector<1x1x500xf32> to vector<500xf32>
    %swap3A_104 = vector.shape_cast %squeeze3A_98 : vector<500xf32> to vector<1x1x500xf32>
    tpu.vector_store %arg3[%swap3A_99, %swap3A_100, %swap3A_101], %swap3A_104 {strides = array<i32>} : memref<1x8x16416xf32, #tpu.memory_space<vmem>>, vector<1x1x500xf32>,
    %slice3A_105 = vector.extract_strided_slice %get3A_3 {offsets = [13, 13], sizes = [1, 499], strides = [1, 1]} : vector<512x512xf32> to vector<1x499xf32>
    %squeeze3A_106 = vector.shape_cast %slice3A_105 : vector<1x499xf32> to vector<499xf32>
    %swap3A_107 = arith.constant 0 : index
    %swap3A_108 = arith.constant 0 : index
    %swap3A_109 = arith.constant 6578 : index
    %swap3A_110 = vector.load %arg3[%swap3A_107, %swap3A_108, %swap3A_109] : memref<1x8x16416xf32, #tpu.memory_space<vmem>>, vector<1x1x499xf32>
    %swap3A_111 = vector.shape_cast %swap3A_110 : vector<1x1x499xf32> to vector<499xf32>
    %swap3A_112 = vector.shape_cast %squeeze3A_106 : vector<499xf32> to vector<1x1x499xf32>
    tpu.vector_store %arg3[%swap3A_107, %swap3A_108, %swap3A_109], %swap3A_112 {strides = array<i32>} : memref<1x8x16416xf32, #tpu.memory_space<vmem>>, vector<1x1x499xf32>,
    %slice3A_113 = vector.extract_strided_slice %get3A_3 {offsets = [14, 14], sizes = [1, 498], strides = [1, 1]} : vector<512x512xf32> to vector<1x498xf32>
    %squeeze3A_114 = vector.shape_cast %slice3A_113 : vector<1x498xf32> to vector<498xf32>
    %swap3A_115 = arith.constant 0 : index
    %swap3A_116 = arith.constant 0 : index
    %swap3A_117 = arith.constant 7077 : index
    %swap3A_118 = vector.load %arg3[%swap3A_115, %swap3A_116, %swap3A_117] : memref<1x8x16416xf32, #tpu.memory_space<vmem>>, vector<1x1x498xf32>
    %swap3A_119 = vector.shape_cast %swap3A_118 : vector<1x1x498xf32> to vector<498xf32>
    %swap3A_120 = vector.shape_cast %squeeze3A_114 : vector<498xf32> to vector<1x1x498xf32>
    tpu.vector_store %arg3[%swap3A_115, %swap3A_116, %swap3A_117], %swap3A_120 {strides = array<i32>} : memref<1x8x16416xf32, #tpu.memory_space<vmem>>, vector<1x1x498xf32>,
    %slice3A_121 = vector.extract_strided_slice %get3A_3 {offsets = [15, 15], sizes = [1, 497], strides = [1, 1]} : vector<512x512xf32> to vector<1x497xf32>
    %squeeze3A_122 = vector.shape_cast %slice3A_121 : vector<1x497xf32> to vector<497xf32>
    %swap3A_123 = arith.constant 0 : index
    %swap3A_124 = arith.constant 0 : index
    %swap3A_125 = arith.constant 7575 : index
    %swap3A_126 = vector.load %arg3[%swap3A_123, %swap3A_124, %swap3A_125] : memref<1x8x16416xf32, #tpu.memory_space<vmem>>, vector<1x1x497xf32>
    %swap3A_127 = vector.shape_cast %swap3A_126 : vector<1x1x497xf32> to vector<497xf32>
    %swap3A_128 = vector.shape_cast %squeeze3A_122 : vector<497xf32> to vector<1x1x497xf32>
    tpu.vector_store %arg3[%swap3A_123, %swap3A_124, %swap3A_125], %swap3A_128 {strides = array<i32>} : memref<1x8x16416xf32, #tpu.memory_space<vmem>>, vector<1x1x497xf32>,
    %slice3A_129 = vector.extract_strided_slice %get3A_3 {offsets = [16, 16], sizes = [1, 496], strides = [1, 1]} : vector<512x512xf32> to vector<1x496xf32>
    %squeeze3A_130 = vector.shape_cast %slice3A_129 : vector<1x496xf32> to vector<496xf32>
    %swap3A_131 = arith.constant 0 : index
    %swap3A_132 = arith.constant 0 : index
    %swap3A_133 = arith.constant 8072 : index
    %swap3A_134 = vector.load %arg3[%swap3A_131, %swap3A_132, %swap3A_133] : memref<1x8x16416xf32, #tpu.memory_space<vmem>>, vector<1x1x496xf32>
    %swap3A_135 = vector.shape_cast %swap3A_134 : vector<1x1x496xf32> to vector<496xf32>
    %swap3A_136 = vector.shape_cast %squeeze3A_130 : vector<496xf32> to vector<1x1x496xf32>
    tpu.vector_store %arg3[%swap3A_131, %swap3A_132, %swap3A_133], %swap3A_136 {strides = array<i32>} : memref<1x8x16416xf32, #tpu.memory_space<vmem>>, vector<1x1x496xf32>,
    %slice3A_137 = vector.extract_strided_slice %get3A_3 {offsets = [17, 17], sizes = [1, 495], strides = [1, 1]} : vector<512x512xf32> to vector<1x495xf32>
    %squeeze3A_138 = vector.shape_cast %slice3A_137 : vector<1x495xf32> to vector<495xf32>
    %swap3A_139 = arith.constant 0 : index
    %swap3A_140 = arith.constant 0 : index
    %swap3A_141 = arith.constant 8568 : index
    %swap3A_142 = vector.load %arg3[%swap3A_139, %swap3A_140, %swap3A_141] : memref<1x8x16416xf32, #tpu.memory_space<vmem>>, vector<1x1x495xf32>
    %swap3A_143 = vector.shape_cast %swap3A_142 : vector<1x1x495xf32> to vector<495xf32>
    %swap3A_144 = vector.shape_cast %squeeze3A_138 : vector<495xf32> to vector<1x1x495xf32>
    tpu.vector_store %arg3[%swap3A_139, %swap3A_140, %swap3A_141], %swap3A_144 {strides = array<i32>} : memref<1x8x16416xf32, #tpu.memory_space<vmem>>, vector<1x1x495xf32>,
    %slice3A_145 = vector.extract_strided_slice %get3A_3 {offsets = [18, 18], sizes = [1, 494], strides = [1, 1]} : vector<512x512xf32> to vector<1x494xf32>
    %squeeze3A_146 = vector.shape_cast %slice3A_145 : vector<1x494xf32> to vector<494xf32>
    %swap3A_147 = arith.constant 0 : index
    %swap3A_148 = arith.constant 0 : index
    %swap3A_149 = arith.constant 9063 : index
    %swap3A_150 = vector.load %arg3[%swap3A_147, %swap3A_148, %swap3A_149] : memref<1x8x16416xf32, #tpu.memory_space<vmem>>, vector<1x1x494xf32>
    %swap3A_151 = vector.shape_cast %swap3A_150 : vector<1x1x494xf32> to vector<494xf32>
    %swap3A_152 = vector.shape_cast %squeeze3A_146 : vector<494xf32> to vector<1x1x494xf32>
    tpu.vector_store %arg3[%swap3A_147, %swap3A_148, %swap3A_149], %swap3A_152 {strides = array<i32>} : memref<1x8x16416xf32, #tpu.memory_space<vmem>>, vector<1x1x494xf32>,
    %slice3A_153 = vector.extract_strided_slice %get3A_3 {offsets = [19, 19], sizes = [1, 493], strides = [1, 1]} : vector<512x512xf32> to vector<1x493xf32>
    %squeeze3A_154 = vector.shape_cast %slice3A_153 : vector<1x493xf32> to vector<493xf32>
    %swap3A_155 = arith.constant 0 : index
    %swap3A_156 = arith.constant 0 : index
    %swap3A_157 = arith.constant 9557 : index
    %swap3A_158 = vector.load %arg3[%swap3A_155, %swap3A_156, %swap3A_157] : memref<1x8x16416xf32, #tpu.memory_space<vmem>>, vector<1x1x493xf32>
    %swap3A_159 = vector.shape_cast %swap3A_158 : vector<1x1x493xf32> to vector<493xf32>
    %swap3A_160 = vector.shape_cast %squeeze3A_154 : vector<493xf32> to vector<1x1x493xf32>
    tpu.vector_store %arg3[%swap3A_155, %swap3A_156, %swap3A_157], %swap3A_160 {strides = array<i32>} : memref<1x8x16416xf32, #tpu.memory_space<vmem>>, vector<1x1x493xf32>,
    %slice3A_161 = vector.extract_strided_slice %get3A_3 {offsets = [20, 20], sizes = [1, 492], strides = [1, 1]} : vector<512x512xf32> to vector<1x492xf32>
    %squeeze3A_162 = vector.shape_cast %slice3A_161 : vector<1x492xf32> to vector<492xf32>
    %swap3A_163 = arith.constant 0 : index
    %swap3A_164 = arith.constant 0 : index
    %swap3A_165 = arith.constant 10050 : index
    %swap3A_166 = vector.load %arg3[%swap3A_163, %swap3A_164, %swap3A_165] : memref<1x8x16416xf32, #tpu.memory_space<vmem>>, vector<1x1x492xf32>
    %swap3A_167 = vector.shape_cast %swap3A_166 : vector<1x1x492xf32> to vector<492xf32>
    %swap3A_168 = vector.shape_cast %squeeze3A_162 : vector<492xf32> to vector<1x1x492xf32>
    tpu.vector_store %arg3[%swap3A_163, %swap3A_164, %swap3A_165], %swap3A_168 {strides = array<i32>} : memref<1x8x16416xf32, #tpu.memory_space<vmem>>, vector<1x1x492xf32>,
    %slice3A_169 = vector.extract_strided_slice %get3A_3 {offsets = [21, 21], sizes = [1, 491], strides = [1, 1]} : vector<512x512xf32> to vector<1x491xf32>
    %squeeze3A_170 = vector.shape_cast %slice3A_169 : vector<1x491xf32> to vector<491xf32>
    %swap3A_171 = arith.constant 0 : index
    %swap3A_172 = arith.constant 0 : index
    %swap3A_173 = arith.constant 10542 : index
    %swap3A_174 = vector.load %arg3[%swap3A_171, %swap3A_172, %swap3A_173] : memref<1x8x16416xf32, #tpu.memory_space<vmem>>, vector<1x1x491xf32>
    %swap3A_175 = vector.shape_cast %swap3A_174 : vector<1x1x491xf32> to vector<491xf32>
    %swap3A_176 = vector.shape_cast %squeeze3A_170 : vector<491xf32> to vector<1x1x491xf32>
    tpu.vector_store %arg3[%swap3A_171, %swap3A_172, %swap3A_173], %swap3A_176 {strides = array<i32>} : memref<1x8x16416xf32, #tpu.memory_space<vmem>>, vector<1x1x491xf32>,
    %slice3A_177 = vector.extract_strided_slice %get3A_3 {offsets = [22, 22], sizes = [1, 490], strides = [1, 1]} : vector<512x512xf32> to vector<1x490xf32>
    %squeeze3A_178 = vector.shape_cast %slice3A_177 : vector<1x490xf32> to vector<490xf32>
    %swap3A_179 = arith.constant 0 : index
    %swap3A_180 = arith.constant 0 : index
    %swap3A_181 = arith.constant 11033 : index
    %swap3A_182 = vector.load %arg3[%swap3A_179, %swap3A_180, %swap3A_181] : memref<1x8x16416xf32, #tpu.memory_space<vmem>>, vector<1x1x490xf32>
    %swap3A_183 = vector.shape_cast %swap3A_182 : vector<1x1x490xf32> to vector<490xf32>
    %swap3A_184 = vector.shape_cast %squeeze3A_178 : vector<490xf32> to vector<1x1x490xf32>
    tpu.vector_store %arg3[%swap3A_179, %swap3A_180, %swap3A_181], %swap3A_184 {strides = array<i32>} : memref<1x8x16416xf32, #tpu.memory_space<vmem>>, vector<1x1x490xf32>,
    %slice3A_185 = vector.extract_strided_slice %get3A_3 {offsets = [23, 23], sizes = [1, 489], strides = [1, 1]} : vector<512x512xf32> to vector<1x489xf32>
    %squeeze3A_186 = vector.shape_cast %slice3A_185 : vector<1x489xf32> to vector<489xf32>
    %swap3A_187 = arith.constant 0 : index
    %swap3A_188 = arith.constant 0 : index
    %swap3A_189 = arith.constant 11523 : index
    %swap3A_190 = vector.load %arg3[%swap3A_187, %swap3A_188, %swap3A_189] : memref<1x8x16416xf32, #tpu.memory_space<vmem>>, vector<1x1x489xf32>
    %swap3A_191 = vector.shape_cast %swap3A_190 : vector<1x1x489xf32> to vector<489xf32>
    %swap3A_192 = vector.shape_cast %squeeze3A_186 : vector<489xf32> to vector<1x1x489xf32>
    tpu.vector_store %arg3[%swap3A_187, %swap3A_188, %swap3A_189], %swap3A_192 {strides = array<i32>} : memref<1x8x16416xf32, #tpu.memory_space<vmem>>, vector<1x1x489xf32>,
    %slice3A_193 = vector.extract_strided_slice %get3A_3 {offsets = [24, 24], sizes = [1, 488], strides = [1, 1]} : vector<512x512xf32> to vector<1x488xf32>
    %squeeze3A_194 = vector.shape_cast %slice3A_193 : vector<1x488xf32> to vector<488xf32>
    %swap3A_195 = arith.constant 0 : index
    %swap3A_196 = arith.constant 0 : index
    %swap3A_197 = arith.constant 12012 : index
    %swap3A_198 = vector.load %arg3[%swap3A_195, %swap3A_196, %swap3A_197] : memref<1x8x16416xf32, #tpu.memory_space<vmem>>, vector<1x1x488xf32>
    %swap3A_199 = vector.shape_cast %swap3A_198 : vector<1x1x488xf32> to vector<488xf32>
    %swap3A_200 = vector.shape_cast %squeeze3A_194 : vector<488xf32> to vector<1x1x488xf32>
    tpu.vector_store %arg3[%swap3A_195, %swap3A_196, %swap3A_197], %swap3A_200 {strides = array<i32>} : memref<1x8x16416xf32, #tpu.memory_space<vmem>>, vector<1x1x488xf32>,
    %slice3A_201 = vector.extract_strided_slice %get3A_3 {offsets = [25, 25], sizes = [1, 487], strides = [1, 1]} : vector<512x512xf32> to vector<1x487xf32>
    %squeeze3A_202 = vector.shape_cast %slice3A_201 : vector<1x487xf32> to vector<487xf32>
    %swap3A_203 = arith.constant 0 : index
    %swap3A_204 = arith.constant 0 : index
    %swap3A_205 = arith.constant 12500 : index
    %swap3A_206 = vector.load %arg3[%swap3A_203, %swap3A_204, %swap3A_205] : memref<1x8x16416xf32, #tpu.memory_space<vmem>>, vector<1x1x487xf32>
    %swap3A_207 = vector.shape_cast %swap3A_206 : vector<1x1x487xf32> to vector<487xf32>
    %swap3A_208 = vector.shape_cast %squeeze3A_202 : vector<487xf32> to vector<1x1x487xf32>
    tpu.vector_store %arg3[%swap3A_203, %swap3A_204, %swap3A_205], %swap3A_208 {strides = array<i32>} : memref<1x8x16416xf32, #tpu.memory_space<vmem>>, vector<1x1x487xf32>,
    %slice3A_209 = vector.extract_strided_slice %get3A_3 {offsets = [26, 26], sizes = [1, 486], strides = [1, 1]} : vector<512x512xf32> to vector<1x486xf32>
    %squeeze3A_210 = vector.shape_cast %slice3A_209 : vector<1x486xf32> to vector<486xf32>
    %swap3A_211 = arith.constant 0 : index
    %swap3A_212 = arith.constant 0 : index
    %swap3A_213 = arith.constant 12987 : index
    %swap3A_214 = vector.load %arg3[%swap3A_211, %swap3A_212, %swap3A_213] : memref<1x8x16416xf32, #tpu.memory_space<vmem>>, vector<1x1x486xf32>
    %swap3A_215 = vector.shape_cast %swap3A_214 : vector<1x1x486xf32> to vector<486xf32>
    %swap3A_216 = vector.shape_cast %squeeze3A_210 : vector<486xf32> to vector<1x1x486xf32>
    tpu.vector_store %arg3[%swap3A_211, %swap3A_212, %swap3A_213], %swap3A_216 {strides = array<i32>} : memref<1x8x16416xf32, #tpu.memory_space<vmem>>, vector<1x1x486xf32>,
    %slice3A_217 = vector.extract_strided_slice %get3A_3 {offsets = [27, 27], sizes = [1, 485], strides = [1, 1]} : vector<512x512xf32> to vector<1x485xf32>
    %squeeze3A_218 = vector.shape_cast %slice3A_217 : vector<1x485xf32> to vector<485xf32>
    %swap3A_219 = arith.constant 0 : index
    %swap3A_220 = arith.constant 0 : index
    %swap3A_221 = arith.constant 13473 : index
    %swap3A_222 = vector.load %arg3[%swap3A_219, %swap3A_220, %swap3A_221] : memref<1x8x16416xf32, #tpu.memory_space<vmem>>, vector<1x1x485xf32>
    %swap3A_223 = vector.shape_cast %swap3A_222 : vector<1x1x485xf32> to vector<485xf32>
    %swap3A_224 = vector.shape_cast %squeeze3A_218 : vector<485xf32> to vector<1x1x485xf32>
    tpu.vector_store %arg3[%swap3A_219, %swap3A_220, %swap3A_221], %swap3A_224 {strides = array<i32>} : memref<1x8x16416xf32, #tpu.memory_space<vmem>>, vector<1x1x485xf32>,
    %slice3A_225 = vector.extract_strided_slice %get3A_3 {offsets = [28, 28], sizes = [1, 484], strides = [1, 1]} : vector<512x512xf32> to vector<1x484xf32>
    %squeeze3A_226 = vector.shape_cast %slice3A_225 : vector<1x484xf32> to vector<484xf32>
    %swap3A_227 = arith.constant 0 : index
    %swap3A_228 = arith.constant 0 : index
    %swap3A_229 = arith.constant 13958 : index
    %swap3A_230 = vector.load %arg3[%swap3A_227, %swap3A_228, %swap3A_229] : memref<1x8x16416xf32, #tpu.memory_space<vmem>>, vector<1x1x484xf32>
    %swap3A_231 = vector.shape_cast %swap3A_230 : vector<1x1x484xf32> to vector<484xf32>
    %swap3A_232 = vector.shape_cast %squeeze3A_226 : vector<484xf32> to vector<1x1x484xf32>
    tpu.vector_store %arg3[%swap3A_227, %swap3A_228, %swap3A_229], %swap3A_232 {strides = array<i32>} : memref<1x8x16416xf32, #tpu.memory_space<vmem>>, vector<1x1x484xf32>,
    %slice3A_233 = vector.extract_strided_slice %get3A_3 {offsets = [29, 29], sizes = [1, 483], strides = [1, 1]} : vector<512x512xf32> to vector<1x483xf32>
    %squeeze3A_234 = vector.shape_cast %slice3A_233 : vector<1x483xf32> to vector<483xf32>
    %swap3A_235 = arith.constant 0 : index
    %swap3A_236 = arith.constant 0 : index
    %swap3A_237 = arith.constant 14442 : index
    %swap3A_238 = vector.load %arg3[%swap3A_235, %swap3A_236, %swap3A_237] : memref<1x8x16416xf32, #tpu.memory_space<vmem>>, vector<1x1x483xf32>
    %swap3A_239 = vector.shape_cast %swap3A_238 : vector<1x1x483xf32> to vector<483xf32>
    %swap3A_240 = vector.shape_cast %squeeze3A_234 : vector<483xf32> to vector<1x1x483xf32>
    tpu.vector_store %arg3[%swap3A_235, %swap3A_236, %swap3A_237], %swap3A_240 {strides = array<i32>} : memref<1x8x16416xf32, #tpu.memory_space<vmem>>, vector<1x1x483xf32>,
    %slice3A_241 = vector.extract_strided_slice %get3A_3 {offsets = [30, 30], sizes = [1, 482], strides = [1, 1]} : vector<512x512xf32> to vector<1x482xf32>
    %squeeze3A_242 = vector.shape_cast %slice3A_241 : vector<1x482xf32> to vector<482xf32>
    %swap3A_243 = arith.constant 0 : index
    %swap3A_244 = arith.constant 0 : index
    %swap3A_245 = arith.constant 14925 : index
    %swap3A_246 = vector.load %arg3[%swap3A_243, %swap3A_244, %swap3A_245] : memref<1x8x16416xf32, #tpu.memory_space<vmem>>, vector<1x1x482xf32>
    %swap3A_247 = vector.shape_cast %swap3A_246 : vector<1x1x482xf32> to vector<482xf32>
    %swap3A_248 = vector.shape_cast %squeeze3A_242 : vector<482xf32> to vector<1x1x482xf32>
    tpu.vector_store %arg3[%swap3A_243, %swap3A_244, %swap3A_245], %swap3A_248 {strides = array<i32>} : memref<1x8x16416xf32, #tpu.memory_space<vmem>>, vector<1x1x482xf32>,
    %slice3A_249 = vector.extract_strided_slice %get3A_3 {offsets = [31, 31], sizes = [1, 481], strides = [1, 1]} : vector<512x512xf32> to vector<1x481xf32>
    %squeeze3A_250 = vector.shape_cast %slice3A_249 : vector<1x481xf32> to vector<481xf32>
    %swap3A_251 = arith.constant 0 : index
    %swap3A_252 = arith.constant 0 : index
    %swap3A_253 = arith.constant 15407 : index
    %swap3A_254 = vector.load %arg3[%swap3A_251, %swap3A_252, %swap3A_253] : memref<1x8x16416xf32, #tpu.memory_space<vmem>>, vector<1x1x481xf32>
    %swap3A_255 = vector.shape_cast %swap3A_254 : vector<1x1x481xf32> to vector<481xf32>
    %swap3A_256 = vector.shape_cast %squeeze3A_250 : vector<481xf32> to vector<1x1x481xf32>
    tpu.vector_store %arg3[%swap3A_251, %swap3A_252, %swap3A_253], %swap3A_256 {strides = array<i32>} : memref<1x8x16416xf32, #tpu.memory_space<vmem>>, vector<1x1x481xf32>,
    %slice3A_257 = vector.extract_strided_slice %get3A_3 {offsets = [32, 32], sizes = [1, 480], strides = [1, 1]} : vector<512x512xf32> to vector<1x480xf32>
    %squeeze3A_258 = vector.shape_cast %slice3A_257 : vector<1x480xf32> to vector<480xf32>
    %swap3A_259 = arith.constant 0 : index
    %swap3A_260 = arith.constant 0 : index
    %swap3A_261 = arith.constant 15888 : index
    %swap3A_262 = vector.load %arg3[%swap3A_259, %swap3A_260, %swap3A_261] : memref<1x8x16416xf32, #tpu.memory_space<vmem>>, vector<1x1x480xf32>
    %swap3A_263 = vector.shape_cast %swap3A_262 : vector<1x1x480xf32> to vector<480xf32>
    %swap3A_264 = vector.shape_cast %squeeze3A_258 : vector<480xf32> to vector<1x1x480xf32>
    tpu.vector_store %arg3[%swap3A_259, %swap3A_260, %swap3A_261], %swap3A_264 {strides = array<i32>} : memref<1x8x16416xf32, #tpu.memory_space<vmem>>, vector<1x1x480xf32>,
    %slice3A_265 = vector.extract_strided_slice %get3A_3 {offsets = [33, 33], sizes = [1, 48], strides = [1, 1]} : vector<512x512xf32> to vector<1x48xf32>
    %squeeze3A_266 = vector.shape_cast %slice3A_265 : vector<1x48xf32> to vector<48xf32>
    %swap3A_267 = arith.constant 0 : index
    %swap3A_268 = arith.constant 0 : index
    %swap3A_269 = arith.constant 16368 : index
    %swap3A_270 = vector.load %arg3[%swap3A_267, %swap3A_268, %swap3A_269] : memref<1x8x16416xf32, #tpu.memory_space<vmem>>, vector<1x1x48xf32>
    %swap3A_271 = vector.shape_cast %swap3A_270 : vector<1x1x48xf32> to vector<48xf32>
    %swap3A_272 = vector.shape_cast %squeeze3A_266 : vector<48xf32> to vector<1x1x48xf32>
    tpu.vector_store %arg3[%swap3A_267, %swap3A_268, %swap3A_269], %swap3A_272 {strides = array<i32>} : memref<1x8x16416xf32, #tpu.memory_space<vmem>>, vector<1x1x48xf32>,
    %slice3A_273 = vector.extract_strided_slice %get3A_3 {offsets = [33, 81], sizes = [1, 431], strides = [1, 1]} : vector<512x512xf32> to vector<1x431xf32>
    %squeeze3A_274 = vector.shape_cast %slice3A_273 : vector<1x431xf32> to vector<431xf32>
    %swap3A_275 = arith.constant 0 : index
    %swap3A_276 = arith.constant 1 : index
    %swap3A_277 = arith.constant 0 : index
    %swap3A_278 = vector.load %arg3[%swap3A_275, %swap3A_276, %swap3A_277] : memref<1x8x16416xf32, #tpu.memory_space<vmem>>, vector<1x1x431xf32>
    %swap3A_279 = vector.shape_cast %swap3A_278 : vector<1x1x431xf32> to vector<431xf32>
    %swap3A_280 = vector.shape_cast %squeeze3A_274 : vector<431xf32> to vector<1x1x431xf32>
    tpu.vector_store %arg3[%swap3A_275, %swap3A_276, %swap3A_277], %swap3A_280 {strides = array<i32>} : memref<1x8x16416xf32, #tpu.memory_space<vmem>>, vector<1x1x431xf32>,
    %slice3A_281 = vector.extract_strided_slice %get3A_3 {offsets = [34, 34], sizes = [1, 478], strides = [1, 1]} : vector<512x512xf32> to vector<1x478xf32>
    %squeeze3A_282 = vector.shape_cast %slice3A_281 : vector<1x478xf32> to vector<478xf32>
    %swap3A_283 = arith.constant 0 : index
    %swap3A_284 = arith.constant 1 : index
    %swap3A_285 = arith.constant 431 : index
    %swap3A_286 = vector.load %arg3[%swap3A_283, %swap3A_284, %swap3A_285] : memref<1x8x16416xf32, #tpu.memory_space<vmem>>, vector<1x1x478xf32>
    %swap3A_287 = vector.shape_cast %swap3A_286 : vector<1x1x478xf32> to vector<478xf32>
    %swap3A_288 = vector.shape_cast %squeeze3A_282 : vector<478xf32> to vector<1x1x478xf32>
    tpu.vector_store %arg3[%swap3A_283, %swap3A_284, %swap3A_285], %swap3A_288 {strides = array<i32>} : memref<1x8x16416xf32, #tpu.memory_space<vmem>>, vector<1x1x478xf32>,
    %slice3A_289 = vector.extract_strided_slice %get3A_3 {offsets = [35, 35], sizes = [1, 477], strides = [1, 1]} : vector<512x512xf32> to vector<1x477xf32>
    %squeeze3A_290 = vector.shape_cast %slice3A_289 : vector<1x477xf32> to vector<477xf32>
    %swap3A_291 = arith.constant 0 : index
    %swap3A_292 = arith.constant 1 : index
    %swap3A_293 = arith.constant 909 : index
    %swap3A_294 = vector.load %arg3[%swap3A_291, %swap3A_292, %swap3A_293] : memref<1x8x16416xf32, #tpu.memory_space<vmem>>, vector<1x1x477xf32>
    %swap3A_295 = vector.shape_cast %swap3A_294 : vector<1x1x477xf32> to vector<477xf32>
    %swap3A_296 = vector.shape_cast %squeeze3A_290 : vector<477xf32> to vector<1x1x477xf32>
    tpu.vector_store %arg3[%swap3A_291, %swap3A_292, %swap3A_293], %swap3A_296 {strides = array<i32>} : memref<1x8x16416xf32, #tpu.memory_space<vmem>>, vector<1x1x477xf32>,
    %slice3A_297 = vector.extract_strided_slice %get3A_3 {offsets = [36, 36], sizes = [1, 476], strides = [1, 1]} : vector<512x512xf32> to vector<1x476xf32>
    %squeeze3A_298 = vector.shape_cast %slice3A_297 : vector<1x476xf32> to vector<476xf32>
    %swap3A_299 = arith.constant 0 : index
    %swap3A_300 = arith.constant 1 : index
    %swap3A_301 = arith.constant 1386 : index
    %swap3A_302 = vector.load %arg3[%swap3A_299, %swap3A_300, %swap3A_301] : memref<1x8x16416xf32, #tpu.memory_space<vmem>>, vector<1x1x476xf32>
    %swap3A_303 = vector.shape_cast %swap3A_302 : vector<1x1x476xf32> to vector<476xf32>
    %swap3A_304 = vector.shape_cast %squeeze3A_298 : vector<476xf32> to vector<1x1x476xf32>
    tpu.vector_store %arg3[%swap3A_299, %swap3A_300, %swap3A_301], %swap3A_304 {strides = array<i32>} : memref<1x8x16416xf32, #tpu.memory_space<vmem>>, vector<1x1x476xf32>,
    %slice3A_305 = vector.extract_strided_slice %get3A_3 {offsets = [37, 37], sizes = [1, 475], strides = [1, 1]} : vector<512x512xf32> to vector<1x475xf32>
    %squeeze3A_306 = vector.shape_cast %slice3A_305 : vector<1x475xf32> to vector<475xf32>
    %swap3A_307 = arith.constant 0 : index
    %swap3A_308 = arith.constant 1 : index
    %swap3A_309 = arith.constant 1862 : index
    %swap3A_310 = vector.load %arg3[%swap3A_307, %swap3A_308, %swap3A_309] : memref<1x8x16416xf32, #tpu.memory_space<vmem>>, vector<1x1x475xf32>
    %swap3A_311 = vector.shape_cast %swap3A_310 : vector<1x1x475xf32> to vector<475xf32>
    %swap3A_312 = vector.shape_cast %squeeze3A_306 : vector<475xf32> to vector<1x1x475xf32>
    tpu.vector_store %arg3[%swap3A_307, %swap3A_308, %swap3A_309], %swap3A_312 {strides = array<i32>} : memref<1x8x16416xf32, #tpu.memory_space<vmem>>, vector<1x1x475xf32>,
    %slice3A_313 = vector.extract_strided_slice %get3A_3 {offsets = [38, 38], sizes = [1, 474], strides = [1, 1]} : vector<512x512xf32> to vector<1x474xf32>
    %squeeze3A_314 = vector.shape_cast %slice3A_313 : vector<1x474xf32> to vector<474xf32>
    %swap3A_315 = arith.constant 0 : index
    %swap3A_316 = arith.constant 1 : index
    %swap3A_317 = arith.constant 2337 : index
    %swap3A_318 = vector.load %arg3[%swap3A_315, %swap3A_316, %swap3A_317] : memref<1x8x16416xf32, #tpu.memory_space<vmem>>, vector<1x1x474xf32>
    %swap3A_319 = vector.shape_cast %swap3A_318 : vector<1x1x474xf32> to vector<474xf32>
    %swap3A_320 = vector.shape_cast %squeeze3A_314 : vector<474xf32> to vector<1x1x474xf32>
    tpu.vector_store %arg3[%swap3A_315, %swap3A_316, %swap3A_317], %swap3A_320 {strides = array<i32>} : memref<1x8x16416xf32, #tpu.memory_space<vmem>>, vector<1x1x474xf32>,
    %slice3A_321 = vector.extract_strided_slice %get3A_3 {offsets = [39, 39], sizes = [1, 473], strides = [1, 1]} : vector<512x512xf32> to vector<1x473xf32>
    %squeeze3A_322 = vector.shape_cast %slice3A_321 : vector<1x473xf32> to vector<473xf32>
    %swap3A_323 = arith.constant 0 : index
    %swap3A_324 = arith.constant 1 : index
    %swap3A_325 = arith.constant 2811 : index
    %swap3A_326 = vector.load %arg3[%swap3A_323, %swap3A_324, %swap3A_325] : memref<1x8x16416xf32, #tpu.memory_space<vmem>>, vector<1x1x473xf32>
    %swap3A_327 = vector.shape_cast %swap3A_326 : vector<1x1x473xf32> to vector<473xf32>
    %swap3A_328 = vector.shape_cast %squeeze3A_322 : vector<473xf32> to vector<1x1x473xf32>
    tpu.vector_store %arg3[%swap3A_323, %swap3A_324, %swap3A_325], %swap3A_328 {strides = array<i32>} : memref<1x8x16416xf32, #tpu.memory_space<vmem>>, vector<1x1x473xf32>,
    %slice3A_329 = vector.extract_strided_slice %get3A_3 {offsets = [40, 40], sizes = [1, 472], strides = [1, 1]} : vector<512x512xf32> to vector<1x472xf32>
    %squeeze3A_330 = vector.shape_cast %slice3A_329 : vector<1x472xf32> to vector<472xf32>
    %swap3A_331 = arith.constant 0 : index
    %swap3A_332 = arith.constant 1 : index
    %swap3A_333 = arith.constant 3284 : index
    %swap3A_334 = vector.load %arg3[%swap3A_331, %swap3A_332, %swap3A_333] : memref<1x8x16416xf32, #tpu.memory_space<vmem>>, vector<1x1x472xf32>
    %swap3A_335 = vector.shape_cast %swap3A_334 : vector<1x1x472xf32> to vector<472xf32>
    %swap3A_336 = vector.shape_cast %squeeze3A_330 : vector<472xf32> to vector<1x1x472xf32>
    tpu.vector_store %arg3[%swap3A_331, %swap3A_332, %swap3A_333], %swap3A_336 {strides = array<i32>} : memref<1x8x16416xf32, #tpu.memory_space<vmem>>, vector<1x1x472xf32>,
    %slice3A_337 = vector.extract_strided_slice %get3A_3 {offsets = [41, 41], sizes = [1, 471], strides = [1, 1]} : vector<512x512xf32> to vector<1x471xf32>
    %squeeze3A_338 = vector.shape_cast %slice3A_337 : vector<1x471xf32> to vector<471xf32>
    %swap3A_339 = arith.constant 0 : index
    %swap3A_340 = arith.constant 1 : index
    %swap3A_341 = arith.constant 3756 : index
    %swap3A_342 = vector.load %arg3[%swap3A_339, %swap3A_340, %swap3A_341] : memref<1x8x16416xf32, #tpu.memory_space<vmem>>, vector<1x1x471xf32>
    %swap3A_343 = vector.shape_cast %swap3A_342 : vector<1x1x471xf32> to vector<471xf32>
    %swap3A_344 = vector.shape_cast %squeeze3A_338 : vector<471xf32> to vector<1x1x471xf32>
    tpu.vector_store %arg3[%swap3A_339, %swap3A_340, %swap3A_341], %swap3A_344 {strides = array<i32>} : memref<1x8x16416xf32, #tpu.memory_space<vmem>>, vector<1x1x471xf32>,
    %slice3A_345 = vector.extract_strided_slice %get3A_3 {offsets = [42, 42], sizes = [1, 470], strides = [1, 1]} : vector<512x512xf32> to vector<1x470xf32>
    %squeeze3A_346 = vector.shape_cast %slice3A_345 : vector<1x470xf32> to vector<470xf32>
    %swap3A_347 = arith.constant 0 : index
    %swap3A_348 = arith.constant 1 : index
    %swap3A_349 = arith.constant 4227 : index
    %swap3A_350 = vector.load %arg3[%swap3A_347, %swap3A_348, %swap3A_349] : memref<1x8x16416xf32, #tpu.memory_space<vmem>>, vector<1x1x470xf32>
    %swap3A_351 = vector.shape_cast %swap3A_350 : vector<1x1x470xf32> to vector<470xf32>
    %swap3A_352 = vector.shape_cast %squeeze3A_346 : vector<470xf32> to vector<1x1x470xf32>
    tpu.vector_store %arg3[%swap3A_347, %swap3A_348, %swap3A_349], %swap3A_352 {strides = array<i32>} : memref<1x8x16416xf32, #tpu.memory_space<vmem>>, vector<1x1x470xf32>,
    %slice3A_353 = vector.extract_strided_slice %get3A_3 {offsets = [43, 43], sizes = [1, 469], strides = [1, 1]} : vector<512x512xf32> to vector<1x469xf32>
    %squeeze3A_354 = vector.shape_cast %slice3A_353 : vector<1x469xf32> to vector<469xf32>
    %swap3A_355 = arith.constant 0 : index
    %swap3A_356 = arith.constant 1 : index
    %swap3A_357 = arith.constant 4697 : index
    %swap3A_358 = vector.load %arg3[%swap3A_355, %swap3A_356, %swap3A_357] : memref<1x8x16416xf32, #tpu.memory_space<vmem>>, vector<1x1x469xf32>
    %swap3A_359 = vector.shape_cast %swap3A_358 : vector<1x1x469xf32> to vector<469xf32>
    %swap3A_360 = vector.shape_cast %squeeze3A_354 : vector<469xf32> to vector<1x1x469xf32>
    tpu.vector_store %arg3[%swap3A_355, %swap3A_356, %swap3A_357], %swap3A_360 {strides = array<i32>} : memref<1x8x16416xf32, #tpu.memory_space<vmem>>, vector<1x1x469xf32>,
    %slice3A_361 = vector.extract_strided_slice %get3A_3 {offsets = [44, 44], sizes = [1, 468], strides = [1, 1]} : vector<512x512xf32> to vector<1x468xf32>
    %squeeze3A_362 = vector.shape_cast %slice3A_361 : vector<1x468xf32> to vector<468xf32>
    %swap3A_363 = arith.constant 0 : index
    %swap3A_364 = arith.constant 1 : index
    %swap3A_365 = arith.constant 5166 : index
    %swap3A_366 = vector.load %arg3[%swap3A_363, %swap3A_364, %swap3A_365] : memref<1x8x16416xf32, #tpu.memory_space<vmem>>, vector<1x1x468xf32>
    %swap3A_367 = vector.shape_cast %swap3A_366 : vector<1x1x468xf32> to vector<468xf32>
    %swap3A_368 = vector.shape_cast %squeeze3A_362 : vector<468xf32> to vector<1x1x468xf32>
    tpu.vector_store %arg3[%swap3A_363, %swap3A_364, %swap3A_365], %swap3A_368 {strides = array<i32>} : memref<1x8x16416xf32, #tpu.memory_space<vmem>>, vector<1x1x468xf32>,
    %slice3A_369 = vector.extract_strided_slice %get3A_3 {offsets = [45, 45], sizes = [1, 467], strides = [1, 1]} : vector<512x512xf32> to vector<1x467xf32>
    %squeeze3A_370 = vector.shape_cast %slice3A_369 : vector<1x467xf32> to vector<467xf32>
    %swap3A_371 = arith.constant 0 : index
    %swap3A_372 = arith.constant 1 : index
    %swap3A_373 = arith.constant 5634 : index
    %swap3A_374 = vector.load %arg3[%swap3A_371, %swap3A_372, %swap3A_373] : memref<1x8x16416xf32, #tpu.memory_space<vmem>>, vector<1x1x467xf32>
    %swap3A_375 = vector.shape_cast %swap3A_374 : vector<1x1x467xf32> to vector<467xf32>
    %swap3A_376 = vector.shape_cast %squeeze3A_370 : vector<467xf32> to vector<1x1x467xf32>
    tpu.vector_store %arg3[%swap3A_371, %swap3A_372, %swap3A_373], %swap3A_376 {strides = array<i32>} : memref<1x8x16416xf32, #tpu.memory_space<vmem>>, vector<1x1x467xf32>,
    %slice3A_377 = vector.extract_strided_slice %get3A_3 {offsets = [46, 46], sizes = [1, 466], strides = [1, 1]} : vector<512x512xf32> to vector<1x466xf32>
    %squeeze3A_378 = vector.shape_cast %slice3A_377 : vector<1x466xf32> to vector<466xf32>
    %swap3A_379 = arith.constant 0 : index
    %swap3A_380 = arith.constant 1 : index
    %swap3A_381 = arith.constant 6101 : index
    %swap3A_382 = vector.load %arg3[%swap3A_379, %swap3A_380, %swap3A_381] : memref<1x8x16416xf32, #tpu.memory_space<vmem>>, vector<1x1x466xf32>
    %swap3A_383 = vector.shape_cast %swap3A_382 : vector<1x1x466xf32> to vector<466xf32>
    %swap3A_384 = vector.shape_cast %squeeze3A_378 : vector<466xf32> to vector<1x1x466xf32>
    tpu.vector_store %arg3[%swap3A_379, %swap3A_380, %swap3A_381], %swap3A_384 {strides = array<i32>} : memref<1x8x16416xf32, #tpu.memory_space<vmem>>, vector<1x1x466xf32>,
    %slice3A_385 = vector.extract_strided_slice %get3A_3 {offsets = [47, 47], sizes = [1, 465], strides = [1, 1]} : vector<512x512xf32> to vector<1x465xf32>
    %squeeze3A_386 = vector.shape_cast %slice3A_385 : vector<1x465xf32> to vector<465xf32>
    %swap3A_387 = arith.constant 0 : index
    %swap3A_388 = arith.constant 1 : index
    %swap3A_389 = arith.constant 6567 : index
    %swap3A_390 = vector.load %arg3[%swap3A_387, %swap3A_388, %swap3A_389] : memref<1x8x16416xf32, #tpu.memory_space<vmem>>, vector<1x1x465xf32>
    %swap3A_391 = vector.shape_cast %swap3A_390 : vector<1x1x465xf32> to vector<465xf32>
    %swap3A_392 = vector.shape_cast %squeeze3A_386 : vector<465xf32> to vector<1x1x465xf32>
    tpu.vector_store %arg3[%swap3A_387, %swap3A_388, %swap3A_389], %swap3A_392 {strides = array<i32>} : memref<1x8x16416xf32, #tpu.memory_space<vmem>>, vector<1x1x465xf32>,
    %slice3A_393 = vector.extract_strided_slice %get3A_3 {offsets = [48, 48], sizes = [1, 464], strides = [1, 1]} : vector<512x512xf32> to vector<1x464xf32>
    %squeeze3A_394 = vector.shape_cast %slice3A_393 : vector<1x464xf32> to vector<464xf32>
    %swap3A_395 = arith.constant 0 : index
    %swap3A_396 = arith.constant 1 : index
    %swap3A_397 = arith.constant 7032 : index
    %swap3A_398 = vector.load %arg3[%swap3A_395, %swap3A_396, %swap3A_397] : memref<1x8x16416xf32, #tpu.memory_space<vmem>>, vector<1x1x464xf32>
    %swap3A_399 = vector.shape_cast %swap3A_398 : vector<1x1x464xf32> to vector<464xf32>
    %swap3A_400 = vector.shape_cast %squeeze3A_394 : vector<464xf32> to vector<1x1x464xf32>
    tpu.vector_store %arg3[%swap3A_395, %swap3A_396, %swap3A_397], %swap3A_400 {strides = array<i32>} : memref<1x8x16416xf32, #tpu.memory_space<vmem>>, vector<1x1x464xf32>,
    %slice3A_401 = vector.extract_strided_slice %get3A_3 {offsets = [49, 49], sizes = [1, 463], strides = [1, 1]} : vector<512x512xf32> to vector<1x463xf32>
    %squeeze3A_402 = vector.shape_cast %slice3A_401 : vector<1x463xf32> to vector<463xf32>
    %swap3A_403 = arith.constant 0 : index
    %swap3A_404 = arith.constant 1 : index
    %swap3A_405 = arith.constant 7496 : index
    %swap3A_406 = vector.load %arg3[%swap3A_403, %swap3A_404, %swap3A_405] : memref<1x8x16416xf32, #tpu.memory_space<vmem>>, vector<1x1x463xf32>
    %swap3A_407 = vector.shape_cast %swap3A_406 : vector<1x1x463xf32> to vector<463xf32>
    %swap3A_408 = vector.shape_cast %squeeze3A_402 : vector<463xf32> to vector<1x1x463xf32>
    tpu.vector_store %arg3[%swap3A_403, %swap3A_404, %swap3A_405], %swap3A_408 {strides = array<i32>} : memref<1x8x16416xf32, #tpu.memory_space<vmem>>, vector<1x1x463xf32>,
    %slice3A_409 = vector.extract_strided_slice %get3A_3 {offsets = [50, 50], sizes = [1, 462], strides = [1, 1]} : vector<512x512xf32> to vector<1x462xf32>
    %squeeze3A_410 = vector.shape_cast %slice3A_409 : vector<1x462xf32> to vector<462xf32>
    %swap3A_411 = arith.constant 0 : index
    %swap3A_412 = arith.constant 1 : index
    %swap3A_413 = arith.constant 7959 : index
    %swap3A_414 = vector.load %arg3[%swap3A_411, %swap3A_412, %swap3A_413] : memref<1x8x16416xf32, #tpu.memory_space<vmem>>, vector<1x1x462xf32>
    %swap3A_415 = vector.shape_cast %swap3A_414 : vector<1x1x462xf32> to vector<462xf32>
    %swap3A_416 = vector.shape_cast %squeeze3A_410 : vector<462xf32> to vector<1x1x462xf32>
    tpu.vector_store %arg3[%swap3A_411, %swap3A_412, %swap3A_413], %swap3A_416 {strides = array<i32>} : memref<1x8x16416xf32, #tpu.memory_space<vmem>>, vector<1x1x462xf32>,
    %slice3A_417 = vector.extract_strided_slice %get3A_3 {offsets = [51, 51], sizes = [1, 461], strides = [1, 1]} : vector<512x512xf32> to vector<1x461xf32>
    %squeeze3A_418 = vector.shape_cast %slice3A_417 : vector<1x461xf32> to vector<461xf32>
    %swap3A_419 = arith.constant 0 : index
    %swap3A_420 = arith.constant 1 : index
    %swap3A_421 = arith.constant 8421 : index
    %swap3A_422 = vector.load %arg3[%swap3A_419, %swap3A_420, %swap3A_421] : memref<1x8x16416xf32, #tpu.memory_space<vmem>>, vector<1x1x461xf32>
    %swap3A_423 = vector.shape_cast %swap3A_422 : vector<1x1x461xf32> to vector<461xf32>
    %swap3A_424 = vector.shape_cast %squeeze3A_418 : vector<461xf32> to vector<1x1x461xf32>
    tpu.vector_store %arg3[%swap3A_419, %swap3A_420, %swap3A_421], %swap3A_424 {strides = array<i32>} : memref<1x8x16416xf32, #tpu.memory_space<vmem>>, vector<1x1x461xf32>,
    %slice3A_425 = vector.extract_strided_slice %get3A_3 {offsets = [52, 52], sizes = [1, 460], strides = [1, 1]} : vector<512x512xf32> to vector<1x460xf32>
    %squeeze3A_426 = vector.shape_cast %slice3A_425 : vector<1x460xf32> to vector<460xf32>
    %swap3A_427 = arith.constant 0 : index
    %swap3A_428 = arith.constant 1 : index
    %swap3A_429 = arith.constant 8882 : index
    %swap3A_430 = vector.load %arg3[%swap3A_427, %swap3A_428, %swap3A_429] : memref<1x8x16416xf32, #tpu.memory_space<vmem>>, vector<1x1x460xf32>
    %swap3A_431 = vector.shape_cast %swap3A_430 : vector<1x1x460xf32> to vector<460xf32>
    %swap3A_432 = vector.shape_cast %squeeze3A_426 : vector<460xf32> to vector<1x1x460xf32>
    tpu.vector_store %arg3[%swap3A_427, %swap3A_428, %swap3A_429], %swap3A_432 {strides = array<i32>} : memref<1x8x16416xf32, #tpu.memory_space<vmem>>, vector<1x1x460xf32>,
    %slice3A_433 = vector.extract_strided_slice %get3A_3 {offsets = [53, 53], sizes = [1, 459], strides = [1, 1]} : vector<512x512xf32> to vector<1x459xf32>
    %squeeze3A_434 = vector.shape_cast %slice3A_433 : vector<1x459xf32> to vector<459xf32>
    %swap3A_435 = arith.constant 0 : index
    %swap3A_436 = arith.constant 1 : index
    %swap3A_437 = arith.constant 9342 : index
    %swap3A_438 = vector.load %arg3[%swap3A_435, %swap3A_436, %swap3A_437] : memref<1x8x16416xf32, #tpu.memory_space<vmem>>, vector<1x1x459xf32>
    %swap3A_439 = vector.shape_cast %swap3A_438 : vector<1x1x459xf32> to vector<459xf32>
    %swap3A_440 = vector.shape_cast %squeeze3A_434 : vector<459xf32> to vector<1x1x459xf32>
    tpu.vector_store %arg3[%swap3A_435, %swap3A_436, %swap3A_437], %swap3A_440 {strides = array<i32>} : memref<1x8x16416xf32, #tpu.memory_space<vmem>>, vector<1x1x459xf32>,
    %slice3A_441 = vector.extract_strided_slice %get3A_3 {offsets = [54, 54], sizes = [1, 458], strides = [1, 1]} : vector<512x512xf32> to vector<1x458xf32>
    %squeeze3A_442 = vector.shape_cast %slice3A_441 : vector<1x458xf32> to vector<458xf32>
    %swap3A_443 = arith.constant 0 : index
    %swap3A_444 = arith.constant 1 : index
    %swap3A_445 = arith.constant 9801 : index
    %swap3A_446 = vector.load %arg3[%swap3A_443, %swap3A_444, %swap3A_445] : memref<1x8x16416xf32, #tpu.memory_space<vmem>>, vector<1x1x458xf32>
    %swap3A_447 = vector.shape_cast %swap3A_446 : vector<1x1x458xf32> to vector<458xf32>
    %swap3A_448 = vector.shape_cast %squeeze3A_442 : vector<458xf32> to vector<1x1x458xf32>
    tpu.vector_store %arg3[%swap3A_443, %swap3A_444, %swap3A_445], %swap3A_448 {strides = array<i32>} : memref<1x8x16416xf32, #tpu.memory_space<vmem>>, vector<1x1x458xf32>,
    %slice3A_449 = vector.extract_strided_slice %get3A_3 {offsets = [55, 55], sizes = [1, 457], strides = [1, 1]} : vector<512x512xf32> to vector<1x457xf32>
    %squeeze3A_450 = vector.shape_cast %slice3A_449 : vector<1x457xf32> to vector<457xf32>
    %swap3A_451 = arith.constant 0 : index
    %swap3A_452 = arith.constant 1 : index
    %swap3A_453 = arith.constant 10259 : index
    %swap3A_454 = vector.load %arg3[%swap3A_451, %swap3A_452, %swap3A_453] : memref<1x8x16416xf32, #tpu.memory_space<vmem>>, vector<1x1x457xf32>
    %swap3A_455 = vector.shape_cast %swap3A_454 : vector<1x1x457xf32> to vector<457xf32>
    %swap3A_456 = vector.shape_cast %squeeze3A_450 : vector<457xf32> to vector<1x1x457xf32>
    tpu.vector_store %arg3[%swap3A_451, %swap3A_452, %swap3A_453], %swap3A_456 {strides = array<i32>} : memref<1x8x16416xf32, #tpu.memory_space<vmem>>, vector<1x1x457xf32>,
    %slice3A_457 = vector.extract_strided_slice %get3A_3 {offsets = [56, 56], sizes = [1, 456], strides = [1, 1]} : vector<512x512xf32> to vector<1x456xf32>
    %squeeze3A_458 = vector.shape_cast %slice3A_457 : vector<1x456xf32> to vector<456xf32>
    %swap3A_459 = arith.constant 0 : index
    %swap3A_460 = arith.constant 1 : index
    %swap3A_461 = arith.constant 10716 : index
    %swap3A_462 = vector.load %arg3[%swap3A_459, %swap3A_460, %swap3A_461] : memref<1x8x16416xf32, #tpu.memory_space<vmem>>, vector<1x1x456xf32>
    %swap3A_463 = vector.shape_cast %swap3A_462 : vector<1x1x456xf32> to vector<456xf32>
    %swap3A_464 = vector.shape_cast %squeeze3A_458 : vector<456xf32> to vector<1x1x456xf32>
    tpu.vector_store %arg3[%swap3A_459, %swap3A_460, %swap3A_461], %swap3A_464 {strides = array<i32>} : memref<1x8x16416xf32, #tpu.memory_space<vmem>>, vector<1x1x456xf32>,
    %slice3A_465 = vector.extract_strided_slice %get3A_3 {offsets = [57, 57], sizes = [1, 455], strides = [1, 1]} : vector<512x512xf32> to vector<1x455xf32>
    %squeeze3A_466 = vector.shape_cast %slice3A_465 : vector<1x455xf32> to vector<455xf32>
    %swap3A_467 = arith.constant 0 : index
    %swap3A_468 = arith.constant 1 : index
    %swap3A_469 = arith.constant 11172 : index
    %swap3A_470 = vector.load %arg3[%swap3A_467, %swap3A_468, %swap3A_469] : memref<1x8x16416xf32, #tpu.memory_space<vmem>>, vector<1x1x455xf32>
    %swap3A_471 = vector.shape_cast %swap3A_470 : vector<1x1x455xf32> to vector<455xf32>
    %swap3A_472 = vector.shape_cast %squeeze3A_466 : vector<455xf32> to vector<1x1x455xf32>
    tpu.vector_store %arg3[%swap3A_467, %swap3A_468, %swap3A_469], %swap3A_472 {strides = array<i32>} : memref<1x8x16416xf32, #tpu.memory_space<vmem>>, vector<1x1x455xf32>,
    %slice3A_473 = vector.extract_strided_slice %get3A_3 {offsets = [58, 58], sizes = [1, 454], strides = [1, 1]} : vector<512x512xf32> to vector<1x454xf32>
    %squeeze3A_474 = vector.shape_cast %slice3A_473 : vector<1x454xf32> to vector<454xf32>
    %swap3A_475 = arith.constant 0 : index
    %swap3A_476 = arith.constant 1 : index
    %swap3A_477 = arith.constant 11627 : index
    %swap3A_478 = vector.load %arg3[%swap3A_475, %swap3A_476, %swap3A_477] : memref<1x8x16416xf32, #tpu.memory_space<vmem>>, vector<1x1x454xf32>
    %swap3A_479 = vector.shape_cast %swap3A_478 : vector<1x1x454xf32> to vector<454xf32>
    %swap3A_480 = vector.shape_cast %squeeze3A_474 : vector<454xf32> to vector<1x1x454xf32>
    tpu.vector_store %arg3[%swap3A_475, %swap3A_476, %swap3A_477], %swap3A_480 {strides = array<i32>} : memref<1x8x16416xf32, #tpu.memory_space<vmem>>, vector<1x1x454xf32>,
    %slice3A_481 = vector.extract_strided_slice %get3A_3 {offsets = [59, 59], sizes = [1, 453], strides = [1, 1]} : vector<512x512xf32> to vector<1x453xf32>
    %squeeze3A_482 = vector.shape_cast %slice3A_481 : vector<1x453xf32> to vector<453xf32>
    %swap3A_483 = arith.constant 0 : index
    %swap3A_484 = arith.constant 1 : index
    %swap3A_485 = arith.constant 12081 : index
    %swap3A_486 = vector.load %arg3[%swap3A_483, %swap3A_484, %swap3A_485] : memref<1x8x16416xf32, #tpu.memory_space<vmem>>, vector<1x1x453xf32>
    %swap3A_487 = vector.shape_cast %swap3A_486 : vector<1x1x453xf32> to vector<453xf32>
    %swap3A_488 = vector.shape_cast %squeeze3A_482 : vector<453xf32> to vector<1x1x453xf32>
    tpu.vector_store %arg3[%swap3A_483, %swap3A_484, %swap3A_485], %swap3A_488 {strides = array<i32>} : memref<1x8x16416xf32, #tpu.memory_space<vmem>>, vector<1x1x453xf32>,
    %slice3A_489 = vector.extract_strided_slice %get3A_3 {offsets = [60, 60], sizes = [1, 452], strides = [1, 1]} : vector<512x512xf32> to vector<1x452xf32>
    %squeeze3A_490 = vector.shape_cast %slice3A_489 : vector<1x452xf32> to vector<452xf32>
    %swap3A_491 = arith.constant 0 : index
    %swap3A_492 = arith.constant 1 : index
    %swap3A_493 = arith.constant 12534 : index
    %swap3A_494 = vector.load %arg3[%swap3A_491, %swap3A_492, %swap3A_493] : memref<1x8x16416xf32, #tpu.memory_space<vmem>>, vector<1x1x452xf32>
    %swap3A_495 = vector.shape_cast %swap3A_494 : vector<1x1x452xf32> to vector<452xf32>
    %swap3A_496 = vector.shape_cast %squeeze3A_490 : vector<452xf32> to vector<1x1x452xf32>
    tpu.vector_store %arg3[%swap3A_491, %swap3A_492, %swap3A_493], %swap3A_496 {strides = array<i32>} : memref<1x8x16416xf32, #tpu.memory_space<vmem>>, vector<1x1x452xf32>,
    %slice3A_497 = vector.extract_strided_slice %get3A_3 {offsets = [61, 61], sizes = [1, 451], strides = [1, 1]} : vector<512x512xf32> to vector<1x451xf32>
    %squeeze3A_498 = vector.shape_cast %slice3A_497 : vector<1x451xf32> to vector<451xf32>
    %swap3A_499 = arith.constant 0 : index
    %swap3A_500 = arith.constant 1 : index
    %swap3A_501 = arith.constant 12986 : index
    %swap3A_502 = vector.load %arg3[%swap3A_499, %swap3A_500, %swap3A_501] : memref<1x8x16416xf32, #tpu.memory_space<vmem>>, vector<1x1x451xf32>
    %swap3A_503 = vector.shape_cast %swap3A_502 : vector<1x1x451xf32> to vector<451xf32>
    %swap3A_504 = vector.shape_cast %squeeze3A_498 : vector<451xf32> to vector<1x1x451xf32>
    tpu.vector_store %arg3[%swap3A_499, %swap3A_500, %swap3A_501], %swap3A_504 {strides = array<i32>} : memref<1x8x16416xf32, #tpu.memory_space<vmem>>, vector<1x1x451xf32>,
    %slice3A_505 = vector.extract_strided_slice %get3A_3 {offsets = [62, 62], sizes = [1, 450], strides = [1, 1]} : vector<512x512xf32> to vector<1x450xf32>
    %squeeze3A_506 = vector.shape_cast %slice3A_505 : vector<1x450xf32> to vector<450xf32>
    %swap3A_507 = arith.constant 0 : index
    %swap3A_508 = arith.constant 1 : index
    %swap3A_509 = arith.constant 13437 : index
    %swap3A_510 = vector.load %arg3[%swap3A_507, %swap3A_508, %swap3A_509] : memref<1x8x16416xf32, #tpu.memory_space<vmem>>, vector<1x1x450xf32>
    %swap3A_511 = vector.shape_cast %swap3A_510 : vector<1x1x450xf32> to vector<450xf32>
    %swap3A_512 = vector.shape_cast %squeeze3A_506 : vector<450xf32> to vector<1x1x450xf32>
    tpu.vector_store %arg3[%swap3A_507, %swap3A_508, %swap3A_509], %swap3A_512 {strides = array<i32>} : memref<1x8x16416xf32, #tpu.memory_space<vmem>>, vector<1x1x450xf32>,
    %slice3A_513 = vector.extract_strided_slice %get3A_3 {offsets = [63, 63], sizes = [1, 449], strides = [1, 1]} : vector<512x512xf32> to vector<1x449xf32>
    %squeeze3A_514 = vector.shape_cast %slice3A_513 : vector<1x449xf32> to vector<449xf32>
    %swap3A_515 = arith.constant 0 : index
    %swap3A_516 = arith.constant 1 : index
    %swap3A_517 = arith.constant 13887 : index
    %swap3A_518 = vector.load %arg3[%swap3A_515, %swap3A_516, %swap3A_517] : memref<1x8x16416xf32, #tpu.memory_space<vmem>>, vector<1x1x449xf32>
    %swap3A_519 = vector.shape_cast %swap3A_518 : vector<1x1x449xf32> to vector<449xf32>
    %swap3A_520 = vector.shape_cast %squeeze3A_514 : vector<449xf32> to vector<1x1x449xf32>
    tpu.vector_store %arg3[%swap3A_515, %swap3A_516, %swap3A_517], %swap3A_520 {strides = array<i32>} : memref<1x8x16416xf32, #tpu.memory_space<vmem>>, vector<1x1x449xf32>,
    %slice3A_521 = vector.extract_strided_slice %get3A_3 {offsets = [64, 64], sizes = [1, 448], strides = [1, 1]} : vector<512x512xf32> to vector<1x448xf32>
    %squeeze3A_522 = vector.shape_cast %slice3A_521 : vector<1x448xf32> to vector<448xf32>
    %swap3A_523 = arith.constant 0 : index
    %swap3A_524 = arith.constant 1 : index
    %swap3A_525 = arith.constant 14336 : index
    %swap3A_526 = vector.load %arg3[%swap3A_523, %swap3A_524, %swap3A_525] : memref<1x8x16416xf32, #tpu.memory_space<vmem>>, vector<1x1x448xf32>
    %swap3A_527 = vector.shape_cast %swap3A_526 : vector<1x1x448xf32> to vector<448xf32>
    %swap3A_528 = vector.shape_cast %squeeze3A_522 : vector<448xf32> to vector<1x1x448xf32>
    tpu.vector_store %arg3[%swap3A_523, %swap3A_524, %swap3A_525], %swap3A_528 {strides = array<i32>} : memref<1x8x16416xf32, #tpu.memory_space<vmem>>, vector<1x1x448xf32>,
    %slice3A_529 = vector.extract_strided_slice %get3A_3 {offsets = [65, 65], sizes = [1, 447], strides = [1, 1]} : vector<512x512xf32> to vector<1x447xf32>
    %squeeze3A_530 = vector.shape_cast %slice3A_529 : vector<1x447xf32> to vector<447xf32>
    %swap3A_531 = arith.constant 0 : index
    %swap3A_532 = arith.constant 1 : index
    %swap3A_533 = arith.constant 14784 : index
    %swap3A_534 = vector.load %arg3[%swap3A_531, %swap3A_532, %swap3A_533] : memref<1x8x16416xf32, #tpu.memory_space<vmem>>, vector<1x1x447xf32>
    %swap3A_535 = vector.shape_cast %swap3A_534 : vector<1x1x447xf32> to vector<447xf32>
    %swap3A_536 = vector.shape_cast %squeeze3A_530 : vector<447xf32> to vector<1x1x447xf32>
    tpu.vector_store %arg3[%swap3A_531, %swap3A_532, %swap3A_533], %swap3A_536 {strides = array<i32>} : memref<1x8x16416xf32, #tpu.memory_space<vmem>>, vector<1x1x447xf32>,
    %slice3A_537 = vector.extract_strided_slice %get3A_3 {offsets = [66, 66], sizes = [1, 446], strides = [1, 1]} : vector<512x512xf32> to vector<1x446xf32>
    %squeeze3A_538 = vector.shape_cast %slice3A_537 : vector<1x446xf32> to vector<446xf32>
    %swap3A_539 = arith.constant 0 : index
    %swap3A_540 = arith.constant 1 : index
    %swap3A_541 = arith.constant 15231 : index
    %swap3A_542 = vector.load %arg3[%swap3A_539, %swap3A_540, %swap3A_541] : memref<1x8x16416xf32, #tpu.memory_space<vmem>>, vector<1x1x446xf32>
    %swap3A_543 = vector.shape_cast %swap3A_542 : vector<1x1x446xf32> to vector<446xf32>
    %swap3A_544 = vector.shape_cast %squeeze3A_538 : vector<446xf32> to vector<1x1x446xf32>
    tpu.vector_store %arg3[%swap3A_539, %swap3A_540, %swap3A_541], %swap3A_544 {strides = array<i32>} : memref<1x8x16416xf32, #tpu.memory_space<vmem>>, vector<1x1x446xf32>,
    %slice3A_545 = vector.extract_strided_slice %get3A_3 {offsets = [67, 67], sizes = [1, 445], strides = [1, 1]} : vector<512x512xf32> to vector<1x445xf32>
    %squeeze3A_546 = vector.shape_cast %slice3A_545 : vector<1x445xf32> to vector<445xf32>
    %swap3A_547 = arith.constant 0 : index
    %swap3A_548 = arith.constant 1 : index
    %swap3A_549 = arith.constant 15677 : index
    %swap3A_550 = vector.load %arg3[%swap3A_547, %swap3A_548, %swap3A_549] : memref<1x8x16416xf32, #tpu.memory_space<vmem>>, vector<1x1x445xf32>
    %swap3A_551 = vector.shape_cast %swap3A_550 : vector<1x1x445xf32> to vector<445xf32>
    %swap3A_552 = vector.shape_cast %squeeze3A_546 : vector<445xf32> to vector<1x1x445xf32>
    tpu.vector_store %arg3[%swap3A_547, %swap3A_548, %swap3A_549], %swap3A_552 {strides = array<i32>} : memref<1x8x16416xf32, #tpu.memory_space<vmem>>, vector<1x1x445xf32>,
    %slice3A_553 = vector.extract_strided_slice %get3A_3 {offsets = [68, 68], sizes = [1, 294], strides = [1, 1]} : vector<512x512xf32> to vector<1x294xf32>
    %squeeze3A_554 = vector.shape_cast %slice3A_553 : vector<1x294xf32> to vector<294xf32>
    %swap3A_555 = arith.constant 0 : index
    %swap3A_556 = arith.constant 1 : index
    %swap3A_557 = arith.constant 16122 : index
    %swap3A_558 = vector.load %arg3[%swap3A_555, %swap3A_556, %swap3A_557] : memref<1x8x16416xf32, #tpu.memory_space<vmem>>, vector<1x1x294xf32>
    %swap3A_559 = vector.shape_cast %swap3A_558 : vector<1x1x294xf32> to vector<294xf32>
    %swap3A_560 = vector.shape_cast %squeeze3A_554 : vector<294xf32> to vector<1x1x294xf32>
    tpu.vector_store %arg3[%swap3A_555, %swap3A_556, %swap3A_557], %swap3A_560 {strides = array<i32>} : memref<1x8x16416xf32, #tpu.memory_space<vmem>>, vector<1x1x294xf32>,
    %slice3A_561 = vector.extract_strided_slice %get3A_3 {offsets = [68, 362], sizes = [1, 150], strides = [1, 1]} : vector<512x512xf32> to vector<1x150xf32>
    %squeeze3A_562 = vector.shape_cast %slice3A_561 : vector<1x150xf32> to vector<150xf32>
    %swap3A_563 = arith.constant 0 : index
    %swap3A_564 = arith.constant 2 : index
    %swap3A_565 = arith.constant 0 : index
    %swap3A_566 = vector.load %arg3[%swap3A_563, %swap3A_564, %swap3A_565] : memref<1x8x16416xf32, #tpu.memory_space<vmem>>, vector<1x1x150xf32>
    %swap3A_567 = vector.shape_cast %swap3A_566 : vector<1x1x150xf32> to vector<150xf32>
    %swap3A_568 = vector.shape_cast %squeeze3A_562 : vector<150xf32> to vector<1x1x150xf32>
    tpu.vector_store %arg3[%swap3A_563, %swap3A_564, %swap3A_565], %swap3A_568 {strides = array<i32>} : memref<1x8x16416xf32, #tpu.memory_space<vmem>>, vector<1x1x150xf32>,
    %slice3A_569 = vector.extract_strided_slice %get3A_3 {offsets = [69, 69], sizes = [1, 443], strides = [1, 1]} : vector<512x512xf32> to vector<1x443xf32>
    %squeeze3A_570 = vector.shape_cast %slice3A_569 : vector<1x443xf32> to vector<443xf32>
    %swap3A_571 = arith.constant 0 : index
    %swap3A_572 = arith.constant 2 : index
    %swap3A_573 = arith.constant 150 : index
    %swap3A_574 = vector.load %arg3[%swap3A_571, %swap3A_572, %swap3A_573] : memref<1x8x16416xf32, #tpu.memory_space<vmem>>, vector<1x1x443xf32>
    %swap3A_575 = vector.shape_cast %swap3A_574 : vector<1x1x443xf32> to vector<443xf32>
    %swap3A_576 = vector.shape_cast %squeeze3A_570 : vector<443xf32> to vector<1x1x443xf32>
    tpu.vector_store %arg3[%swap3A_571, %swap3A_572, %swap3A_573], %swap3A_576 {strides = array<i32>} : memref<1x8x16416xf32, #tpu.memory_space<vmem>>, vector<1x1x443xf32>,
    %slice3A_577 = vector.extract_strided_slice %get3A_3 {offsets = [70, 70], sizes = [1, 442], strides = [1, 1]} : vector<512x512xf32> to vector<1x442xf32>
    %squeeze3A_578 = vector.shape_cast %slice3A_577 : vector<1x442xf32> to vector<442xf32>
    %swap3A_579 = arith.constant 0 : index
    %swap3A_580 = arith.constant 2 : index
    %swap3A_581 = arith.constant 593 : index
    %swap3A_582 = vector.load %arg3[%swap3A_579, %swap3A_580, %swap3A_581] : memref<1x8x16416xf32, #tpu.memory_space<vmem>>, vector<1x1x442xf32>
    %swap3A_583 = vector.shape_cast %swap3A_582 : vector<1x1x442xf32> to vector<442xf32>
    %swap3A_584 = vector.shape_cast %squeeze3A_578 : vector<442xf32> to vector<1x1x442xf32>
    tpu.vector_store %arg3[%swap3A_579, %swap3A_580, %swap3A_581], %swap3A_584 {strides = array<i32>} : memref<1x8x16416xf32, #tpu.memory_space<vmem>>, vector<1x1x442xf32>,
    %slice3A_585 = vector.extract_strided_slice %get3A_3 {offsets = [71, 71], sizes = [1, 441], strides = [1, 1]} : vector<512x512xf32> to vector<1x441xf32>
    %squeeze3A_586 = vector.shape_cast %slice3A_585 : vector<1x441xf32> to vector<441xf32>
    %swap3A_587 = arith.constant 0 : index
    %swap3A_588 = arith.constant 2 : index
    %swap3A_589 = arith.constant 1035 : index
    %swap3A_590 = vector.load %arg3[%swap3A_587, %swap3A_588, %swap3A_589] : memref<1x8x16416xf32, #tpu.memory_space<vmem>>, vector<1x1x441xf32>
    %swap3A_591 = vector.shape_cast %swap3A_590 : vector<1x1x441xf32> to vector<441xf32>
    %swap3A_592 = vector.shape_cast %squeeze3A_586 : vector<441xf32> to vector<1x1x441xf32>
    tpu.vector_store %arg3[%swap3A_587, %swap3A_588, %swap3A_589], %swap3A_592 {strides = array<i32>} : memref<1x8x16416xf32, #tpu.memory_space<vmem>>, vector<1x1x441xf32>,
    %slice3A_593 = vector.extract_strided_slice %get3A_3 {offsets = [72, 72], sizes = [1, 440], strides = [1, 1]} : vector<512x512xf32> to vector<1x440xf32>
    %squeeze3A_594 = vector.shape_cast %slice3A_593 : vector<1x440xf32> to vector<440xf32>
    %swap3A_595 = arith.constant 0 : index
    %swap3A_596 = arith.constant 2 : index
    %swap3A_597 = arith.constant 1476 : index
    %swap3A_598 = vector.load %arg3[%swap3A_595, %swap3A_596, %swap3A_597] : memref<1x8x16416xf32, #tpu.memory_space<vmem>>, vector<1x1x440xf32>
    %swap3A_599 = vector.shape_cast %swap3A_598 : vector<1x1x440xf32> to vector<440xf32>
    %swap3A_600 = vector.shape_cast %squeeze3A_594 : vector<440xf32> to vector<1x1x440xf32>
    tpu.vector_store %arg3[%swap3A_595, %swap3A_596, %swap3A_597], %swap3A_600 {strides = array<i32>} : memref<1x8x16416xf32, #tpu.memory_space<vmem>>, vector<1x1x440xf32>,
    %slice3A_601 = vector.extract_strided_slice %get3A_3 {offsets = [73, 73], sizes = [1, 439], strides = [1, 1]} : vector<512x512xf32> to vector<1x439xf32>
    %squeeze3A_602 = vector.shape_cast %slice3A_601 : vector<1x439xf32> to vector<439xf32>
    %swap3A_603 = arith.constant 0 : index
    %swap3A_604 = arith.constant 2 : index
    %swap3A_605 = arith.constant 1916 : index
    %swap3A_606 = vector.load %arg3[%swap3A_603, %swap3A_604, %swap3A_605] : memref<1x8x16416xf32, #tpu.memory_space<vmem>>, vector<1x1x439xf32>
    %swap3A_607 = vector.shape_cast %swap3A_606 : vector<1x1x439xf32> to vector<439xf32>
    %swap3A_608 = vector.shape_cast %squeeze3A_602 : vector<439xf32> to vector<1x1x439xf32>
    tpu.vector_store %arg3[%swap3A_603, %swap3A_604, %swap3A_605], %swap3A_608 {strides = array<i32>} : memref<1x8x16416xf32, #tpu.memory_space<vmem>>, vector<1x1x439xf32>,
    %slice3A_609 = vector.extract_strided_slice %get3A_3 {offsets = [74, 74], sizes = [1, 438], strides = [1, 1]} : vector<512x512xf32> to vector<1x438xf32>
    %squeeze3A_610 = vector.shape_cast %slice3A_609 : vector<1x438xf32> to vector<438xf32>
    %swap3A_611 = arith.constant 0 : index
    %swap3A_612 = arith.constant 2 : index
    %swap3A_613 = arith.constant 2355 : index
    %swap3A_614 = vector.load %arg3[%swap3A_611, %swap3A_612, %swap3A_613] : memref<1x8x16416xf32, #tpu.memory_space<vmem>>, vector<1x1x438xf32>
    %swap3A_615 = vector.shape_cast %swap3A_614 : vector<1x1x438xf32> to vector<438xf32>
    %swap3A_616 = vector.shape_cast %squeeze3A_610 : vector<438xf32> to vector<1x1x438xf32>
    tpu.vector_store %arg3[%swap3A_611, %swap3A_612, %swap3A_613], %swap3A_616 {strides = array<i32>} : memref<1x8x16416xf32, #tpu.memory_space<vmem>>, vector<1x1x438xf32>,
    %slice3A_617 = vector.extract_strided_slice %get3A_3 {offsets = [75, 75], sizes = [1, 437], strides = [1, 1]} : vector<512x512xf32> to vector<1x437xf32>
    %squeeze3A_618 = vector.shape_cast %slice3A_617 : vector<1x437xf32> to vector<437xf32>
    %swap3A_619 = arith.constant 0 : index
    %swap3A_620 = arith.constant 2 : index
    %swap3A_621 = arith.constant 2793 : index
    %swap3A_622 = vector.load %arg3[%swap3A_619, %swap3A_620, %swap3A_621] : memref<1x8x16416xf32, #tpu.memory_space<vmem>>, vector<1x1x437xf32>
    %swap3A_623 = vector.shape_cast %swap3A_622 : vector<1x1x437xf32> to vector<437xf32>
    %swap3A_624 = vector.shape_cast %squeeze3A_618 : vector<437xf32> to vector<1x1x437xf32>
    tpu.vector_store %arg3[%swap3A_619, %swap3A_620, %swap3A_621], %swap3A_624 {strides = array<i32>} : memref<1x8x16416xf32, #tpu.memory_space<vmem>>, vector<1x1x437xf32>,
    %slice3A_625 = vector.extract_strided_slice %get3A_3 {offsets = [76, 76], sizes = [1, 436], strides = [1, 1]} : vector<512x512xf32> to vector<1x436xf32>
    %squeeze3A_626 = vector.shape_cast %slice3A_625 : vector<1x436xf32> to vector<436xf32>
    %swap3A_627 = arith.constant 0 : index
    %swap3A_628 = arith.constant 2 : index
    %swap3A_629 = arith.constant 3230 : index
    %swap3A_630 = vector.load %arg3[%swap3A_627, %swap3A_628, %swap3A_629] : memref<1x8x16416xf32, #tpu.memory_space<vmem>>, vector<1x1x436xf32>
    %swap3A_631 = vector.shape_cast %swap3A_630 : vector<1x1x436xf32> to vector<436xf32>
    %swap3A_632 = vector.shape_cast %squeeze3A_626 : vector<436xf32> to vector<1x1x436xf32>
    tpu.vector_store %arg3[%swap3A_627, %swap3A_628, %swap3A_629], %swap3A_632 {strides = array<i32>} : memref<1x8x16416xf32, #tpu.memory_space<vmem>>, vector<1x1x436xf32>,
    %slice3A_633 = vector.extract_strided_slice %get3A_3 {offsets = [77, 77], sizes = [1, 435], strides = [1, 1]} : vector<512x512xf32> to vector<1x435xf32>
    %squeeze3A_634 = vector.shape_cast %slice3A_633 : vector<1x435xf32> to vector<435xf32>
    %swap3A_635 = arith.constant 0 : index
    %swap3A_636 = arith.constant 2 : index
    %swap3A_637 = arith.constant 3666 : index
    %swap3A_638 = vector.load %arg3[%swap3A_635, %swap3A_636, %swap3A_637] : memref<1x8x16416xf32, #tpu.memory_space<vmem>>, vector<1x1x435xf32>
    %swap3A_639 = vector.shape_cast %swap3A_638 : vector<1x1x435xf32> to vector<435xf32>
    %swap3A_640 = vector.shape_cast %squeeze3A_634 : vector<435xf32> to vector<1x1x435xf32>
    tpu.vector_store %arg3[%swap3A_635, %swap3A_636, %swap3A_637], %swap3A_640 {strides = array<i32>} : memref<1x8x16416xf32, #tpu.memory_space<vmem>>, vector<1x1x435xf32>,
    %slice3A_641 = vector.extract_strided_slice %get3A_3 {offsets = [78, 78], sizes = [1, 434], strides = [1, 1]} : vector<512x512xf32> to vector<1x434xf32>
    %squeeze3A_642 = vector.shape_cast %slice3A_641 : vector<1x434xf32> to vector<434xf32>
    %swap3A_643 = arith.constant 0 : index
    %swap3A_644 = arith.constant 2 : index
    %swap3A_645 = arith.constant 4101 : index
    %swap3A_646 = vector.load %arg3[%swap3A_643, %swap3A_644, %swap3A_645] : memref<1x8x16416xf32, #tpu.memory_space<vmem>>, vector<1x1x434xf32>
    %swap3A_647 = vector.shape_cast %swap3A_646 : vector<1x1x434xf32> to vector<434xf32>
    %swap3A_648 = vector.shape_cast %squeeze3A_642 : vector<434xf32> to vector<1x1x434xf32>
    tpu.vector_store %arg3[%swap3A_643, %swap3A_644, %swap3A_645], %swap3A_648 {strides = array<i32>} : memref<1x8x16416xf32, #tpu.memory_space<vmem>>, vector<1x1x434xf32>,
    %slice3A_649 = vector.extract_strided_slice %get3A_3 {offsets = [79, 79], sizes = [1, 433], strides = [1, 1]} : vector<512x512xf32> to vector<1x433xf32>
    %squeeze3A_650 = vector.shape_cast %slice3A_649 : vector<1x433xf32> to vector<433xf32>
    %swap3A_651 = arith.constant 0 : index
    %swap3A_652 = arith.constant 2 : index
    %swap3A_653 = arith.constant 4535 : index
    %swap3A_654 = vector.load %arg3[%swap3A_651, %swap3A_652, %swap3A_653] : memref<1x8x16416xf32, #tpu.memory_space<vmem>>, vector<1x1x433xf32>
    %swap3A_655 = vector.shape_cast %swap3A_654 : vector<1x1x433xf32> to vector<433xf32>
    %swap3A_656 = vector.shape_cast %squeeze3A_650 : vector<433xf32> to vector<1x1x433xf32>
    tpu.vector_store %arg3[%swap3A_651, %swap3A_652, %swap3A_653], %swap3A_656 {strides = array<i32>} : memref<1x8x16416xf32, #tpu.memory_space<vmem>>, vector<1x1x433xf32>,
    %slice3A_657 = vector.extract_strided_slice %get3A_3 {offsets = [80, 80], sizes = [1, 432], strides = [1, 1]} : vector<512x512xf32> to vector<1x432xf32>
    %squeeze3A_658 = vector.shape_cast %slice3A_657 : vector<1x432xf32> to vector<432xf32>
    %swap3A_659 = arith.constant 0 : index
    %swap3A_660 = arith.constant 2 : index
    %swap3A_661 = arith.constant 4968 : index
    %swap3A_662 = vector.load %arg3[%swap3A_659, %swap3A_660, %swap3A_661] : memref<1x8x16416xf32, #tpu.memory_space<vmem>>, vector<1x1x432xf32>
    %swap3A_663 = vector.shape_cast %swap3A_662 : vector<1x1x432xf32> to vector<432xf32>
    %swap3A_664 = vector.shape_cast %squeeze3A_658 : vector<432xf32> to vector<1x1x432xf32>
    tpu.vector_store %arg3[%swap3A_659, %swap3A_660, %swap3A_661], %swap3A_664 {strides = array<i32>} : memref<1x8x16416xf32, #tpu.memory_space<vmem>>, vector<1x1x432xf32>,
    %slice3A_665 = vector.extract_strided_slice %get3A_3 {offsets = [81, 81], sizes = [1, 431], strides = [1, 1]} : vector<512x512xf32> to vector<1x431xf32>
    %squeeze3A_666 = vector.shape_cast %slice3A_665 : vector<1x431xf32> to vector<431xf32>
    %swap3A_667 = arith.constant 0 : index
    %swap3A_668 = arith.constant 2 : index
    %swap3A_669 = arith.constant 5400 : index
    %swap3A_670 = vector.load %arg3[%swap3A_667, %swap3A_668, %swap3A_669] : memref<1x8x16416xf32, #tpu.memory_space<vmem>>, vector<1x1x431xf32>
    %swap3A_671 = vector.shape_cast %swap3A_670 : vector<1x1x431xf32> to vector<431xf32>
    %swap3A_672 = vector.shape_cast %squeeze3A_666 : vector<431xf32> to vector<1x1x431xf32>
    tpu.vector_store %arg3[%swap3A_667, %swap3A_668, %swap3A_669], %swap3A_672 {strides = array<i32>} : memref<1x8x16416xf32, #tpu.memory_space<vmem>>, vector<1x1x431xf32>,
    %slice3A_673 = vector.extract_strided_slice %get3A_3 {offsets = [82, 82], sizes = [1, 430], strides = [1, 1]} : vector<512x512xf32> to vector<1x430xf32>
    %squeeze3A_674 = vector.shape_cast %slice3A_673 : vector<1x430xf32> to vector<430xf32>
    %swap3A_675 = arith.constant 0 : index
    %swap3A_676 = arith.constant 2 : index
    %swap3A_677 = arith.constant 5831 : index
    %swap3A_678 = vector.load %arg3[%swap3A_675, %swap3A_676, %swap3A_677] : memref<1x8x16416xf32, #tpu.memory_space<vmem>>, vector<1x1x430xf32>
    %swap3A_679 = vector.shape_cast %swap3A_678 : vector<1x1x430xf32> to vector<430xf32>
    %swap3A_680 = vector.shape_cast %squeeze3A_674 : vector<430xf32> to vector<1x1x430xf32>
    tpu.vector_store %arg3[%swap3A_675, %swap3A_676, %swap3A_677], %swap3A_680 {strides = array<i32>} : memref<1x8x16416xf32, #tpu.memory_space<vmem>>, vector<1x1x430xf32>,
    %slice3A_681 = vector.extract_strided_slice %get3A_3 {offsets = [83, 83], sizes = [1, 429], strides = [1, 1]} : vector<512x512xf32> to vector<1x429xf32>
    %squeeze3A_682 = vector.shape_cast %slice3A_681 : vector<1x429xf32> to vector<429xf32>
    %swap3A_683 = arith.constant 0 : index
    %swap3A_684 = arith.constant 2 : index
    %swap3A_685 = arith.constant 6261 : index
    %swap3A_686 = vector.load %arg3[%swap3A_683, %swap3A_684, %swap3A_685] : memref<1x8x16416xf32, #tpu.memory_space<vmem>>, vector<1x1x429xf32>
    %swap3A_687 = vector.shape_cast %swap3A_686 : vector<1x1x429xf32> to vector<429xf32>
    %swap3A_688 = vector.shape_cast %squeeze3A_682 : vector<429xf32> to vector<1x1x429xf32>
    tpu.vector_store %arg3[%swap3A_683, %swap3A_684, %swap3A_685], %swap3A_688 {strides = array<i32>} : memref<1x8x16416xf32, #tpu.memory_space<vmem>>, vector<1x1x429xf32>,
    %slice3A_689 = vector.extract_strided_slice %get3A_3 {offsets = [84, 84], sizes = [1, 428], strides = [1, 1]} : vector<512x512xf32> to vector<1x428xf32>
    %squeeze3A_690 = vector.shape_cast %slice3A_689 : vector<1x428xf32> to vector<428xf32>
    %swap3A_691 = arith.constant 0 : index
    %swap3A_692 = arith.constant 2 : index
    %swap3A_693 = arith.constant 6690 : index
    %swap3A_694 = vector.load %arg3[%swap3A_691, %swap3A_692, %swap3A_693] : memref<1x8x16416xf32, #tpu.memory_space<vmem>>, vector<1x1x428xf32>
    %swap3A_695 = vector.shape_cast %swap3A_694 : vector<1x1x428xf32> to vector<428xf32>
    %swap3A_696 = vector.shape_cast %squeeze3A_690 : vector<428xf32> to vector<1x1x428xf32>
    tpu.vector_store %arg3[%swap3A_691, %swap3A_692, %swap3A_693], %swap3A_696 {strides = array<i32>} : memref<1x8x16416xf32, #tpu.memory_space<vmem>>, vector<1x1x428xf32>,
    %slice3A_697 = vector.extract_strided_slice %get3A_3 {offsets = [85, 85], sizes = [1, 427], strides = [1, 1]} : vector<512x512xf32> to vector<1x427xf32>
    %squeeze3A_698 = vector.shape_cast %slice3A_697 : vector<1x427xf32> to vector<427xf32>
    %swap3A_699 = arith.constant 0 : index
    %swap3A_700 = arith.constant 2 : index
    %swap3A_701 = arith.constant 7118 : index
    %swap3A_702 = vector.load %arg3[%swap3A_699, %swap3A_700, %swap3A_701] : memref<1x8x16416xf32, #tpu.memory_space<vmem>>, vector<1x1x427xf32>
    %swap3A_703 = vector.shape_cast %swap3A_702 : vector<1x1x427xf32> to vector<427xf32>
    %swap3A_704 = vector.shape_cast %squeeze3A_698 : vector<427xf32> to vector<1x1x427xf32>
    tpu.vector_store %arg3[%swap3A_699, %swap3A_700, %swap3A_701], %swap3A_704 {strides = array<i32>} : memref<1x8x16416xf32, #tpu.memory_space<vmem>>, vector<1x1x427xf32>,
    %slice3A_705 = vector.extract_strided_slice %get3A_3 {offsets = [86, 86], sizes = [1, 426], strides = [1, 1]} : vector<512x512xf32> to vector<1x426xf32>
    %squeeze3A_706 = vector.shape_cast %slice3A_705 : vector<1x426xf32> to vector<426xf32>
    %swap3A_707 = arith.constant 0 : index
    %swap3A_708 = arith.constant 2 : index
    %swap3A_709 = arith.constant 7545 : index
    %swap3A_710 = vector.load %arg3[%swap3A_707, %swap3A_708, %swap3A_709] : memref<1x8x16416xf32, #tpu.memory_space<vmem>>, vector<1x1x426xf32>
    %swap3A_711 = vector.shape_cast %swap3A_710 : vector<1x1x426xf32> to vector<426xf32>
    %swap3A_712 = vector.shape_cast %squeeze3A_706 : vector<426xf32> to vector<1x1x426xf32>
    tpu.vector_store %arg3[%swap3A_707, %swap3A_708, %swap3A_709], %swap3A_712 {strides = array<i32>} : memref<1x8x16416xf32, #tpu.memory_space<vmem>>, vector<1x1x426xf32>,
    %slice3A_713 = vector.extract_strided_slice %get3A_3 {offsets = [87, 87], sizes = [1, 425], strides = [1, 1]} : vector<512x512xf32> to vector<1x425xf32>
    %squeeze3A_714 = vector.shape_cast %slice3A_713 : vector<1x425xf32> to vector<425xf32>
    %swap3A_715 = arith.constant 0 : index
    %swap3A_716 = arith.constant 2 : index
    %swap3A_717 = arith.constant 7971 : index
    %swap3A_718 = vector.load %arg3[%swap3A_715, %swap3A_716, %swap3A_717] : memref<1x8x16416xf32, #tpu.memory_space<vmem>>, vector<1x1x425xf32>
    %swap3A_719 = vector.shape_cast %swap3A_718 : vector<1x1x425xf32> to vector<425xf32>
    %swap3A_720 = vector.shape_cast %squeeze3A_714 : vector<425xf32> to vector<1x1x425xf32>
    tpu.vector_store %arg3[%swap3A_715, %swap3A_716, %swap3A_717], %swap3A_720 {strides = array<i32>} : memref<1x8x16416xf32, #tpu.memory_space<vmem>>, vector<1x1x425xf32>,
    %slice3A_721 = vector.extract_strided_slice %get3A_3 {offsets = [88, 88], sizes = [1, 424], strides = [1, 1]} : vector<512x512xf32> to vector<1x424xf32>
    %squeeze3A_722 = vector.shape_cast %slice3A_721 : vector<1x424xf32> to vector<424xf32>
    %swap3A_723 = arith.constant 0 : index
    %swap3A_724 = arith.constant 2 : index
    %swap3A_725 = arith.constant 8396 : index
    %swap3A_726 = vector.load %arg3[%swap3A_723, %swap3A_724, %swap3A_725] : memref<1x8x16416xf32, #tpu.memory_space<vmem>>, vector<1x1x424xf32>
    %swap3A_727 = vector.shape_cast %swap3A_726 : vector<1x1x424xf32> to vector<424xf32>
    %swap3A_728 = vector.shape_cast %squeeze3A_722 : vector<424xf32> to vector<1x1x424xf32>
    tpu.vector_store %arg3[%swap3A_723, %swap3A_724, %swap3A_725], %swap3A_728 {strides = array<i32>} : memref<1x8x16416xf32, #tpu.memory_space<vmem>>, vector<1x1x424xf32>,
    %slice3A_729 = vector.extract_strided_slice %get3A_3 {offsets = [89, 89], sizes = [1, 423], strides = [1, 1]} : vector<512x512xf32> to vector<1x423xf32>
    %squeeze3A_730 = vector.shape_cast %slice3A_729 : vector<1x423xf32> to vector<423xf32>
    %swap3A_731 = arith.constant 0 : index
    %swap3A_732 = arith.constant 2 : index
    %swap3A_733 = arith.constant 8820 : index
    %swap3A_734 = vector.load %arg3[%swap3A_731, %swap3A_732, %swap3A_733] : memref<1x8x16416xf32, #tpu.memory_space<vmem>>, vector<1x1x423xf32>
    %swap3A_735 = vector.shape_cast %swap3A_734 : vector<1x1x423xf32> to vector<423xf32>
    %swap3A_736 = vector.shape_cast %squeeze3A_730 : vector<423xf32> to vector<1x1x423xf32>
    tpu.vector_store %arg3[%swap3A_731, %swap3A_732, %swap3A_733], %swap3A_736 {strides = array<i32>} : memref<1x8x16416xf32, #tpu.memory_space<vmem>>, vector<1x1x423xf32>,
    %slice3A_737 = vector.extract_strided_slice %get3A_3 {offsets = [90, 90], sizes = [1, 422], strides = [1, 1]} : vector<512x512xf32> to vector<1x422xf32>
    %squeeze3A_738 = vector.shape_cast %slice3A_737 : vector<1x422xf32> to vector<422xf32>
    %swap3A_739 = arith.constant 0 : index
    %swap3A_740 = arith.constant 2 : index
    %swap3A_741 = arith.constant 9243 : index
    %swap3A_742 = vector.load %arg3[%swap3A_739, %swap3A_740, %swap3A_741] : memref<1x8x16416xf32, #tpu.memory_space<vmem>>, vector<1x1x422xf32>
    %swap3A_743 = vector.shape_cast %swap3A_742 : vector<1x1x422xf32> to vector<422xf32>
    %swap3A_744 = vector.shape_cast %squeeze3A_738 : vector<422xf32> to vector<1x1x422xf32>
    tpu.vector_store %arg3[%swap3A_739, %swap3A_740, %swap3A_741], %swap3A_744 {strides = array<i32>} : memref<1x8x16416xf32, #tpu.memory_space<vmem>>, vector<1x1x422xf32>,
    %slice3A_745 = vector.extract_strided_slice %get3A_3 {offsets = [91, 91], sizes = [1, 421], strides = [1, 1]} : vector<512x512xf32> to vector<1x421xf32>
    %squeeze3A_746 = vector.shape_cast %slice3A_745 : vector<1x421xf32> to vector<421xf32>
    %swap3A_747 = arith.constant 0 : index
    %swap3A_748 = arith.constant 2 : index
    %swap3A_749 = arith.constant 9665 : index
    %swap3A_750 = vector.load %arg3[%swap3A_747, %swap3A_748, %swap3A_749] : memref<1x8x16416xf32, #tpu.memory_space<vmem>>, vector<1x1x421xf32>
    %swap3A_751 = vector.shape_cast %swap3A_750 : vector<1x1x421xf32> to vector<421xf32>
    %swap3A_752 = vector.shape_cast %squeeze3A_746 : vector<421xf32> to vector<1x1x421xf32>
    tpu.vector_store %arg3[%swap3A_747, %swap3A_748, %swap3A_749], %swap3A_752 {strides = array<i32>} : memref<1x8x16416xf32, #tpu.memory_space<vmem>>, vector<1x1x421xf32>,
    %slice3A_753 = vector.extract_strided_slice %get3A_3 {offsets = [92, 92], sizes = [1, 420], strides = [1, 1]} : vector<512x512xf32> to vector<1x420xf32>
    %squeeze3A_754 = vector.shape_cast %slice3A_753 : vector<1x420xf32> to vector<420xf32>
    %swap3A_755 = arith.constant 0 : index
    %swap3A_756 = arith.constant 2 : index
    %swap3A_757 = arith.constant 10086 : index
    %swap3A_758 = vector.load %arg3[%swap3A_755, %swap3A_756, %swap3A_757] : memref<1x8x16416xf32, #tpu.memory_space<vmem>>, vector<1x1x420xf32>
    %swap3A_759 = vector.shape_cast %swap3A_758 : vector<1x1x420xf32> to vector<420xf32>
    %swap3A_760 = vector.shape_cast %squeeze3A_754 : vector<420xf32> to vector<1x1x420xf32>
    tpu.vector_store %arg3[%swap3A_755, %swap3A_756, %swap3A_757], %swap3A_760 {strides = array<i32>} : memref<1x8x16416xf32, #tpu.memory_space<vmem>>, vector<1x1x420xf32>,
    %slice3A_761 = vector.extract_strided_slice %get3A_3 {offsets = [93, 93], sizes = [1, 419], strides = [1, 1]} : vector<512x512xf32> to vector<1x419xf32>
    %squeeze3A_762 = vector.shape_cast %slice3A_761 : vector<1x419xf32> to vector<419xf32>
    %swap3A_763 = arith.constant 0 : index
    %swap3A_764 = arith.constant 2 : index
    %swap3A_765 = arith.constant 10506 : index
    %swap3A_766 = vector.load %arg3[%swap3A_763, %swap3A_764, %swap3A_765] : memref<1x8x16416xf32, #tpu.memory_space<vmem>>, vector<1x1x419xf32>
    %swap3A_767 = vector.shape_cast %swap3A_766 : vector<1x1x419xf32> to vector<419xf32>
    %swap3A_768 = vector.shape_cast %squeeze3A_762 : vector<419xf32> to vector<1x1x419xf32>
    tpu.vector_store %arg3[%swap3A_763, %swap3A_764, %swap3A_765], %swap3A_768 {strides = array<i32>} : memref<1x8x16416xf32, #tpu.memory_space<vmem>>, vector<1x1x419xf32>,
    %slice3A_769 = vector.extract_strided_slice %get3A_3 {offsets = [94, 94], sizes = [1, 418], strides = [1, 1]} : vector<512x512xf32> to vector<1x418xf32>
    %squeeze3A_770 = vector.shape_cast %slice3A_769 : vector<1x418xf32> to vector<418xf32>
    %swap3A_771 = arith.constant 0 : index
    %swap3A_772 = arith.constant 2 : index
    %swap3A_773 = arith.constant 10925 : index
    %swap3A_774 = vector.load %arg3[%swap3A_771, %swap3A_772, %swap3A_773] : memref<1x8x16416xf32, #tpu.memory_space<vmem>>, vector<1x1x418xf32>
    %swap3A_775 = vector.shape_cast %swap3A_774 : vector<1x1x418xf32> to vector<418xf32>
    %swap3A_776 = vector.shape_cast %squeeze3A_770 : vector<418xf32> to vector<1x1x418xf32>
    tpu.vector_store %arg3[%swap3A_771, %swap3A_772, %swap3A_773], %swap3A_776 {strides = array<i32>} : memref<1x8x16416xf32, #tpu.memory_space<vmem>>, vector<1x1x418xf32>,
    %slice3A_777 = vector.extract_strided_slice %get3A_3 {offsets = [95, 95], sizes = [1, 417], strides = [1, 1]} : vector<512x512xf32> to vector<1x417xf32>
    %squeeze3A_778 = vector.shape_cast %slice3A_777 : vector<1x417xf32> to vector<417xf32>
    %swap3A_779 = arith.constant 0 : index
    %swap3A_780 = arith.constant 2 : index
    %swap3A_781 = arith.constant 11343 : index
    %swap3A_782 = vector.load %arg3[%swap3A_779, %swap3A_780, %swap3A_781] : memref<1x8x16416xf32, #tpu.memory_space<vmem>>, vector<1x1x417xf32>
    %swap3A_783 = vector.shape_cast %swap3A_782 : vector<1x1x417xf32> to vector<417xf32>
    %swap3A_784 = vector.shape_cast %squeeze3A_778 : vector<417xf32> to vector<1x1x417xf32>
    tpu.vector_store %arg3[%swap3A_779, %swap3A_780, %swap3A_781], %swap3A_784 {strides = array<i32>} : memref<1x8x16416xf32, #tpu.memory_space<vmem>>, vector<1x1x417xf32>,
    %slice3A_785 = vector.extract_strided_slice %get3A_3 {offsets = [96, 96], sizes = [1, 416], strides = [1, 1]} : vector<512x512xf32> to vector<1x416xf32>
    %squeeze3A_786 = vector.shape_cast %slice3A_785 : vector<1x416xf32> to vector<416xf32>
    %swap3A_787 = arith.constant 0 : index
    %swap3A_788 = arith.constant 2 : index
    %swap3A_789 = arith.constant 11760 : index
    %swap3A_790 = vector.load %arg3[%swap3A_787, %swap3A_788, %swap3A_789] : memref<1x8x16416xf32, #tpu.memory_space<vmem>>, vector<1x1x416xf32>
    %swap3A_791 = vector.shape_cast %swap3A_790 : vector<1x1x416xf32> to vector<416xf32>
    %swap3A_792 = vector.shape_cast %squeeze3A_786 : vector<416xf32> to vector<1x1x416xf32>
    tpu.vector_store %arg3[%swap3A_787, %swap3A_788, %swap3A_789], %swap3A_792 {strides = array<i32>} : memref<1x8x16416xf32, #tpu.memory_space<vmem>>, vector<1x1x416xf32>,
    %slice3A_793 = vector.extract_strided_slice %get3A_3 {offsets = [97, 97], sizes = [1, 415], strides = [1, 1]} : vector<512x512xf32> to vector<1x415xf32>
    %squeeze3A_794 = vector.shape_cast %slice3A_793 : vector<1x415xf32> to vector<415xf32>
    %swap3A_795 = arith.constant 0 : index
    %swap3A_796 = arith.constant 2 : index
    %swap3A_797 = arith.constant 12176 : index
    %swap3A_798 = vector.load %arg3[%swap3A_795, %swap3A_796, %swap3A_797] : memref<1x8x16416xf32, #tpu.memory_space<vmem>>, vector<1x1x415xf32>
    %swap3A_799 = vector.shape_cast %swap3A_798 : vector<1x1x415xf32> to vector<415xf32>
    %swap3A_800 = vector.shape_cast %squeeze3A_794 : vector<415xf32> to vector<1x1x415xf32>
    tpu.vector_store %arg3[%swap3A_795, %swap3A_796, %swap3A_797], %swap3A_800 {strides = array<i32>} : memref<1x8x16416xf32, #tpu.memory_space<vmem>>, vector<1x1x415xf32>,
    %slice3A_801 = vector.extract_strided_slice %get3A_3 {offsets = [98, 98], sizes = [1, 414], strides = [1, 1]} : vector<512x512xf32> to vector<1x414xf32>
    %squeeze3A_802 = vector.shape_cast %slice3A_801 : vector<1x414xf32> to vector<414xf32>
    %swap3A_803 = arith.constant 0 : index
    %swap3A_804 = arith.constant 2 : index
    %swap3A_805 = arith.constant 12591 : index
    %swap3A_806 = vector.load %arg3[%swap3A_803, %swap3A_804, %swap3A_805] : memref<1x8x16416xf32, #tpu.memory_space<vmem>>, vector<1x1x414xf32>
    %swap3A_807 = vector.shape_cast %swap3A_806 : vector<1x1x414xf32> to vector<414xf32>
    %swap3A_808 = vector.shape_cast %squeeze3A_802 : vector<414xf32> to vector<1x1x414xf32>
    tpu.vector_store %arg3[%swap3A_803, %swap3A_804, %swap3A_805], %swap3A_808 {strides = array<i32>} : memref<1x8x16416xf32, #tpu.memory_space<vmem>>, vector<1x1x414xf32>,
    %slice3A_809 = vector.extract_strided_slice %get3A_3 {offsets = [99, 99], sizes = [1, 413], strides = [1, 1]} : vector<512x512xf32> to vector<1x413xf32>
    %squeeze3A_810 = vector.shape_cast %slice3A_809 : vector<1x413xf32> to vector<413xf32>
    %swap3A_811 = arith.constant 0 : index
    %swap3A_812 = arith.constant 2 : index
    %swap3A_813 = arith.constant 13005 : index
    %swap3A_814 = vector.load %arg3[%swap3A_811, %swap3A_812, %swap3A_813] : memref<1x8x16416xf32, #tpu.memory_space<vmem>>, vector<1x1x413xf32>
    %swap3A_815 = vector.shape_cast %swap3A_814 : vector<1x1x413xf32> to vector<413xf32>
    %swap3A_816 = vector.shape_cast %squeeze3A_810 : vector<413xf32> to vector<1x1x413xf32>
    tpu.vector_store %arg3[%swap3A_811, %swap3A_812, %swap3A_813], %swap3A_816 {strides = array<i32>} : memref<1x8x16416xf32, #tpu.memory_space<vmem>>, vector<1x1x413xf32>,
    %slice3A_817 = vector.extract_strided_slice %get3A_3 {offsets = [100, 100], sizes = [1, 412], strides = [1, 1]} : vector<512x512xf32> to vector<1x412xf32>
    %squeeze3A_818 = vector.shape_cast %slice3A_817 : vector<1x412xf32> to vector<412xf32>
    %swap3A_819 = arith.constant 0 : index
    %swap3A_820 = arith.constant 2 : index
    %swap3A_821 = arith.constant 13418 : index
    %swap3A_822 = vector.load %arg3[%swap3A_819, %swap3A_820, %swap3A_821] : memref<1x8x16416xf32, #tpu.memory_space<vmem>>, vector<1x1x412xf32>
    %swap3A_823 = vector.shape_cast %swap3A_822 : vector<1x1x412xf32> to vector<412xf32>
    %swap3A_824 = vector.shape_cast %squeeze3A_818 : vector<412xf32> to vector<1x1x412xf32>
    tpu.vector_store %arg3[%swap3A_819, %swap3A_820, %swap3A_821], %swap3A_824 {strides = array<i32>} : memref<1x8x16416xf32, #tpu.memory_space<vmem>>, vector<1x1x412xf32>,
    %slice3A_825 = vector.extract_strided_slice %get3A_3 {offsets = [101, 101], sizes = [1, 411], strides = [1, 1]} : vector<512x512xf32> to vector<1x411xf32>
    %squeeze3A_826 = vector.shape_cast %slice3A_825 : vector<1x411xf32> to vector<411xf32>
    %swap3A_827 = arith.constant 0 : index
    %swap3A_828 = arith.constant 2 : index
    %swap3A_829 = arith.constant 13830 : index
    %swap3A_830 = vector.load %arg3[%swap3A_827, %swap3A_828, %swap3A_829] : memref<1x8x16416xf32, #tpu.memory_space<vmem>>, vector<1x1x411xf32>
    %swap3A_831 = vector.shape_cast %swap3A_830 : vector<1x1x411xf32> to vector<411xf32>
    %swap3A_832 = vector.shape_cast %squeeze3A_826 : vector<411xf32> to vector<1x1x411xf32>
    tpu.vector_store %arg3[%swap3A_827, %swap3A_828, %swap3A_829], %swap3A_832 {strides = array<i32>} : memref<1x8x16416xf32, #tpu.memory_space<vmem>>, vector<1x1x411xf32>,
    %slice3A_833 = vector.extract_strided_slice %get3A_3 {offsets = [102, 102], sizes = [1, 410], strides = [1, 1]} : vector<512x512xf32> to vector<1x410xf32>
    %squeeze3A_834 = vector.shape_cast %slice3A_833 : vector<1x410xf32> to vector<410xf32>
    %swap3A_835 = arith.constant 0 : index
    %swap3A_836 = arith.constant 2 : index
    %swap3A_837 = arith.constant 14241 : index
    %swap3A_838 = vector.load %arg3[%swap3A_835, %swap3A_836, %swap3A_837] : memref<1x8x16416xf32, #tpu.memory_space<vmem>>, vector<1x1x410xf32>
    %swap3A_839 = vector.shape_cast %swap3A_838 : vector<1x1x410xf32> to vector<410xf32>
    %swap3A_840 = vector.shape_cast %squeeze3A_834 : vector<410xf32> to vector<1x1x410xf32>
    tpu.vector_store %arg3[%swap3A_835, %swap3A_836, %swap3A_837], %swap3A_840 {strides = array<i32>} : memref<1x8x16416xf32, #tpu.memory_space<vmem>>, vector<1x1x410xf32>,
    %slice3A_841 = vector.extract_strided_slice %get3A_3 {offsets = [103, 103], sizes = [1, 409], strides = [1, 1]} : vector<512x512xf32> to vector<1x409xf32>
    %squeeze3A_842 = vector.shape_cast %slice3A_841 : vector<1x409xf32> to vector<409xf32>
    %swap3A_843 = arith.constant 0 : index
    %swap3A_844 = arith.constant 2 : index
    %swap3A_845 = arith.constant 14651 : index
    %swap3A_846 = vector.load %arg3[%swap3A_843, %swap3A_844, %swap3A_845] : memref<1x8x16416xf32, #tpu.memory_space<vmem>>, vector<1x1x409xf32>
    %swap3A_847 = vector.shape_cast %swap3A_846 : vector<1x1x409xf32> to vector<409xf32>
    %swap3A_848 = vector.shape_cast %squeeze3A_842 : vector<409xf32> to vector<1x1x409xf32>
    tpu.vector_store %arg3[%swap3A_843, %swap3A_844, %swap3A_845], %swap3A_848 {strides = array<i32>} : memref<1x8x16416xf32, #tpu.memory_space<vmem>>, vector<1x1x409xf32>,
    %slice3A_849 = vector.extract_strided_slice %get3A_3 {offsets = [104, 104], sizes = [1, 408], strides = [1, 1]} : vector<512x512xf32> to vector<1x408xf32>
    %squeeze3A_850 = vector.shape_cast %slice3A_849 : vector<1x408xf32> to vector<408xf32>
    %swap3A_851 = arith.constant 0 : index
    %swap3A_852 = arith.constant 2 : index
    %swap3A_853 = arith.constant 15060 : index
    %swap3A_854 = vector.load %arg3[%swap3A_851, %swap3A_852, %swap3A_853] : memref<1x8x16416xf32, #tpu.memory_space<vmem>>, vector<1x1x408xf32>
    %swap3A_855 = vector.shape_cast %swap3A_854 : vector<1x1x408xf32> to vector<408xf32>
    %swap3A_856 = vector.shape_cast %squeeze3A_850 : vector<408xf32> to vector<1x1x408xf32>
    tpu.vector_store %arg3[%swap3A_851, %swap3A_852, %swap3A_853], %swap3A_856 {strides = array<i32>} : memref<1x8x16416xf32, #tpu.memory_space<vmem>>, vector<1x1x408xf32>,
    %slice3A_857 = vector.extract_strided_slice %get3A_3 {offsets = [105, 105], sizes = [1, 407], strides = [1, 1]} : vector<512x512xf32> to vector<1x407xf32>
    %squeeze3A_858 = vector.shape_cast %slice3A_857 : vector<1x407xf32> to vector<407xf32>
    %swap3A_859 = arith.constant 0 : index
    %swap3A_860 = arith.constant 2 : index
    %swap3A_861 = arith.constant 15468 : index
    %swap3A_862 = vector.load %arg3[%swap3A_859, %swap3A_860, %swap3A_861] : memref<1x8x16416xf32, #tpu.memory_space<vmem>>, vector<1x1x407xf32>
    %swap3A_863 = vector.shape_cast %swap3A_862 : vector<1x1x407xf32> to vector<407xf32>
    %swap3A_864 = vector.shape_cast %squeeze3A_858 : vector<407xf32> to vector<1x1x407xf32>
    tpu.vector_store %arg3[%swap3A_859, %swap3A_860, %swap3A_861], %swap3A_864 {strides = array<i32>} : memref<1x8x16416xf32, #tpu.memory_space<vmem>>, vector<1x1x407xf32>,
    %slice3A_865 = vector.extract_strided_slice %get3A_3 {offsets = [106, 106], sizes = [1, 406], strides = [1, 1]} : vector<512x512xf32> to vector<1x406xf32>
    %squeeze3A_866 = vector.shape_cast %slice3A_865 : vector<1x406xf32> to vector<406xf32>
    %swap3A_867 = arith.constant 0 : index
    %swap3A_868 = arith.constant 2 : index
    %swap3A_869 = arith.constant 15875 : index
    %swap3A_870 = vector.load %arg3[%swap3A_867, %swap3A_868, %swap3A_869] : memref<1x8x16416xf32, #tpu.memory_space<vmem>>, vector<1x1x406xf32>
    %swap3A_871 = vector.shape_cast %swap3A_870 : vector<1x1x406xf32> to vector<406xf32>
    %swap3A_872 = vector.shape_cast %squeeze3A_866 : vector<406xf32> to vector<1x1x406xf32>
    tpu.vector_store %arg3[%swap3A_867, %swap3A_868, %swap3A_869], %swap3A_872 {strides = array<i32>} : memref<1x8x16416xf32, #tpu.memory_space<vmem>>, vector<1x1x406xf32>,
    %slice3A_873 = vector.extract_strided_slice %get3A_3 {offsets = [107, 107], sizes = [1, 135], strides = [1, 1]} : vector<512x512xf32> to vector<1x135xf32>
    %squeeze3A_874 = vector.shape_cast %slice3A_873 : vector<1x135xf32> to vector<135xf32>
    %swap3A_875 = arith.constant 0 : index
    %swap3A_876 = arith.constant 2 : index
    %swap3A_877 = arith.constant 16281 : index
    %swap3A_878 = vector.load %arg3[%swap3A_875, %swap3A_876, %swap3A_877] : memref<1x8x16416xf32, #tpu.memory_space<vmem>>, vector<1x1x135xf32>
    %swap3A_879 = vector.shape_cast %swap3A_878 : vector<1x1x135xf32> to vector<135xf32>
    %swap3A_880 = vector.shape_cast %squeeze3A_874 : vector<135xf32> to vector<1x1x135xf32>
    tpu.vector_store %arg3[%swap3A_875, %swap3A_876, %swap3A_877], %swap3A_880 {strides = array<i32>} : memref<1x8x16416xf32, #tpu.memory_space<vmem>>, vector<1x1x135xf32>,
    %slice3A_881 = vector.extract_strided_slice %get3A_3 {offsets = [107, 242], sizes = [1, 270], strides = [1, 1]} : vector<512x512xf32> to vector<1x270xf32>
    %squeeze3A_882 = vector.shape_cast %slice3A_881 : vector<1x270xf32> to vector<270xf32>
    %swap3A_883 = arith.constant 0 : index
    %swap3A_884 = arith.constant 3 : index
    %swap3A_885 = arith.constant 0 : index
    %swap3A_886 = vector.load %arg3[%swap3A_883, %swap3A_884, %swap3A_885] : memref<1x8x16416xf32, #tpu.memory_space<vmem>>, vector<1x1x270xf32>
    %swap3A_887 = vector.shape_cast %swap3A_886 : vector<1x1x270xf32> to vector<270xf32>
    %swap3A_888 = vector.shape_cast %squeeze3A_882 : vector<270xf32> to vector<1x1x270xf32>
    tpu.vector_store %arg3[%swap3A_883, %swap3A_884, %swap3A_885], %swap3A_888 {strides = array<i32>} : memref<1x8x16416xf32, #tpu.memory_space<vmem>>, vector<1x1x270xf32>,
    %slice3A_889 = vector.extract_strided_slice %get3A_3 {offsets = [108, 108], sizes = [1, 404], strides = [1, 1]} : vector<512x512xf32> to vector<1x404xf32>
    %squeeze3A_890 = vector.shape_cast %slice3A_889 : vector<1x404xf32> to vector<404xf32>
    %swap3A_891 = arith.constant 0 : index
    %swap3A_892 = arith.constant 3 : index
    %swap3A_893 = arith.constant 270 : index
    %swap3A_894 = vector.load %arg3[%swap3A_891, %swap3A_892, %swap3A_893] : memref<1x8x16416xf32, #tpu.memory_space<vmem>>, vector<1x1x404xf32>
    %swap3A_895 = vector.shape_cast %swap3A_894 : vector<1x1x404xf32> to vector<404xf32>
    %swap3A_896 = vector.shape_cast %squeeze3A_890 : vector<404xf32> to vector<1x1x404xf32>
    tpu.vector_store %arg3[%swap3A_891, %swap3A_892, %swap3A_893], %swap3A_896 {strides = array<i32>} : memref<1x8x16416xf32, #tpu.memory_space<vmem>>, vector<1x1x404xf32>,
    %slice3A_897 = vector.extract_strided_slice %get3A_3 {offsets = [109, 109], sizes = [1, 403], strides = [1, 1]} : vector<512x512xf32> to vector<1x403xf32>
    %squeeze3A_898 = vector.shape_cast %slice3A_897 : vector<1x403xf32> to vector<403xf32>
    %swap3A_899 = arith.constant 0 : index
    %swap3A_900 = arith.constant 3 : index
    %swap3A_901 = arith.constant 674 : index
    %swap3A_902 = vector.load %arg3[%swap3A_899, %swap3A_900, %swap3A_901] : memref<1x8x16416xf32, #tpu.memory_space<vmem>>, vector<1x1x403xf32>
    %swap3A_903 = vector.shape_cast %swap3A_902 : vector<1x1x403xf32> to vector<403xf32>
    %swap3A_904 = vector.shape_cast %squeeze3A_898 : vector<403xf32> to vector<1x1x403xf32>
    tpu.vector_store %arg3[%swap3A_899, %swap3A_900, %swap3A_901], %swap3A_904 {strides = array<i32>} : memref<1x8x16416xf32, #tpu.memory_space<vmem>>, vector<1x1x403xf32>,
    %slice3A_905 = vector.extract_strided_slice %get3A_3 {offsets = [110, 110], sizes = [1, 402], strides = [1, 1]} : vector<512x512xf32> to vector<1x402xf32>
    %squeeze3A_906 = vector.shape_cast %slice3A_905 : vector<1x402xf32> to vector<402xf32>
    %swap3A_907 = arith.constant 0 : index
    %swap3A_908 = arith.constant 3 : index
    %swap3A_909 = arith.constant 1077 : index
    %swap3A_910 = vector.load %arg3[%swap3A_907, %swap3A_908, %swap3A_909] : memref<1x8x16416xf32, #tpu.memory_space<vmem>>, vector<1x1x402xf32>
    %swap3A_911 = vector.shape_cast %swap3A_910 : vector<1x1x402xf32> to vector<402xf32>
    %swap3A_912 = vector.shape_cast %squeeze3A_906 : vector<402xf32> to vector<1x1x402xf32>
    tpu.vector_store %arg3[%swap3A_907, %swap3A_908, %swap3A_909], %swap3A_912 {strides = array<i32>} : memref<1x8x16416xf32, #tpu.memory_space<vmem>>, vector<1x1x402xf32>,
    %slice3A_913 = vector.extract_strided_slice %get3A_3 {offsets = [111, 111], sizes = [1, 401], strides = [1, 1]} : vector<512x512xf32> to vector<1x401xf32>
    %squeeze3A_914 = vector.shape_cast %slice3A_913 : vector<1x401xf32> to vector<401xf32>
    %swap3A_915 = arith.constant 0 : index
    %swap3A_916 = arith.constant 3 : index
    %swap3A_917 = arith.constant 1479 : index
    %swap3A_918 = vector.load %arg3[%swap3A_915, %swap3A_916, %swap3A_917] : memref<1x8x16416xf32, #tpu.memory_space<vmem>>, vector<1x1x401xf32>
    %swap3A_919 = vector.shape_cast %swap3A_918 : vector<1x1x401xf32> to vector<401xf32>
    %swap3A_920 = vector.shape_cast %squeeze3A_914 : vector<401xf32> to vector<1x1x401xf32>
    tpu.vector_store %arg3[%swap3A_915, %swap3A_916, %swap3A_917], %swap3A_920 {strides = array<i32>} : memref<1x8x16416xf32, #tpu.memory_space<vmem>>, vector<1x1x401xf32>,
    %slice3A_921 = vector.extract_strided_slice %get3A_3 {offsets = [112, 112], sizes = [1, 400], strides = [1, 1]} : vector<512x512xf32> to vector<1x400xf32>
    %squeeze3A_922 = vector.shape_cast %slice3A_921 : vector<1x400xf32> to vector<400xf32>
    %swap3A_923 = arith.constant 0 : index
    %swap3A_924 = arith.constant 3 : index
    %swap3A_925 = arith.constant 1880 : index
    %swap3A_926 = vector.load %arg3[%swap3A_923, %swap3A_924, %swap3A_925] : memref<1x8x16416xf32, #tpu.memory_space<vmem>>, vector<1x1x400xf32>
    %swap3A_927 = vector.shape_cast %swap3A_926 : vector<1x1x400xf32> to vector<400xf32>
    %swap3A_928 = vector.shape_cast %squeeze3A_922 : vector<400xf32> to vector<1x1x400xf32>
    tpu.vector_store %arg3[%swap3A_923, %swap3A_924, %swap3A_925], %swap3A_928 {strides = array<i32>} : memref<1x8x16416xf32, #tpu.memory_space<vmem>>, vector<1x1x400xf32>,
    %slice3A_929 = vector.extract_strided_slice %get3A_3 {offsets = [113, 113], sizes = [1, 399], strides = [1, 1]} : vector<512x512xf32> to vector<1x399xf32>
    %squeeze3A_930 = vector.shape_cast %slice3A_929 : vector<1x399xf32> to vector<399xf32>
    %swap3A_931 = arith.constant 0 : index
    %swap3A_932 = arith.constant 3 : index
    %swap3A_933 = arith.constant 2280 : index
    %swap3A_934 = vector.load %arg3[%swap3A_931, %swap3A_932, %swap3A_933] : memref<1x8x16416xf32, #tpu.memory_space<vmem>>, vector<1x1x399xf32>
    %swap3A_935 = vector.shape_cast %swap3A_934 : vector<1x1x399xf32> to vector<399xf32>
    %swap3A_936 = vector.shape_cast %squeeze3A_930 : vector<399xf32> to vector<1x1x399xf32>
    tpu.vector_store %arg3[%swap3A_931, %swap3A_932, %swap3A_933], %swap3A_936 {strides = array<i32>} : memref<1x8x16416xf32, #tpu.memory_space<vmem>>, vector<1x1x399xf32>,
    %slice3A_937 = vector.extract_strided_slice %get3A_3 {offsets = [114, 114], sizes = [1, 398], strides = [1, 1]} : vector<512x512xf32> to vector<1x398xf32>
    %squeeze3A_938 = vector.shape_cast %slice3A_937 : vector<1x398xf32> to vector<398xf32>
    %swap3A_939 = arith.constant 0 : index
    %swap3A_940 = arith.constant 3 : index
    %swap3A_941 = arith.constant 2679 : index
    %swap3A_942 = vector.load %arg3[%swap3A_939, %swap3A_940, %swap3A_941] : memref<1x8x16416xf32, #tpu.memory_space<vmem>>, vector<1x1x398xf32>
    %swap3A_943 = vector.shape_cast %swap3A_942 : vector<1x1x398xf32> to vector<398xf32>
    %swap3A_944 = vector.shape_cast %squeeze3A_938 : vector<398xf32> to vector<1x1x398xf32>
    tpu.vector_store %arg3[%swap3A_939, %swap3A_940, %swap3A_941], %swap3A_944 {strides = array<i32>} : memref<1x8x16416xf32, #tpu.memory_space<vmem>>, vector<1x1x398xf32>,
    %slice3A_945 = vector.extract_strided_slice %get3A_3 {offsets = [115, 115], sizes = [1, 397], strides = [1, 1]} : vector<512x512xf32> to vector<1x397xf32>
    %squeeze3A_946 = vector.shape_cast %slice3A_945 : vector<1x397xf32> to vector<397xf32>
    %swap3A_947 = arith.constant 0 : index
    %swap3A_948 = arith.constant 3 : index
    %swap3A_949 = arith.constant 3077 : index
    %swap3A_950 = vector.load %arg3[%swap3A_947, %swap3A_948, %swap3A_949] : memref<1x8x16416xf32, #tpu.memory_space<vmem>>, vector<1x1x397xf32>
    %swap3A_951 = vector.shape_cast %swap3A_950 : vector<1x1x397xf32> to vector<397xf32>
    %swap3A_952 = vector.shape_cast %squeeze3A_946 : vector<397xf32> to vector<1x1x397xf32>
    tpu.vector_store %arg3[%swap3A_947, %swap3A_948, %swap3A_949], %swap3A_952 {strides = array<i32>} : memref<1x8x16416xf32, #tpu.memory_space<vmem>>, vector<1x1x397xf32>,
    %slice3A_953 = vector.extract_strided_slice %get3A_3 {offsets = [116, 116], sizes = [1, 396], strides = [1, 1]} : vector<512x512xf32> to vector<1x396xf32>
    %squeeze3A_954 = vector.shape_cast %slice3A_953 : vector<1x396xf32> to vector<396xf32>
    %swap3A_955 = arith.constant 0 : index
    %swap3A_956 = arith.constant 3 : index
    %swap3A_957 = arith.constant 3474 : index
    %swap3A_958 = vector.load %arg3[%swap3A_955, %swap3A_956, %swap3A_957] : memref<1x8x16416xf32, #tpu.memory_space<vmem>>, vector<1x1x396xf32>
    %swap3A_959 = vector.shape_cast %swap3A_958 : vector<1x1x396xf32> to vector<396xf32>
    %swap3A_960 = vector.shape_cast %squeeze3A_954 : vector<396xf32> to vector<1x1x396xf32>
    tpu.vector_store %arg3[%swap3A_955, %swap3A_956, %swap3A_957], %swap3A_960 {strides = array<i32>} : memref<1x8x16416xf32, #tpu.memory_space<vmem>>, vector<1x1x396xf32>,
    %slice3A_961 = vector.extract_strided_slice %get3A_3 {offsets = [117, 117], sizes = [1, 395], strides = [1, 1]} : vector<512x512xf32> to vector<1x395xf32>
    %squeeze3A_962 = vector.shape_cast %slice3A_961 : vector<1x395xf32> to vector<395xf32>
    %swap3A_963 = arith.constant 0 : index
    %swap3A_964 = arith.constant 3 : index
    %swap3A_965 = arith.constant 3870 : index
    %swap3A_966 = vector.load %arg3[%swap3A_963, %swap3A_964, %swap3A_965] : memref<1x8x16416xf32, #tpu.memory_space<vmem>>, vector<1x1x395xf32>
    %swap3A_967 = vector.shape_cast %swap3A_966 : vector<1x1x395xf32> to vector<395xf32>
    %swap3A_968 = vector.shape_cast %squeeze3A_962 : vector<395xf32> to vector<1x1x395xf32>
    tpu.vector_store %arg3[%swap3A_963, %swap3A_964, %swap3A_965], %swap3A_968 {strides = array<i32>} : memref<1x8x16416xf32, #tpu.memory_space<vmem>>, vector<1x1x395xf32>,
    %slice3A_969 = vector.extract_strided_slice %get3A_3 {offsets = [118, 118], sizes = [1, 394], strides = [1, 1]} : vector<512x512xf32> to vector<1x394xf32>
    %squeeze3A_970 = vector.shape_cast %slice3A_969 : vector<1x394xf32> to vector<394xf32>
    %swap3A_971 = arith.constant 0 : index
    %swap3A_972 = arith.constant 3 : index
    %swap3A_973 = arith.constant 4265 : index
    %swap3A_974 = vector.load %arg3[%swap3A_971, %swap3A_972, %swap3A_973] : memref<1x8x16416xf32, #tpu.memory_space<vmem>>, vector<1x1x394xf32>
    %swap3A_975 = vector.shape_cast %swap3A_974 : vector<1x1x394xf32> to vector<394xf32>
    %swap3A_976 = vector.shape_cast %squeeze3A_970 : vector<394xf32> to vector<1x1x394xf32>
    tpu.vector_store %arg3[%swap3A_971, %swap3A_972, %swap3A_973], %swap3A_976 {strides = array<i32>} : memref<1x8x16416xf32, #tpu.memory_space<vmem>>, vector<1x1x394xf32>,
    %slice3A_977 = vector.extract_strided_slice %get3A_3 {offsets = [119, 119], sizes = [1, 393], strides = [1, 1]} : vector<512x512xf32> to vector<1x393xf32>
    %squeeze3A_978 = vector.shape_cast %slice3A_977 : vector<1x393xf32> to vector<393xf32>
    %swap3A_979 = arith.constant 0 : index
    %swap3A_980 = arith.constant 3 : index
    %swap3A_981 = arith.constant 4659 : index
    %swap3A_982 = vector.load %arg3[%swap3A_979, %swap3A_980, %swap3A_981] : memref<1x8x16416xf32, #tpu.memory_space<vmem>>, vector<1x1x393xf32>
    %swap3A_983 = vector.shape_cast %swap3A_982 : vector<1x1x393xf32> to vector<393xf32>
    %swap3A_984 = vector.shape_cast %squeeze3A_978 : vector<393xf32> to vector<1x1x393xf32>
    tpu.vector_store %arg3[%swap3A_979, %swap3A_980, %swap3A_981], %swap3A_984 {strides = array<i32>} : memref<1x8x16416xf32, #tpu.memory_space<vmem>>, vector<1x1x393xf32>,
    %slice3A_985 = vector.extract_strided_slice %get3A_3 {offsets = [120, 120], sizes = [1, 392], strides = [1, 1]} : vector<512x512xf32> to vector<1x392xf32>
    %squeeze3A_986 = vector.shape_cast %slice3A_985 : vector<1x392xf32> to vector<392xf32>
    %swap3A_987 = arith.constant 0 : index
    %swap3A_988 = arith.constant 3 : index
    %swap3A_989 = arith.constant 5052 : index
    %swap3A_990 = vector.load %arg3[%swap3A_987, %swap3A_988, %swap3A_989] : memref<1x8x16416xf32, #tpu.memory_space<vmem>>, vector<1x1x392xf32>
    %swap3A_991 = vector.shape_cast %swap3A_990 : vector<1x1x392xf32> to vector<392xf32>
    %swap3A_992 = vector.shape_cast %squeeze3A_986 : vector<392xf32> to vector<1x1x392xf32>
    tpu.vector_store %arg3[%swap3A_987, %swap3A_988, %swap3A_989], %swap3A_992 {strides = array<i32>} : memref<1x8x16416xf32, #tpu.memory_space<vmem>>, vector<1x1x392xf32>,
    %slice3A_993 = vector.extract_strided_slice %get3A_3 {offsets = [121, 121], sizes = [1, 391], strides = [1, 1]} : vector<512x512xf32> to vector<1x391xf32>
    %squeeze3A_994 = vector.shape_cast %slice3A_993 : vector<1x391xf32> to vector<391xf32>
    %swap3A_995 = arith.constant 0 : index
    %swap3A_996 = arith.constant 3 : index
    %swap3A_997 = arith.constant 5444 : index
    %swap3A_998 = vector.load %arg3[%swap3A_995, %swap3A_996, %swap3A_997] : memref<1x8x16416xf32, #tpu.memory_space<vmem>>, vector<1x1x391xf32>
    %swap3A_999 = vector.shape_cast %swap3A_998 : vector<1x1x391xf32> to vector<391xf32>
    %swap3A_1000 = vector.shape_cast %squeeze3A_994 : vector<391xf32> to vector<1x1x391xf32>
    tpu.vector_store %arg3[%swap3A_995, %swap3A_996, %swap3A_997], %swap3A_1000 {strides = array<i32>} : memref<1x8x16416xf32, #tpu.memory_space<vmem>>, vector<1x1x391xf32>,
    %slice3A_1001 = vector.extract_strided_slice %get3A_3 {offsets = [122, 122], sizes = [1, 390], strides = [1, 1]} : vector<512x512xf32> to vector<1x390xf32>
    %squeeze3A_1002 = vector.shape_cast %slice3A_1001 : vector<1x390xf32> to vector<390xf32>
    %swap3A_1003 = arith.constant 0 : index
    %swap3A_1004 = arith.constant 3 : index
    %swap3A_1005 = arith.constant 5835 : index
    %swap3A_1006 = vector.load %arg3[%swap3A_1003, %swap3A_1004, %swap3A_1005] : memref<1x8x16416xf32, #tpu.memory_space<vmem>>, vector<1x1x390xf32>
    %swap3A_1007 = vector.shape_cast %swap3A_1006 : vector<1x1x390xf32> to vector<390xf32>
    %swap3A_1008 = vector.shape_cast %squeeze3A_1002 : vector<390xf32> to vector<1x1x390xf32>
    tpu.vector_store %arg3[%swap3A_1003, %swap3A_1004, %swap3A_1005], %swap3A_1008 {strides = array<i32>} : memref<1x8x16416xf32, #tpu.memory_space<vmem>>, vector<1x1x390xf32>,
    %slice3A_1009 = vector.extract_strided_slice %get3A_3 {offsets = [123, 123], sizes = [1, 389], strides = [1, 1]} : vector<512x512xf32> to vector<1x389xf32>
    %squeeze3A_1010 = vector.shape_cast %slice3A_1009 : vector<1x389xf32> to vector<389xf32>
    %swap3A_1011 = arith.constant 0 : index
    %swap3A_1012 = arith.constant 3 : index
    %swap3A_1013 = arith.constant 6225 : index
    %swap3A_1014 = vector.load %arg3[%swap3A_1011, %swap3A_1012, %swap3A_1013] : memref<1x8x16416xf32, #tpu.memory_space<vmem>>, vector<1x1x389xf32>
    %swap3A_1015 = vector.shape_cast %swap3A_1014 : vector<1x1x389xf32> to vector<389xf32>
    %swap3A_1016 = vector.shape_cast %squeeze3A_1010 : vector<389xf32> to vector<1x1x389xf32>
    tpu.vector_store %arg3[%swap3A_1011, %swap3A_1012, %swap3A_1013], %swap3A_1016 {strides = array<i32>} : memref<1x8x16416xf32, #tpu.memory_space<vmem>>, vector<1x1x389xf32>,
    %slice3A_1017 = vector.extract_strided_slice %get3A_3 {offsets = [124, 124], sizes = [1, 388], strides = [1, 1]} : vector<512x512xf32> to vector<1x388xf32>
    %squeeze3A_1018 = vector.shape_cast %slice3A_1017 : vector<1x388xf32> to vector<388xf32>
    %swap3A_1019 = arith.constant 0 : index
    %swap3A_1020 = arith.constant 3 : index
    %swap3A_1021 = arith.constant 6614 : index
    %swap3A_1022 = vector.load %arg3[%swap3A_1019, %swap3A_1020, %swap3A_1021] : memref<1x8x16416xf32, #tpu.memory_space<vmem>>, vector<1x1x388xf32>
    %swap3A_1023 = vector.shape_cast %swap3A_1022 : vector<1x1x388xf32> to vector<388xf32>
    %swap3A_1024 = vector.shape_cast %squeeze3A_1018 : vector<388xf32> to vector<1x1x388xf32>
    tpu.vector_store %arg3[%swap3A_1019, %swap3A_1020, %swap3A_1021], %swap3A_1024 {strides = array<i32>} : memref<1x8x16416xf32, #tpu.memory_space<vmem>>, vector<1x1x388xf32>,
    %slice3A_1025 = vector.extract_strided_slice %get3A_3 {offsets = [125, 125], sizes = [1, 387], strides = [1, 1]} : vector<512x512xf32> to vector<1x387xf32>
    %squeeze3A_1026 = vector.shape_cast %slice3A_1025 : vector<1x387xf32> to vector<387xf32>
    %swap3A_1027 = arith.constant 0 : index
    %swap3A_1028 = arith.constant 3 : index
    %swap3A_1029 = arith.constant 7002 : index
    %swap3A_1030 = vector.load %arg3[%swap3A_1027, %swap3A_1028, %swap3A_1029] : memref<1x8x16416xf32, #tpu.memory_space<vmem>>, vector<1x1x387xf32>
    %swap3A_1031 = vector.shape_cast %swap3A_1030 : vector<1x1x387xf32> to vector<387xf32>
    %swap3A_1032 = vector.shape_cast %squeeze3A_1026 : vector<387xf32> to vector<1x1x387xf32>
    tpu.vector_store %arg3[%swap3A_1027, %swap3A_1028, %swap3A_1029], %swap3A_1032 {strides = array<i32>} : memref<1x8x16416xf32, #tpu.memory_space<vmem>>, vector<1x1x387xf32>,
    %slice3A_1033 = vector.extract_strided_slice %get3A_3 {offsets = [126, 126], sizes = [1, 386], strides = [1, 1]} : vector<512x512xf32> to vector<1x386xf32>
    %squeeze3A_1034 = vector.shape_cast %slice3A_1033 : vector<1x386xf32> to vector<386xf32>
    %swap3A_1035 = arith.constant 0 : index
    %swap3A_1036 = arith.constant 3 : index
    %swap3A_1037 = arith.constant 7389 : index
    %swap3A_1038 = vector.load %arg3[%swap3A_1035, %swap3A_1036, %swap3A_1037] : memref<1x8x16416xf32, #tpu.memory_space<vmem>>, vector<1x1x386xf32>
    %swap3A_1039 = vector.shape_cast %swap3A_1038 : vector<1x1x386xf32> to vector<386xf32>
    %swap3A_1040 = vector.shape_cast %squeeze3A_1034 : vector<386xf32> to vector<1x1x386xf32>
    tpu.vector_store %arg3[%swap3A_1035, %swap3A_1036, %swap3A_1037], %swap3A_1040 {strides = array<i32>} : memref<1x8x16416xf32, #tpu.memory_space<vmem>>, vector<1x1x386xf32>,
    %slice3A_1041 = vector.extract_strided_slice %get3A_3 {offsets = [127, 127], sizes = [1, 385], strides = [1, 1]} : vector<512x512xf32> to vector<1x385xf32>
    %squeeze3A_1042 = vector.shape_cast %slice3A_1041 : vector<1x385xf32> to vector<385xf32>
    %swap3A_1043 = arith.constant 0 : index
    %swap3A_1044 = arith.constant 3 : index
    %swap3A_1045 = arith.constant 7775 : index
    %swap3A_1046 = vector.load %arg3[%swap3A_1043, %swap3A_1044, %swap3A_1045] : memref<1x8x16416xf32, #tpu.memory_space<vmem>>, vector<1x1x385xf32>
    %swap3A_1047 = vector.shape_cast %swap3A_1046 : vector<1x1x385xf32> to vector<385xf32>
    %swap3A_1048 = vector.shape_cast %squeeze3A_1042 : vector<385xf32> to vector<1x1x385xf32>
    tpu.vector_store %arg3[%swap3A_1043, %swap3A_1044, %swap3A_1045], %swap3A_1048 {strides = array<i32>} : memref<1x8x16416xf32, #tpu.memory_space<vmem>>, vector<1x1x385xf32>,
    %slice3A_1049 = vector.extract_strided_slice %get3A_3 {offsets = [128, 128], sizes = [1, 384], strides = [1, 1]} : vector<512x512xf32> to vector<1x384xf32>
    %squeeze3A_1050 = vector.shape_cast %slice3A_1049 : vector<1x384xf32> to vector<384xf32>
    %swap3A_1051 = arith.constant 0 : index
    %swap3A_1052 = arith.constant 3 : index
    %swap3A_1053 = arith.constant 8160 : index
    %swap3A_1054 = vector.load %arg3[%swap3A_1051, %swap3A_1052, %swap3A_1053] : memref<1x8x16416xf32, #tpu.memory_space<vmem>>, vector<1x1x384xf32>
    %swap3A_1055 = vector.shape_cast %swap3A_1054 : vector<1x1x384xf32> to vector<384xf32>
    %swap3A_1056 = vector.shape_cast %squeeze3A_1050 : vector<384xf32> to vector<1x1x384xf32>
    tpu.vector_store %arg3[%swap3A_1051, %swap3A_1052, %swap3A_1053], %swap3A_1056 {strides = array<i32>} : memref<1x8x16416xf32, #tpu.memory_space<vmem>>, vector<1x1x384xf32>,
    %slice3A_1057 = vector.extract_strided_slice %get3A_3 {offsets = [129, 129], sizes = [1, 383], strides = [1, 1]} : vector<512x512xf32> to vector<1x383xf32>
    %squeeze3A_1058 = vector.shape_cast %slice3A_1057 : vector<1x383xf32> to vector<383xf32>
    %swap3A_1059 = arith.constant 0 : index
    %swap3A_1060 = arith.constant 3 : index
    %swap3A_1061 = arith.constant 8544 : index
    %swap3A_1062 = vector.load %arg3[%swap3A_1059, %swap3A_1060, %swap3A_1061] : memref<1x8x16416xf32, #tpu.memory_space<vmem>>, vector<1x1x383xf32>
    %swap3A_1063 = vector.shape_cast %swap3A_1062 : vector<1x1x383xf32> to vector<383xf32>
    %swap3A_1064 = vector.shape_cast %squeeze3A_1058 : vector<383xf32> to vector<1x1x383xf32>
    tpu.vector_store %arg3[%swap3A_1059, %swap3A_1060, %swap3A_1061], %swap3A_1064 {strides = array<i32>} : memref<1x8x16416xf32, #tpu.memory_space<vmem>>, vector<1x1x383xf32>,
    %slice3A_1065 = vector.extract_strided_slice %get3A_3 {offsets = [130, 130], sizes = [1, 382], strides = [1, 1]} : vector<512x512xf32> to vector<1x382xf32>
    %squeeze3A_1066 = vector.shape_cast %slice3A_1065 : vector<1x382xf32> to vector<382xf32>
    %swap3A_1067 = arith.constant 0 : index
    %swap3A_1068 = arith.constant 3 : index
    %swap3A_1069 = arith.constant 8927 : index
    %swap3A_1070 = vector.load %arg3[%swap3A_1067, %swap3A_1068, %swap3A_1069] : memref<1x8x16416xf32, #tpu.memory_space<vmem>>, vector<1x1x382xf32>
    %swap3A_1071 = vector.shape_cast %swap3A_1070 : vector<1x1x382xf32> to vector<382xf32>
    %swap3A_1072 = vector.shape_cast %squeeze3A_1066 : vector<382xf32> to vector<1x1x382xf32>
    tpu.vector_store %arg3[%swap3A_1067, %swap3A_1068, %swap3A_1069], %swap3A_1072 {strides = array<i32>} : memref<1x8x16416xf32, #tpu.memory_space<vmem>>, vector<1x1x382xf32>,
    %slice3A_1073 = vector.extract_strided_slice %get3A_3 {offsets = [131, 131], sizes = [1, 381], strides = [1, 1]} : vector<512x512xf32> to vector<1x381xf32>
    %squeeze3A_1074 = vector.shape_cast %slice3A_1073 : vector<1x381xf32> to vector<381xf32>
    %swap3A_1075 = arith.constant 0 : index
    %swap3A_1076 = arith.constant 3 : index
    %swap3A_1077 = arith.constant 9309 : index
    %swap3A_1078 = vector.load %arg3[%swap3A_1075, %swap3A_1076, %swap3A_1077] : memref<1x8x16416xf32, #tpu.memory_space<vmem>>, vector<1x1x381xf32>
    %swap3A_1079 = vector.shape_cast %swap3A_1078 : vector<1x1x381xf32> to vector<381xf32>
    %swap3A_1080 = vector.shape_cast %squeeze3A_1074 : vector<381xf32> to vector<1x1x381xf32>
    tpu.vector_store %arg3[%swap3A_1075, %swap3A_1076, %swap3A_1077], %swap3A_1080 {strides = array<i32>} : memref<1x8x16416xf32, #tpu.memory_space<vmem>>, vector<1x1x381xf32>,
    %slice3A_1081 = vector.extract_strided_slice %get3A_3 {offsets = [132, 132], sizes = [1, 380], strides = [1, 1]} : vector<512x512xf32> to vector<1x380xf32>
    %squeeze3A_1082 = vector.shape_cast %slice3A_1081 : vector<1x380xf32> to vector<380xf32>
    %swap3A_1083 = arith.constant 0 : index
    %swap3A_1084 = arith.constant 3 : index
    %swap3A_1085 = arith.constant 9690 : index
    %swap3A_1086 = vector.load %arg3[%swap3A_1083, %swap3A_1084, %swap3A_1085] : memref<1x8x16416xf32, #tpu.memory_space<vmem>>, vector<1x1x380xf32>
    %swap3A_1087 = vector.shape_cast %swap3A_1086 : vector<1x1x380xf32> to vector<380xf32>
    %swap3A_1088 = vector.shape_cast %squeeze3A_1082 : vector<380xf32> to vector<1x1x380xf32>
    tpu.vector_store %arg3[%swap3A_1083, %swap3A_1084, %swap3A_1085], %swap3A_1088 {strides = array<i32>} : memref<1x8x16416xf32, #tpu.memory_space<vmem>>, vector<1x1x380xf32>,
    %slice3A_1089 = vector.extract_strided_slice %get3A_3 {offsets = [133, 133], sizes = [1, 379], strides = [1, 1]} : vector<512x512xf32> to vector<1x379xf32>
    %squeeze3A_1090 = vector.shape_cast %slice3A_1089 : vector<1x379xf32> to vector<379xf32>
    %swap3A_1091 = arith.constant 0 : index
    %swap3A_1092 = arith.constant 3 : index
    %swap3A_1093 = arith.constant 10070 : index
    %swap3A_1094 = vector.load %arg3[%swap3A_1091, %swap3A_1092, %swap3A_1093] : memref<1x8x16416xf32, #tpu.memory_space<vmem>>, vector<1x1x379xf32>
    %swap3A_1095 = vector.shape_cast %swap3A_1094 : vector<1x1x379xf32> to vector<379xf32>
    %swap3A_1096 = vector.shape_cast %squeeze3A_1090 : vector<379xf32> to vector<1x1x379xf32>
    tpu.vector_store %arg3[%swap3A_1091, %swap3A_1092, %swap3A_1093], %swap3A_1096 {strides = array<i32>} : memref<1x8x16416xf32, #tpu.memory_space<vmem>>, vector<1x1x379xf32>,
    %slice3A_1097 = vector.extract_strided_slice %get3A_3 {offsets = [134, 134], sizes = [1, 378], strides = [1, 1]} : vector<512x512xf32> to vector<1x378xf32>
    %squeeze3A_1098 = vector.shape_cast %slice3A_1097 : vector<1x378xf32> to vector<378xf32>
    %swap3A_1099 = arith.constant 0 : index
    %swap3A_1100 = arith.constant 3 : index
    %swap3A_1101 = arith.constant 10449 : index
    %swap3A_1102 = vector.load %arg3[%swap3A_1099, %swap3A_1100, %swap3A_1101] : memref<1x8x16416xf32, #tpu.memory_space<vmem>>, vector<1x1x378xf32>
    %swap3A_1103 = vector.shape_cast %swap3A_1102 : vector<1x1x378xf32> to vector<378xf32>
    %swap3A_1104 = vector.shape_cast %squeeze3A_1098 : vector<378xf32> to vector<1x1x378xf32>
    tpu.vector_store %arg3[%swap3A_1099, %swap3A_1100, %swap3A_1101], %swap3A_1104 {strides = array<i32>} : memref<1x8x16416xf32, #tpu.memory_space<vmem>>, vector<1x1x378xf32>,
    %slice3A_1105 = vector.extract_strided_slice %get3A_3 {offsets = [135, 135], sizes = [1, 377], strides = [1, 1]} : vector<512x512xf32> to vector<1x377xf32>
    %squeeze3A_1106 = vector.shape_cast %slice3A_1105 : vector<1x377xf32> to vector<377xf32>
    %swap3A_1107 = arith.constant 0 : index
    %swap3A_1108 = arith.constant 3 : index
    %swap3A_1109 = arith.constant 10827 : index
    %swap3A_1110 = vector.load %arg3[%swap3A_1107, %swap3A_1108, %swap3A_1109] : memref<1x8x16416xf32, #tpu.memory_space<vmem>>, vector<1x1x377xf32>
    %swap3A_1111 = vector.shape_cast %swap3A_1110 : vector<1x1x377xf32> to vector<377xf32>
    %swap3A_1112 = vector.shape_cast %squeeze3A_1106 : vector<377xf32> to vector<1x1x377xf32>
    tpu.vector_store %arg3[%swap3A_1107, %swap3A_1108, %swap3A_1109], %swap3A_1112 {strides = array<i32>} : memref<1x8x16416xf32, #tpu.memory_space<vmem>>, vector<1x1x377xf32>,
    %slice3A_1113 = vector.extract_strided_slice %get3A_3 {offsets = [136, 136], sizes = [1, 376], strides = [1, 1]} : vector<512x512xf32> to vector<1x376xf32>
    %squeeze3A_1114 = vector.shape_cast %slice3A_1113 : vector<1x376xf32> to vector<376xf32>
    %swap3A_1115 = arith.constant 0 : index
    %swap3A_1116 = arith.constant 3 : index
    %swap3A_1117 = arith.constant 11204 : index
    %swap3A_1118 = vector.load %arg3[%swap3A_1115, %swap3A_1116, %swap3A_1117] : memref<1x8x16416xf32, #tpu.memory_space<vmem>>, vector<1x1x376xf32>
    %swap3A_1119 = vector.shape_cast %swap3A_1118 : vector<1x1x376xf32> to vector<376xf32>
    %swap3A_1120 = vector.shape_cast %squeeze3A_1114 : vector<376xf32> to vector<1x1x376xf32>
    tpu.vector_store %arg3[%swap3A_1115, %swap3A_1116, %swap3A_1117], %swap3A_1120 {strides = array<i32>} : memref<1x8x16416xf32, #tpu.memory_space<vmem>>, vector<1x1x376xf32>,
    %slice3A_1121 = vector.extract_strided_slice %get3A_3 {offsets = [137, 137], sizes = [1, 375], strides = [1, 1]} : vector<512x512xf32> to vector<1x375xf32>
    %squeeze3A_1122 = vector.shape_cast %slice3A_1121 : vector<1x375xf32> to vector<375xf32>
    %swap3A_1123 = arith.constant 0 : index
    %swap3A_1124 = arith.constant 3 : index
    %swap3A_1125 = arith.constant 11580 : index
    %swap3A_1126 = vector.load %arg3[%swap3A_1123, %swap3A_1124, %swap3A_1125] : memref<1x8x16416xf32, #tpu.memory_space<vmem>>, vector<1x1x375xf32>
    %swap3A_1127 = vector.shape_cast %swap3A_1126 : vector<1x1x375xf32> to vector<375xf32>
    %swap3A_1128 = vector.shape_cast %squeeze3A_1122 : vector<375xf32> to vector<1x1x375xf32>
    tpu.vector_store %arg3[%swap3A_1123, %swap3A_1124, %swap3A_1125], %swap3A_1128 {strides = array<i32>} : memref<1x8x16416xf32, #tpu.memory_space<vmem>>, vector<1x1x375xf32>,
    %slice3A_1129 = vector.extract_strided_slice %get3A_3 {offsets = [138, 138], sizes = [1, 374], strides = [1, 1]} : vector<512x512xf32> to vector<1x374xf32>
    %squeeze3A_1130 = vector.shape_cast %slice3A_1129 : vector<1x374xf32> to vector<374xf32>
    %swap3A_1131 = arith.constant 0 : index
    %swap3A_1132 = arith.constant 3 : index
    %swap3A_1133 = arith.constant 11955 : index
    %swap3A_1134 = vector.load %arg3[%swap3A_1131, %swap3A_1132, %swap3A_1133] : memref<1x8x16416xf32, #tpu.memory_space<vmem>>, vector<1x1x374xf32>
    %swap3A_1135 = vector.shape_cast %swap3A_1134 : vector<1x1x374xf32> to vector<374xf32>
    %swap3A_1136 = vector.shape_cast %squeeze3A_1130 : vector<374xf32> to vector<1x1x374xf32>
    tpu.vector_store %arg3[%swap3A_1131, %swap3A_1132, %swap3A_1133], %swap3A_1136 {strides = array<i32>} : memref<1x8x16416xf32, #tpu.memory_space<vmem>>, vector<1x1x374xf32>,
    %slice3A_1137 = vector.extract_strided_slice %get3A_3 {offsets = [139, 139], sizes = [1, 373], strides = [1, 1]} : vector<512x512xf32> to vector<1x373xf32>
    %squeeze3A_1138 = vector.shape_cast %slice3A_1137 : vector<1x373xf32> to vector<373xf32>
    %swap3A_1139 = arith.constant 0 : index
    %swap3A_1140 = arith.constant 3 : index
    %swap3A_1141 = arith.constant 12329 : index
    %swap3A_1142 = vector.load %arg3[%swap3A_1139, %swap3A_1140, %swap3A_1141] : memref<1x8x16416xf32, #tpu.memory_space<vmem>>, vector<1x1x373xf32>
    %swap3A_1143 = vector.shape_cast %swap3A_1142 : vector<1x1x373xf32> to vector<373xf32>
    %swap3A_1144 = vector.shape_cast %squeeze3A_1138 : vector<373xf32> to vector<1x1x373xf32>
    tpu.vector_store %arg3[%swap3A_1139, %swap3A_1140, %swap3A_1141], %swap3A_1144 {strides = array<i32>} : memref<1x8x16416xf32, #tpu.memory_space<vmem>>, vector<1x1x373xf32>,
    %slice3A_1145 = vector.extract_strided_slice %get3A_3 {offsets = [140, 140], sizes = [1, 372], strides = [1, 1]} : vector<512x512xf32> to vector<1x372xf32>
    %squeeze3A_1146 = vector.shape_cast %slice3A_1145 : vector<1x372xf32> to vector<372xf32>
    %swap3A_1147 = arith.constant 0 : index
    %swap3A_1148 = arith.constant 3 : index
    %swap3A_1149 = arith.constant 12702 : index
    %swap3A_1150 = vector.load %arg3[%swap3A_1147, %swap3A_1148, %swap3A_1149] : memref<1x8x16416xf32, #tpu.memory_space<vmem>>, vector<1x1x372xf32>
    %swap3A_1151 = vector.shape_cast %swap3A_1150 : vector<1x1x372xf32> to vector<372xf32>
    %swap3A_1152 = vector.shape_cast %squeeze3A_1146 : vector<372xf32> to vector<1x1x372xf32>
    tpu.vector_store %arg3[%swap3A_1147, %swap3A_1148, %swap3A_1149], %swap3A_1152 {strides = array<i32>} : memref<1x8x16416xf32, #tpu.memory_space<vmem>>, vector<1x1x372xf32>,
    %slice3A_1153 = vector.extract_strided_slice %get3A_3 {offsets = [141, 141], sizes = [1, 371], strides = [1, 1]} : vector<512x512xf32> to vector<1x371xf32>
    %squeeze3A_1154 = vector.shape_cast %slice3A_1153 : vector<1x371xf32> to vector<371xf32>
    %swap3A_1155 = arith.constant 0 : index
    %swap3A_1156 = arith.constant 3 : index
    %swap3A_1157 = arith.constant 13074 : index
    %swap3A_1158 = vector.load %arg3[%swap3A_1155, %swap3A_1156, %swap3A_1157] : memref<1x8x16416xf32, #tpu.memory_space<vmem>>, vector<1x1x371xf32>
    %swap3A_1159 = vector.shape_cast %swap3A_1158 : vector<1x1x371xf32> to vector<371xf32>
    %swap3A_1160 = vector.shape_cast %squeeze3A_1154 : vector<371xf32> to vector<1x1x371xf32>
    tpu.vector_store %arg3[%swap3A_1155, %swap3A_1156, %swap3A_1157], %swap3A_1160 {strides = array<i32>} : memref<1x8x16416xf32, #tpu.memory_space<vmem>>, vector<1x1x371xf32>,
    %slice3A_1161 = vector.extract_strided_slice %get3A_3 {offsets = [142, 142], sizes = [1, 370], strides = [1, 1]} : vector<512x512xf32> to vector<1x370xf32>
    %squeeze3A_1162 = vector.shape_cast %slice3A_1161 : vector<1x370xf32> to vector<370xf32>
    %swap3A_1163 = arith.constant 0 : index
    %swap3A_1164 = arith.constant 3 : index
    %swap3A_1165 = arith.constant 13445 : index
    %swap3A_1166 = vector.load %arg3[%swap3A_1163, %swap3A_1164, %swap3A_1165] : memref<1x8x16416xf32, #tpu.memory_space<vmem>>, vector<1x1x370xf32>
    %swap3A_1167 = vector.shape_cast %swap3A_1166 : vector<1x1x370xf32> to vector<370xf32>
    %swap3A_1168 = vector.shape_cast %squeeze3A_1162 : vector<370xf32> to vector<1x1x370xf32>
    tpu.vector_store %arg3[%swap3A_1163, %swap3A_1164, %swap3A_1165], %swap3A_1168 {strides = array<i32>} : memref<1x8x16416xf32, #tpu.memory_space<vmem>>, vector<1x1x370xf32>,
    %slice3A_1169 = vector.extract_strided_slice %get3A_3 {offsets = [143, 143], sizes = [1, 369], strides = [1, 1]} : vector<512x512xf32> to vector<1x369xf32>
    %squeeze3A_1170 = vector.shape_cast %slice3A_1169 : vector<1x369xf32> to vector<369xf32>
    %swap3A_1171 = arith.constant 0 : index
    %swap3A_1172 = arith.constant 3 : index
    %swap3A_1173 = arith.constant 13815 : index
    %swap3A_1174 = vector.load %arg3[%swap3A_1171, %swap3A_1172, %swap3A_1173] : memref<1x8x16416xf32, #tpu.memory_space<vmem>>, vector<1x1x369xf32>
    %swap3A_1175 = vector.shape_cast %swap3A_1174 : vector<1x1x369xf32> to vector<369xf32>
    %swap3A_1176 = vector.shape_cast %squeeze3A_1170 : vector<369xf32> to vector<1x1x369xf32>
    tpu.vector_store %arg3[%swap3A_1171, %swap3A_1172, %swap3A_1173], %swap3A_1176 {strides = array<i32>} : memref<1x8x16416xf32, #tpu.memory_space<vmem>>, vector<1x1x369xf32>,
    %slice3A_1177 = vector.extract_strided_slice %get3A_3 {offsets = [144, 144], sizes = [1, 368], strides = [1, 1]} : vector<512x512xf32> to vector<1x368xf32>
    %squeeze3A_1178 = vector.shape_cast %slice3A_1177 : vector<1x368xf32> to vector<368xf32>
    %swap3A_1179 = arith.constant 0 : index
    %swap3A_1180 = arith.constant 3 : index
    %swap3A_1181 = arith.constant 14184 : index
    %swap3A_1182 = vector.load %arg3[%swap3A_1179, %swap3A_1180, %swap3A_1181] : memref<1x8x16416xf32, #tpu.memory_space<vmem>>, vector<1x1x368xf32>
    %swap3A_1183 = vector.shape_cast %swap3A_1182 : vector<1x1x368xf32> to vector<368xf32>
    %swap3A_1184 = vector.shape_cast %squeeze3A_1178 : vector<368xf32> to vector<1x1x368xf32>
    tpu.vector_store %arg3[%swap3A_1179, %swap3A_1180, %swap3A_1181], %swap3A_1184 {strides = array<i32>} : memref<1x8x16416xf32, #tpu.memory_space<vmem>>, vector<1x1x368xf32>,
    %slice3A_1185 = vector.extract_strided_slice %get3A_3 {offsets = [145, 145], sizes = [1, 367], strides = [1, 1]} : vector<512x512xf32> to vector<1x367xf32>
    %squeeze3A_1186 = vector.shape_cast %slice3A_1185 : vector<1x367xf32> to vector<367xf32>
    %swap3A_1187 = arith.constant 0 : index
    %swap3A_1188 = arith.constant 3 : index
    %swap3A_1189 = arith.constant 14552 : index
    %swap3A_1190 = vector.load %arg3[%swap3A_1187, %swap3A_1188, %swap3A_1189] : memref<1x8x16416xf32, #tpu.memory_space<vmem>>, vector<1x1x367xf32>
    %swap3A_1191 = vector.shape_cast %swap3A_1190 : vector<1x1x367xf32> to vector<367xf32>
    %swap3A_1192 = vector.shape_cast %squeeze3A_1186 : vector<367xf32> to vector<1x1x367xf32>
    tpu.vector_store %arg3[%swap3A_1187, %swap3A_1188, %swap3A_1189], %swap3A_1192 {strides = array<i32>} : memref<1x8x16416xf32, #tpu.memory_space<vmem>>, vector<1x1x367xf32>,
    %slice3A_1193 = vector.extract_strided_slice %get3A_3 {offsets = [146, 146], sizes = [1, 366], strides = [1, 1]} : vector<512x512xf32> to vector<1x366xf32>
    %squeeze3A_1194 = vector.shape_cast %slice3A_1193 : vector<1x366xf32> to vector<366xf32>
    %swap3A_1195 = arith.constant 0 : index
    %swap3A_1196 = arith.constant 3 : index
    %swap3A_1197 = arith.constant 14919 : index
    %swap3A_1198 = vector.load %arg3[%swap3A_1195, %swap3A_1196, %swap3A_1197] : memref<1x8x16416xf32, #tpu.memory_space<vmem>>, vector<1x1x366xf32>
    %swap3A_1199 = vector.shape_cast %swap3A_1198 : vector<1x1x366xf32> to vector<366xf32>
    %swap3A_1200 = vector.shape_cast %squeeze3A_1194 : vector<366xf32> to vector<1x1x366xf32>
    tpu.vector_store %arg3[%swap3A_1195, %swap3A_1196, %swap3A_1197], %swap3A_1200 {strides = array<i32>} : memref<1x8x16416xf32, #tpu.memory_space<vmem>>, vector<1x1x366xf32>,
    %slice3A_1201 = vector.extract_strided_slice %get3A_3 {offsets = [147, 147], sizes = [1, 365], strides = [1, 1]} : vector<512x512xf32> to vector<1x365xf32>
    %squeeze3A_1202 = vector.shape_cast %slice3A_1201 : vector<1x365xf32> to vector<365xf32>
    %swap3A_1203 = arith.constant 0 : index
    %swap3A_1204 = arith.constant 3 : index
    %swap3A_1205 = arith.constant 15285 : index
    %swap3A_1206 = vector.load %arg3[%swap3A_1203, %swap3A_1204, %swap3A_1205] : memref<1x8x16416xf32, #tpu.memory_space<vmem>>, vector<1x1x365xf32>
    %swap3A_1207 = vector.shape_cast %swap3A_1206 : vector<1x1x365xf32> to vector<365xf32>
    %swap3A_1208 = vector.shape_cast %squeeze3A_1202 : vector<365xf32> to vector<1x1x365xf32>
    tpu.vector_store %arg3[%swap3A_1203, %swap3A_1204, %swap3A_1205], %swap3A_1208 {strides = array<i32>} : memref<1x8x16416xf32, #tpu.memory_space<vmem>>, vector<1x1x365xf32>,
    %slice3A_1209 = vector.extract_strided_slice %get3A_3 {offsets = [148, 148], sizes = [1, 364], strides = [1, 1]} : vector<512x512xf32> to vector<1x364xf32>
    %squeeze3A_1210 = vector.shape_cast %slice3A_1209 : vector<1x364xf32> to vector<364xf32>
    %swap3A_1211 = arith.constant 0 : index
    %swap3A_1212 = arith.constant 3 : index
    %swap3A_1213 = arith.constant 15650 : index
    %swap3A_1214 = vector.load %arg3[%swap3A_1211, %swap3A_1212, %swap3A_1213] : memref<1x8x16416xf32, #tpu.memory_space<vmem>>, vector<1x1x364xf32>
    %swap3A_1215 = vector.shape_cast %swap3A_1214 : vector<1x1x364xf32> to vector<364xf32>
    %swap3A_1216 = vector.shape_cast %squeeze3A_1210 : vector<364xf32> to vector<1x1x364xf32>
    tpu.vector_store %arg3[%swap3A_1211, %swap3A_1212, %swap3A_1213], %swap3A_1216 {strides = array<i32>} : memref<1x8x16416xf32, #tpu.memory_space<vmem>>, vector<1x1x364xf32>,
    %slice3A_1217 = vector.extract_strided_slice %get3A_3 {offsets = [149, 149], sizes = [1, 363], strides = [1, 1]} : vector<512x512xf32> to vector<1x363xf32>
    %squeeze3A_1218 = vector.shape_cast %slice3A_1217 : vector<1x363xf32> to vector<363xf32>
    %swap3A_1219 = arith.constant 0 : index
    %swap3A_1220 = arith.constant 3 : index
    %swap3A_1221 = arith.constant 16014 : index
    %swap3A_1222 = vector.load %arg3[%swap3A_1219, %swap3A_1220, %swap3A_1221] : memref<1x8x16416xf32, #tpu.memory_space<vmem>>, vector<1x1x363xf32>
    %swap3A_1223 = vector.shape_cast %swap3A_1222 : vector<1x1x363xf32> to vector<363xf32>
    %swap3A_1224 = vector.shape_cast %squeeze3A_1218 : vector<363xf32> to vector<1x1x363xf32>
    tpu.vector_store %arg3[%swap3A_1219, %swap3A_1220, %swap3A_1221], %swap3A_1224 {strides = array<i32>} : memref<1x8x16416xf32, #tpu.memory_space<vmem>>, vector<1x1x363xf32>,
    %slice3A_1225 = vector.extract_strided_slice %get3A_3 {offsets = [150, 150], sizes = [1, 39], strides = [1, 1]} : vector<512x512xf32> to vector<1x39xf32>
    %squeeze3A_1226 = vector.shape_cast %slice3A_1225 : vector<1x39xf32> to vector<39xf32>
    %swap3A_1227 = arith.constant 0 : index
    %swap3A_1228 = arith.constant 3 : index
    %swap3A_1229 = arith.constant 16377 : index
    %swap3A_1230 = vector.load %arg3[%swap3A_1227, %swap3A_1228, %swap3A_1229] : memref<1x8x16416xf32, #tpu.memory_space<vmem>>, vector<1x1x39xf32>
    %swap3A_1231 = vector.shape_cast %swap3A_1230 : vector<1x1x39xf32> to vector<39xf32>
    %swap3A_1232 = vector.shape_cast %squeeze3A_1226 : vector<39xf32> to vector<1x1x39xf32>
    tpu.vector_store %arg3[%swap3A_1227, %swap3A_1228, %swap3A_1229], %swap3A_1232 {strides = array<i32>} : memref<1x8x16416xf32, #tpu.memory_space<vmem>>, vector<1x1x39xf32>,
    %slice3A_1233 = vector.extract_strided_slice %get3A_3 {offsets = [150, 189], sizes = [1, 323], strides = [1, 1]} : vector<512x512xf32> to vector<1x323xf32>
    %squeeze3A_1234 = vector.shape_cast %slice3A_1233 : vector<1x323xf32> to vector<323xf32>
    %swap3A_1235 = arith.constant 0 : index
    %swap3A_1236 = arith.constant 4 : index
    %swap3A_1237 = arith.constant 0 : index
    %swap3A_1238 = vector.load %arg3[%swap3A_1235, %swap3A_1236, %swap3A_1237] : memref<1x8x16416xf32, #tpu.memory_space<vmem>>, vector<1x1x323xf32>
    %swap3A_1239 = vector.shape_cast %swap3A_1238 : vector<1x1x323xf32> to vector<323xf32>
    %swap3A_1240 = vector.shape_cast %squeeze3A_1234 : vector<323xf32> to vector<1x1x323xf32>
    tpu.vector_store %arg3[%swap3A_1235, %swap3A_1236, %swap3A_1237], %swap3A_1240 {strides = array<i32>} : memref<1x8x16416xf32, #tpu.memory_space<vmem>>, vector<1x1x323xf32>,
    %slice3A_1241 = vector.extract_strided_slice %get3A_3 {offsets = [151, 151], sizes = [1, 361], strides = [1, 1]} : vector<512x512xf32> to vector<1x361xf32>
    %squeeze3A_1242 = vector.shape_cast %slice3A_1241 : vector<1x361xf32> to vector<361xf32>
    %swap3A_1243 = arith.constant 0 : index
    %swap3A_1244 = arith.constant 4 : index
    %swap3A_1245 = arith.constant 323 : index
    %swap3A_1246 = vector.load %arg3[%swap3A_1243, %swap3A_1244, %swap3A_1245] : memref<1x8x16416xf32, #tpu.memory_space<vmem>>, vector<1x1x361xf32>
    %swap3A_1247 = vector.shape_cast %swap3A_1246 : vector<1x1x361xf32> to vector<361xf32>
    %swap3A_1248 = vector.shape_cast %squeeze3A_1242 : vector<361xf32> to vector<1x1x361xf32>
    tpu.vector_store %arg3[%swap3A_1243, %swap3A_1244, %swap3A_1245], %swap3A_1248 {strides = array<i32>} : memref<1x8x16416xf32, #tpu.memory_space<vmem>>, vector<1x1x361xf32>,
    %slice3A_1249 = vector.extract_strided_slice %get3A_3 {offsets = [152, 152], sizes = [1, 360], strides = [1, 1]} : vector<512x512xf32> to vector<1x360xf32>
    %squeeze3A_1250 = vector.shape_cast %slice3A_1249 : vector<1x360xf32> to vector<360xf32>
    %swap3A_1251 = arith.constant 0 : index
    %swap3A_1252 = arith.constant 4 : index
    %swap3A_1253 = arith.constant 684 : index
    %swap3A_1254 = vector.load %arg3[%swap3A_1251, %swap3A_1252, %swap3A_1253] : memref<1x8x16416xf32, #tpu.memory_space<vmem>>, vector<1x1x360xf32>
    %swap3A_1255 = vector.shape_cast %swap3A_1254 : vector<1x1x360xf32> to vector<360xf32>
    %swap3A_1256 = vector.shape_cast %squeeze3A_1250 : vector<360xf32> to vector<1x1x360xf32>
    tpu.vector_store %arg3[%swap3A_1251, %swap3A_1252, %swap3A_1253], %swap3A_1256 {strides = array<i32>} : memref<1x8x16416xf32, #tpu.memory_space<vmem>>, vector<1x1x360xf32>,
    %slice3A_1257 = vector.extract_strided_slice %get3A_3 {offsets = [153, 153], sizes = [1, 359], strides = [1, 1]} : vector<512x512xf32> to vector<1x359xf32>
    %squeeze3A_1258 = vector.shape_cast %slice3A_1257 : vector<1x359xf32> to vector<359xf32>
    %swap3A_1259 = arith.constant 0 : index
    %swap3A_1260 = arith.constant 4 : index
    %swap3A_1261 = arith.constant 1044 : index
    %swap3A_1262 = vector.load %arg3[%swap3A_1259, %swap3A_1260, %swap3A_1261] : memref<1x8x16416xf32, #tpu.memory_space<vmem>>, vector<1x1x359xf32>
    %swap3A_1263 = vector.shape_cast %swap3A_1262 : vector<1x1x359xf32> to vector<359xf32>
    %swap3A_1264 = vector.shape_cast %squeeze3A_1258 : vector<359xf32> to vector<1x1x359xf32>
    tpu.vector_store %arg3[%swap3A_1259, %swap3A_1260, %swap3A_1261], %swap3A_1264 {strides = array<i32>} : memref<1x8x16416xf32, #tpu.memory_space<vmem>>, vector<1x1x359xf32>,
    %slice3A_1265 = vector.extract_strided_slice %get3A_3 {offsets = [154, 154], sizes = [1, 358], strides = [1, 1]} : vector<512x512xf32> to vector<1x358xf32>
    %squeeze3A_1266 = vector.shape_cast %slice3A_1265 : vector<1x358xf32> to vector<358xf32>
    %swap3A_1267 = arith.constant 0 : index
    %swap3A_1268 = arith.constant 4 : index
    %swap3A_1269 = arith.constant 1403 : index
    %swap3A_1270 = vector.load %arg3[%swap3A_1267, %swap3A_1268, %swap3A_1269] : memref<1x8x16416xf32, #tpu.memory_space<vmem>>, vector<1x1x358xf32>
    %swap3A_1271 = vector.shape_cast %swap3A_1270 : vector<1x1x358xf32> to vector<358xf32>
    %swap3A_1272 = vector.shape_cast %squeeze3A_1266 : vector<358xf32> to vector<1x1x358xf32>
    tpu.vector_store %arg3[%swap3A_1267, %swap3A_1268, %swap3A_1269], %swap3A_1272 {strides = array<i32>} : memref<1x8x16416xf32, #tpu.memory_space<vmem>>, vector<1x1x358xf32>,
    %slice3A_1273 = vector.extract_strided_slice %get3A_3 {offsets = [155, 155], sizes = [1, 357], strides = [1, 1]} : vector<512x512xf32> to vector<1x357xf32>
    %squeeze3A_1274 = vector.shape_cast %slice3A_1273 : vector<1x357xf32> to vector<357xf32>
    %swap3A_1275 = arith.constant 0 : index
    %swap3A_1276 = arith.constant 4 : index
    %swap3A_1277 = arith.constant 1761 : index
    %swap3A_1278 = vector.load %arg3[%swap3A_1275, %swap3A_1276, %swap3A_1277] : memref<1x8x16416xf32, #tpu.memory_space<vmem>>, vector<1x1x357xf32>
    %swap3A_1279 = vector.shape_cast %swap3A_1278 : vector<1x1x357xf32> to vector<357xf32>
    %swap3A_1280 = vector.shape_cast %squeeze3A_1274 : vector<357xf32> to vector<1x1x357xf32>
    tpu.vector_store %arg3[%swap3A_1275, %swap3A_1276, %swap3A_1277], %swap3A_1280 {strides = array<i32>} : memref<1x8x16416xf32, #tpu.memory_space<vmem>>, vector<1x1x357xf32>,
    %slice3A_1281 = vector.extract_strided_slice %get3A_3 {offsets = [156, 156], sizes = [1, 356], strides = [1, 1]} : vector<512x512xf32> to vector<1x356xf32>
    %squeeze3A_1282 = vector.shape_cast %slice3A_1281 : vector<1x356xf32> to vector<356xf32>
    %swap3A_1283 = arith.constant 0 : index
    %swap3A_1284 = arith.constant 4 : index
    %swap3A_1285 = arith.constant 2118 : index
    %swap3A_1286 = vector.load %arg3[%swap3A_1283, %swap3A_1284, %swap3A_1285] : memref<1x8x16416xf32, #tpu.memory_space<vmem>>, vector<1x1x356xf32>
    %swap3A_1287 = vector.shape_cast %swap3A_1286 : vector<1x1x356xf32> to vector<356xf32>
    %swap3A_1288 = vector.shape_cast %squeeze3A_1282 : vector<356xf32> to vector<1x1x356xf32>
    tpu.vector_store %arg3[%swap3A_1283, %swap3A_1284, %swap3A_1285], %swap3A_1288 {strides = array<i32>} : memref<1x8x16416xf32, #tpu.memory_space<vmem>>, vector<1x1x356xf32>,
    %slice3A_1289 = vector.extract_strided_slice %get3A_3 {offsets = [157, 157], sizes = [1, 355], strides = [1, 1]} : vector<512x512xf32> to vector<1x355xf32>
    %squeeze3A_1290 = vector.shape_cast %slice3A_1289 : vector<1x355xf32> to vector<355xf32>
    %swap3A_1291 = arith.constant 0 : index
    %swap3A_1292 = arith.constant 4 : index
    %swap3A_1293 = arith.constant 2474 : index
    %swap3A_1294 = vector.load %arg3[%swap3A_1291, %swap3A_1292, %swap3A_1293] : memref<1x8x16416xf32, #tpu.memory_space<vmem>>, vector<1x1x355xf32>
    %swap3A_1295 = vector.shape_cast %swap3A_1294 : vector<1x1x355xf32> to vector<355xf32>
    %swap3A_1296 = vector.shape_cast %squeeze3A_1290 : vector<355xf32> to vector<1x1x355xf32>
    tpu.vector_store %arg3[%swap3A_1291, %swap3A_1292, %swap3A_1293], %swap3A_1296 {strides = array<i32>} : memref<1x8x16416xf32, #tpu.memory_space<vmem>>, vector<1x1x355xf32>,
    %slice3A_1297 = vector.extract_strided_slice %get3A_3 {offsets = [158, 158], sizes = [1, 354], strides = [1, 1]} : vector<512x512xf32> to vector<1x354xf32>
    %squeeze3A_1298 = vector.shape_cast %slice3A_1297 : vector<1x354xf32> to vector<354xf32>
    %swap3A_1299 = arith.constant 0 : index
    %swap3A_1300 = arith.constant 4 : index
    %swap3A_1301 = arith.constant 2829 : index
    %swap3A_1302 = vector.load %arg3[%swap3A_1299, %swap3A_1300, %swap3A_1301] : memref<1x8x16416xf32, #tpu.memory_space<vmem>>, vector<1x1x354xf32>
    %swap3A_1303 = vector.shape_cast %swap3A_1302 : vector<1x1x354xf32> to vector<354xf32>
    %swap3A_1304 = vector.shape_cast %squeeze3A_1298 : vector<354xf32> to vector<1x1x354xf32>
    tpu.vector_store %arg3[%swap3A_1299, %swap3A_1300, %swap3A_1301], %swap3A_1304 {strides = array<i32>} : memref<1x8x16416xf32, #tpu.memory_space<vmem>>, vector<1x1x354xf32>,
    %slice3A_1305 = vector.extract_strided_slice %get3A_3 {offsets = [159, 159], sizes = [1, 353], strides = [1, 1]} : vector<512x512xf32> to vector<1x353xf32>
    %squeeze3A_1306 = vector.shape_cast %slice3A_1305 : vector<1x353xf32> to vector<353xf32>
    %swap3A_1307 = arith.constant 0 : index
    %swap3A_1308 = arith.constant 4 : index
    %swap3A_1309 = arith.constant 3183 : index
    %swap3A_1310 = vector.load %arg3[%swap3A_1307, %swap3A_1308, %swap3A_1309] : memref<1x8x16416xf32, #tpu.memory_space<vmem>>, vector<1x1x353xf32>
    %swap3A_1311 = vector.shape_cast %swap3A_1310 : vector<1x1x353xf32> to vector<353xf32>
    %swap3A_1312 = vector.shape_cast %squeeze3A_1306 : vector<353xf32> to vector<1x1x353xf32>
    tpu.vector_store %arg3[%swap3A_1307, %swap3A_1308, %swap3A_1309], %swap3A_1312 {strides = array<i32>} : memref<1x8x16416xf32, #tpu.memory_space<vmem>>, vector<1x1x353xf32>,
    %slice3A_1313 = vector.extract_strided_slice %get3A_3 {offsets = [160, 160], sizes = [1, 352], strides = [1, 1]} : vector<512x512xf32> to vector<1x352xf32>
    %squeeze3A_1314 = vector.shape_cast %slice3A_1313 : vector<1x352xf32> to vector<352xf32>
    %swap3A_1315 = arith.constant 0 : index
    %swap3A_1316 = arith.constant 4 : index
    %swap3A_1317 = arith.constant 3536 : index
    %swap3A_1318 = vector.load %arg3[%swap3A_1315, %swap3A_1316, %swap3A_1317] : memref<1x8x16416xf32, #tpu.memory_space<vmem>>, vector<1x1x352xf32>
    %swap3A_1319 = vector.shape_cast %swap3A_1318 : vector<1x1x352xf32> to vector<352xf32>
    %swap3A_1320 = vector.shape_cast %squeeze3A_1314 : vector<352xf32> to vector<1x1x352xf32>
    tpu.vector_store %arg3[%swap3A_1315, %swap3A_1316, %swap3A_1317], %swap3A_1320 {strides = array<i32>} : memref<1x8x16416xf32, #tpu.memory_space<vmem>>, vector<1x1x352xf32>,
    %slice3A_1321 = vector.extract_strided_slice %get3A_3 {offsets = [161, 161], sizes = [1, 351], strides = [1, 1]} : vector<512x512xf32> to vector<1x351xf32>
    %squeeze3A_1322 = vector.shape_cast %slice3A_1321 : vector<1x351xf32> to vector<351xf32>
    %swap3A_1323 = arith.constant 0 : index
    %swap3A_1324 = arith.constant 4 : index
    %swap3A_1325 = arith.constant 3888 : index
    %swap3A_1326 = vector.load %arg3[%swap3A_1323, %swap3A_1324, %swap3A_1325] : memref<1x8x16416xf32, #tpu.memory_space<vmem>>, vector<1x1x351xf32>
    %swap3A_1327 = vector.shape_cast %swap3A_1326 : vector<1x1x351xf32> to vector<351xf32>
    %swap3A_1328 = vector.shape_cast %squeeze3A_1322 : vector<351xf32> to vector<1x1x351xf32>
    tpu.vector_store %arg3[%swap3A_1323, %swap3A_1324, %swap3A_1325], %swap3A_1328 {strides = array<i32>} : memref<1x8x16416xf32, #tpu.memory_space<vmem>>, vector<1x1x351xf32>,
    %slice3A_1329 = vector.extract_strided_slice %get3A_3 {offsets = [162, 162], sizes = [1, 350], strides = [1, 1]} : vector<512x512xf32> to vector<1x350xf32>
    %squeeze3A_1330 = vector.shape_cast %slice3A_1329 : vector<1x350xf32> to vector<350xf32>
    %swap3A_1331 = arith.constant 0 : index
    %swap3A_1332 = arith.constant 4 : index
    %swap3A_1333 = arith.constant 4239 : index
    %swap3A_1334 = vector.load %arg3[%swap3A_1331, %swap3A_1332, %swap3A_1333] : memref<1x8x16416xf32, #tpu.memory_space<vmem>>, vector<1x1x350xf32>
    %swap3A_1335 = vector.shape_cast %swap3A_1334 : vector<1x1x350xf32> to vector<350xf32>
    %swap3A_1336 = vector.shape_cast %squeeze3A_1330 : vector<350xf32> to vector<1x1x350xf32>
    tpu.vector_store %arg3[%swap3A_1331, %swap3A_1332, %swap3A_1333], %swap3A_1336 {strides = array<i32>} : memref<1x8x16416xf32, #tpu.memory_space<vmem>>, vector<1x1x350xf32>,
    %slice3A_1337 = vector.extract_strided_slice %get3A_3 {offsets = [163, 163], sizes = [1, 349], strides = [1, 1]} : vector<512x512xf32> to vector<1x349xf32>
    %squeeze3A_1338 = vector.shape_cast %slice3A_1337 : vector<1x349xf32> to vector<349xf32>
    %swap3A_1339 = arith.constant 0 : index
    %swap3A_1340 = arith.constant 4 : index
    %swap3A_1341 = arith.constant 4589 : index
    %swap3A_1342 = vector.load %arg3[%swap3A_1339, %swap3A_1340, %swap3A_1341] : memref<1x8x16416xf32, #tpu.memory_space<vmem>>, vector<1x1x349xf32>
    %swap3A_1343 = vector.shape_cast %swap3A_1342 : vector<1x1x349xf32> to vector<349xf32>
    %swap3A_1344 = vector.shape_cast %squeeze3A_1338 : vector<349xf32> to vector<1x1x349xf32>
    tpu.vector_store %arg3[%swap3A_1339, %swap3A_1340, %swap3A_1341], %swap3A_1344 {strides = array<i32>} : memref<1x8x16416xf32, #tpu.memory_space<vmem>>, vector<1x1x349xf32>,
    %slice3A_1345 = vector.extract_strided_slice %get3A_3 {offsets = [164, 164], sizes = [1, 348], strides = [1, 1]} : vector<512x512xf32> to vector<1x348xf32>
    %squeeze3A_1346 = vector.shape_cast %slice3A_1345 : vector<1x348xf32> to vector<348xf32>
    %swap3A_1347 = arith.constant 0 : index
    %swap3A_1348 = arith.constant 4 : index
    %swap3A_1349 = arith.constant 4938 : index
    %swap3A_1350 = vector.load %arg3[%swap3A_1347, %swap3A_1348, %swap3A_1349] : memref<1x8x16416xf32, #tpu.memory_space<vmem>>, vector<1x1x348xf32>
    %swap3A_1351 = vector.shape_cast %swap3A_1350 : vector<1x1x348xf32> to vector<348xf32>
    %swap3A_1352 = vector.shape_cast %squeeze3A_1346 : vector<348xf32> to vector<1x1x348xf32>
    tpu.vector_store %arg3[%swap3A_1347, %swap3A_1348, %swap3A_1349], %swap3A_1352 {strides = array<i32>} : memref<1x8x16416xf32, #tpu.memory_space<vmem>>, vector<1x1x348xf32>,
    %slice3A_1353 = vector.extract_strided_slice %get3A_3 {offsets = [165, 165], sizes = [1, 347], strides = [1, 1]} : vector<512x512xf32> to vector<1x347xf32>
    %squeeze3A_1354 = vector.shape_cast %slice3A_1353 : vector<1x347xf32> to vector<347xf32>
    %swap3A_1355 = arith.constant 0 : index
    %swap3A_1356 = arith.constant 4 : index
    %swap3A_1357 = arith.constant 5286 : index
    %swap3A_1358 = vector.load %arg3[%swap3A_1355, %swap3A_1356, %swap3A_1357] : memref<1x8x16416xf32, #tpu.memory_space<vmem>>, vector<1x1x347xf32>
    %swap3A_1359 = vector.shape_cast %swap3A_1358 : vector<1x1x347xf32> to vector<347xf32>
    %swap3A_1360 = vector.shape_cast %squeeze3A_1354 : vector<347xf32> to vector<1x1x347xf32>
    tpu.vector_store %arg3[%swap3A_1355, %swap3A_1356, %swap3A_1357], %swap3A_1360 {strides = array<i32>} : memref<1x8x16416xf32, #tpu.memory_space<vmem>>, vector<1x1x347xf32>,
    %slice3A_1361 = vector.extract_strided_slice %get3A_3 {offsets = [166, 166], sizes = [1, 346], strides = [1, 1]} : vector<512x512xf32> to vector<1x346xf32>
    %squeeze3A_1362 = vector.shape_cast %slice3A_1361 : vector<1x346xf32> to vector<346xf32>
    %swap3A_1363 = arith.constant 0 : index
    %swap3A_1364 = arith.constant 4 : index
    %swap3A_1365 = arith.constant 5633 : index
    %swap3A_1366 = vector.load %arg3[%swap3A_1363, %swap3A_1364, %swap3A_1365] : memref<1x8x16416xf32, #tpu.memory_space<vmem>>, vector<1x1x346xf32>
    %swap3A_1367 = vector.shape_cast %swap3A_1366 : vector<1x1x346xf32> to vector<346xf32>
    %swap3A_1368 = vector.shape_cast %squeeze3A_1362 : vector<346xf32> to vector<1x1x346xf32>
    tpu.vector_store %arg3[%swap3A_1363, %swap3A_1364, %swap3A_1365], %swap3A_1368 {strides = array<i32>} : memref<1x8x16416xf32, #tpu.memory_space<vmem>>, vector<1x1x346xf32>,
    %slice3A_1369 = vector.extract_strided_slice %get3A_3 {offsets = [167, 167], sizes = [1, 345], strides = [1, 1]} : vector<512x512xf32> to vector<1x345xf32>
    %squeeze3A_1370 = vector.shape_cast %slice3A_1369 : vector<1x345xf32> to vector<345xf32>
    %swap3A_1371 = arith.constant 0 : index
    %swap3A_1372 = arith.constant 4 : index
    %swap3A_1373 = arith.constant 5979 : index
    %swap3A_1374 = vector.load %arg3[%swap3A_1371, %swap3A_1372, %swap3A_1373] : memref<1x8x16416xf32, #tpu.memory_space<vmem>>, vector<1x1x345xf32>
    %swap3A_1375 = vector.shape_cast %swap3A_1374 : vector<1x1x345xf32> to vector<345xf32>
    %swap3A_1376 = vector.shape_cast %squeeze3A_1370 : vector<345xf32> to vector<1x1x345xf32>
    tpu.vector_store %arg3[%swap3A_1371, %swap3A_1372, %swap3A_1373], %swap3A_1376 {strides = array<i32>} : memref<1x8x16416xf32, #tpu.memory_space<vmem>>, vector<1x1x345xf32>,
    %slice3A_1377 = vector.extract_strided_slice %get3A_3 {offsets = [168, 168], sizes = [1, 344], strides = [1, 1]} : vector<512x512xf32> to vector<1x344xf32>
    %squeeze3A_1378 = vector.shape_cast %slice3A_1377 : vector<1x344xf32> to vector<344xf32>
    %swap3A_1379 = arith.constant 0 : index
    %swap3A_1380 = arith.constant 4 : index
    %swap3A_1381 = arith.constant 6324 : index
    %swap3A_1382 = vector.load %arg3[%swap3A_1379, %swap3A_1380, %swap3A_1381] : memref<1x8x16416xf32, #tpu.memory_space<vmem>>, vector<1x1x344xf32>
    %swap3A_1383 = vector.shape_cast %swap3A_1382 : vector<1x1x344xf32> to vector<344xf32>
    %swap3A_1384 = vector.shape_cast %squeeze3A_1378 : vector<344xf32> to vector<1x1x344xf32>
    tpu.vector_store %arg3[%swap3A_1379, %swap3A_1380, %swap3A_1381], %swap3A_1384 {strides = array<i32>} : memref<1x8x16416xf32, #tpu.memory_space<vmem>>, vector<1x1x344xf32>,
    %slice3A_1385 = vector.extract_strided_slice %get3A_3 {offsets = [169, 169], sizes = [1, 343], strides = [1, 1]} : vector<512x512xf32> to vector<1x343xf32>
    %squeeze3A_1386 = vector.shape_cast %slice3A_1385 : vector<1x343xf32> to vector<343xf32>
    %swap3A_1387 = arith.constant 0 : index
    %swap3A_1388 = arith.constant 4 : index
    %swap3A_1389 = arith.constant 6668 : index
    %swap3A_1390 = vector.load %arg3[%swap3A_1387, %swap3A_1388, %swap3A_1389] : memref<1x8x16416xf32, #tpu.memory_space<vmem>>, vector<1x1x343xf32>
    %swap3A_1391 = vector.shape_cast %swap3A_1390 : vector<1x1x343xf32> to vector<343xf32>
    %swap3A_1392 = vector.shape_cast %squeeze3A_1386 : vector<343xf32> to vector<1x1x343xf32>
    tpu.vector_store %arg3[%swap3A_1387, %swap3A_1388, %swap3A_1389], %swap3A_1392 {strides = array<i32>} : memref<1x8x16416xf32, #tpu.memory_space<vmem>>, vector<1x1x343xf32>,
    %slice3A_1393 = vector.extract_strided_slice %get3A_3 {offsets = [170, 170], sizes = [1, 342], strides = [1, 1]} : vector<512x512xf32> to vector<1x342xf32>
    %squeeze3A_1394 = vector.shape_cast %slice3A_1393 : vector<1x342xf32> to vector<342xf32>
    %swap3A_1395 = arith.constant 0 : index
    %swap3A_1396 = arith.constant 4 : index
    %swap3A_1397 = arith.constant 7011 : index
    %swap3A_1398 = vector.load %arg3[%swap3A_1395, %swap3A_1396, %swap3A_1397] : memref<1x8x16416xf32, #tpu.memory_space<vmem>>, vector<1x1x342xf32>
    %swap3A_1399 = vector.shape_cast %swap3A_1398 : vector<1x1x342xf32> to vector<342xf32>
    %swap3A_1400 = vector.shape_cast %squeeze3A_1394 : vector<342xf32> to vector<1x1x342xf32>
    tpu.vector_store %arg3[%swap3A_1395, %swap3A_1396, %swap3A_1397], %swap3A_1400 {strides = array<i32>} : memref<1x8x16416xf32, #tpu.memory_space<vmem>>, vector<1x1x342xf32>,
    %slice3A_1401 = vector.extract_strided_slice %get3A_3 {offsets = [171, 171], sizes = [1, 341], strides = [1, 1]} : vector<512x512xf32> to vector<1x341xf32>
    %squeeze3A_1402 = vector.shape_cast %slice3A_1401 : vector<1x341xf32> to vector<341xf32>
    %swap3A_1403 = arith.constant 0 : index
    %swap3A_1404 = arith.constant 4 : index
    %swap3A_1405 = arith.constant 7353 : index
    %swap3A_1406 = vector.load %arg3[%swap3A_1403, %swap3A_1404, %swap3A_1405] : memref<1x8x16416xf32, #tpu.memory_space<vmem>>, vector<1x1x341xf32>
    %swap3A_1407 = vector.shape_cast %swap3A_1406 : vector<1x1x341xf32> to vector<341xf32>
    %swap3A_1408 = vector.shape_cast %squeeze3A_1402 : vector<341xf32> to vector<1x1x341xf32>
    tpu.vector_store %arg3[%swap3A_1403, %swap3A_1404, %swap3A_1405], %swap3A_1408 {strides = array<i32>} : memref<1x8x16416xf32, #tpu.memory_space<vmem>>, vector<1x1x341xf32>,
    %slice3A_1409 = vector.extract_strided_slice %get3A_3 {offsets = [172, 172], sizes = [1, 340], strides = [1, 1]} : vector<512x512xf32> to vector<1x340xf32>
    %squeeze3A_1410 = vector.shape_cast %slice3A_1409 : vector<1x340xf32> to vector<340xf32>
    %swap3A_1411 = arith.constant 0 : index
    %swap3A_1412 = arith.constant 4 : index
    %swap3A_1413 = arith.constant 7694 : index
    %swap3A_1414 = vector.load %arg3[%swap3A_1411, %swap3A_1412, %swap3A_1413] : memref<1x8x16416xf32, #tpu.memory_space<vmem>>, vector<1x1x340xf32>
    %swap3A_1415 = vector.shape_cast %swap3A_1414 : vector<1x1x340xf32> to vector<340xf32>
    %swap3A_1416 = vector.shape_cast %squeeze3A_1410 : vector<340xf32> to vector<1x1x340xf32>
    tpu.vector_store %arg3[%swap3A_1411, %swap3A_1412, %swap3A_1413], %swap3A_1416 {strides = array<i32>} : memref<1x8x16416xf32, #tpu.memory_space<vmem>>, vector<1x1x340xf32>,
    %slice3A_1417 = vector.extract_strided_slice %get3A_3 {offsets = [173, 173], sizes = [1, 339], strides = [1, 1]} : vector<512x512xf32> to vector<1x339xf32>
    %squeeze3A_1418 = vector.shape_cast %slice3A_1417 : vector<1x339xf32> to vector<339xf32>
    %swap3A_1419 = arith.constant 0 : index
    %swap3A_1420 = arith.constant 4 : index
    %swap3A_1421 = arith.constant 8034 : index
    %swap3A_1422 = vector.load %arg3[%swap3A_1419, %swap3A_1420, %swap3A_1421] : memref<1x8x16416xf32, #tpu.memory_space<vmem>>, vector<1x1x339xf32>
    %swap3A_1423 = vector.shape_cast %swap3A_1422 : vector<1x1x339xf32> to vector<339xf32>
    %swap3A_1424 = vector.shape_cast %squeeze3A_1418 : vector<339xf32> to vector<1x1x339xf32>
    tpu.vector_store %arg3[%swap3A_1419, %swap3A_1420, %swap3A_1421], %swap3A_1424 {strides = array<i32>} : memref<1x8x16416xf32, #tpu.memory_space<vmem>>, vector<1x1x339xf32>,
    %slice3A_1425 = vector.extract_strided_slice %get3A_3 {offsets = [174, 174], sizes = [1, 338], strides = [1, 1]} : vector<512x512xf32> to vector<1x338xf32>
    %squeeze3A_1426 = vector.shape_cast %slice3A_1425 : vector<1x338xf32> to vector<338xf32>
    %swap3A_1427 = arith.constant 0 : index
    %swap3A_1428 = arith.constant 4 : index
    %swap3A_1429 = arith.constant 8373 : index
    %swap3A_1430 = vector.load %arg3[%swap3A_1427, %swap3A_1428, %swap3A_1429] : memref<1x8x16416xf32, #tpu.memory_space<vmem>>, vector<1x1x338xf32>
    %swap3A_1431 = vector.shape_cast %swap3A_1430 : vector<1x1x338xf32> to vector<338xf32>
    %swap3A_1432 = vector.shape_cast %squeeze3A_1426 : vector<338xf32> to vector<1x1x338xf32>
    tpu.vector_store %arg3[%swap3A_1427, %swap3A_1428, %swap3A_1429], %swap3A_1432 {strides = array<i32>} : memref<1x8x16416xf32, #tpu.memory_space<vmem>>, vector<1x1x338xf32>,
    %slice3A_1433 = vector.extract_strided_slice %get3A_3 {offsets = [175, 175], sizes = [1, 337], strides = [1, 1]} : vector<512x512xf32> to vector<1x337xf32>
    %squeeze3A_1434 = vector.shape_cast %slice3A_1433 : vector<1x337xf32> to vector<337xf32>
    %swap3A_1435 = arith.constant 0 : index
    %swap3A_1436 = arith.constant 4 : index
    %swap3A_1437 = arith.constant 8711 : index
    %swap3A_1438 = vector.load %arg3[%swap3A_1435, %swap3A_1436, %swap3A_1437] : memref<1x8x16416xf32, #tpu.memory_space<vmem>>, vector<1x1x337xf32>
    %swap3A_1439 = vector.shape_cast %swap3A_1438 : vector<1x1x337xf32> to vector<337xf32>
    %swap3A_1440 = vector.shape_cast %squeeze3A_1434 : vector<337xf32> to vector<1x1x337xf32>
    tpu.vector_store %arg3[%swap3A_1435, %swap3A_1436, %swap3A_1437], %swap3A_1440 {strides = array<i32>} : memref<1x8x16416xf32, #tpu.memory_space<vmem>>, vector<1x1x337xf32>,
    %slice3A_1441 = vector.extract_strided_slice %get3A_3 {offsets = [176, 176], sizes = [1, 336], strides = [1, 1]} : vector<512x512xf32> to vector<1x336xf32>
    %squeeze3A_1442 = vector.shape_cast %slice3A_1441 : vector<1x336xf32> to vector<336xf32>
    %swap3A_1443 = arith.constant 0 : index
    %swap3A_1444 = arith.constant 4 : index
    %swap3A_1445 = arith.constant 9048 : index
    %swap3A_1446 = vector.load %arg3[%swap3A_1443, %swap3A_1444, %swap3A_1445] : memref<1x8x16416xf32, #tpu.memory_space<vmem>>, vector<1x1x336xf32>
    %swap3A_1447 = vector.shape_cast %swap3A_1446 : vector<1x1x336xf32> to vector<336xf32>
    %swap3A_1448 = vector.shape_cast %squeeze3A_1442 : vector<336xf32> to vector<1x1x336xf32>
    tpu.vector_store %arg3[%swap3A_1443, %swap3A_1444, %swap3A_1445], %swap3A_1448 {strides = array<i32>} : memref<1x8x16416xf32, #tpu.memory_space<vmem>>, vector<1x1x336xf32>,
    %slice3A_1449 = vector.extract_strided_slice %get3A_3 {offsets = [177, 177], sizes = [1, 335], strides = [1, 1]} : vector<512x512xf32> to vector<1x335xf32>
    %squeeze3A_1450 = vector.shape_cast %slice3A_1449 : vector<1x335xf32> to vector<335xf32>
    %swap3A_1451 = arith.constant 0 : index
    %swap3A_1452 = arith.constant 4 : index
    %swap3A_1453 = arith.constant 9384 : index
    %swap3A_1454 = vector.load %arg3[%swap3A_1451, %swap3A_1452, %swap3A_1453] : memref<1x8x16416xf32, #tpu.memory_space<vmem>>, vector<1x1x335xf32>
    %swap3A_1455 = vector.shape_cast %swap3A_1454 : vector<1x1x335xf32> to vector<335xf32>
    %swap3A_1456 = vector.shape_cast %squeeze3A_1450 : vector<335xf32> to vector<1x1x335xf32>
    tpu.vector_store %arg3[%swap3A_1451, %swap3A_1452, %swap3A_1453], %swap3A_1456 {strides = array<i32>} : memref<1x8x16416xf32, #tpu.memory_space<vmem>>, vector<1x1x335xf32>,
    %slice3A_1457 = vector.extract_strided_slice %get3A_3 {offsets = [178, 178], sizes = [1, 334], strides = [1, 1]} : vector<512x512xf32> to vector<1x334xf32>
    %squeeze3A_1458 = vector.shape_cast %slice3A_1457 : vector<1x334xf32> to vector<334xf32>
    %swap3A_1459 = arith.constant 0 : index
    %swap3A_1460 = arith.constant 4 : index
    %swap3A_1461 = arith.constant 9719 : index
    %swap3A_1462 = vector.load %arg3[%swap3A_1459, %swap3A_1460, %swap3A_1461] : memref<1x8x16416xf32, #tpu.memory_space<vmem>>, vector<1x1x334xf32>
    %swap3A_1463 = vector.shape_cast %swap3A_1462 : vector<1x1x334xf32> to vector<334xf32>
    %swap3A_1464 = vector.shape_cast %squeeze3A_1458 : vector<334xf32> to vector<1x1x334xf32>
    tpu.vector_store %arg3[%swap3A_1459, %swap3A_1460, %swap3A_1461], %swap3A_1464 {strides = array<i32>} : memref<1x8x16416xf32, #tpu.memory_space<vmem>>, vector<1x1x334xf32>,
    %slice3A_1465 = vector.extract_strided_slice %get3A_3 {offsets = [179, 179], sizes = [1, 333], strides = [1, 1]} : vector<512x512xf32> to vector<1x333xf32>
    %squeeze3A_1466 = vector.shape_cast %slice3A_1465 : vector<1x333xf32> to vector<333xf32>
    %swap3A_1467 = arith.constant 0 : index
    %swap3A_1468 = arith.constant 4 : index
    %swap3A_1469 = arith.constant 10053 : index
    %swap3A_1470 = vector.load %arg3[%swap3A_1467, %swap3A_1468, %swap3A_1469] : memref<1x8x16416xf32, #tpu.memory_space<vmem>>, vector<1x1x333xf32>
    %swap3A_1471 = vector.shape_cast %swap3A_1470 : vector<1x1x333xf32> to vector<333xf32>
    %swap3A_1472 = vector.shape_cast %squeeze3A_1466 : vector<333xf32> to vector<1x1x333xf32>
    tpu.vector_store %arg3[%swap3A_1467, %swap3A_1468, %swap3A_1469], %swap3A_1472 {strides = array<i32>} : memref<1x8x16416xf32, #tpu.memory_space<vmem>>, vector<1x1x333xf32>,
    %slice3A_1473 = vector.extract_strided_slice %get3A_3 {offsets = [180, 180], sizes = [1, 332], strides = [1, 1]} : vector<512x512xf32> to vector<1x332xf32>
    %squeeze3A_1474 = vector.shape_cast %slice3A_1473 : vector<1x332xf32> to vector<332xf32>
    %swap3A_1475 = arith.constant 0 : index
    %swap3A_1476 = arith.constant 4 : index
    %swap3A_1477 = arith.constant 10386 : index
    %swap3A_1478 = vector.load %arg3[%swap3A_1475, %swap3A_1476, %swap3A_1477] : memref<1x8x16416xf32, #tpu.memory_space<vmem>>, vector<1x1x332xf32>
    %swap3A_1479 = vector.shape_cast %swap3A_1478 : vector<1x1x332xf32> to vector<332xf32>
    %swap3A_1480 = vector.shape_cast %squeeze3A_1474 : vector<332xf32> to vector<1x1x332xf32>
    tpu.vector_store %arg3[%swap3A_1475, %swap3A_1476, %swap3A_1477], %swap3A_1480 {strides = array<i32>} : memref<1x8x16416xf32, #tpu.memory_space<vmem>>, vector<1x1x332xf32>,
    %slice3A_1481 = vector.extract_strided_slice %get3A_3 {offsets = [181, 181], sizes = [1, 331], strides = [1, 1]} : vector<512x512xf32> to vector<1x331xf32>
    %squeeze3A_1482 = vector.shape_cast %slice3A_1481 : vector<1x331xf32> to vector<331xf32>
    %swap3A_1483 = arith.constant 0 : index
    %swap3A_1484 = arith.constant 4 : index
    %swap3A_1485 = arith.constant 10718 : index
    %swap3A_1486 = vector.load %arg3[%swap3A_1483, %swap3A_1484, %swap3A_1485] : memref<1x8x16416xf32, #tpu.memory_space<vmem>>, vector<1x1x331xf32>
    %swap3A_1487 = vector.shape_cast %swap3A_1486 : vector<1x1x331xf32> to vector<331xf32>
    %swap3A_1488 = vector.shape_cast %squeeze3A_1482 : vector<331xf32> to vector<1x1x331xf32>
    tpu.vector_store %arg3[%swap3A_1483, %swap3A_1484, %swap3A_1485], %swap3A_1488 {strides = array<i32>} : memref<1x8x16416xf32, #tpu.memory_space<vmem>>, vector<1x1x331xf32>,
    %slice3A_1489 = vector.extract_strided_slice %get3A_3 {offsets = [182, 182], sizes = [1, 330], strides = [1, 1]} : vector<512x512xf32> to vector<1x330xf32>
    %squeeze3A_1490 = vector.shape_cast %slice3A_1489 : vector<1x330xf32> to vector<330xf32>
    %swap3A_1491 = arith.constant 0 : index
    %swap3A_1492 = arith.constant 4 : index
    %swap3A_1493 = arith.constant 11049 : index
    %swap3A_1494 = vector.load %arg3[%swap3A_1491, %swap3A_1492, %swap3A_1493] : memref<1x8x16416xf32, #tpu.memory_space<vmem>>, vector<1x1x330xf32>
    %swap3A_1495 = vector.shape_cast %swap3A_1494 : vector<1x1x330xf32> to vector<330xf32>
    %swap3A_1496 = vector.shape_cast %squeeze3A_1490 : vector<330xf32> to vector<1x1x330xf32>
    tpu.vector_store %arg3[%swap3A_1491, %swap3A_1492, %swap3A_1493], %swap3A_1496 {strides = array<i32>} : memref<1x8x16416xf32, #tpu.memory_space<vmem>>, vector<1x1x330xf32>,
    %slice3A_1497 = vector.extract_strided_slice %get3A_3 {offsets = [183, 183], sizes = [1, 329], strides = [1, 1]} : vector<512x512xf32> to vector<1x329xf32>
    %squeeze3A_1498 = vector.shape_cast %slice3A_1497 : vector<1x329xf32> to vector<329xf32>
    %swap3A_1499 = arith.constant 0 : index
    %swap3A_1500 = arith.constant 4 : index
    %swap3A_1501 = arith.constant 11379 : index
    %swap3A_1502 = vector.load %arg3[%swap3A_1499, %swap3A_1500, %swap3A_1501] : memref<1x8x16416xf32, #tpu.memory_space<vmem>>, vector<1x1x329xf32>
    %swap3A_1503 = vector.shape_cast %swap3A_1502 : vector<1x1x329xf32> to vector<329xf32>
    %swap3A_1504 = vector.shape_cast %squeeze3A_1498 : vector<329xf32> to vector<1x1x329xf32>
    tpu.vector_store %arg3[%swap3A_1499, %swap3A_1500, %swap3A_1501], %swap3A_1504 {strides = array<i32>} : memref<1x8x16416xf32, #tpu.memory_space<vmem>>, vector<1x1x329xf32>,
    %slice3A_1505 = vector.extract_strided_slice %get3A_3 {offsets = [184, 184], sizes = [1, 328], strides = [1, 1]} : vector<512x512xf32> to vector<1x328xf32>
    %squeeze3A_1506 = vector.shape_cast %slice3A_1505 : vector<1x328xf32> to vector<328xf32>
    %swap3A_1507 = arith.constant 0 : index
    %swap3A_1508 = arith.constant 4 : index
    %swap3A_1509 = arith.constant 11708 : index
    %swap3A_1510 = vector.load %arg3[%swap3A_1507, %swap3A_1508, %swap3A_1509] : memref<1x8x16416xf32, #tpu.memory_space<vmem>>, vector<1x1x328xf32>
    %swap3A_1511 = vector.shape_cast %swap3A_1510 : vector<1x1x328xf32> to vector<328xf32>
    %swap3A_1512 = vector.shape_cast %squeeze3A_1506 : vector<328xf32> to vector<1x1x328xf32>
    tpu.vector_store %arg3[%swap3A_1507, %swap3A_1508, %swap3A_1509], %swap3A_1512 {strides = array<i32>} : memref<1x8x16416xf32, #tpu.memory_space<vmem>>, vector<1x1x328xf32>,
    %slice3A_1513 = vector.extract_strided_slice %get3A_3 {offsets = [185, 185], sizes = [1, 327], strides = [1, 1]} : vector<512x512xf32> to vector<1x327xf32>
    %squeeze3A_1514 = vector.shape_cast %slice3A_1513 : vector<1x327xf32> to vector<327xf32>
    %swap3A_1515 = arith.constant 0 : index
    %swap3A_1516 = arith.constant 4 : index
    %swap3A_1517 = arith.constant 12036 : index
    %swap3A_1518 = vector.load %arg3[%swap3A_1515, %swap3A_1516, %swap3A_1517] : memref<1x8x16416xf32, #tpu.memory_space<vmem>>, vector<1x1x327xf32>
    %swap3A_1519 = vector.shape_cast %swap3A_1518 : vector<1x1x327xf32> to vector<327xf32>
    %swap3A_1520 = vector.shape_cast %squeeze3A_1514 : vector<327xf32> to vector<1x1x327xf32>
    tpu.vector_store %arg3[%swap3A_1515, %swap3A_1516, %swap3A_1517], %swap3A_1520 {strides = array<i32>} : memref<1x8x16416xf32, #tpu.memory_space<vmem>>, vector<1x1x327xf32>,
    %slice3A_1521 = vector.extract_strided_slice %get3A_3 {offsets = [186, 186], sizes = [1, 326], strides = [1, 1]} : vector<512x512xf32> to vector<1x326xf32>
    %squeeze3A_1522 = vector.shape_cast %slice3A_1521 : vector<1x326xf32> to vector<326xf32>
    %swap3A_1523 = arith.constant 0 : index
    %swap3A_1524 = arith.constant 4 : index
    %swap3A_1525 = arith.constant 12363 : index
    %swap3A_1526 = vector.load %arg3[%swap3A_1523, %swap3A_1524, %swap3A_1525] : memref<1x8x16416xf32, #tpu.memory_space<vmem>>, vector<1x1x326xf32>
    %swap3A_1527 = vector.shape_cast %swap3A_1526 : vector<1x1x326xf32> to vector<326xf32>
    %swap3A_1528 = vector.shape_cast %squeeze3A_1522 : vector<326xf32> to vector<1x1x326xf32>
    tpu.vector_store %arg3[%swap3A_1523, %swap3A_1524, %swap3A_1525], %swap3A_1528 {strides = array<i32>} : memref<1x8x16416xf32, #tpu.memory_space<vmem>>, vector<1x1x326xf32>,
    %slice3A_1529 = vector.extract_strided_slice %get3A_3 {offsets = [187, 187], sizes = [1, 325], strides = [1, 1]} : vector<512x512xf32> to vector<1x325xf32>
    %squeeze3A_1530 = vector.shape_cast %slice3A_1529 : vector<1x325xf32> to vector<325xf32>
    %swap3A_1531 = arith.constant 0 : index
    %swap3A_1532 = arith.constant 4 : index
    %swap3A_1533 = arith.constant 12689 : index
    %swap3A_1534 = vector.load %arg3[%swap3A_1531, %swap3A_1532, %swap3A_1533] : memref<1x8x16416xf32, #tpu.memory_space<vmem>>, vector<1x1x325xf32>
    %swap3A_1535 = vector.shape_cast %swap3A_1534 : vector<1x1x325xf32> to vector<325xf32>
    %swap3A_1536 = vector.shape_cast %squeeze3A_1530 : vector<325xf32> to vector<1x1x325xf32>
    tpu.vector_store %arg3[%swap3A_1531, %swap3A_1532, %swap3A_1533], %swap3A_1536 {strides = array<i32>} : memref<1x8x16416xf32, #tpu.memory_space<vmem>>, vector<1x1x325xf32>,
    %slice3A_1537 = vector.extract_strided_slice %get3A_3 {offsets = [188, 188], sizes = [1, 324], strides = [1, 1]} : vector<512x512xf32> to vector<1x324xf32>
    %squeeze3A_1538 = vector.shape_cast %slice3A_1537 : vector<1x324xf32> to vector<324xf32>
    %swap3A_1539 = arith.constant 0 : index
    %swap3A_1540 = arith.constant 4 : index
    %swap3A_1541 = arith.constant 13014 : index
    %swap3A_1542 = vector.load %arg3[%swap3A_1539, %swap3A_1540, %swap3A_1541] : memref<1x8x16416xf32, #tpu.memory_space<vmem>>, vector<1x1x324xf32>
    %swap3A_1543 = vector.shape_cast %swap3A_1542 : vector<1x1x324xf32> to vector<324xf32>
    %swap3A_1544 = vector.shape_cast %squeeze3A_1538 : vector<324xf32> to vector<1x1x324xf32>
    tpu.vector_store %arg3[%swap3A_1539, %swap3A_1540, %swap3A_1541], %swap3A_1544 {strides = array<i32>} : memref<1x8x16416xf32, #tpu.memory_space<vmem>>, vector<1x1x324xf32>,
    %slice3A_1545 = vector.extract_strided_slice %get3A_3 {offsets = [189, 189], sizes = [1, 323], strides = [1, 1]} : vector<512x512xf32> to vector<1x323xf32>
    %squeeze3A_1546 = vector.shape_cast %slice3A_1545 : vector<1x323xf32> to vector<323xf32>
    %swap3A_1547 = arith.constant 0 : index
    %swap3A_1548 = arith.constant 4 : index
    %swap3A_1549 = arith.constant 13338 : index
    %swap3A_1550 = vector.load %arg3[%swap3A_1547, %swap3A_1548, %swap3A_1549] : memref<1x8x16416xf32, #tpu.memory_space<vmem>>, vector<1x1x323xf32>
    %swap3A_1551 = vector.shape_cast %swap3A_1550 : vector<1x1x323xf32> to vector<323xf32>
    %swap3A_1552 = vector.shape_cast %squeeze3A_1546 : vector<323xf32> to vector<1x1x323xf32>
    tpu.vector_store %arg3[%swap3A_1547, %swap3A_1548, %swap3A_1549], %swap3A_1552 {strides = array<i32>} : memref<1x8x16416xf32, #tpu.memory_space<vmem>>, vector<1x1x323xf32>,
    %slice3A_1553 = vector.extract_strided_slice %get3A_3 {offsets = [190, 190], sizes = [1, 322], strides = [1, 1]} : vector<512x512xf32> to vector<1x322xf32>
    %squeeze3A_1554 = vector.shape_cast %slice3A_1553 : vector<1x322xf32> to vector<322xf32>
    %swap3A_1555 = arith.constant 0 : index
    %swap3A_1556 = arith.constant 4 : index
    %swap3A_1557 = arith.constant 13661 : index
    %swap3A_1558 = vector.load %arg3[%swap3A_1555, %swap3A_1556, %swap3A_1557] : memref<1x8x16416xf32, #tpu.memory_space<vmem>>, vector<1x1x322xf32>
    %swap3A_1559 = vector.shape_cast %swap3A_1558 : vector<1x1x322xf32> to vector<322xf32>
    %swap3A_1560 = vector.shape_cast %squeeze3A_1554 : vector<322xf32> to vector<1x1x322xf32>
    tpu.vector_store %arg3[%swap3A_1555, %swap3A_1556, %swap3A_1557], %swap3A_1560 {strides = array<i32>} : memref<1x8x16416xf32, #tpu.memory_space<vmem>>, vector<1x1x322xf32>,
    %slice3A_1561 = vector.extract_strided_slice %get3A_3 {offsets = [191, 191], sizes = [1, 321], strides = [1, 1]} : vector<512x512xf32> to vector<1x321xf32>
    %squeeze3A_1562 = vector.shape_cast %slice3A_1561 : vector<1x321xf32> to vector<321xf32>
    %swap3A_1563 = arith.constant 0 : index
    %swap3A_1564 = arith.constant 4 : index
    %swap3A_1565 = arith.constant 13983 : index
    %swap3A_1566 = vector.load %arg3[%swap3A_1563, %swap3A_1564, %swap3A_1565] : memref<1x8x16416xf32, #tpu.memory_space<vmem>>, vector<1x1x321xf32>
    %swap3A_1567 = vector.shape_cast %swap3A_1566 : vector<1x1x321xf32> to vector<321xf32>
    %swap3A_1568 = vector.shape_cast %squeeze3A_1562 : vector<321xf32> to vector<1x1x321xf32>
    tpu.vector_store %arg3[%swap3A_1563, %swap3A_1564, %swap3A_1565], %swap3A_1568 {strides = array<i32>} : memref<1x8x16416xf32, #tpu.memory_space<vmem>>, vector<1x1x321xf32>,
    %slice3A_1569 = vector.extract_strided_slice %get3A_3 {offsets = [192, 192], sizes = [1, 320], strides = [1, 1]} : vector<512x512xf32> to vector<1x320xf32>
    %squeeze3A_1570 = vector.shape_cast %slice3A_1569 : vector<1x320xf32> to vector<320xf32>
    %swap3A_1571 = arith.constant 0 : index
    %swap3A_1572 = arith.constant 4 : index
    %swap3A_1573 = arith.constant 14304 : index
    %swap3A_1574 = vector.load %arg3[%swap3A_1571, %swap3A_1572, %swap3A_1573] : memref<1x8x16416xf32, #tpu.memory_space<vmem>>, vector<1x1x320xf32>
    %swap3A_1575 = vector.shape_cast %swap3A_1574 : vector<1x1x320xf32> to vector<320xf32>
    %swap3A_1576 = vector.shape_cast %squeeze3A_1570 : vector<320xf32> to vector<1x1x320xf32>
    tpu.vector_store %arg3[%swap3A_1571, %swap3A_1572, %swap3A_1573], %swap3A_1576 {strides = array<i32>} : memref<1x8x16416xf32, #tpu.memory_space<vmem>>, vector<1x1x320xf32>,
    %slice3A_1577 = vector.extract_strided_slice %get3A_3 {offsets = [193, 193], sizes = [1, 319], strides = [1, 1]} : vector<512x512xf32> to vector<1x319xf32>
    %squeeze3A_1578 = vector.shape_cast %slice3A_1577 : vector<1x319xf32> to vector<319xf32>
    %swap3A_1579 = arith.constant 0 : index
    %swap3A_1580 = arith.constant 4 : index
    %swap3A_1581 = arith.constant 14624 : index
    %swap3A_1582 = vector.load %arg3[%swap3A_1579, %swap3A_1580, %swap3A_1581] : memref<1x8x16416xf32, #tpu.memory_space<vmem>>, vector<1x1x319xf32>
    %swap3A_1583 = vector.shape_cast %swap3A_1582 : vector<1x1x319xf32> to vector<319xf32>
    %swap3A_1584 = vector.shape_cast %squeeze3A_1578 : vector<319xf32> to vector<1x1x319xf32>
    tpu.vector_store %arg3[%swap3A_1579, %swap3A_1580, %swap3A_1581], %swap3A_1584 {strides = array<i32>} : memref<1x8x16416xf32, #tpu.memory_space<vmem>>, vector<1x1x319xf32>,
    %slice3A_1585 = vector.extract_strided_slice %get3A_3 {offsets = [194, 194], sizes = [1, 318], strides = [1, 1]} : vector<512x512xf32> to vector<1x318xf32>
    %squeeze3A_1586 = vector.shape_cast %slice3A_1585 : vector<1x318xf32> to vector<318xf32>
    %swap3A_1587 = arith.constant 0 : index
    %swap3A_1588 = arith.constant 4 : index
    %swap3A_1589 = arith.constant 14943 : index
    %swap3A_1590 = vector.load %arg3[%swap3A_1587, %swap3A_1588, %swap3A_1589] : memref<1x8x16416xf32, #tpu.memory_space<vmem>>, vector<1x1x318xf32>
    %swap3A_1591 = vector.shape_cast %swap3A_1590 : vector<1x1x318xf32> to vector<318xf32>
    %swap3A_1592 = vector.shape_cast %squeeze3A_1586 : vector<318xf32> to vector<1x1x318xf32>
    tpu.vector_store %arg3[%swap3A_1587, %swap3A_1588, %swap3A_1589], %swap3A_1592 {strides = array<i32>} : memref<1x8x16416xf32, #tpu.memory_space<vmem>>, vector<1x1x318xf32>,
    %slice3A_1593 = vector.extract_strided_slice %get3A_3 {offsets = [195, 195], sizes = [1, 317], strides = [1, 1]} : vector<512x512xf32> to vector<1x317xf32>
    %squeeze3A_1594 = vector.shape_cast %slice3A_1593 : vector<1x317xf32> to vector<317xf32>
    %swap3A_1595 = arith.constant 0 : index
    %swap3A_1596 = arith.constant 4 : index
    %swap3A_1597 = arith.constant 15261 : index
    %swap3A_1598 = vector.load %arg3[%swap3A_1595, %swap3A_1596, %swap3A_1597] : memref<1x8x16416xf32, #tpu.memory_space<vmem>>, vector<1x1x317xf32>
    %swap3A_1599 = vector.shape_cast %swap3A_1598 : vector<1x1x317xf32> to vector<317xf32>
    %swap3A_1600 = vector.shape_cast %squeeze3A_1594 : vector<317xf32> to vector<1x1x317xf32>
    tpu.vector_store %arg3[%swap3A_1595, %swap3A_1596, %swap3A_1597], %swap3A_1600 {strides = array<i32>} : memref<1x8x16416xf32, #tpu.memory_space<vmem>>, vector<1x1x317xf32>,
    %slice3A_1601 = vector.extract_strided_slice %get3A_3 {offsets = [196, 196], sizes = [1, 316], strides = [1, 1]} : vector<512x512xf32> to vector<1x316xf32>
    %squeeze3A_1602 = vector.shape_cast %slice3A_1601 : vector<1x316xf32> to vector<316xf32>
    %swap3A_1603 = arith.constant 0 : index
    %swap3A_1604 = arith.constant 4 : index
    %swap3A_1605 = arith.constant 15578 : index
    %swap3A_1606 = vector.load %arg3[%swap3A_1603, %swap3A_1604, %swap3A_1605] : memref<1x8x16416xf32, #tpu.memory_space<vmem>>, vector<1x1x316xf32>
    %swap3A_1607 = vector.shape_cast %swap3A_1606 : vector<1x1x316xf32> to vector<316xf32>
    %swap3A_1608 = vector.shape_cast %squeeze3A_1602 : vector<316xf32> to vector<1x1x316xf32>
    tpu.vector_store %arg3[%swap3A_1603, %swap3A_1604, %swap3A_1605], %swap3A_1608 {strides = array<i32>} : memref<1x8x16416xf32, #tpu.memory_space<vmem>>, vector<1x1x316xf32>,
    %slice3A_1609 = vector.extract_strided_slice %get3A_3 {offsets = [197, 197], sizes = [1, 315], strides = [1, 1]} : vector<512x512xf32> to vector<1x315xf32>
    %squeeze3A_1610 = vector.shape_cast %slice3A_1609 : vector<1x315xf32> to vector<315xf32>
    %swap3A_1611 = arith.constant 0 : index
    %swap3A_1612 = arith.constant 4 : index
    %swap3A_1613 = arith.constant 15894 : index
    %swap3A_1614 = vector.load %arg3[%swap3A_1611, %swap3A_1612, %swap3A_1613] : memref<1x8x16416xf32, #tpu.memory_space<vmem>>, vector<1x1x315xf32>
    %swap3A_1615 = vector.shape_cast %swap3A_1614 : vector<1x1x315xf32> to vector<315xf32>
    %swap3A_1616 = vector.shape_cast %squeeze3A_1610 : vector<315xf32> to vector<1x1x315xf32>
    tpu.vector_store %arg3[%swap3A_1611, %swap3A_1612, %swap3A_1613], %swap3A_1616 {strides = array<i32>} : memref<1x8x16416xf32, #tpu.memory_space<vmem>>, vector<1x1x315xf32>,
    %slice3A_1617 = vector.extract_strided_slice %get3A_3 {offsets = [198, 198], sizes = [1, 207], strides = [1, 1]} : vector<512x512xf32> to vector<1x207xf32>
    %squeeze3A_1618 = vector.shape_cast %slice3A_1617 : vector<1x207xf32> to vector<207xf32>
    %swap3A_1619 = arith.constant 0 : index
    %swap3A_1620 = arith.constant 4 : index
    %swap3A_1621 = arith.constant 16209 : index
    %swap3A_1622 = vector.load %arg3[%swap3A_1619, %swap3A_1620, %swap3A_1621] : memref<1x8x16416xf32, #tpu.memory_space<vmem>>, vector<1x1x207xf32>
    %swap3A_1623 = vector.shape_cast %swap3A_1622 : vector<1x1x207xf32> to vector<207xf32>
    %swap3A_1624 = vector.shape_cast %squeeze3A_1618 : vector<207xf32> to vector<1x1x207xf32>
    tpu.vector_store %arg3[%swap3A_1619, %swap3A_1620, %swap3A_1621], %swap3A_1624 {strides = array<i32>} : memref<1x8x16416xf32, #tpu.memory_space<vmem>>, vector<1x1x207xf32>,
    %slice3A_1625 = vector.extract_strided_slice %get3A_3 {offsets = [198, 405], sizes = [1, 107], strides = [1, 1]} : vector<512x512xf32> to vector<1x107xf32>
    %squeeze3A_1626 = vector.shape_cast %slice3A_1625 : vector<1x107xf32> to vector<107xf32>
    %swap3A_1627 = arith.constant 0 : index
    %swap3A_1628 = arith.constant 5 : index
    %swap3A_1629 = arith.constant 0 : index
    %swap3A_1630 = vector.load %arg3[%swap3A_1627, %swap3A_1628, %swap3A_1629] : memref<1x8x16416xf32, #tpu.memory_space<vmem>>, vector<1x1x107xf32>
    %swap3A_1631 = vector.shape_cast %swap3A_1630 : vector<1x1x107xf32> to vector<107xf32>
    %swap3A_1632 = vector.shape_cast %squeeze3A_1626 : vector<107xf32> to vector<1x1x107xf32>
    tpu.vector_store %arg3[%swap3A_1627, %swap3A_1628, %swap3A_1629], %swap3A_1632 {strides = array<i32>} : memref<1x8x16416xf32, #tpu.memory_space<vmem>>, vector<1x1x107xf32>,
    %slice3A_1633 = vector.extract_strided_slice %get3A_3 {offsets = [199, 199], sizes = [1, 313], strides = [1, 1]} : vector<512x512xf32> to vector<1x313xf32>
    %squeeze3A_1634 = vector.shape_cast %slice3A_1633 : vector<1x313xf32> to vector<313xf32>
    %swap3A_1635 = arith.constant 0 : index
    %swap3A_1636 = arith.constant 5 : index
    %swap3A_1637 = arith.constant 107 : index
    %swap3A_1638 = vector.load %arg3[%swap3A_1635, %swap3A_1636, %swap3A_1637] : memref<1x8x16416xf32, #tpu.memory_space<vmem>>, vector<1x1x313xf32>
    %swap3A_1639 = vector.shape_cast %swap3A_1638 : vector<1x1x313xf32> to vector<313xf32>
    %swap3A_1640 = vector.shape_cast %squeeze3A_1634 : vector<313xf32> to vector<1x1x313xf32>
    tpu.vector_store %arg3[%swap3A_1635, %swap3A_1636, %swap3A_1637], %swap3A_1640 {strides = array<i32>} : memref<1x8x16416xf32, #tpu.memory_space<vmem>>, vector<1x1x313xf32>,
    %slice3A_1641 = vector.extract_strided_slice %get3A_3 {offsets = [200, 200], sizes = [1, 312], strides = [1, 1]} : vector<512x512xf32> to vector<1x312xf32>
    %squeeze3A_1642 = vector.shape_cast %slice3A_1641 : vector<1x312xf32> to vector<312xf32>
    %swap3A_1643 = arith.constant 0 : index
    %swap3A_1644 = arith.constant 5 : index
    %swap3A_1645 = arith.constant 420 : index
    %swap3A_1646 = vector.load %arg3[%swap3A_1643, %swap3A_1644, %swap3A_1645] : memref<1x8x16416xf32, #tpu.memory_space<vmem>>, vector<1x1x312xf32>
    %swap3A_1647 = vector.shape_cast %swap3A_1646 : vector<1x1x312xf32> to vector<312xf32>
    %swap3A_1648 = vector.shape_cast %squeeze3A_1642 : vector<312xf32> to vector<1x1x312xf32>
    tpu.vector_store %arg3[%swap3A_1643, %swap3A_1644, %swap3A_1645], %swap3A_1648 {strides = array<i32>} : memref<1x8x16416xf32, #tpu.memory_space<vmem>>, vector<1x1x312xf32>,
    %slice3A_1649 = vector.extract_strided_slice %get3A_3 {offsets = [201, 201], sizes = [1, 311], strides = [1, 1]} : vector<512x512xf32> to vector<1x311xf32>
    %squeeze3A_1650 = vector.shape_cast %slice3A_1649 : vector<1x311xf32> to vector<311xf32>
    %swap3A_1651 = arith.constant 0 : index
    %swap3A_1652 = arith.constant 5 : index
    %swap3A_1653 = arith.constant 732 : index
    %swap3A_1654 = vector.load %arg3[%swap3A_1651, %swap3A_1652, %swap3A_1653] : memref<1x8x16416xf32, #tpu.memory_space<vmem>>, vector<1x1x311xf32>
    %swap3A_1655 = vector.shape_cast %swap3A_1654 : vector<1x1x311xf32> to vector<311xf32>
    %swap3A_1656 = vector.shape_cast %squeeze3A_1650 : vector<311xf32> to vector<1x1x311xf32>
    tpu.vector_store %arg3[%swap3A_1651, %swap3A_1652, %swap3A_1653], %swap3A_1656 {strides = array<i32>} : memref<1x8x16416xf32, #tpu.memory_space<vmem>>, vector<1x1x311xf32>,
    %slice3A_1657 = vector.extract_strided_slice %get3A_3 {offsets = [202, 202], sizes = [1, 310], strides = [1, 1]} : vector<512x512xf32> to vector<1x310xf32>
    %squeeze3A_1658 = vector.shape_cast %slice3A_1657 : vector<1x310xf32> to vector<310xf32>
    %swap3A_1659 = arith.constant 0 : index
    %swap3A_1660 = arith.constant 5 : index
    %swap3A_1661 = arith.constant 1043 : index
    %swap3A_1662 = vector.load %arg3[%swap3A_1659, %swap3A_1660, %swap3A_1661] : memref<1x8x16416xf32, #tpu.memory_space<vmem>>, vector<1x1x310xf32>
    %swap3A_1663 = vector.shape_cast %swap3A_1662 : vector<1x1x310xf32> to vector<310xf32>
    %swap3A_1664 = vector.shape_cast %squeeze3A_1658 : vector<310xf32> to vector<1x1x310xf32>
    tpu.vector_store %arg3[%swap3A_1659, %swap3A_1660, %swap3A_1661], %swap3A_1664 {strides = array<i32>} : memref<1x8x16416xf32, #tpu.memory_space<vmem>>, vector<1x1x310xf32>,
    %slice3A_1665 = vector.extract_strided_slice %get3A_3 {offsets = [203, 203], sizes = [1, 309], strides = [1, 1]} : vector<512x512xf32> to vector<1x309xf32>
    %squeeze3A_1666 = vector.shape_cast %slice3A_1665 : vector<1x309xf32> to vector<309xf32>
    %swap3A_1667 = arith.constant 0 : index
    %swap3A_1668 = arith.constant 5 : index
    %swap3A_1669 = arith.constant 1353 : index
    %swap3A_1670 = vector.load %arg3[%swap3A_1667, %swap3A_1668, %swap3A_1669] : memref<1x8x16416xf32, #tpu.memory_space<vmem>>, vector<1x1x309xf32>
    %swap3A_1671 = vector.shape_cast %swap3A_1670 : vector<1x1x309xf32> to vector<309xf32>
    %swap3A_1672 = vector.shape_cast %squeeze3A_1666 : vector<309xf32> to vector<1x1x309xf32>
    tpu.vector_store %arg3[%swap3A_1667, %swap3A_1668, %swap3A_1669], %swap3A_1672 {strides = array<i32>} : memref<1x8x16416xf32, #tpu.memory_space<vmem>>, vector<1x1x309xf32>,
    %slice3A_1673 = vector.extract_strided_slice %get3A_3 {offsets = [204, 204], sizes = [1, 308], strides = [1, 1]} : vector<512x512xf32> to vector<1x308xf32>
    %squeeze3A_1674 = vector.shape_cast %slice3A_1673 : vector<1x308xf32> to vector<308xf32>
    %swap3A_1675 = arith.constant 0 : index
    %swap3A_1676 = arith.constant 5 : index
    %swap3A_1677 = arith.constant 1662 : index
    %swap3A_1678 = vector.load %arg3[%swap3A_1675, %swap3A_1676, %swap3A_1677] : memref<1x8x16416xf32, #tpu.memory_space<vmem>>, vector<1x1x308xf32>
    %swap3A_1679 = vector.shape_cast %swap3A_1678 : vector<1x1x308xf32> to vector<308xf32>
    %swap3A_1680 = vector.shape_cast %squeeze3A_1674 : vector<308xf32> to vector<1x1x308xf32>
    tpu.vector_store %arg3[%swap3A_1675, %swap3A_1676, %swap3A_1677], %swap3A_1680 {strides = array<i32>} : memref<1x8x16416xf32, #tpu.memory_space<vmem>>, vector<1x1x308xf32>,
    %slice3A_1681 = vector.extract_strided_slice %get3A_3 {offsets = [205, 205], sizes = [1, 307], strides = [1, 1]} : vector<512x512xf32> to vector<1x307xf32>
    %squeeze3A_1682 = vector.shape_cast %slice3A_1681 : vector<1x307xf32> to vector<307xf32>
    %swap3A_1683 = arith.constant 0 : index
    %swap3A_1684 = arith.constant 5 : index
    %swap3A_1685 = arith.constant 1970 : index
    %swap3A_1686 = vector.load %arg3[%swap3A_1683, %swap3A_1684, %swap3A_1685] : memref<1x8x16416xf32, #tpu.memory_space<vmem>>, vector<1x1x307xf32>
    %swap3A_1687 = vector.shape_cast %swap3A_1686 : vector<1x1x307xf32> to vector<307xf32>
    %swap3A_1688 = vector.shape_cast %squeeze3A_1682 : vector<307xf32> to vector<1x1x307xf32>
    tpu.vector_store %arg3[%swap3A_1683, %swap3A_1684, %swap3A_1685], %swap3A_1688 {strides = array<i32>} : memref<1x8x16416xf32, #tpu.memory_space<vmem>>, vector<1x1x307xf32>,
    %slice3A_1689 = vector.extract_strided_slice %get3A_3 {offsets = [206, 206], sizes = [1, 306], strides = [1, 1]} : vector<512x512xf32> to vector<1x306xf32>
    %squeeze3A_1690 = vector.shape_cast %slice3A_1689 : vector<1x306xf32> to vector<306xf32>
    %swap3A_1691 = arith.constant 0 : index
    %swap3A_1692 = arith.constant 5 : index
    %swap3A_1693 = arith.constant 2277 : index
    %swap3A_1694 = vector.load %arg3[%swap3A_1691, %swap3A_1692, %swap3A_1693] : memref<1x8x16416xf32, #tpu.memory_space<vmem>>, vector<1x1x306xf32>
    %swap3A_1695 = vector.shape_cast %swap3A_1694 : vector<1x1x306xf32> to vector<306xf32>
    %swap3A_1696 = vector.shape_cast %squeeze3A_1690 : vector<306xf32> to vector<1x1x306xf32>
    tpu.vector_store %arg3[%swap3A_1691, %swap3A_1692, %swap3A_1693], %swap3A_1696 {strides = array<i32>} : memref<1x8x16416xf32, #tpu.memory_space<vmem>>, vector<1x1x306xf32>,
    %slice3A_1697 = vector.extract_strided_slice %get3A_3 {offsets = [207, 207], sizes = [1, 305], strides = [1, 1]} : vector<512x512xf32> to vector<1x305xf32>
    %squeeze3A_1698 = vector.shape_cast %slice3A_1697 : vector<1x305xf32> to vector<305xf32>
    %swap3A_1699 = arith.constant 0 : index
    %swap3A_1700 = arith.constant 5 : index
    %swap3A_1701 = arith.constant 2583 : index
    %swap3A_1702 = vector.load %arg3[%swap3A_1699, %swap3A_1700, %swap3A_1701] : memref<1x8x16416xf32, #tpu.memory_space<vmem>>, vector<1x1x305xf32>
    %swap3A_1703 = vector.shape_cast %swap3A_1702 : vector<1x1x305xf32> to vector<305xf32>
    %swap3A_1704 = vector.shape_cast %squeeze3A_1698 : vector<305xf32> to vector<1x1x305xf32>
    tpu.vector_store %arg3[%swap3A_1699, %swap3A_1700, %swap3A_1701], %swap3A_1704 {strides = array<i32>} : memref<1x8x16416xf32, #tpu.memory_space<vmem>>, vector<1x1x305xf32>,
    %slice3A_1705 = vector.extract_strided_slice %get3A_3 {offsets = [208, 208], sizes = [1, 304], strides = [1, 1]} : vector<512x512xf32> to vector<1x304xf32>
    %squeeze3A_1706 = vector.shape_cast %slice3A_1705 : vector<1x304xf32> to vector<304xf32>
    %swap3A_1707 = arith.constant 0 : index
    %swap3A_1708 = arith.constant 5 : index
    %swap3A_1709 = arith.constant 2888 : index
    %swap3A_1710 = vector.load %arg3[%swap3A_1707, %swap3A_1708, %swap3A_1709] : memref<1x8x16416xf32, #tpu.memory_space<vmem>>, vector<1x1x304xf32>
    %swap3A_1711 = vector.shape_cast %swap3A_1710 : vector<1x1x304xf32> to vector<304xf32>
    %swap3A_1712 = vector.shape_cast %squeeze3A_1706 : vector<304xf32> to vector<1x1x304xf32>
    tpu.vector_store %arg3[%swap3A_1707, %swap3A_1708, %swap3A_1709], %swap3A_1712 {strides = array<i32>} : memref<1x8x16416xf32, #tpu.memory_space<vmem>>, vector<1x1x304xf32>,
    %slice3A_1713 = vector.extract_strided_slice %get3A_3 {offsets = [209, 209], sizes = [1, 303], strides = [1, 1]} : vector<512x512xf32> to vector<1x303xf32>
    %squeeze3A_1714 = vector.shape_cast %slice3A_1713 : vector<1x303xf32> to vector<303xf32>
    %swap3A_1715 = arith.constant 0 : index
    %swap3A_1716 = arith.constant 5 : index
    %swap3A_1717 = arith.constant 3192 : index
    %swap3A_1718 = vector.load %arg3[%swap3A_1715, %swap3A_1716, %swap3A_1717] : memref<1x8x16416xf32, #tpu.memory_space<vmem>>, vector<1x1x303xf32>
    %swap3A_1719 = vector.shape_cast %swap3A_1718 : vector<1x1x303xf32> to vector<303xf32>
    %swap3A_1720 = vector.shape_cast %squeeze3A_1714 : vector<303xf32> to vector<1x1x303xf32>
    tpu.vector_store %arg3[%swap3A_1715, %swap3A_1716, %swap3A_1717], %swap3A_1720 {strides = array<i32>} : memref<1x8x16416xf32, #tpu.memory_space<vmem>>, vector<1x1x303xf32>,
    %slice3A_1721 = vector.extract_strided_slice %get3A_3 {offsets = [210, 210], sizes = [1, 302], strides = [1, 1]} : vector<512x512xf32> to vector<1x302xf32>
    %squeeze3A_1722 = vector.shape_cast %slice3A_1721 : vector<1x302xf32> to vector<302xf32>
    %swap3A_1723 = arith.constant 0 : index
    %swap3A_1724 = arith.constant 5 : index
    %swap3A_1725 = arith.constant 3495 : index
    %swap3A_1726 = vector.load %arg3[%swap3A_1723, %swap3A_1724, %swap3A_1725] : memref<1x8x16416xf32, #tpu.memory_space<vmem>>, vector<1x1x302xf32>
    %swap3A_1727 = vector.shape_cast %swap3A_1726 : vector<1x1x302xf32> to vector<302xf32>
    %swap3A_1728 = vector.shape_cast %squeeze3A_1722 : vector<302xf32> to vector<1x1x302xf32>
    tpu.vector_store %arg3[%swap3A_1723, %swap3A_1724, %swap3A_1725], %swap3A_1728 {strides = array<i32>} : memref<1x8x16416xf32, #tpu.memory_space<vmem>>, vector<1x1x302xf32>,
    %slice3A_1729 = vector.extract_strided_slice %get3A_3 {offsets = [211, 211], sizes = [1, 301], strides = [1, 1]} : vector<512x512xf32> to vector<1x301xf32>
    %squeeze3A_1730 = vector.shape_cast %slice3A_1729 : vector<1x301xf32> to vector<301xf32>
    %swap3A_1731 = arith.constant 0 : index
    %swap3A_1732 = arith.constant 5 : index
    %swap3A_1733 = arith.constant 3797 : index
    %swap3A_1734 = vector.load %arg3[%swap3A_1731, %swap3A_1732, %swap3A_1733] : memref<1x8x16416xf32, #tpu.memory_space<vmem>>, vector<1x1x301xf32>
    %swap3A_1735 = vector.shape_cast %swap3A_1734 : vector<1x1x301xf32> to vector<301xf32>
    %swap3A_1736 = vector.shape_cast %squeeze3A_1730 : vector<301xf32> to vector<1x1x301xf32>
    tpu.vector_store %arg3[%swap3A_1731, %swap3A_1732, %swap3A_1733], %swap3A_1736 {strides = array<i32>} : memref<1x8x16416xf32, #tpu.memory_space<vmem>>, vector<1x1x301xf32>,
    %slice3A_1737 = vector.extract_strided_slice %get3A_3 {offsets = [212, 212], sizes = [1, 300], strides = [1, 1]} : vector<512x512xf32> to vector<1x300xf32>
    %squeeze3A_1738 = vector.shape_cast %slice3A_1737 : vector<1x300xf32> to vector<300xf32>
    %swap3A_1739 = arith.constant 0 : index
    %swap3A_1740 = arith.constant 5 : index
    %swap3A_1741 = arith.constant 4098 : index
    %swap3A_1742 = vector.load %arg3[%swap3A_1739, %swap3A_1740, %swap3A_1741] : memref<1x8x16416xf32, #tpu.memory_space<vmem>>, vector<1x1x300xf32>
    %swap3A_1743 = vector.shape_cast %swap3A_1742 : vector<1x1x300xf32> to vector<300xf32>
    %swap3A_1744 = vector.shape_cast %squeeze3A_1738 : vector<300xf32> to vector<1x1x300xf32>
    tpu.vector_store %arg3[%swap3A_1739, %swap3A_1740, %swap3A_1741], %swap3A_1744 {strides = array<i32>} : memref<1x8x16416xf32, #tpu.memory_space<vmem>>, vector<1x1x300xf32>,
    %slice3A_1745 = vector.extract_strided_slice %get3A_3 {offsets = [213, 213], sizes = [1, 299], strides = [1, 1]} : vector<512x512xf32> to vector<1x299xf32>
    %squeeze3A_1746 = vector.shape_cast %slice3A_1745 : vector<1x299xf32> to vector<299xf32>
    %swap3A_1747 = arith.constant 0 : index
    %swap3A_1748 = arith.constant 5 : index
    %swap3A_1749 = arith.constant 4398 : index
    %swap3A_1750 = vector.load %arg3[%swap3A_1747, %swap3A_1748, %swap3A_1749] : memref<1x8x16416xf32, #tpu.memory_space<vmem>>, vector<1x1x299xf32>
    %swap3A_1751 = vector.shape_cast %swap3A_1750 : vector<1x1x299xf32> to vector<299xf32>
    %swap3A_1752 = vector.shape_cast %squeeze3A_1746 : vector<299xf32> to vector<1x1x299xf32>
    tpu.vector_store %arg3[%swap3A_1747, %swap3A_1748, %swap3A_1749], %swap3A_1752 {strides = array<i32>} : memref<1x8x16416xf32, #tpu.memory_space<vmem>>, vector<1x1x299xf32>,
    %slice3A_1753 = vector.extract_strided_slice %get3A_3 {offsets = [214, 214], sizes = [1, 298], strides = [1, 1]} : vector<512x512xf32> to vector<1x298xf32>
    %squeeze3A_1754 = vector.shape_cast %slice3A_1753 : vector<1x298xf32> to vector<298xf32>
    %swap3A_1755 = arith.constant 0 : index
    %swap3A_1756 = arith.constant 5 : index
    %swap3A_1757 = arith.constant 4697 : index
    %swap3A_1758 = vector.load %arg3[%swap3A_1755, %swap3A_1756, %swap3A_1757] : memref<1x8x16416xf32, #tpu.memory_space<vmem>>, vector<1x1x298xf32>
    %swap3A_1759 = vector.shape_cast %swap3A_1758 : vector<1x1x298xf32> to vector<298xf32>
    %swap3A_1760 = vector.shape_cast %squeeze3A_1754 : vector<298xf32> to vector<1x1x298xf32>
    tpu.vector_store %arg3[%swap3A_1755, %swap3A_1756, %swap3A_1757], %swap3A_1760 {strides = array<i32>} : memref<1x8x16416xf32, #tpu.memory_space<vmem>>, vector<1x1x298xf32>,
    %slice3A_1761 = vector.extract_strided_slice %get3A_3 {offsets = [215, 215], sizes = [1, 297], strides = [1, 1]} : vector<512x512xf32> to vector<1x297xf32>
    %squeeze3A_1762 = vector.shape_cast %slice3A_1761 : vector<1x297xf32> to vector<297xf32>
    %swap3A_1763 = arith.constant 0 : index
    %swap3A_1764 = arith.constant 5 : index
    %swap3A_1765 = arith.constant 4995 : index
    %swap3A_1766 = vector.load %arg3[%swap3A_1763, %swap3A_1764, %swap3A_1765] : memref<1x8x16416xf32, #tpu.memory_space<vmem>>, vector<1x1x297xf32>
    %swap3A_1767 = vector.shape_cast %swap3A_1766 : vector<1x1x297xf32> to vector<297xf32>
    %swap3A_1768 = vector.shape_cast %squeeze3A_1762 : vector<297xf32> to vector<1x1x297xf32>
    tpu.vector_store %arg3[%swap3A_1763, %swap3A_1764, %swap3A_1765], %swap3A_1768 {strides = array<i32>} : memref<1x8x16416xf32, #tpu.memory_space<vmem>>, vector<1x1x297xf32>,
    %slice3A_1769 = vector.extract_strided_slice %get3A_3 {offsets = [216, 216], sizes = [1, 296], strides = [1, 1]} : vector<512x512xf32> to vector<1x296xf32>
    %squeeze3A_1770 = vector.shape_cast %slice3A_1769 : vector<1x296xf32> to vector<296xf32>
    %swap3A_1771 = arith.constant 0 : index
    %swap3A_1772 = arith.constant 5 : index
    %swap3A_1773 = arith.constant 5292 : index
    %swap3A_1774 = vector.load %arg3[%swap3A_1771, %swap3A_1772, %swap3A_1773] : memref<1x8x16416xf32, #tpu.memory_space<vmem>>, vector<1x1x296xf32>
    %swap3A_1775 = vector.shape_cast %swap3A_1774 : vector<1x1x296xf32> to vector<296xf32>
    %swap3A_1776 = vector.shape_cast %squeeze3A_1770 : vector<296xf32> to vector<1x1x296xf32>
    tpu.vector_store %arg3[%swap3A_1771, %swap3A_1772, %swap3A_1773], %swap3A_1776 {strides = array<i32>} : memref<1x8x16416xf32, #tpu.memory_space<vmem>>, vector<1x1x296xf32>,
    %slice3A_1777 = vector.extract_strided_slice %get3A_3 {offsets = [217, 217], sizes = [1, 295], strides = [1, 1]} : vector<512x512xf32> to vector<1x295xf32>
    %squeeze3A_1778 = vector.shape_cast %slice3A_1777 : vector<1x295xf32> to vector<295xf32>
    %swap3A_1779 = arith.constant 0 : index
    %swap3A_1780 = arith.constant 5 : index
    %swap3A_1781 = arith.constant 5588 : index
    %swap3A_1782 = vector.load %arg3[%swap3A_1779, %swap3A_1780, %swap3A_1781] : memref<1x8x16416xf32, #tpu.memory_space<vmem>>, vector<1x1x295xf32>
    %swap3A_1783 = vector.shape_cast %swap3A_1782 : vector<1x1x295xf32> to vector<295xf32>
    %swap3A_1784 = vector.shape_cast %squeeze3A_1778 : vector<295xf32> to vector<1x1x295xf32>
    tpu.vector_store %arg3[%swap3A_1779, %swap3A_1780, %swap3A_1781], %swap3A_1784 {strides = array<i32>} : memref<1x8x16416xf32, #tpu.memory_space<vmem>>, vector<1x1x295xf32>,
    %slice3A_1785 = vector.extract_strided_slice %get3A_3 {offsets = [218, 218], sizes = [1, 294], strides = [1, 1]} : vector<512x512xf32> to vector<1x294xf32>
    %squeeze3A_1786 = vector.shape_cast %slice3A_1785 : vector<1x294xf32> to vector<294xf32>
    %swap3A_1787 = arith.constant 0 : index
    %swap3A_1788 = arith.constant 5 : index
    %swap3A_1789 = arith.constant 5883 : index
    %swap3A_1790 = vector.load %arg3[%swap3A_1787, %swap3A_1788, %swap3A_1789] : memref<1x8x16416xf32, #tpu.memory_space<vmem>>, vector<1x1x294xf32>
    %swap3A_1791 = vector.shape_cast %swap3A_1790 : vector<1x1x294xf32> to vector<294xf32>
    %swap3A_1792 = vector.shape_cast %squeeze3A_1786 : vector<294xf32> to vector<1x1x294xf32>
    tpu.vector_store %arg3[%swap3A_1787, %swap3A_1788, %swap3A_1789], %swap3A_1792 {strides = array<i32>} : memref<1x8x16416xf32, #tpu.memory_space<vmem>>, vector<1x1x294xf32>,
    %slice3A_1793 = vector.extract_strided_slice %get3A_3 {offsets = [219, 219], sizes = [1, 293], strides = [1, 1]} : vector<512x512xf32> to vector<1x293xf32>
    %squeeze3A_1794 = vector.shape_cast %slice3A_1793 : vector<1x293xf32> to vector<293xf32>
    %swap3A_1795 = arith.constant 0 : index
    %swap3A_1796 = arith.constant 5 : index
    %swap3A_1797 = arith.constant 6177 : index
    %swap3A_1798 = vector.load %arg3[%swap3A_1795, %swap3A_1796, %swap3A_1797] : memref<1x8x16416xf32, #tpu.memory_space<vmem>>, vector<1x1x293xf32>
    %swap3A_1799 = vector.shape_cast %swap3A_1798 : vector<1x1x293xf32> to vector<293xf32>
    %swap3A_1800 = vector.shape_cast %squeeze3A_1794 : vector<293xf32> to vector<1x1x293xf32>
    tpu.vector_store %arg3[%swap3A_1795, %swap3A_1796, %swap3A_1797], %swap3A_1800 {strides = array<i32>} : memref<1x8x16416xf32, #tpu.memory_space<vmem>>, vector<1x1x293xf32>,
    %slice3A_1801 = vector.extract_strided_slice %get3A_3 {offsets = [220, 220], sizes = [1, 292], strides = [1, 1]} : vector<512x512xf32> to vector<1x292xf32>
    %squeeze3A_1802 = vector.shape_cast %slice3A_1801 : vector<1x292xf32> to vector<292xf32>
    %swap3A_1803 = arith.constant 0 : index
    %swap3A_1804 = arith.constant 5 : index
    %swap3A_1805 = arith.constant 6470 : index
    %swap3A_1806 = vector.load %arg3[%swap3A_1803, %swap3A_1804, %swap3A_1805] : memref<1x8x16416xf32, #tpu.memory_space<vmem>>, vector<1x1x292xf32>
    %swap3A_1807 = vector.shape_cast %swap3A_1806 : vector<1x1x292xf32> to vector<292xf32>
    %swap3A_1808 = vector.shape_cast %squeeze3A_1802 : vector<292xf32> to vector<1x1x292xf32>
    tpu.vector_store %arg3[%swap3A_1803, %swap3A_1804, %swap3A_1805], %swap3A_1808 {strides = array<i32>} : memref<1x8x16416xf32, #tpu.memory_space<vmem>>, vector<1x1x292xf32>,
    %slice3A_1809 = vector.extract_strided_slice %get3A_3 {offsets = [221, 221], sizes = [1, 291], strides = [1, 1]} : vector<512x512xf32> to vector<1x291xf32>
    %squeeze3A_1810 = vector.shape_cast %slice3A_1809 : vector<1x291xf32> to vector<291xf32>
    %swap3A_1811 = arith.constant 0 : index
    %swap3A_1812 = arith.constant 5 : index
    %swap3A_1813 = arith.constant 6762 : index
    %swap3A_1814 = vector.load %arg3[%swap3A_1811, %swap3A_1812, %swap3A_1813] : memref<1x8x16416xf32, #tpu.memory_space<vmem>>, vector<1x1x291xf32>
    %swap3A_1815 = vector.shape_cast %swap3A_1814 : vector<1x1x291xf32> to vector<291xf32>
    %swap3A_1816 = vector.shape_cast %squeeze3A_1810 : vector<291xf32> to vector<1x1x291xf32>
    tpu.vector_store %arg3[%swap3A_1811, %swap3A_1812, %swap3A_1813], %swap3A_1816 {strides = array<i32>} : memref<1x8x16416xf32, #tpu.memory_space<vmem>>, vector<1x1x291xf32>,
    %slice3A_1817 = vector.extract_strided_slice %get3A_3 {offsets = [222, 222], sizes = [1, 290], strides = [1, 1]} : vector<512x512xf32> to vector<1x290xf32>
    %squeeze3A_1818 = vector.shape_cast %slice3A_1817 : vector<1x290xf32> to vector<290xf32>
    %swap3A_1819 = arith.constant 0 : index
    %swap3A_1820 = arith.constant 5 : index
    %swap3A_1821 = arith.constant 7053 : index
    %swap3A_1822 = vector.load %arg3[%swap3A_1819, %swap3A_1820, %swap3A_1821] : memref<1x8x16416xf32, #tpu.memory_space<vmem>>, vector<1x1x290xf32>
    %swap3A_1823 = vector.shape_cast %swap3A_1822 : vector<1x1x290xf32> to vector<290xf32>
    %swap3A_1824 = vector.shape_cast %squeeze3A_1818 : vector<290xf32> to vector<1x1x290xf32>
    tpu.vector_store %arg3[%swap3A_1819, %swap3A_1820, %swap3A_1821], %swap3A_1824 {strides = array<i32>} : memref<1x8x16416xf32, #tpu.memory_space<vmem>>, vector<1x1x290xf32>,
    %slice3A_1825 = vector.extract_strided_slice %get3A_3 {offsets = [223, 223], sizes = [1, 289], strides = [1, 1]} : vector<512x512xf32> to vector<1x289xf32>
    %squeeze3A_1826 = vector.shape_cast %slice3A_1825 : vector<1x289xf32> to vector<289xf32>
    %swap3A_1827 = arith.constant 0 : index
    %swap3A_1828 = arith.constant 5 : index
    %swap3A_1829 = arith.constant 7343 : index
    %swap3A_1830 = vector.load %arg3[%swap3A_1827, %swap3A_1828, %swap3A_1829] : memref<1x8x16416xf32, #tpu.memory_space<vmem>>, vector<1x1x289xf32>
    %swap3A_1831 = vector.shape_cast %swap3A_1830 : vector<1x1x289xf32> to vector<289xf32>
    %swap3A_1832 = vector.shape_cast %squeeze3A_1826 : vector<289xf32> to vector<1x1x289xf32>
    tpu.vector_store %arg3[%swap3A_1827, %swap3A_1828, %swap3A_1829], %swap3A_1832 {strides = array<i32>} : memref<1x8x16416xf32, #tpu.memory_space<vmem>>, vector<1x1x289xf32>,
    %slice3A_1833 = vector.extract_strided_slice %get3A_3 {offsets = [224, 224], sizes = [1, 288], strides = [1, 1]} : vector<512x512xf32> to vector<1x288xf32>
    %squeeze3A_1834 = vector.shape_cast %slice3A_1833 : vector<1x288xf32> to vector<288xf32>
    %swap3A_1835 = arith.constant 0 : index
    %swap3A_1836 = arith.constant 5 : index
    %swap3A_1837 = arith.constant 7632 : index
    %swap3A_1838 = vector.load %arg3[%swap3A_1835, %swap3A_1836, %swap3A_1837] : memref<1x8x16416xf32, #tpu.memory_space<vmem>>, vector<1x1x288xf32>
    %swap3A_1839 = vector.shape_cast %swap3A_1838 : vector<1x1x288xf32> to vector<288xf32>
    %swap3A_1840 = vector.shape_cast %squeeze3A_1834 : vector<288xf32> to vector<1x1x288xf32>
    tpu.vector_store %arg3[%swap3A_1835, %swap3A_1836, %swap3A_1837], %swap3A_1840 {strides = array<i32>} : memref<1x8x16416xf32, #tpu.memory_space<vmem>>, vector<1x1x288xf32>,
    %slice3A_1841 = vector.extract_strided_slice %get3A_3 {offsets = [225, 225], sizes = [1, 287], strides = [1, 1]} : vector<512x512xf32> to vector<1x287xf32>
    %squeeze3A_1842 = vector.shape_cast %slice3A_1841 : vector<1x287xf32> to vector<287xf32>
    %swap3A_1843 = arith.constant 0 : index
    %swap3A_1844 = arith.constant 5 : index
    %swap3A_1845 = arith.constant 7920 : index
    %swap3A_1846 = vector.load %arg3[%swap3A_1843, %swap3A_1844, %swap3A_1845] : memref<1x8x16416xf32, #tpu.memory_space<vmem>>, vector<1x1x287xf32>
    %swap3A_1847 = vector.shape_cast %swap3A_1846 : vector<1x1x287xf32> to vector<287xf32>
    %swap3A_1848 = vector.shape_cast %squeeze3A_1842 : vector<287xf32> to vector<1x1x287xf32>
    tpu.vector_store %arg3[%swap3A_1843, %swap3A_1844, %swap3A_1845], %swap3A_1848 {strides = array<i32>} : memref<1x8x16416xf32, #tpu.memory_space<vmem>>, vector<1x1x287xf32>,
    %slice3A_1849 = vector.extract_strided_slice %get3A_3 {offsets = [226, 226], sizes = [1, 286], strides = [1, 1]} : vector<512x512xf32> to vector<1x286xf32>
    %squeeze3A_1850 = vector.shape_cast %slice3A_1849 : vector<1x286xf32> to vector<286xf32>
    %swap3A_1851 = arith.constant 0 : index
    %swap3A_1852 = arith.constant 5 : index
    %swap3A_1853 = arith.constant 8207 : index
    %swap3A_1854 = vector.load %arg3[%swap3A_1851, %swap3A_1852, %swap3A_1853] : memref<1x8x16416xf32, #tpu.memory_space<vmem>>, vector<1x1x286xf32>
    %swap3A_1855 = vector.shape_cast %swap3A_1854 : vector<1x1x286xf32> to vector<286xf32>
    %swap3A_1856 = vector.shape_cast %squeeze3A_1850 : vector<286xf32> to vector<1x1x286xf32>
    tpu.vector_store %arg3[%swap3A_1851, %swap3A_1852, %swap3A_1853], %swap3A_1856 {strides = array<i32>} : memref<1x8x16416xf32, #tpu.memory_space<vmem>>, vector<1x1x286xf32>,
    %slice3A_1857 = vector.extract_strided_slice %get3A_3 {offsets = [227, 227], sizes = [1, 285], strides = [1, 1]} : vector<512x512xf32> to vector<1x285xf32>
    %squeeze3A_1858 = vector.shape_cast %slice3A_1857 : vector<1x285xf32> to vector<285xf32>
    %swap3A_1859 = arith.constant 0 : index
    %swap3A_1860 = arith.constant 5 : index
    %swap3A_1861 = arith.constant 8493 : index
    %swap3A_1862 = vector.load %arg3[%swap3A_1859, %swap3A_1860, %swap3A_1861] : memref<1x8x16416xf32, #tpu.memory_space<vmem>>, vector<1x1x285xf32>
    %swap3A_1863 = vector.shape_cast %swap3A_1862 : vector<1x1x285xf32> to vector<285xf32>
    %swap3A_1864 = vector.shape_cast %squeeze3A_1858 : vector<285xf32> to vector<1x1x285xf32>
    tpu.vector_store %arg3[%swap3A_1859, %swap3A_1860, %swap3A_1861], %swap3A_1864 {strides = array<i32>} : memref<1x8x16416xf32, #tpu.memory_space<vmem>>, vector<1x1x285xf32>,
    %slice3A_1865 = vector.extract_strided_slice %get3A_3 {offsets = [228, 228], sizes = [1, 284], strides = [1, 1]} : vector<512x512xf32> to vector<1x284xf32>
    %squeeze3A_1866 = vector.shape_cast %slice3A_1865 : vector<1x284xf32> to vector<284xf32>
    %swap3A_1867 = arith.constant 0 : index
    %swap3A_1868 = arith.constant 5 : index
    %swap3A_1869 = arith.constant 8778 : index
    %swap3A_1870 = vector.load %arg3[%swap3A_1867, %swap3A_1868, %swap3A_1869] : memref<1x8x16416xf32, #tpu.memory_space<vmem>>, vector<1x1x284xf32>
    %swap3A_1871 = vector.shape_cast %swap3A_1870 : vector<1x1x284xf32> to vector<284xf32>
    %swap3A_1872 = vector.shape_cast %squeeze3A_1866 : vector<284xf32> to vector<1x1x284xf32>
    tpu.vector_store %arg3[%swap3A_1867, %swap3A_1868, %swap3A_1869], %swap3A_1872 {strides = array<i32>} : memref<1x8x16416xf32, #tpu.memory_space<vmem>>, vector<1x1x284xf32>,
    %slice3A_1873 = vector.extract_strided_slice %get3A_3 {offsets = [229, 229], sizes = [1, 283], strides = [1, 1]} : vector<512x512xf32> to vector<1x283xf32>
    %squeeze3A_1874 = vector.shape_cast %slice3A_1873 : vector<1x283xf32> to vector<283xf32>
    %swap3A_1875 = arith.constant 0 : index
    %swap3A_1876 = arith.constant 5 : index
    %swap3A_1877 = arith.constant 9062 : index
    %swap3A_1878 = vector.load %arg3[%swap3A_1875, %swap3A_1876, %swap3A_1877] : memref<1x8x16416xf32, #tpu.memory_space<vmem>>, vector<1x1x283xf32>
    %swap3A_1879 = vector.shape_cast %swap3A_1878 : vector<1x1x283xf32> to vector<283xf32>
    %swap3A_1880 = vector.shape_cast %squeeze3A_1874 : vector<283xf32> to vector<1x1x283xf32>
    tpu.vector_store %arg3[%swap3A_1875, %swap3A_1876, %swap3A_1877], %swap3A_1880 {strides = array<i32>} : memref<1x8x16416xf32, #tpu.memory_space<vmem>>, vector<1x1x283xf32>,
    %slice3A_1881 = vector.extract_strided_slice %get3A_3 {offsets = [230, 230], sizes = [1, 282], strides = [1, 1]} : vector<512x512xf32> to vector<1x282xf32>
    %squeeze3A_1882 = vector.shape_cast %slice3A_1881 : vector<1x282xf32> to vector<282xf32>
    %swap3A_1883 = arith.constant 0 : index
    %swap3A_1884 = arith.constant 5 : index
    %swap3A_1885 = arith.constant 9345 : index
    %swap3A_1886 = vector.load %arg3[%swap3A_1883, %swap3A_1884, %swap3A_1885] : memref<1x8x16416xf32, #tpu.memory_space<vmem>>, vector<1x1x282xf32>
    %swap3A_1887 = vector.shape_cast %swap3A_1886 : vector<1x1x282xf32> to vector<282xf32>
    %swap3A_1888 = vector.shape_cast %squeeze3A_1882 : vector<282xf32> to vector<1x1x282xf32>
    tpu.vector_store %arg3[%swap3A_1883, %swap3A_1884, %swap3A_1885], %swap3A_1888 {strides = array<i32>} : memref<1x8x16416xf32, #tpu.memory_space<vmem>>, vector<1x1x282xf32>,
    %slice3A_1889 = vector.extract_strided_slice %get3A_3 {offsets = [231, 231], sizes = [1, 281], strides = [1, 1]} : vector<512x512xf32> to vector<1x281xf32>
    %squeeze3A_1890 = vector.shape_cast %slice3A_1889 : vector<1x281xf32> to vector<281xf32>
    %swap3A_1891 = arith.constant 0 : index
    %swap3A_1892 = arith.constant 5 : index
    %swap3A_1893 = arith.constant 9627 : index
    %swap3A_1894 = vector.load %arg3[%swap3A_1891, %swap3A_1892, %swap3A_1893] : memref<1x8x16416xf32, #tpu.memory_space<vmem>>, vector<1x1x281xf32>
    %swap3A_1895 = vector.shape_cast %swap3A_1894 : vector<1x1x281xf32> to vector<281xf32>
    %swap3A_1896 = vector.shape_cast %squeeze3A_1890 : vector<281xf32> to vector<1x1x281xf32>
    tpu.vector_store %arg3[%swap3A_1891, %swap3A_1892, %swap3A_1893], %swap3A_1896 {strides = array<i32>} : memref<1x8x16416xf32, #tpu.memory_space<vmem>>, vector<1x1x281xf32>,
    %slice3A_1897 = vector.extract_strided_slice %get3A_3 {offsets = [232, 232], sizes = [1, 280], strides = [1, 1]} : vector<512x512xf32> to vector<1x280xf32>
    %squeeze3A_1898 = vector.shape_cast %slice3A_1897 : vector<1x280xf32> to vector<280xf32>
    %swap3A_1899 = arith.constant 0 : index
    %swap3A_1900 = arith.constant 5 : index
    %swap3A_1901 = arith.constant 9908 : index
    %swap3A_1902 = vector.load %arg3[%swap3A_1899, %swap3A_1900, %swap3A_1901] : memref<1x8x16416xf32, #tpu.memory_space<vmem>>, vector<1x1x280xf32>
    %swap3A_1903 = vector.shape_cast %swap3A_1902 : vector<1x1x280xf32> to vector<280xf32>
    %swap3A_1904 = vector.shape_cast %squeeze3A_1898 : vector<280xf32> to vector<1x1x280xf32>
    tpu.vector_store %arg3[%swap3A_1899, %swap3A_1900, %swap3A_1901], %swap3A_1904 {strides = array<i32>} : memref<1x8x16416xf32, #tpu.memory_space<vmem>>, vector<1x1x280xf32>,
    %slice3A_1905 = vector.extract_strided_slice %get3A_3 {offsets = [233, 233], sizes = [1, 279], strides = [1, 1]} : vector<512x512xf32> to vector<1x279xf32>
    %squeeze3A_1906 = vector.shape_cast %slice3A_1905 : vector<1x279xf32> to vector<279xf32>
    %swap3A_1907 = arith.constant 0 : index
    %swap3A_1908 = arith.constant 5 : index
    %swap3A_1909 = arith.constant 10188 : index
    %swap3A_1910 = vector.load %arg3[%swap3A_1907, %swap3A_1908, %swap3A_1909] : memref<1x8x16416xf32, #tpu.memory_space<vmem>>, vector<1x1x279xf32>
    %swap3A_1911 = vector.shape_cast %swap3A_1910 : vector<1x1x279xf32> to vector<279xf32>
    %swap3A_1912 = vector.shape_cast %squeeze3A_1906 : vector<279xf32> to vector<1x1x279xf32>
    tpu.vector_store %arg3[%swap3A_1907, %swap3A_1908, %swap3A_1909], %swap3A_1912 {strides = array<i32>} : memref<1x8x16416xf32, #tpu.memory_space<vmem>>, vector<1x1x279xf32>,
    %slice3A_1913 = vector.extract_strided_slice %get3A_3 {offsets = [234, 234], sizes = [1, 278], strides = [1, 1]} : vector<512x512xf32> to vector<1x278xf32>
    %squeeze3A_1914 = vector.shape_cast %slice3A_1913 : vector<1x278xf32> to vector<278xf32>
    %swap3A_1915 = arith.constant 0 : index
    %swap3A_1916 = arith.constant 5 : index
    %swap3A_1917 = arith.constant 10467 : index
    %swap3A_1918 = vector.load %arg3[%swap3A_1915, %swap3A_1916, %swap3A_1917] : memref<1x8x16416xf32, #tpu.memory_space<vmem>>, vector<1x1x278xf32>
    %swap3A_1919 = vector.shape_cast %swap3A_1918 : vector<1x1x278xf32> to vector<278xf32>
    %swap3A_1920 = vector.shape_cast %squeeze3A_1914 : vector<278xf32> to vector<1x1x278xf32>
    tpu.vector_store %arg3[%swap3A_1915, %swap3A_1916, %swap3A_1917], %swap3A_1920 {strides = array<i32>} : memref<1x8x16416xf32, #tpu.memory_space<vmem>>, vector<1x1x278xf32>,
    %slice3A_1921 = vector.extract_strided_slice %get3A_3 {offsets = [235, 235], sizes = [1, 277], strides = [1, 1]} : vector<512x512xf32> to vector<1x277xf32>
    %squeeze3A_1922 = vector.shape_cast %slice3A_1921 : vector<1x277xf32> to vector<277xf32>
    %swap3A_1923 = arith.constant 0 : index
    %swap3A_1924 = arith.constant 5 : index
    %swap3A_1925 = arith.constant 10745 : index
    %swap3A_1926 = vector.load %arg3[%swap3A_1923, %swap3A_1924, %swap3A_1925] : memref<1x8x16416xf32, #tpu.memory_space<vmem>>, vector<1x1x277xf32>
    %swap3A_1927 = vector.shape_cast %swap3A_1926 : vector<1x1x277xf32> to vector<277xf32>
    %swap3A_1928 = vector.shape_cast %squeeze3A_1922 : vector<277xf32> to vector<1x1x277xf32>
    tpu.vector_store %arg3[%swap3A_1923, %swap3A_1924, %swap3A_1925], %swap3A_1928 {strides = array<i32>} : memref<1x8x16416xf32, #tpu.memory_space<vmem>>, vector<1x1x277xf32>,
    %slice3A_1929 = vector.extract_strided_slice %get3A_3 {offsets = [236, 236], sizes = [1, 276], strides = [1, 1]} : vector<512x512xf32> to vector<1x276xf32>
    %squeeze3A_1930 = vector.shape_cast %slice3A_1929 : vector<1x276xf32> to vector<276xf32>
    %swap3A_1931 = arith.constant 0 : index
    %swap3A_1932 = arith.constant 5 : index
    %swap3A_1933 = arith.constant 11022 : index
    %swap3A_1934 = vector.load %arg3[%swap3A_1931, %swap3A_1932, %swap3A_1933] : memref<1x8x16416xf32, #tpu.memory_space<vmem>>, vector<1x1x276xf32>
    %swap3A_1935 = vector.shape_cast %swap3A_1934 : vector<1x1x276xf32> to vector<276xf32>
    %swap3A_1936 = vector.shape_cast %squeeze3A_1930 : vector<276xf32> to vector<1x1x276xf32>
    tpu.vector_store %arg3[%swap3A_1931, %swap3A_1932, %swap3A_1933], %swap3A_1936 {strides = array<i32>} : memref<1x8x16416xf32, #tpu.memory_space<vmem>>, vector<1x1x276xf32>,
    %slice3A_1937 = vector.extract_strided_slice %get3A_3 {offsets = [237, 237], sizes = [1, 275], strides = [1, 1]} : vector<512x512xf32> to vector<1x275xf32>
    %squeeze3A_1938 = vector.shape_cast %slice3A_1937 : vector<1x275xf32> to vector<275xf32>
    %swap3A_1939 = arith.constant 0 : index
    %swap3A_1940 = arith.constant 5 : index
    %swap3A_1941 = arith.constant 11298 : index
    %swap3A_1942 = vector.load %arg3[%swap3A_1939, %swap3A_1940, %swap3A_1941] : memref<1x8x16416xf32, #tpu.memory_space<vmem>>, vector<1x1x275xf32>
    %swap3A_1943 = vector.shape_cast %swap3A_1942 : vector<1x1x275xf32> to vector<275xf32>
    %swap3A_1944 = vector.shape_cast %squeeze3A_1938 : vector<275xf32> to vector<1x1x275xf32>
    tpu.vector_store %arg3[%swap3A_1939, %swap3A_1940, %swap3A_1941], %swap3A_1944 {strides = array<i32>} : memref<1x8x16416xf32, #tpu.memory_space<vmem>>, vector<1x1x275xf32>,
    %slice3A_1945 = vector.extract_strided_slice %get3A_3 {offsets = [238, 238], sizes = [1, 274], strides = [1, 1]} : vector<512x512xf32> to vector<1x274xf32>
    %squeeze3A_1946 = vector.shape_cast %slice3A_1945 : vector<1x274xf32> to vector<274xf32>
    %swap3A_1947 = arith.constant 0 : index
    %swap3A_1948 = arith.constant 5 : index
    %swap3A_1949 = arith.constant 11573 : index
    %swap3A_1950 = vector.load %arg3[%swap3A_1947, %swap3A_1948, %swap3A_1949] : memref<1x8x16416xf32, #tpu.memory_space<vmem>>, vector<1x1x274xf32>
    %swap3A_1951 = vector.shape_cast %swap3A_1950 : vector<1x1x274xf32> to vector<274xf32>
    %swap3A_1952 = vector.shape_cast %squeeze3A_1946 : vector<274xf32> to vector<1x1x274xf32>
    tpu.vector_store %arg3[%swap3A_1947, %swap3A_1948, %swap3A_1949], %swap3A_1952 {strides = array<i32>} : memref<1x8x16416xf32, #tpu.memory_space<vmem>>, vector<1x1x274xf32>,
    %slice3A_1953 = vector.extract_strided_slice %get3A_3 {offsets = [239, 239], sizes = [1, 273], strides = [1, 1]} : vector<512x512xf32> to vector<1x273xf32>
    %squeeze3A_1954 = vector.shape_cast %slice3A_1953 : vector<1x273xf32> to vector<273xf32>
    %swap3A_1955 = arith.constant 0 : index
    %swap3A_1956 = arith.constant 5 : index
    %swap3A_1957 = arith.constant 11847 : index
    %swap3A_1958 = vector.load %arg3[%swap3A_1955, %swap3A_1956, %swap3A_1957] : memref<1x8x16416xf32, #tpu.memory_space<vmem>>, vector<1x1x273xf32>
    %swap3A_1959 = vector.shape_cast %swap3A_1958 : vector<1x1x273xf32> to vector<273xf32>
    %swap3A_1960 = vector.shape_cast %squeeze3A_1954 : vector<273xf32> to vector<1x1x273xf32>
    tpu.vector_store %arg3[%swap3A_1955, %swap3A_1956, %swap3A_1957], %swap3A_1960 {strides = array<i32>} : memref<1x8x16416xf32, #tpu.memory_space<vmem>>, vector<1x1x273xf32>,
    %slice3A_1961 = vector.extract_strided_slice %get3A_3 {offsets = [240, 240], sizes = [1, 272], strides = [1, 1]} : vector<512x512xf32> to vector<1x272xf32>
    %squeeze3A_1962 = vector.shape_cast %slice3A_1961 : vector<1x272xf32> to vector<272xf32>
    %swap3A_1963 = arith.constant 0 : index
    %swap3A_1964 = arith.constant 5 : index
    %swap3A_1965 = arith.constant 12120 : index
    %swap3A_1966 = vector.load %arg3[%swap3A_1963, %swap3A_1964, %swap3A_1965] : memref<1x8x16416xf32, #tpu.memory_space<vmem>>, vector<1x1x272xf32>
    %swap3A_1967 = vector.shape_cast %swap3A_1966 : vector<1x1x272xf32> to vector<272xf32>
    %swap3A_1968 = vector.shape_cast %squeeze3A_1962 : vector<272xf32> to vector<1x1x272xf32>
    tpu.vector_store %arg3[%swap3A_1963, %swap3A_1964, %swap3A_1965], %swap3A_1968 {strides = array<i32>} : memref<1x8x16416xf32, #tpu.memory_space<vmem>>, vector<1x1x272xf32>,
    %slice3A_1969 = vector.extract_strided_slice %get3A_3 {offsets = [241, 241], sizes = [1, 271], strides = [1, 1]} : vector<512x512xf32> to vector<1x271xf32>
    %squeeze3A_1970 = vector.shape_cast %slice3A_1969 : vector<1x271xf32> to vector<271xf32>
    %swap3A_1971 = arith.constant 0 : index
    %swap3A_1972 = arith.constant 5 : index
    %swap3A_1973 = arith.constant 12392 : index
    %swap3A_1974 = vector.load %arg3[%swap3A_1971, %swap3A_1972, %swap3A_1973] : memref<1x8x16416xf32, #tpu.memory_space<vmem>>, vector<1x1x271xf32>
    %swap3A_1975 = vector.shape_cast %swap3A_1974 : vector<1x1x271xf32> to vector<271xf32>
    %swap3A_1976 = vector.shape_cast %squeeze3A_1970 : vector<271xf32> to vector<1x1x271xf32>
    tpu.vector_store %arg3[%swap3A_1971, %swap3A_1972, %swap3A_1973], %swap3A_1976 {strides = array<i32>} : memref<1x8x16416xf32, #tpu.memory_space<vmem>>, vector<1x1x271xf32>,
    %slice3A_1977 = vector.extract_strided_slice %get3A_3 {offsets = [242, 242], sizes = [1, 270], strides = [1, 1]} : vector<512x512xf32> to vector<1x270xf32>
    %squeeze3A_1978 = vector.shape_cast %slice3A_1977 : vector<1x270xf32> to vector<270xf32>
    %swap3A_1979 = arith.constant 0 : index
    %swap3A_1980 = arith.constant 5 : index
    %swap3A_1981 = arith.constant 12663 : index
    %swap3A_1982 = vector.load %arg3[%swap3A_1979, %swap3A_1980, %swap3A_1981] : memref<1x8x16416xf32, #tpu.memory_space<vmem>>, vector<1x1x270xf32>
    %swap3A_1983 = vector.shape_cast %swap3A_1982 : vector<1x1x270xf32> to vector<270xf32>
    %swap3A_1984 = vector.shape_cast %squeeze3A_1978 : vector<270xf32> to vector<1x1x270xf32>
    tpu.vector_store %arg3[%swap3A_1979, %swap3A_1980, %swap3A_1981], %swap3A_1984 {strides = array<i32>} : memref<1x8x16416xf32, #tpu.memory_space<vmem>>, vector<1x1x270xf32>,
    %slice3A_1985 = vector.extract_strided_slice %get3A_3 {offsets = [243, 243], sizes = [1, 269], strides = [1, 1]} : vector<512x512xf32> to vector<1x269xf32>
    %squeeze3A_1986 = vector.shape_cast %slice3A_1985 : vector<1x269xf32> to vector<269xf32>
    %swap3A_1987 = arith.constant 0 : index
    %swap3A_1988 = arith.constant 5 : index
    %swap3A_1989 = arith.constant 12933 : index
    %swap3A_1990 = vector.load %arg3[%swap3A_1987, %swap3A_1988, %swap3A_1989] : memref<1x8x16416xf32, #tpu.memory_space<vmem>>, vector<1x1x269xf32>
    %swap3A_1991 = vector.shape_cast %swap3A_1990 : vector<1x1x269xf32> to vector<269xf32>
    %swap3A_1992 = vector.shape_cast %squeeze3A_1986 : vector<269xf32> to vector<1x1x269xf32>
    tpu.vector_store %arg3[%swap3A_1987, %swap3A_1988, %swap3A_1989], %swap3A_1992 {strides = array<i32>} : memref<1x8x16416xf32, #tpu.memory_space<vmem>>, vector<1x1x269xf32>,
    %slice3A_1993 = vector.extract_strided_slice %get3A_3 {offsets = [244, 244], sizes = [1, 268], strides = [1, 1]} : vector<512x512xf32> to vector<1x268xf32>
    %squeeze3A_1994 = vector.shape_cast %slice3A_1993 : vector<1x268xf32> to vector<268xf32>
    %swap3A_1995 = arith.constant 0 : index
    %swap3A_1996 = arith.constant 5 : index
    %swap3A_1997 = arith.constant 13202 : index
    %swap3A_1998 = vector.load %arg3[%swap3A_1995, %swap3A_1996, %swap3A_1997] : memref<1x8x16416xf32, #tpu.memory_space<vmem>>, vector<1x1x268xf32>
    %swap3A_1999 = vector.shape_cast %swap3A_1998 : vector<1x1x268xf32> to vector<268xf32>
    %swap3A_2000 = vector.shape_cast %squeeze3A_1994 : vector<268xf32> to vector<1x1x268xf32>
    tpu.vector_store %arg3[%swap3A_1995, %swap3A_1996, %swap3A_1997], %swap3A_2000 {strides = array<i32>} : memref<1x8x16416xf32, #tpu.memory_space<vmem>>, vector<1x1x268xf32>,
    %slice3A_2001 = vector.extract_strided_slice %get3A_3 {offsets = [245, 245], sizes = [1, 267], strides = [1, 1]} : vector<512x512xf32> to vector<1x267xf32>
    %squeeze3A_2002 = vector.shape_cast %slice3A_2001 : vector<1x267xf32> to vector<267xf32>
    %swap3A_2003 = arith.constant 0 : index
    %swap3A_2004 = arith.constant 5 : index
    %swap3A_2005 = arith.constant 13470 : index
    %swap3A_2006 = vector.load %arg3[%swap3A_2003, %swap3A_2004, %swap3A_2005] : memref<1x8x16416xf32, #tpu.memory_space<vmem>>, vector<1x1x267xf32>
    %swap3A_2007 = vector.shape_cast %swap3A_2006 : vector<1x1x267xf32> to vector<267xf32>
    %swap3A_2008 = vector.shape_cast %squeeze3A_2002 : vector<267xf32> to vector<1x1x267xf32>
    tpu.vector_store %arg3[%swap3A_2003, %swap3A_2004, %swap3A_2005], %swap3A_2008 {strides = array<i32>} : memref<1x8x16416xf32, #tpu.memory_space<vmem>>, vector<1x1x267xf32>,
    %slice3A_2009 = vector.extract_strided_slice %get3A_3 {offsets = [246, 246], sizes = [1, 266], strides = [1, 1]} : vector<512x512xf32> to vector<1x266xf32>
    %squeeze3A_2010 = vector.shape_cast %slice3A_2009 : vector<1x266xf32> to vector<266xf32>
    %swap3A_2011 = arith.constant 0 : index
    %swap3A_2012 = arith.constant 5 : index
    %swap3A_2013 = arith.constant 13737 : index
    %swap3A_2014 = vector.load %arg3[%swap3A_2011, %swap3A_2012, %swap3A_2013] : memref<1x8x16416xf32, #tpu.memory_space<vmem>>, vector<1x1x266xf32>
    %swap3A_2015 = vector.shape_cast %swap3A_2014 : vector<1x1x266xf32> to vector<266xf32>
    %swap3A_2016 = vector.shape_cast %squeeze3A_2010 : vector<266xf32> to vector<1x1x266xf32>
    tpu.vector_store %arg3[%swap3A_2011, %swap3A_2012, %swap3A_2013], %swap3A_2016 {strides = array<i32>} : memref<1x8x16416xf32, #tpu.memory_space<vmem>>, vector<1x1x266xf32>,
    %slice3A_2017 = vector.extract_strided_slice %get3A_3 {offsets = [247, 247], sizes = [1, 265], strides = [1, 1]} : vector<512x512xf32> to vector<1x265xf32>
    %squeeze3A_2018 = vector.shape_cast %slice3A_2017 : vector<1x265xf32> to vector<265xf32>
    %swap3A_2019 = arith.constant 0 : index
    %swap3A_2020 = arith.constant 5 : index
    %swap3A_2021 = arith.constant 14003 : index
    %swap3A_2022 = vector.load %arg3[%swap3A_2019, %swap3A_2020, %swap3A_2021] : memref<1x8x16416xf32, #tpu.memory_space<vmem>>, vector<1x1x265xf32>
    %swap3A_2023 = vector.shape_cast %swap3A_2022 : vector<1x1x265xf32> to vector<265xf32>
    %swap3A_2024 = vector.shape_cast %squeeze3A_2018 : vector<265xf32> to vector<1x1x265xf32>
    tpu.vector_store %arg3[%swap3A_2019, %swap3A_2020, %swap3A_2021], %swap3A_2024 {strides = array<i32>} : memref<1x8x16416xf32, #tpu.memory_space<vmem>>, vector<1x1x265xf32>,
    %slice3A_2025 = vector.extract_strided_slice %get3A_3 {offsets = [248, 248], sizes = [1, 264], strides = [1, 1]} : vector<512x512xf32> to vector<1x264xf32>
    %squeeze3A_2026 = vector.shape_cast %slice3A_2025 : vector<1x264xf32> to vector<264xf32>
    %swap3A_2027 = arith.constant 0 : index
    %swap3A_2028 = arith.constant 5 : index
    %swap3A_2029 = arith.constant 14268 : index
    %swap3A_2030 = vector.load %arg3[%swap3A_2027, %swap3A_2028, %swap3A_2029] : memref<1x8x16416xf32, #tpu.memory_space<vmem>>, vector<1x1x264xf32>
    %swap3A_2031 = vector.shape_cast %swap3A_2030 : vector<1x1x264xf32> to vector<264xf32>
    %swap3A_2032 = vector.shape_cast %squeeze3A_2026 : vector<264xf32> to vector<1x1x264xf32>
    tpu.vector_store %arg3[%swap3A_2027, %swap3A_2028, %swap3A_2029], %swap3A_2032 {strides = array<i32>} : memref<1x8x16416xf32, #tpu.memory_space<vmem>>, vector<1x1x264xf32>,
    %slice3A_2033 = vector.extract_strided_slice %get3A_3 {offsets = [249, 249], sizes = [1, 263], strides = [1, 1]} : vector<512x512xf32> to vector<1x263xf32>
    %squeeze3A_2034 = vector.shape_cast %slice3A_2033 : vector<1x263xf32> to vector<263xf32>
    %swap3A_2035 = arith.constant 0 : index
    %swap3A_2036 = arith.constant 5 : index
    %swap3A_2037 = arith.constant 14532 : index
    %swap3A_2038 = vector.load %arg3[%swap3A_2035, %swap3A_2036, %swap3A_2037] : memref<1x8x16416xf32, #tpu.memory_space<vmem>>, vector<1x1x263xf32>
    %swap3A_2039 = vector.shape_cast %swap3A_2038 : vector<1x1x263xf32> to vector<263xf32>
    %swap3A_2040 = vector.shape_cast %squeeze3A_2034 : vector<263xf32> to vector<1x1x263xf32>
    tpu.vector_store %arg3[%swap3A_2035, %swap3A_2036, %swap3A_2037], %swap3A_2040 {strides = array<i32>} : memref<1x8x16416xf32, #tpu.memory_space<vmem>>, vector<1x1x263xf32>,
    %slice3A_2041 = vector.extract_strided_slice %get3A_3 {offsets = [250, 250], sizes = [1, 262], strides = [1, 1]} : vector<512x512xf32> to vector<1x262xf32>
    %squeeze3A_2042 = vector.shape_cast %slice3A_2041 : vector<1x262xf32> to vector<262xf32>
    %swap3A_2043 = arith.constant 0 : index
    %swap3A_2044 = arith.constant 5 : index
    %swap3A_2045 = arith.constant 14795 : index
    %swap3A_2046 = vector.load %arg3[%swap3A_2043, %swap3A_2044, %swap3A_2045] : memref<1x8x16416xf32, #tpu.memory_space<vmem>>, vector<1x1x262xf32>
    %swap3A_2047 = vector.shape_cast %swap3A_2046 : vector<1x1x262xf32> to vector<262xf32>
    %swap3A_2048 = vector.shape_cast %squeeze3A_2042 : vector<262xf32> to vector<1x1x262xf32>
    tpu.vector_store %arg3[%swap3A_2043, %swap3A_2044, %swap3A_2045], %swap3A_2048 {strides = array<i32>} : memref<1x8x16416xf32, #tpu.memory_space<vmem>>, vector<1x1x262xf32>,
    %slice3A_2049 = vector.extract_strided_slice %get3A_3 {offsets = [251, 251], sizes = [1, 261], strides = [1, 1]} : vector<512x512xf32> to vector<1x261xf32>
    %squeeze3A_2050 = vector.shape_cast %slice3A_2049 : vector<1x261xf32> to vector<261xf32>
    %swap3A_2051 = arith.constant 0 : index
    %swap3A_2052 = arith.constant 5 : index
    %swap3A_2053 = arith.constant 15057 : index
    %swap3A_2054 = vector.load %arg3[%swap3A_2051, %swap3A_2052, %swap3A_2053] : memref<1x8x16416xf32, #tpu.memory_space<vmem>>, vector<1x1x261xf32>
    %swap3A_2055 = vector.shape_cast %swap3A_2054 : vector<1x1x261xf32> to vector<261xf32>
    %swap3A_2056 = vector.shape_cast %squeeze3A_2050 : vector<261xf32> to vector<1x1x261xf32>
    tpu.vector_store %arg3[%swap3A_2051, %swap3A_2052, %swap3A_2053], %swap3A_2056 {strides = array<i32>} : memref<1x8x16416xf32, #tpu.memory_space<vmem>>, vector<1x1x261xf32>,
    %slice3A_2057 = vector.extract_strided_slice %get3A_3 {offsets = [252, 252], sizes = [1, 260], strides = [1, 1]} : vector<512x512xf32> to vector<1x260xf32>
    %squeeze3A_2058 = vector.shape_cast %slice3A_2057 : vector<1x260xf32> to vector<260xf32>
    %swap3A_2059 = arith.constant 0 : index
    %swap3A_2060 = arith.constant 5 : index
    %swap3A_2061 = arith.constant 15318 : index
    %swap3A_2062 = vector.load %arg3[%swap3A_2059, %swap3A_2060, %swap3A_2061] : memref<1x8x16416xf32, #tpu.memory_space<vmem>>, vector<1x1x260xf32>
    %swap3A_2063 = vector.shape_cast %swap3A_2062 : vector<1x1x260xf32> to vector<260xf32>
    %swap3A_2064 = vector.shape_cast %squeeze3A_2058 : vector<260xf32> to vector<1x1x260xf32>
    tpu.vector_store %arg3[%swap3A_2059, %swap3A_2060, %swap3A_2061], %swap3A_2064 {strides = array<i32>} : memref<1x8x16416xf32, #tpu.memory_space<vmem>>, vector<1x1x260xf32>,
    %slice3A_2065 = vector.extract_strided_slice %get3A_3 {offsets = [253, 253], sizes = [1, 259], strides = [1, 1]} : vector<512x512xf32> to vector<1x259xf32>
    %squeeze3A_2066 = vector.shape_cast %slice3A_2065 : vector<1x259xf32> to vector<259xf32>
    %swap3A_2067 = arith.constant 0 : index
    %swap3A_2068 = arith.constant 5 : index
    %swap3A_2069 = arith.constant 15578 : index
    %swap3A_2070 = vector.load %arg3[%swap3A_2067, %swap3A_2068, %swap3A_2069] : memref<1x8x16416xf32, #tpu.memory_space<vmem>>, vector<1x1x259xf32>
    %swap3A_2071 = vector.shape_cast %swap3A_2070 : vector<1x1x259xf32> to vector<259xf32>
    %swap3A_2072 = vector.shape_cast %squeeze3A_2066 : vector<259xf32> to vector<1x1x259xf32>
    tpu.vector_store %arg3[%swap3A_2067, %swap3A_2068, %swap3A_2069], %swap3A_2072 {strides = array<i32>} : memref<1x8x16416xf32, #tpu.memory_space<vmem>>, vector<1x1x259xf32>,
    %slice3A_2073 = vector.extract_strided_slice %get3A_3 {offsets = [254, 254], sizes = [1, 258], strides = [1, 1]} : vector<512x512xf32> to vector<1x258xf32>
    %squeeze3A_2074 = vector.shape_cast %slice3A_2073 : vector<1x258xf32> to vector<258xf32>
    %swap3A_2075 = arith.constant 0 : index
    %swap3A_2076 = arith.constant 5 : index
    %swap3A_2077 = arith.constant 15837 : index
    %swap3A_2078 = vector.load %arg3[%swap3A_2075, %swap3A_2076, %swap3A_2077] : memref<1x8x16416xf32, #tpu.memory_space<vmem>>, vector<1x1x258xf32>
    %swap3A_2079 = vector.shape_cast %swap3A_2078 : vector<1x1x258xf32> to vector<258xf32>
    %swap3A_2080 = vector.shape_cast %squeeze3A_2074 : vector<258xf32> to vector<1x1x258xf32>
    tpu.vector_store %arg3[%swap3A_2075, %swap3A_2076, %swap3A_2077], %swap3A_2080 {strides = array<i32>} : memref<1x8x16416xf32, #tpu.memory_space<vmem>>, vector<1x1x258xf32>,
    %slice3A_2081 = vector.extract_strided_slice %get3A_3 {offsets = [255, 255], sizes = [1, 257], strides = [1, 1]} : vector<512x512xf32> to vector<1x257xf32>
    %squeeze3A_2082 = vector.shape_cast %slice3A_2081 : vector<1x257xf32> to vector<257xf32>
    %swap3A_2083 = arith.constant 0 : index
    %swap3A_2084 = arith.constant 5 : index
    %swap3A_2085 = arith.constant 16095 : index
    %swap3A_2086 = vector.load %arg3[%swap3A_2083, %swap3A_2084, %swap3A_2085] : memref<1x8x16416xf32, #tpu.memory_space<vmem>>, vector<1x1x257xf32>
    %swap3A_2087 = vector.shape_cast %swap3A_2086 : vector<1x1x257xf32> to vector<257xf32>
    %swap3A_2088 = vector.shape_cast %squeeze3A_2082 : vector<257xf32> to vector<1x1x257xf32>
    tpu.vector_store %arg3[%swap3A_2083, %swap3A_2084, %swap3A_2085], %swap3A_2088 {strides = array<i32>} : memref<1x8x16416xf32, #tpu.memory_space<vmem>>, vector<1x1x257xf32>,
    %slice3A_2089 = vector.extract_strided_slice %get3A_3 {offsets = [256, 256], sizes = [1, 64], strides = [1, 1]} : vector<512x512xf32> to vector<1x64xf32>
    %squeeze3A_2090 = vector.shape_cast %slice3A_2089 : vector<1x64xf32> to vector<64xf32>
    %swap3A_2091 = arith.constant 0 : index
    %swap3A_2092 = arith.constant 5 : index
    %swap3A_2093 = arith.constant 16352 : index
    %swap3A_2094 = vector.load %arg3[%swap3A_2091, %swap3A_2092, %swap3A_2093] : memref<1x8x16416xf32, #tpu.memory_space<vmem>>, vector<1x1x64xf32>
    %swap3A_2095 = vector.shape_cast %swap3A_2094 : vector<1x1x64xf32> to vector<64xf32>
    %swap3A_2096 = vector.shape_cast %squeeze3A_2090 : vector<64xf32> to vector<1x1x64xf32>
    tpu.vector_store %arg3[%swap3A_2091, %swap3A_2092, %swap3A_2093], %swap3A_2096 {strides = array<i32>} : memref<1x8x16416xf32, #tpu.memory_space<vmem>>, vector<1x1x64xf32>,
    %slice3A_2097 = vector.extract_strided_slice %get3A_3 {offsets = [256, 320], sizes = [1, 192], strides = [1, 1]} : vector<512x512xf32> to vector<1x192xf32>
    %squeeze3A_2098 = vector.shape_cast %slice3A_2097 : vector<1x192xf32> to vector<192xf32>
    %swap3A_2099 = arith.constant 0 : index
    %swap3A_2100 = arith.constant 6 : index
    %swap3A_2101 = arith.constant 0 : index
    %swap3A_2102 = vector.load %arg3[%swap3A_2099, %swap3A_2100, %swap3A_2101] : memref<1x8x16416xf32, #tpu.memory_space<vmem>>, vector<1x1x192xf32>
    %swap3A_2103 = vector.shape_cast %swap3A_2102 : vector<1x1x192xf32> to vector<192xf32>
    %swap3A_2104 = vector.shape_cast %squeeze3A_2098 : vector<192xf32> to vector<1x1x192xf32>
    tpu.vector_store %arg3[%swap3A_2099, %swap3A_2100, %swap3A_2101], %swap3A_2104 {strides = array<i32>} : memref<1x8x16416xf32, #tpu.memory_space<vmem>>, vector<1x1x192xf32>,
    %slice3A_2105 = vector.extract_strided_slice %get3A_3 {offsets = [257, 257], sizes = [1, 255], strides = [1, 1]} : vector<512x512xf32> to vector<1x255xf32>
    %squeeze3A_2106 = vector.shape_cast %slice3A_2105 : vector<1x255xf32> to vector<255xf32>
    %swap3A_2107 = arith.constant 0 : index
    %swap3A_2108 = arith.constant 6 : index
    %swap3A_2109 = arith.constant 192 : index
    %swap3A_2110 = vector.load %arg3[%swap3A_2107, %swap3A_2108, %swap3A_2109] : memref<1x8x16416xf32, #tpu.memory_space<vmem>>, vector<1x1x255xf32>
    %swap3A_2111 = vector.shape_cast %swap3A_2110 : vector<1x1x255xf32> to vector<255xf32>
    %swap3A_2112 = vector.shape_cast %squeeze3A_2106 : vector<255xf32> to vector<1x1x255xf32>
    tpu.vector_store %arg3[%swap3A_2107, %swap3A_2108, %swap3A_2109], %swap3A_2112 {strides = array<i32>} : memref<1x8x16416xf32, #tpu.memory_space<vmem>>, vector<1x1x255xf32>,
    %slice3A_2113 = vector.extract_strided_slice %get3A_3 {offsets = [258, 258], sizes = [1, 254], strides = [1, 1]} : vector<512x512xf32> to vector<1x254xf32>
    %squeeze3A_2114 = vector.shape_cast %slice3A_2113 : vector<1x254xf32> to vector<254xf32>
    %swap3A_2115 = arith.constant 0 : index
    %swap3A_2116 = arith.constant 6 : index
    %swap3A_2117 = arith.constant 447 : index
    %swap3A_2118 = vector.load %arg3[%swap3A_2115, %swap3A_2116, %swap3A_2117] : memref<1x8x16416xf32, #tpu.memory_space<vmem>>, vector<1x1x254xf32>
    %swap3A_2119 = vector.shape_cast %swap3A_2118 : vector<1x1x254xf32> to vector<254xf32>
    %swap3A_2120 = vector.shape_cast %squeeze3A_2114 : vector<254xf32> to vector<1x1x254xf32>
    tpu.vector_store %arg3[%swap3A_2115, %swap3A_2116, %swap3A_2117], %swap3A_2120 {strides = array<i32>} : memref<1x8x16416xf32, #tpu.memory_space<vmem>>, vector<1x1x254xf32>,
    %slice3A_2121 = vector.extract_strided_slice %get3A_3 {offsets = [259, 259], sizes = [1, 253], strides = [1, 1]} : vector<512x512xf32> to vector<1x253xf32>
    %squeeze3A_2122 = vector.shape_cast %slice3A_2121 : vector<1x253xf32> to vector<253xf32>
    %swap3A_2123 = arith.constant 0 : index
    %swap3A_2124 = arith.constant 6 : index
    %swap3A_2125 = arith.constant 701 : index
    %swap3A_2126 = vector.load %arg3[%swap3A_2123, %swap3A_2124, %swap3A_2125] : memref<1x8x16416xf32, #tpu.memory_space<vmem>>, vector<1x1x253xf32>
    %swap3A_2127 = vector.shape_cast %swap3A_2126 : vector<1x1x253xf32> to vector<253xf32>
    %swap3A_2128 = vector.shape_cast %squeeze3A_2122 : vector<253xf32> to vector<1x1x253xf32>
    tpu.vector_store %arg3[%swap3A_2123, %swap3A_2124, %swap3A_2125], %swap3A_2128 {strides = array<i32>} : memref<1x8x16416xf32, #tpu.memory_space<vmem>>, vector<1x1x253xf32>,
    %slice3A_2129 = vector.extract_strided_slice %get3A_3 {offsets = [260, 260], sizes = [1, 252], strides = [1, 1]} : vector<512x512xf32> to vector<1x252xf32>
    %squeeze3A_2130 = vector.shape_cast %slice3A_2129 : vector<1x252xf32> to vector<252xf32>
    %swap3A_2131 = arith.constant 0 : index
    %swap3A_2132 = arith.constant 6 : index
    %swap3A_2133 = arith.constant 954 : index
    %swap3A_2134 = vector.load %arg3[%swap3A_2131, %swap3A_2132, %swap3A_2133] : memref<1x8x16416xf32, #tpu.memory_space<vmem>>, vector<1x1x252xf32>
    %swap3A_2135 = vector.shape_cast %swap3A_2134 : vector<1x1x252xf32> to vector<252xf32>
    %swap3A_2136 = vector.shape_cast %squeeze3A_2130 : vector<252xf32> to vector<1x1x252xf32>
    tpu.vector_store %arg3[%swap3A_2131, %swap3A_2132, %swap3A_2133], %swap3A_2136 {strides = array<i32>} : memref<1x8x16416xf32, #tpu.memory_space<vmem>>, vector<1x1x252xf32>,
    %slice3A_2137 = vector.extract_strided_slice %get3A_3 {offsets = [261, 261], sizes = [1, 251], strides = [1, 1]} : vector<512x512xf32> to vector<1x251xf32>
    %squeeze3A_2138 = vector.shape_cast %slice3A_2137 : vector<1x251xf32> to vector<251xf32>
    %swap3A_2139 = arith.constant 0 : index
    %swap3A_2140 = arith.constant 6 : index
    %swap3A_2141 = arith.constant 1206 : index
    %swap3A_2142 = vector.load %arg3[%swap3A_2139, %swap3A_2140, %swap3A_2141] : memref<1x8x16416xf32, #tpu.memory_space<vmem>>, vector<1x1x251xf32>
    %swap3A_2143 = vector.shape_cast %swap3A_2142 : vector<1x1x251xf32> to vector<251xf32>
    %swap3A_2144 = vector.shape_cast %squeeze3A_2138 : vector<251xf32> to vector<1x1x251xf32>
    tpu.vector_store %arg3[%swap3A_2139, %swap3A_2140, %swap3A_2141], %swap3A_2144 {strides = array<i32>} : memref<1x8x16416xf32, #tpu.memory_space<vmem>>, vector<1x1x251xf32>,
    %slice3A_2145 = vector.extract_strided_slice %get3A_3 {offsets = [262, 262], sizes = [1, 250], strides = [1, 1]} : vector<512x512xf32> to vector<1x250xf32>
    %squeeze3A_2146 = vector.shape_cast %slice3A_2145 : vector<1x250xf32> to vector<250xf32>
    %swap3A_2147 = arith.constant 0 : index
    %swap3A_2148 = arith.constant 6 : index
    %swap3A_2149 = arith.constant 1457 : index
    %swap3A_2150 = vector.load %arg3[%swap3A_2147, %swap3A_2148, %swap3A_2149] : memref<1x8x16416xf32, #tpu.memory_space<vmem>>, vector<1x1x250xf32>
    %swap3A_2151 = vector.shape_cast %swap3A_2150 : vector<1x1x250xf32> to vector<250xf32>
    %swap3A_2152 = vector.shape_cast %squeeze3A_2146 : vector<250xf32> to vector<1x1x250xf32>
    tpu.vector_store %arg3[%swap3A_2147, %swap3A_2148, %swap3A_2149], %swap3A_2152 {strides = array<i32>} : memref<1x8x16416xf32, #tpu.memory_space<vmem>>, vector<1x1x250xf32>,
    %slice3A_2153 = vector.extract_strided_slice %get3A_3 {offsets = [263, 263], sizes = [1, 249], strides = [1, 1]} : vector<512x512xf32> to vector<1x249xf32>
    %squeeze3A_2154 = vector.shape_cast %slice3A_2153 : vector<1x249xf32> to vector<249xf32>
    %swap3A_2155 = arith.constant 0 : index
    %swap3A_2156 = arith.constant 6 : index
    %swap3A_2157 = arith.constant 1707 : index
    %swap3A_2158 = vector.load %arg3[%swap3A_2155, %swap3A_2156, %swap3A_2157] : memref<1x8x16416xf32, #tpu.memory_space<vmem>>, vector<1x1x249xf32>
    %swap3A_2159 = vector.shape_cast %swap3A_2158 : vector<1x1x249xf32> to vector<249xf32>
    %swap3A_2160 = vector.shape_cast %squeeze3A_2154 : vector<249xf32> to vector<1x1x249xf32>
    tpu.vector_store %arg3[%swap3A_2155, %swap3A_2156, %swap3A_2157], %swap3A_2160 {strides = array<i32>} : memref<1x8x16416xf32, #tpu.memory_space<vmem>>, vector<1x1x249xf32>,
    %slice3A_2161 = vector.extract_strided_slice %get3A_3 {offsets = [264, 264], sizes = [1, 248], strides = [1, 1]} : vector<512x512xf32> to vector<1x248xf32>
    %squeeze3A_2162 = vector.shape_cast %slice3A_2161 : vector<1x248xf32> to vector<248xf32>
    %swap3A_2163 = arith.constant 0 : index
    %swap3A_2164 = arith.constant 6 : index
    %swap3A_2165 = arith.constant 1956 : index
    %swap3A_2166 = vector.load %arg3[%swap3A_2163, %swap3A_2164, %swap3A_2165] : memref<1x8x16416xf32, #tpu.memory_space<vmem>>, vector<1x1x248xf32>
    %swap3A_2167 = vector.shape_cast %swap3A_2166 : vector<1x1x248xf32> to vector<248xf32>
    %swap3A_2168 = vector.shape_cast %squeeze3A_2162 : vector<248xf32> to vector<1x1x248xf32>
    tpu.vector_store %arg3[%swap3A_2163, %swap3A_2164, %swap3A_2165], %swap3A_2168 {strides = array<i32>} : memref<1x8x16416xf32, #tpu.memory_space<vmem>>, vector<1x1x248xf32>,
    %slice3A_2169 = vector.extract_strided_slice %get3A_3 {offsets = [265, 265], sizes = [1, 247], strides = [1, 1]} : vector<512x512xf32> to vector<1x247xf32>
    %squeeze3A_2170 = vector.shape_cast %slice3A_2169 : vector<1x247xf32> to vector<247xf32>
    %swap3A_2171 = arith.constant 0 : index
    %swap3A_2172 = arith.constant 6 : index
    %swap3A_2173 = arith.constant 2204 : index
    %swap3A_2174 = vector.load %arg3[%swap3A_2171, %swap3A_2172, %swap3A_2173] : memref<1x8x16416xf32, #tpu.memory_space<vmem>>, vector<1x1x247xf32>
    %swap3A_2175 = vector.shape_cast %swap3A_2174 : vector<1x1x247xf32> to vector<247xf32>
    %swap3A_2176 = vector.shape_cast %squeeze3A_2170 : vector<247xf32> to vector<1x1x247xf32>
    tpu.vector_store %arg3[%swap3A_2171, %swap3A_2172, %swap3A_2173], %swap3A_2176 {strides = array<i32>} : memref<1x8x16416xf32, #tpu.memory_space<vmem>>, vector<1x1x247xf32>,
    %slice3A_2177 = vector.extract_strided_slice %get3A_3 {offsets = [266, 266], sizes = [1, 246], strides = [1, 1]} : vector<512x512xf32> to vector<1x246xf32>
    %squeeze3A_2178 = vector.shape_cast %slice3A_2177 : vector<1x246xf32> to vector<246xf32>
    %swap3A_2179 = arith.constant 0 : index
    %swap3A_2180 = arith.constant 6 : index
    %swap3A_2181 = arith.constant 2451 : index
    %swap3A_2182 = vector.load %arg3[%swap3A_2179, %swap3A_2180, %swap3A_2181] : memref<1x8x16416xf32, #tpu.memory_space<vmem>>, vector<1x1x246xf32>
    %swap3A_2183 = vector.shape_cast %swap3A_2182 : vector<1x1x246xf32> to vector<246xf32>
    %swap3A_2184 = vector.shape_cast %squeeze3A_2178 : vector<246xf32> to vector<1x1x246xf32>
    tpu.vector_store %arg3[%swap3A_2179, %swap3A_2180, %swap3A_2181], %swap3A_2184 {strides = array<i32>} : memref<1x8x16416xf32, #tpu.memory_space<vmem>>, vector<1x1x246xf32>,
    %slice3A_2185 = vector.extract_strided_slice %get3A_3 {offsets = [267, 267], sizes = [1, 245], strides = [1, 1]} : vector<512x512xf32> to vector<1x245xf32>
    %squeeze3A_2186 = vector.shape_cast %slice3A_2185 : vector<1x245xf32> to vector<245xf32>
    %swap3A_2187 = arith.constant 0 : index
    %swap3A_2188 = arith.constant 6 : index
    %swap3A_2189 = arith.constant 2697 : index
    %swap3A_2190 = vector.load %arg3[%swap3A_2187, %swap3A_2188, %swap3A_2189] : memref<1x8x16416xf32, #tpu.memory_space<vmem>>, vector<1x1x245xf32>
    %swap3A_2191 = vector.shape_cast %swap3A_2190 : vector<1x1x245xf32> to vector<245xf32>
    %swap3A_2192 = vector.shape_cast %squeeze3A_2186 : vector<245xf32> to vector<1x1x245xf32>
    tpu.vector_store %arg3[%swap3A_2187, %swap3A_2188, %swap3A_2189], %swap3A_2192 {strides = array<i32>} : memref<1x8x16416xf32, #tpu.memory_space<vmem>>, vector<1x1x245xf32>,
    %slice3A_2193 = vector.extract_strided_slice %get3A_3 {offsets = [268, 268], sizes = [1, 244], strides = [1, 1]} : vector<512x512xf32> to vector<1x244xf32>
    %squeeze3A_2194 = vector.shape_cast %slice3A_2193 : vector<1x244xf32> to vector<244xf32>
    %swap3A_2195 = arith.constant 0 : index
    %swap3A_2196 = arith.constant 6 : index
    %swap3A_2197 = arith.constant 2942 : index
    %swap3A_2198 = vector.load %arg3[%swap3A_2195, %swap3A_2196, %swap3A_2197] : memref<1x8x16416xf32, #tpu.memory_space<vmem>>, vector<1x1x244xf32>
    %swap3A_2199 = vector.shape_cast %swap3A_2198 : vector<1x1x244xf32> to vector<244xf32>
    %swap3A_2200 = vector.shape_cast %squeeze3A_2194 : vector<244xf32> to vector<1x1x244xf32>
    tpu.vector_store %arg3[%swap3A_2195, %swap3A_2196, %swap3A_2197], %swap3A_2200 {strides = array<i32>} : memref<1x8x16416xf32, #tpu.memory_space<vmem>>, vector<1x1x244xf32>,
    %slice3A_2201 = vector.extract_strided_slice %get3A_3 {offsets = [269, 269], sizes = [1, 243], strides = [1, 1]} : vector<512x512xf32> to vector<1x243xf32>
    %squeeze3A_2202 = vector.shape_cast %slice3A_2201 : vector<1x243xf32> to vector<243xf32>
    %swap3A_2203 = arith.constant 0 : index
    %swap3A_2204 = arith.constant 6 : index
    %swap3A_2205 = arith.constant 3186 : index
    %swap3A_2206 = vector.load %arg3[%swap3A_2203, %swap3A_2204, %swap3A_2205] : memref<1x8x16416xf32, #tpu.memory_space<vmem>>, vector<1x1x243xf32>
    %swap3A_2207 = vector.shape_cast %swap3A_2206 : vector<1x1x243xf32> to vector<243xf32>
    %swap3A_2208 = vector.shape_cast %squeeze3A_2202 : vector<243xf32> to vector<1x1x243xf32>
    tpu.vector_store %arg3[%swap3A_2203, %swap3A_2204, %swap3A_2205], %swap3A_2208 {strides = array<i32>} : memref<1x8x16416xf32, #tpu.memory_space<vmem>>, vector<1x1x243xf32>,
    %slice3A_2209 = vector.extract_strided_slice %get3A_3 {offsets = [270, 270], sizes = [1, 242], strides = [1, 1]} : vector<512x512xf32> to vector<1x242xf32>
    %squeeze3A_2210 = vector.shape_cast %slice3A_2209 : vector<1x242xf32> to vector<242xf32>
    %swap3A_2211 = arith.constant 0 : index
    %swap3A_2212 = arith.constant 6 : index
    %swap3A_2213 = arith.constant 3429 : index
    %swap3A_2214 = vector.load %arg3[%swap3A_2211, %swap3A_2212, %swap3A_2213] : memref<1x8x16416xf32, #tpu.memory_space<vmem>>, vector<1x1x242xf32>
    %swap3A_2215 = vector.shape_cast %swap3A_2214 : vector<1x1x242xf32> to vector<242xf32>
    %swap3A_2216 = vector.shape_cast %squeeze3A_2210 : vector<242xf32> to vector<1x1x242xf32>
    tpu.vector_store %arg3[%swap3A_2211, %swap3A_2212, %swap3A_2213], %swap3A_2216 {strides = array<i32>} : memref<1x8x16416xf32, #tpu.memory_space<vmem>>, vector<1x1x242xf32>,
    %slice3A_2217 = vector.extract_strided_slice %get3A_3 {offsets = [271, 271], sizes = [1, 241], strides = [1, 1]} : vector<512x512xf32> to vector<1x241xf32>
    %squeeze3A_2218 = vector.shape_cast %slice3A_2217 : vector<1x241xf32> to vector<241xf32>
    %swap3A_2219 = arith.constant 0 : index
    %swap3A_2220 = arith.constant 6 : index
    %swap3A_2221 = arith.constant 3671 : index
    %swap3A_2222 = vector.load %arg3[%swap3A_2219, %swap3A_2220, %swap3A_2221] : memref<1x8x16416xf32, #tpu.memory_space<vmem>>, vector<1x1x241xf32>
    %swap3A_2223 = vector.shape_cast %swap3A_2222 : vector<1x1x241xf32> to vector<241xf32>
    %swap3A_2224 = vector.shape_cast %squeeze3A_2218 : vector<241xf32> to vector<1x1x241xf32>
    tpu.vector_store %arg3[%swap3A_2219, %swap3A_2220, %swap3A_2221], %swap3A_2224 {strides = array<i32>} : memref<1x8x16416xf32, #tpu.memory_space<vmem>>, vector<1x1x241xf32>,
    %slice3A_2225 = vector.extract_strided_slice %get3A_3 {offsets = [272, 272], sizes = [1, 240], strides = [1, 1]} : vector<512x512xf32> to vector<1x240xf32>
    %squeeze3A_2226 = vector.shape_cast %slice3A_2225 : vector<1x240xf32> to vector<240xf32>
    %swap3A_2227 = arith.constant 0 : index
    %swap3A_2228 = arith.constant 6 : index
    %swap3A_2229 = arith.constant 3912 : index
    %swap3A_2230 = vector.load %arg3[%swap3A_2227, %swap3A_2228, %swap3A_2229] : memref<1x8x16416xf32, #tpu.memory_space<vmem>>, vector<1x1x240xf32>
    %swap3A_2231 = vector.shape_cast %swap3A_2230 : vector<1x1x240xf32> to vector<240xf32>
    %swap3A_2232 = vector.shape_cast %squeeze3A_2226 : vector<240xf32> to vector<1x1x240xf32>
    tpu.vector_store %arg3[%swap3A_2227, %swap3A_2228, %swap3A_2229], %swap3A_2232 {strides = array<i32>} : memref<1x8x16416xf32, #tpu.memory_space<vmem>>, vector<1x1x240xf32>,
    %slice3A_2233 = vector.extract_strided_slice %get3A_3 {offsets = [273, 273], sizes = [1, 239], strides = [1, 1]} : vector<512x512xf32> to vector<1x239xf32>
    %squeeze3A_2234 = vector.shape_cast %slice3A_2233 : vector<1x239xf32> to vector<239xf32>
    %swap3A_2235 = arith.constant 0 : index
    %swap3A_2236 = arith.constant 6 : index
    %swap3A_2237 = arith.constant 4152 : index
    %swap3A_2238 = vector.load %arg3[%swap3A_2235, %swap3A_2236, %swap3A_2237] : memref<1x8x16416xf32, #tpu.memory_space<vmem>>, vector<1x1x239xf32>
    %swap3A_2239 = vector.shape_cast %swap3A_2238 : vector<1x1x239xf32> to vector<239xf32>
    %swap3A_2240 = vector.shape_cast %squeeze3A_2234 : vector<239xf32> to vector<1x1x239xf32>
    tpu.vector_store %arg3[%swap3A_2235, %swap3A_2236, %swap3A_2237], %swap3A_2240 {strides = array<i32>} : memref<1x8x16416xf32, #tpu.memory_space<vmem>>, vector<1x1x239xf32>,
    %slice3A_2241 = vector.extract_strided_slice %get3A_3 {offsets = [274, 274], sizes = [1, 238], strides = [1, 1]} : vector<512x512xf32> to vector<1x238xf32>
    %squeeze3A_2242 = vector.shape_cast %slice3A_2241 : vector<1x238xf32> to vector<238xf32>
    %swap3A_2243 = arith.constant 0 : index
    %swap3A_2244 = arith.constant 6 : index
    %swap3A_2245 = arith.constant 4391 : index
    %swap3A_2246 = vector.load %arg3[%swap3A_2243, %swap3A_2244, %swap3A_2245] : memref<1x8x16416xf32, #tpu.memory_space<vmem>>, vector<1x1x238xf32>
    %swap3A_2247 = vector.shape_cast %swap3A_2246 : vector<1x1x238xf32> to vector<238xf32>
    %swap3A_2248 = vector.shape_cast %squeeze3A_2242 : vector<238xf32> to vector<1x1x238xf32>
    tpu.vector_store %arg3[%swap3A_2243, %swap3A_2244, %swap3A_2245], %swap3A_2248 {strides = array<i32>} : memref<1x8x16416xf32, #tpu.memory_space<vmem>>, vector<1x1x238xf32>,
    %slice3A_2249 = vector.extract_strided_slice %get3A_3 {offsets = [275, 275], sizes = [1, 237], strides = [1, 1]} : vector<512x512xf32> to vector<1x237xf32>
    %squeeze3A_2250 = vector.shape_cast %slice3A_2249 : vector<1x237xf32> to vector<237xf32>
    %swap3A_2251 = arith.constant 0 : index
    %swap3A_2252 = arith.constant 6 : index
    %swap3A_2253 = arith.constant 4629 : index
    %swap3A_2254 = vector.load %arg3[%swap3A_2251, %swap3A_2252, %swap3A_2253] : memref<1x8x16416xf32, #tpu.memory_space<vmem>>, vector<1x1x237xf32>
    %swap3A_2255 = vector.shape_cast %swap3A_2254 : vector<1x1x237xf32> to vector<237xf32>
    %swap3A_2256 = vector.shape_cast %squeeze3A_2250 : vector<237xf32> to vector<1x1x237xf32>
    tpu.vector_store %arg3[%swap3A_2251, %swap3A_2252, %swap3A_2253], %swap3A_2256 {strides = array<i32>} : memref<1x8x16416xf32, #tpu.memory_space<vmem>>, vector<1x1x237xf32>,
    %slice3A_2257 = vector.extract_strided_slice %get3A_3 {offsets = [276, 276], sizes = [1, 236], strides = [1, 1]} : vector<512x512xf32> to vector<1x236xf32>
    %squeeze3A_2258 = vector.shape_cast %slice3A_2257 : vector<1x236xf32> to vector<236xf32>
    %swap3A_2259 = arith.constant 0 : index
    %swap3A_2260 = arith.constant 6 : index
    %swap3A_2261 = arith.constant 4866 : index
    %swap3A_2262 = vector.load %arg3[%swap3A_2259, %swap3A_2260, %swap3A_2261] : memref<1x8x16416xf32, #tpu.memory_space<vmem>>, vector<1x1x236xf32>
    %swap3A_2263 = vector.shape_cast %swap3A_2262 : vector<1x1x236xf32> to vector<236xf32>
    %swap3A_2264 = vector.shape_cast %squeeze3A_2258 : vector<236xf32> to vector<1x1x236xf32>
    tpu.vector_store %arg3[%swap3A_2259, %swap3A_2260, %swap3A_2261], %swap3A_2264 {strides = array<i32>} : memref<1x8x16416xf32, #tpu.memory_space<vmem>>, vector<1x1x236xf32>,
    %slice3A_2265 = vector.extract_strided_slice %get3A_3 {offsets = [277, 277], sizes = [1, 235], strides = [1, 1]} : vector<512x512xf32> to vector<1x235xf32>
    %squeeze3A_2266 = vector.shape_cast %slice3A_2265 : vector<1x235xf32> to vector<235xf32>
    %swap3A_2267 = arith.constant 0 : index
    %swap3A_2268 = arith.constant 6 : index
    %swap3A_2269 = arith.constant 5102 : index
    %swap3A_2270 = vector.load %arg3[%swap3A_2267, %swap3A_2268, %swap3A_2269] : memref<1x8x16416xf32, #tpu.memory_space<vmem>>, vector<1x1x235xf32>
    %swap3A_2271 = vector.shape_cast %swap3A_2270 : vector<1x1x235xf32> to vector<235xf32>
    %swap3A_2272 = vector.shape_cast %squeeze3A_2266 : vector<235xf32> to vector<1x1x235xf32>
    tpu.vector_store %arg3[%swap3A_2267, %swap3A_2268, %swap3A_2269], %swap3A_2272 {strides = array<i32>} : memref<1x8x16416xf32, #tpu.memory_space<vmem>>, vector<1x1x235xf32>,
    %slice3A_2273 = vector.extract_strided_slice %get3A_3 {offsets = [278, 278], sizes = [1, 234], strides = [1, 1]} : vector<512x512xf32> to vector<1x234xf32>
    %squeeze3A_2274 = vector.shape_cast %slice3A_2273 : vector<1x234xf32> to vector<234xf32>
    %swap3A_2275 = arith.constant 0 : index
    %swap3A_2276 = arith.constant 6 : index
    %swap3A_2277 = arith.constant 5337 : index
    %swap3A_2278 = vector.load %arg3[%swap3A_2275, %swap3A_2276, %swap3A_2277] : memref<1x8x16416xf32, #tpu.memory_space<vmem>>, vector<1x1x234xf32>
    %swap3A_2279 = vector.shape_cast %swap3A_2278 : vector<1x1x234xf32> to vector<234xf32>
    %swap3A_2280 = vector.shape_cast %squeeze3A_2274 : vector<234xf32> to vector<1x1x234xf32>
    tpu.vector_store %arg3[%swap3A_2275, %swap3A_2276, %swap3A_2277], %swap3A_2280 {strides = array<i32>} : memref<1x8x16416xf32, #tpu.memory_space<vmem>>, vector<1x1x234xf32>,
    %slice3A_2281 = vector.extract_strided_slice %get3A_3 {offsets = [279, 279], sizes = [1, 233], strides = [1, 1]} : vector<512x512xf32> to vector<1x233xf32>
    %squeeze3A_2282 = vector.shape_cast %slice3A_2281 : vector<1x233xf32> to vector<233xf32>
    %swap3A_2283 = arith.constant 0 : index
    %swap3A_2284 = arith.constant 6 : index
    %swap3A_2285 = arith.constant 5571 : index
    %swap3A_2286 = vector.load %arg3[%swap3A_2283, %swap3A_2284, %swap3A_2285] : memref<1x8x16416xf32, #tpu.memory_space<vmem>>, vector<1x1x233xf32>
    %swap3A_2287 = vector.shape_cast %swap3A_2286 : vector<1x1x233xf32> to vector<233xf32>
    %swap3A_2288 = vector.shape_cast %squeeze3A_2282 : vector<233xf32> to vector<1x1x233xf32>
    tpu.vector_store %arg3[%swap3A_2283, %swap3A_2284, %swap3A_2285], %swap3A_2288 {strides = array<i32>} : memref<1x8x16416xf32, #tpu.memory_space<vmem>>, vector<1x1x233xf32>,
    %slice3A_2289 = vector.extract_strided_slice %get3A_3 {offsets = [280, 280], sizes = [1, 232], strides = [1, 1]} : vector<512x512xf32> to vector<1x232xf32>
    %squeeze3A_2290 = vector.shape_cast %slice3A_2289 : vector<1x232xf32> to vector<232xf32>
    %swap3A_2291 = arith.constant 0 : index
    %swap3A_2292 = arith.constant 6 : index
    %swap3A_2293 = arith.constant 5804 : index
    %swap3A_2294 = vector.load %arg3[%swap3A_2291, %swap3A_2292, %swap3A_2293] : memref<1x8x16416xf32, #tpu.memory_space<vmem>>, vector<1x1x232xf32>
    %swap3A_2295 = vector.shape_cast %swap3A_2294 : vector<1x1x232xf32> to vector<232xf32>
    %swap3A_2296 = vector.shape_cast %squeeze3A_2290 : vector<232xf32> to vector<1x1x232xf32>
    tpu.vector_store %arg3[%swap3A_2291, %swap3A_2292, %swap3A_2293], %swap3A_2296 {strides = array<i32>} : memref<1x8x16416xf32, #tpu.memory_space<vmem>>, vector<1x1x232xf32>,
    %slice3A_2297 = vector.extract_strided_slice %get3A_3 {offsets = [281, 281], sizes = [1, 231], strides = [1, 1]} : vector<512x512xf32> to vector<1x231xf32>
    %squeeze3A_2298 = vector.shape_cast %slice3A_2297 : vector<1x231xf32> to vector<231xf32>
    %swap3A_2299 = arith.constant 0 : index
    %swap3A_2300 = arith.constant 6 : index
    %swap3A_2301 = arith.constant 6036 : index
    %swap3A_2302 = vector.load %arg3[%swap3A_2299, %swap3A_2300, %swap3A_2301] : memref<1x8x16416xf32, #tpu.memory_space<vmem>>, vector<1x1x231xf32>
    %swap3A_2303 = vector.shape_cast %swap3A_2302 : vector<1x1x231xf32> to vector<231xf32>
    %swap3A_2304 = vector.shape_cast %squeeze3A_2298 : vector<231xf32> to vector<1x1x231xf32>
    tpu.vector_store %arg3[%swap3A_2299, %swap3A_2300, %swap3A_2301], %swap3A_2304 {strides = array<i32>} : memref<1x8x16416xf32, #tpu.memory_space<vmem>>, vector<1x1x231xf32>,
    %slice3A_2305 = vector.extract_strided_slice %get3A_3 {offsets = [282, 282], sizes = [1, 230], strides = [1, 1]} : vector<512x512xf32> to vector<1x230xf32>
    %squeeze3A_2306 = vector.shape_cast %slice3A_2305 : vector<1x230xf32> to vector<230xf32>
    %swap3A_2307 = arith.constant 0 : index
    %swap3A_2308 = arith.constant 6 : index
    %swap3A_2309 = arith.constant 6267 : index
    %swap3A_2310 = vector.load %arg3[%swap3A_2307, %swap3A_2308, %swap3A_2309] : memref<1x8x16416xf32, #tpu.memory_space<vmem>>, vector<1x1x230xf32>
    %swap3A_2311 = vector.shape_cast %swap3A_2310 : vector<1x1x230xf32> to vector<230xf32>
    %swap3A_2312 = vector.shape_cast %squeeze3A_2306 : vector<230xf32> to vector<1x1x230xf32>
    tpu.vector_store %arg3[%swap3A_2307, %swap3A_2308, %swap3A_2309], %swap3A_2312 {strides = array<i32>} : memref<1x8x16416xf32, #tpu.memory_space<vmem>>, vector<1x1x230xf32>,
    %slice3A_2313 = vector.extract_strided_slice %get3A_3 {offsets = [283, 283], sizes = [1, 229], strides = [1, 1]} : vector<512x512xf32> to vector<1x229xf32>
    %squeeze3A_2314 = vector.shape_cast %slice3A_2313 : vector<1x229xf32> to vector<229xf32>
    %swap3A_2315 = arith.constant 0 : index
    %swap3A_2316 = arith.constant 6 : index
    %swap3A_2317 = arith.constant 6497 : index
    %swap3A_2318 = vector.load %arg3[%swap3A_2315, %swap3A_2316, %swap3A_2317] : memref<1x8x16416xf32, #tpu.memory_space<vmem>>, vector<1x1x229xf32>
    %swap3A_2319 = vector.shape_cast %swap3A_2318 : vector<1x1x229xf32> to vector<229xf32>
    %swap3A_2320 = vector.shape_cast %squeeze3A_2314 : vector<229xf32> to vector<1x1x229xf32>
    tpu.vector_store %arg3[%swap3A_2315, %swap3A_2316, %swap3A_2317], %swap3A_2320 {strides = array<i32>} : memref<1x8x16416xf32, #tpu.memory_space<vmem>>, vector<1x1x229xf32>,
    %slice3A_2321 = vector.extract_strided_slice %get3A_3 {offsets = [284, 284], sizes = [1, 228], strides = [1, 1]} : vector<512x512xf32> to vector<1x228xf32>
    %squeeze3A_2322 = vector.shape_cast %slice3A_2321 : vector<1x228xf32> to vector<228xf32>
    %swap3A_2323 = arith.constant 0 : index
    %swap3A_2324 = arith.constant 6 : index
    %swap3A_2325 = arith.constant 6726 : index
    %swap3A_2326 = vector.load %arg3[%swap3A_2323, %swap3A_2324, %swap3A_2325] : memref<1x8x16416xf32, #tpu.memory_space<vmem>>, vector<1x1x228xf32>
    %swap3A_2327 = vector.shape_cast %swap3A_2326 : vector<1x1x228xf32> to vector<228xf32>
    %swap3A_2328 = vector.shape_cast %squeeze3A_2322 : vector<228xf32> to vector<1x1x228xf32>
    tpu.vector_store %arg3[%swap3A_2323, %swap3A_2324, %swap3A_2325], %swap3A_2328 {strides = array<i32>} : memref<1x8x16416xf32, #tpu.memory_space<vmem>>, vector<1x1x228xf32>,
    %slice3A_2329 = vector.extract_strided_slice %get3A_3 {offsets = [285, 285], sizes = [1, 227], strides = [1, 1]} : vector<512x512xf32> to vector<1x227xf32>
    %squeeze3A_2330 = vector.shape_cast %slice3A_2329 : vector<1x227xf32> to vector<227xf32>
    %swap3A_2331 = arith.constant 0 : index
    %swap3A_2332 = arith.constant 6 : index
    %swap3A_2333 = arith.constant 6954 : index
    %swap3A_2334 = vector.load %arg3[%swap3A_2331, %swap3A_2332, %swap3A_2333] : memref<1x8x16416xf32, #tpu.memory_space<vmem>>, vector<1x1x227xf32>
    %swap3A_2335 = vector.shape_cast %swap3A_2334 : vector<1x1x227xf32> to vector<227xf32>
    %swap3A_2336 = vector.shape_cast %squeeze3A_2330 : vector<227xf32> to vector<1x1x227xf32>
    tpu.vector_store %arg3[%swap3A_2331, %swap3A_2332, %swap3A_2333], %swap3A_2336 {strides = array<i32>} : memref<1x8x16416xf32, #tpu.memory_space<vmem>>, vector<1x1x227xf32>,
    %slice3A_2337 = vector.extract_strided_slice %get3A_3 {offsets = [286, 286], sizes = [1, 226], strides = [1, 1]} : vector<512x512xf32> to vector<1x226xf32>
    %squeeze3A_2338 = vector.shape_cast %slice3A_2337 : vector<1x226xf32> to vector<226xf32>
    %swap3A_2339 = arith.constant 0 : index
    %swap3A_2340 = arith.constant 6 : index
    %swap3A_2341 = arith.constant 7181 : index
    %swap3A_2342 = vector.load %arg3[%swap3A_2339, %swap3A_2340, %swap3A_2341] : memref<1x8x16416xf32, #tpu.memory_space<vmem>>, vector<1x1x226xf32>
    %swap3A_2343 = vector.shape_cast %swap3A_2342 : vector<1x1x226xf32> to vector<226xf32>
    %swap3A_2344 = vector.shape_cast %squeeze3A_2338 : vector<226xf32> to vector<1x1x226xf32>
    tpu.vector_store %arg3[%swap3A_2339, %swap3A_2340, %swap3A_2341], %swap3A_2344 {strides = array<i32>} : memref<1x8x16416xf32, #tpu.memory_space<vmem>>, vector<1x1x226xf32>,
    %slice3A_2345 = vector.extract_strided_slice %get3A_3 {offsets = [287, 287], sizes = [1, 225], strides = [1, 1]} : vector<512x512xf32> to vector<1x225xf32>
    %squeeze3A_2346 = vector.shape_cast %slice3A_2345 : vector<1x225xf32> to vector<225xf32>
    %swap3A_2347 = arith.constant 0 : index
    %swap3A_2348 = arith.constant 6 : index
    %swap3A_2349 = arith.constant 7407 : index
    %swap3A_2350 = vector.load %arg3[%swap3A_2347, %swap3A_2348, %swap3A_2349] : memref<1x8x16416xf32, #tpu.memory_space<vmem>>, vector<1x1x225xf32>
    %swap3A_2351 = vector.shape_cast %swap3A_2350 : vector<1x1x225xf32> to vector<225xf32>
    %swap3A_2352 = vector.shape_cast %squeeze3A_2346 : vector<225xf32> to vector<1x1x225xf32>
    tpu.vector_store %arg3[%swap3A_2347, %swap3A_2348, %swap3A_2349], %swap3A_2352 {strides = array<i32>} : memref<1x8x16416xf32, #tpu.memory_space<vmem>>, vector<1x1x225xf32>,
    %slice3A_2353 = vector.extract_strided_slice %get3A_3 {offsets = [288, 288], sizes = [1, 224], strides = [1, 1]} : vector<512x512xf32> to vector<1x224xf32>
    %squeeze3A_2354 = vector.shape_cast %slice3A_2353 : vector<1x224xf32> to vector<224xf32>
    %swap3A_2355 = arith.constant 0 : index
    %swap3A_2356 = arith.constant 6 : index
    %swap3A_2357 = arith.constant 7632 : index
    %swap3A_2358 = vector.load %arg3[%swap3A_2355, %swap3A_2356, %swap3A_2357] : memref<1x8x16416xf32, #tpu.memory_space<vmem>>, vector<1x1x224xf32>
    %swap3A_2359 = vector.shape_cast %swap3A_2358 : vector<1x1x224xf32> to vector<224xf32>
    %swap3A_2360 = vector.shape_cast %squeeze3A_2354 : vector<224xf32> to vector<1x1x224xf32>
    tpu.vector_store %arg3[%swap3A_2355, %swap3A_2356, %swap3A_2357], %swap3A_2360 {strides = array<i32>} : memref<1x8x16416xf32, #tpu.memory_space<vmem>>, vector<1x1x224xf32>,
    %slice3A_2361 = vector.extract_strided_slice %get3A_3 {offsets = [289, 289], sizes = [1, 223], strides = [1, 1]} : vector<512x512xf32> to vector<1x223xf32>
    %squeeze3A_2362 = vector.shape_cast %slice3A_2361 : vector<1x223xf32> to vector<223xf32>
    %swap3A_2363 = arith.constant 0 : index
    %swap3A_2364 = arith.constant 6 : index
    %swap3A_2365 = arith.constant 7856 : index
    %swap3A_2366 = vector.load %arg3[%swap3A_2363, %swap3A_2364, %swap3A_2365] : memref<1x8x16416xf32, #tpu.memory_space<vmem>>, vector<1x1x223xf32>
    %swap3A_2367 = vector.shape_cast %swap3A_2366 : vector<1x1x223xf32> to vector<223xf32>
    %swap3A_2368 = vector.shape_cast %squeeze3A_2362 : vector<223xf32> to vector<1x1x223xf32>
    tpu.vector_store %arg3[%swap3A_2363, %swap3A_2364, %swap3A_2365], %swap3A_2368 {strides = array<i32>} : memref<1x8x16416xf32, #tpu.memory_space<vmem>>, vector<1x1x223xf32>,
    %slice3A_2369 = vector.extract_strided_slice %get3A_3 {offsets = [290, 290], sizes = [1, 222], strides = [1, 1]} : vector<512x512xf32> to vector<1x222xf32>
    %squeeze3A_2370 = vector.shape_cast %slice3A_2369 : vector<1x222xf32> to vector<222xf32>
    %swap3A_2371 = arith.constant 0 : index
    %swap3A_2372 = arith.constant 6 : index
    %swap3A_2373 = arith.constant 8079 : index
    %swap3A_2374 = vector.load %arg3[%swap3A_2371, %swap3A_2372, %swap3A_2373] : memref<1x8x16416xf32, #tpu.memory_space<vmem>>, vector<1x1x222xf32>
    %swap3A_2375 = vector.shape_cast %swap3A_2374 : vector<1x1x222xf32> to vector<222xf32>
    %swap3A_2376 = vector.shape_cast %squeeze3A_2370 : vector<222xf32> to vector<1x1x222xf32>
    tpu.vector_store %arg3[%swap3A_2371, %swap3A_2372, %swap3A_2373], %swap3A_2376 {strides = array<i32>} : memref<1x8x16416xf32, #tpu.memory_space<vmem>>, vector<1x1x222xf32>,
    %slice3A_2377 = vector.extract_strided_slice %get3A_3 {offsets = [291, 291], sizes = [1, 221], strides = [1, 1]} : vector<512x512xf32> to vector<1x221xf32>
    %squeeze3A_2378 = vector.shape_cast %slice3A_2377 : vector<1x221xf32> to vector<221xf32>
    %swap3A_2379 = arith.constant 0 : index
    %swap3A_2380 = arith.constant 6 : index
    %swap3A_2381 = arith.constant 8301 : index
    %swap3A_2382 = vector.load %arg3[%swap3A_2379, %swap3A_2380, %swap3A_2381] : memref<1x8x16416xf32, #tpu.memory_space<vmem>>, vector<1x1x221xf32>
    %swap3A_2383 = vector.shape_cast %swap3A_2382 : vector<1x1x221xf32> to vector<221xf32>
    %swap3A_2384 = vector.shape_cast %squeeze3A_2378 : vector<221xf32> to vector<1x1x221xf32>
    tpu.vector_store %arg3[%swap3A_2379, %swap3A_2380, %swap3A_2381], %swap3A_2384 {strides = array<i32>} : memref<1x8x16416xf32, #tpu.memory_space<vmem>>, vector<1x1x221xf32>,
    %slice3A_2385 = vector.extract_strided_slice %get3A_3 {offsets = [292, 292], sizes = [1, 220], strides = [1, 1]} : vector<512x512xf32> to vector<1x220xf32>
    %squeeze3A_2386 = vector.shape_cast %slice3A_2385 : vector<1x220xf32> to vector<220xf32>
    %swap3A_2387 = arith.constant 0 : index
    %swap3A_2388 = arith.constant 6 : index
    %swap3A_2389 = arith.constant 8522 : index
    %swap3A_2390 = vector.load %arg3[%swap3A_2387, %swap3A_2388, %swap3A_2389] : memref<1x8x16416xf32, #tpu.memory_space<vmem>>, vector<1x1x220xf32>
    %swap3A_2391 = vector.shape_cast %swap3A_2390 : vector<1x1x220xf32> to vector<220xf32>
    %swap3A_2392 = vector.shape_cast %squeeze3A_2386 : vector<220xf32> to vector<1x1x220xf32>
    tpu.vector_store %arg3[%swap3A_2387, %swap3A_2388, %swap3A_2389], %swap3A_2392 {strides = array<i32>} : memref<1x8x16416xf32, #tpu.memory_space<vmem>>, vector<1x1x220xf32>,
    %slice3A_2393 = vector.extract_strided_slice %get3A_3 {offsets = [293, 293], sizes = [1, 219], strides = [1, 1]} : vector<512x512xf32> to vector<1x219xf32>
    %squeeze3A_2394 = vector.shape_cast %slice3A_2393 : vector<1x219xf32> to vector<219xf32>
    %swap3A_2395 = arith.constant 0 : index
    %swap3A_2396 = arith.constant 6 : index
    %swap3A_2397 = arith.constant 8742 : index
    %swap3A_2398 = vector.load %arg3[%swap3A_2395, %swap3A_2396, %swap3A_2397] : memref<1x8x16416xf32, #tpu.memory_space<vmem>>, vector<1x1x219xf32>
    %swap3A_2399 = vector.shape_cast %swap3A_2398 : vector<1x1x219xf32> to vector<219xf32>
    %swap3A_2400 = vector.shape_cast %squeeze3A_2394 : vector<219xf32> to vector<1x1x219xf32>
    tpu.vector_store %arg3[%swap3A_2395, %swap3A_2396, %swap3A_2397], %swap3A_2400 {strides = array<i32>} : memref<1x8x16416xf32, #tpu.memory_space<vmem>>, vector<1x1x219xf32>,
    %slice3A_2401 = vector.extract_strided_slice %get3A_3 {offsets = [294, 294], sizes = [1, 218], strides = [1, 1]} : vector<512x512xf32> to vector<1x218xf32>
    %squeeze3A_2402 = vector.shape_cast %slice3A_2401 : vector<1x218xf32> to vector<218xf32>
    %swap3A_2403 = arith.constant 0 : index
    %swap3A_2404 = arith.constant 6 : index
    %swap3A_2405 = arith.constant 8961 : index
    %swap3A_2406 = vector.load %arg3[%swap3A_2403, %swap3A_2404, %swap3A_2405] : memref<1x8x16416xf32, #tpu.memory_space<vmem>>, vector<1x1x218xf32>
    %swap3A_2407 = vector.shape_cast %swap3A_2406 : vector<1x1x218xf32> to vector<218xf32>
    %swap3A_2408 = vector.shape_cast %squeeze3A_2402 : vector<218xf32> to vector<1x1x218xf32>
    tpu.vector_store %arg3[%swap3A_2403, %swap3A_2404, %swap3A_2405], %swap3A_2408 {strides = array<i32>} : memref<1x8x16416xf32, #tpu.memory_space<vmem>>, vector<1x1x218xf32>,
    %slice3A_2409 = vector.extract_strided_slice %get3A_3 {offsets = [295, 295], sizes = [1, 217], strides = [1, 1]} : vector<512x512xf32> to vector<1x217xf32>
    %squeeze3A_2410 = vector.shape_cast %slice3A_2409 : vector<1x217xf32> to vector<217xf32>
    %swap3A_2411 = arith.constant 0 : index
    %swap3A_2412 = arith.constant 6 : index
    %swap3A_2413 = arith.constant 9179 : index
    %swap3A_2414 = vector.load %arg3[%swap3A_2411, %swap3A_2412, %swap3A_2413] : memref<1x8x16416xf32, #tpu.memory_space<vmem>>, vector<1x1x217xf32>
    %swap3A_2415 = vector.shape_cast %swap3A_2414 : vector<1x1x217xf32> to vector<217xf32>
    %swap3A_2416 = vector.shape_cast %squeeze3A_2410 : vector<217xf32> to vector<1x1x217xf32>
    tpu.vector_store %arg3[%swap3A_2411, %swap3A_2412, %swap3A_2413], %swap3A_2416 {strides = array<i32>} : memref<1x8x16416xf32, #tpu.memory_space<vmem>>, vector<1x1x217xf32>,
    %slice3A_2417 = vector.extract_strided_slice %get3A_3 {offsets = [296, 296], sizes = [1, 216], strides = [1, 1]} : vector<512x512xf32> to vector<1x216xf32>
    %squeeze3A_2418 = vector.shape_cast %slice3A_2417 : vector<1x216xf32> to vector<216xf32>
    %swap3A_2419 = arith.constant 0 : index
    %swap3A_2420 = arith.constant 6 : index
    %swap3A_2421 = arith.constant 9396 : index
    %swap3A_2422 = vector.load %arg3[%swap3A_2419, %swap3A_2420, %swap3A_2421] : memref<1x8x16416xf32, #tpu.memory_space<vmem>>, vector<1x1x216xf32>
    %swap3A_2423 = vector.shape_cast %swap3A_2422 : vector<1x1x216xf32> to vector<216xf32>
    %swap3A_2424 = vector.shape_cast %squeeze3A_2418 : vector<216xf32> to vector<1x1x216xf32>
    tpu.vector_store %arg3[%swap3A_2419, %swap3A_2420, %swap3A_2421], %swap3A_2424 {strides = array<i32>} : memref<1x8x16416xf32, #tpu.memory_space<vmem>>, vector<1x1x216xf32>,
    %slice3A_2425 = vector.extract_strided_slice %get3A_3 {offsets = [297, 297], sizes = [1, 215], strides = [1, 1]} : vector<512x512xf32> to vector<1x215xf32>
    %squeeze3A_2426 = vector.shape_cast %slice3A_2425 : vector<1x215xf32> to vector<215xf32>
    %swap3A_2427 = arith.constant 0 : index
    %swap3A_2428 = arith.constant 6 : index
    %swap3A_2429 = arith.constant 9612 : index
    %swap3A_2430 = vector.load %arg3[%swap3A_2427, %swap3A_2428, %swap3A_2429] : memref<1x8x16416xf32, #tpu.memory_space<vmem>>, vector<1x1x215xf32>
    %swap3A_2431 = vector.shape_cast %swap3A_2430 : vector<1x1x215xf32> to vector<215xf32>
    %swap3A_2432 = vector.shape_cast %squeeze3A_2426 : vector<215xf32> to vector<1x1x215xf32>
    tpu.vector_store %arg3[%swap3A_2427, %swap3A_2428, %swap3A_2429], %swap3A_2432 {strides = array<i32>} : memref<1x8x16416xf32, #tpu.memory_space<vmem>>, vector<1x1x215xf32>,
    %slice3A_2433 = vector.extract_strided_slice %get3A_3 {offsets = [298, 298], sizes = [1, 214], strides = [1, 1]} : vector<512x512xf32> to vector<1x214xf32>
    %squeeze3A_2434 = vector.shape_cast %slice3A_2433 : vector<1x214xf32> to vector<214xf32>
    %swap3A_2435 = arith.constant 0 : index
    %swap3A_2436 = arith.constant 6 : index
    %swap3A_2437 = arith.constant 9827 : index
    %swap3A_2438 = vector.load %arg3[%swap3A_2435, %swap3A_2436, %swap3A_2437] : memref<1x8x16416xf32, #tpu.memory_space<vmem>>, vector<1x1x214xf32>
    %swap3A_2439 = vector.shape_cast %swap3A_2438 : vector<1x1x214xf32> to vector<214xf32>
    %swap3A_2440 = vector.shape_cast %squeeze3A_2434 : vector<214xf32> to vector<1x1x214xf32>
    tpu.vector_store %arg3[%swap3A_2435, %swap3A_2436, %swap3A_2437], %swap3A_2440 {strides = array<i32>} : memref<1x8x16416xf32, #tpu.memory_space<vmem>>, vector<1x1x214xf32>,
    %slice3A_2441 = vector.extract_strided_slice %get3A_3 {offsets = [299, 299], sizes = [1, 213], strides = [1, 1]} : vector<512x512xf32> to vector<1x213xf32>
    %squeeze3A_2442 = vector.shape_cast %slice3A_2441 : vector<1x213xf32> to vector<213xf32>
    %swap3A_2443 = arith.constant 0 : index
    %swap3A_2444 = arith.constant 6 : index
    %swap3A_2445 = arith.constant 10041 : index
    %swap3A_2446 = vector.load %arg3[%swap3A_2443, %swap3A_2444, %swap3A_2445] : memref<1x8x16416xf32, #tpu.memory_space<vmem>>, vector<1x1x213xf32>
    %swap3A_2447 = vector.shape_cast %swap3A_2446 : vector<1x1x213xf32> to vector<213xf32>
    %swap3A_2448 = vector.shape_cast %squeeze3A_2442 : vector<213xf32> to vector<1x1x213xf32>
    tpu.vector_store %arg3[%swap3A_2443, %swap3A_2444, %swap3A_2445], %swap3A_2448 {strides = array<i32>} : memref<1x8x16416xf32, #tpu.memory_space<vmem>>, vector<1x1x213xf32>,
    %slice3A_2449 = vector.extract_strided_slice %get3A_3 {offsets = [300, 300], sizes = [1, 212], strides = [1, 1]} : vector<512x512xf32> to vector<1x212xf32>
    %squeeze3A_2450 = vector.shape_cast %slice3A_2449 : vector<1x212xf32> to vector<212xf32>
    %swap3A_2451 = arith.constant 0 : index
    %swap3A_2452 = arith.constant 6 : index
    %swap3A_2453 = arith.constant 10254 : index
    %swap3A_2454 = vector.load %arg3[%swap3A_2451, %swap3A_2452, %swap3A_2453] : memref<1x8x16416xf32, #tpu.memory_space<vmem>>, vector<1x1x212xf32>
    %swap3A_2455 = vector.shape_cast %swap3A_2454 : vector<1x1x212xf32> to vector<212xf32>
    %swap3A_2456 = vector.shape_cast %squeeze3A_2450 : vector<212xf32> to vector<1x1x212xf32>
    tpu.vector_store %arg3[%swap3A_2451, %swap3A_2452, %swap3A_2453], %swap3A_2456 {strides = array<i32>} : memref<1x8x16416xf32, #tpu.memory_space<vmem>>, vector<1x1x212xf32>,
    %slice3A_2457 = vector.extract_strided_slice %get3A_3 {offsets = [301, 301], sizes = [1, 211], strides = [1, 1]} : vector<512x512xf32> to vector<1x211xf32>
    %squeeze3A_2458 = vector.shape_cast %slice3A_2457 : vector<1x211xf32> to vector<211xf32>
    %swap3A_2459 = arith.constant 0 : index
    %swap3A_2460 = arith.constant 6 : index
    %swap3A_2461 = arith.constant 10466 : index
    %swap3A_2462 = vector.load %arg3[%swap3A_2459, %swap3A_2460, %swap3A_2461] : memref<1x8x16416xf32, #tpu.memory_space<vmem>>, vector<1x1x211xf32>
    %swap3A_2463 = vector.shape_cast %swap3A_2462 : vector<1x1x211xf32> to vector<211xf32>
    %swap3A_2464 = vector.shape_cast %squeeze3A_2458 : vector<211xf32> to vector<1x1x211xf32>
    tpu.vector_store %arg3[%swap3A_2459, %swap3A_2460, %swap3A_2461], %swap3A_2464 {strides = array<i32>} : memref<1x8x16416xf32, #tpu.memory_space<vmem>>, vector<1x1x211xf32>,
    %slice3A_2465 = vector.extract_strided_slice %get3A_3 {offsets = [302, 302], sizes = [1, 210], strides = [1, 1]} : vector<512x512xf32> to vector<1x210xf32>
    %squeeze3A_2466 = vector.shape_cast %slice3A_2465 : vector<1x210xf32> to vector<210xf32>
    %swap3A_2467 = arith.constant 0 : index
    %swap3A_2468 = arith.constant 6 : index
    %swap3A_2469 = arith.constant 10677 : index
    %swap3A_2470 = vector.load %arg3[%swap3A_2467, %swap3A_2468, %swap3A_2469] : memref<1x8x16416xf32, #tpu.memory_space<vmem>>, vector<1x1x210xf32>
    %swap3A_2471 = vector.shape_cast %swap3A_2470 : vector<1x1x210xf32> to vector<210xf32>
    %swap3A_2472 = vector.shape_cast %squeeze3A_2466 : vector<210xf32> to vector<1x1x210xf32>
    tpu.vector_store %arg3[%swap3A_2467, %swap3A_2468, %swap3A_2469], %swap3A_2472 {strides = array<i32>} : memref<1x8x16416xf32, #tpu.memory_space<vmem>>, vector<1x1x210xf32>,
    %slice3A_2473 = vector.extract_strided_slice %get3A_3 {offsets = [303, 303], sizes = [1, 209], strides = [1, 1]} : vector<512x512xf32> to vector<1x209xf32>
    %squeeze3A_2474 = vector.shape_cast %slice3A_2473 : vector<1x209xf32> to vector<209xf32>
    %swap3A_2475 = arith.constant 0 : index
    %swap3A_2476 = arith.constant 6 : index
    %swap3A_2477 = arith.constant 10887 : index
    %swap3A_2478 = vector.load %arg3[%swap3A_2475, %swap3A_2476, %swap3A_2477] : memref<1x8x16416xf32, #tpu.memory_space<vmem>>, vector<1x1x209xf32>
    %swap3A_2479 = vector.shape_cast %swap3A_2478 : vector<1x1x209xf32> to vector<209xf32>
    %swap3A_2480 = vector.shape_cast %squeeze3A_2474 : vector<209xf32> to vector<1x1x209xf32>
    tpu.vector_store %arg3[%swap3A_2475, %swap3A_2476, %swap3A_2477], %swap3A_2480 {strides = array<i32>} : memref<1x8x16416xf32, #tpu.memory_space<vmem>>, vector<1x1x209xf32>,
    %slice3A_2481 = vector.extract_strided_slice %get3A_3 {offsets = [304, 304], sizes = [1, 208], strides = [1, 1]} : vector<512x512xf32> to vector<1x208xf32>
    %squeeze3A_2482 = vector.shape_cast %slice3A_2481 : vector<1x208xf32> to vector<208xf32>
    %swap3A_2483 = arith.constant 0 : index
    %swap3A_2484 = arith.constant 6 : index
    %swap3A_2485 = arith.constant 11096 : index
    %swap3A_2486 = vector.load %arg3[%swap3A_2483, %swap3A_2484, %swap3A_2485] : memref<1x8x16416xf32, #tpu.memory_space<vmem>>, vector<1x1x208xf32>
    %swap3A_2487 = vector.shape_cast %swap3A_2486 : vector<1x1x208xf32> to vector<208xf32>
    %swap3A_2488 = vector.shape_cast %squeeze3A_2482 : vector<208xf32> to vector<1x1x208xf32>
    tpu.vector_store %arg3[%swap3A_2483, %swap3A_2484, %swap3A_2485], %swap3A_2488 {strides = array<i32>} : memref<1x8x16416xf32, #tpu.memory_space<vmem>>, vector<1x1x208xf32>,
    %slice3A_2489 = vector.extract_strided_slice %get3A_3 {offsets = [305, 305], sizes = [1, 207], strides = [1, 1]} : vector<512x512xf32> to vector<1x207xf32>
    %squeeze3A_2490 = vector.shape_cast %slice3A_2489 : vector<1x207xf32> to vector<207xf32>
    %swap3A_2491 = arith.constant 0 : index
    %swap3A_2492 = arith.constant 6 : index
    %swap3A_2493 = arith.constant 11304 : index
    %swap3A_2494 = vector.load %arg3[%swap3A_2491, %swap3A_2492, %swap3A_2493] : memref<1x8x16416xf32, #tpu.memory_space<vmem>>, vector<1x1x207xf32>
    %swap3A_2495 = vector.shape_cast %swap3A_2494 : vector<1x1x207xf32> to vector<207xf32>
    %swap3A_2496 = vector.shape_cast %squeeze3A_2490 : vector<207xf32> to vector<1x1x207xf32>
    tpu.vector_store %arg3[%swap3A_2491, %swap3A_2492, %swap3A_2493], %swap3A_2496 {strides = array<i32>} : memref<1x8x16416xf32, #tpu.memory_space<vmem>>, vector<1x1x207xf32>,
    %slice3A_2497 = vector.extract_strided_slice %get3A_3 {offsets = [306, 306], sizes = [1, 206], strides = [1, 1]} : vector<512x512xf32> to vector<1x206xf32>
    %squeeze3A_2498 = vector.shape_cast %slice3A_2497 : vector<1x206xf32> to vector<206xf32>
    %swap3A_2499 = arith.constant 0 : index
    %swap3A_2500 = arith.constant 6 : index
    %swap3A_2501 = arith.constant 11511 : index
    %swap3A_2502 = vector.load %arg3[%swap3A_2499, %swap3A_2500, %swap3A_2501] : memref<1x8x16416xf32, #tpu.memory_space<vmem>>, vector<1x1x206xf32>
    %swap3A_2503 = vector.shape_cast %swap3A_2502 : vector<1x1x206xf32> to vector<206xf32>
    %swap3A_2504 = vector.shape_cast %squeeze3A_2498 : vector<206xf32> to vector<1x1x206xf32>
    tpu.vector_store %arg3[%swap3A_2499, %swap3A_2500, %swap3A_2501], %swap3A_2504 {strides = array<i32>} : memref<1x8x16416xf32, #tpu.memory_space<vmem>>, vector<1x1x206xf32>,
    %slice3A_2505 = vector.extract_strided_slice %get3A_3 {offsets = [307, 307], sizes = [1, 205], strides = [1, 1]} : vector<512x512xf32> to vector<1x205xf32>
    %squeeze3A_2506 = vector.shape_cast %slice3A_2505 : vector<1x205xf32> to vector<205xf32>
    %swap3A_2507 = arith.constant 0 : index
    %swap3A_2508 = arith.constant 6 : index
    %swap3A_2509 = arith.constant 11717 : index
    %swap3A_2510 = vector.load %arg3[%swap3A_2507, %swap3A_2508, %swap3A_2509] : memref<1x8x16416xf32, #tpu.memory_space<vmem>>, vector<1x1x205xf32>
    %swap3A_2511 = vector.shape_cast %swap3A_2510 : vector<1x1x205xf32> to vector<205xf32>
    %swap3A_2512 = vector.shape_cast %squeeze3A_2506 : vector<205xf32> to vector<1x1x205xf32>
    tpu.vector_store %arg3[%swap3A_2507, %swap3A_2508, %swap3A_2509], %swap3A_2512 {strides = array<i32>} : memref<1x8x16416xf32, #tpu.memory_space<vmem>>, vector<1x1x205xf32>,
    %slice3A_2513 = vector.extract_strided_slice %get3A_3 {offsets = [308, 308], sizes = [1, 204], strides = [1, 1]} : vector<512x512xf32> to vector<1x204xf32>
    %squeeze3A_2514 = vector.shape_cast %slice3A_2513 : vector<1x204xf32> to vector<204xf32>
    %swap3A_2515 = arith.constant 0 : index
    %swap3A_2516 = arith.constant 6 : index
    %swap3A_2517 = arith.constant 11922 : index
    %swap3A_2518 = vector.load %arg3[%swap3A_2515, %swap3A_2516, %swap3A_2517] : memref<1x8x16416xf32, #tpu.memory_space<vmem>>, vector<1x1x204xf32>
    %swap3A_2519 = vector.shape_cast %swap3A_2518 : vector<1x1x204xf32> to vector<204xf32>
    %swap3A_2520 = vector.shape_cast %squeeze3A_2514 : vector<204xf32> to vector<1x1x204xf32>
    tpu.vector_store %arg3[%swap3A_2515, %swap3A_2516, %swap3A_2517], %swap3A_2520 {strides = array<i32>} : memref<1x8x16416xf32, #tpu.memory_space<vmem>>, vector<1x1x204xf32>,
    %slice3A_2521 = vector.extract_strided_slice %get3A_3 {offsets = [309, 309], sizes = [1, 203], strides = [1, 1]} : vector<512x512xf32> to vector<1x203xf32>
    %squeeze3A_2522 = vector.shape_cast %slice3A_2521 : vector<1x203xf32> to vector<203xf32>
    %swap3A_2523 = arith.constant 0 : index
    %swap3A_2524 = arith.constant 6 : index
    %swap3A_2525 = arith.constant 12126 : index
    %swap3A_2526 = vector.load %arg3[%swap3A_2523, %swap3A_2524, %swap3A_2525] : memref<1x8x16416xf32, #tpu.memory_space<vmem>>, vector<1x1x203xf32>
    %swap3A_2527 = vector.shape_cast %swap3A_2526 : vector<1x1x203xf32> to vector<203xf32>
    %swap3A_2528 = vector.shape_cast %squeeze3A_2522 : vector<203xf32> to vector<1x1x203xf32>
    tpu.vector_store %arg3[%swap3A_2523, %swap3A_2524, %swap3A_2525], %swap3A_2528 {strides = array<i32>} : memref<1x8x16416xf32, #tpu.memory_space<vmem>>, vector<1x1x203xf32>,
    %slice3A_2529 = vector.extract_strided_slice %get3A_3 {offsets = [310, 310], sizes = [1, 202], strides = [1, 1]} : vector<512x512xf32> to vector<1x202xf32>
    %squeeze3A_2530 = vector.shape_cast %slice3A_2529 : vector<1x202xf32> to vector<202xf32>
    %swap3A_2531 = arith.constant 0 : index
    %swap3A_2532 = arith.constant 6 : index
    %swap3A_2533 = arith.constant 12329 : index
    %swap3A_2534 = vector.load %arg3[%swap3A_2531, %swap3A_2532, %swap3A_2533] : memref<1x8x16416xf32, #tpu.memory_space<vmem>>, vector<1x1x202xf32>
    %swap3A_2535 = vector.shape_cast %swap3A_2534 : vector<1x1x202xf32> to vector<202xf32>
    %swap3A_2536 = vector.shape_cast %squeeze3A_2530 : vector<202xf32> to vector<1x1x202xf32>
    tpu.vector_store %arg3[%swap3A_2531, %swap3A_2532, %swap3A_2533], %swap3A_2536 {strides = array<i32>} : memref<1x8x16416xf32, #tpu.memory_space<vmem>>, vector<1x1x202xf32>,
    %slice3A_2537 = vector.extract_strided_slice %get3A_3 {offsets = [311, 311], sizes = [1, 201], strides = [1, 1]} : vector<512x512xf32> to vector<1x201xf32>
    %squeeze3A_2538 = vector.shape_cast %slice3A_2537 : vector<1x201xf32> to vector<201xf32>
    %swap3A_2539 = arith.constant 0 : index
    %swap3A_2540 = arith.constant 6 : index
    %swap3A_2541 = arith.constant 12531 : index
    %swap3A_2542 = vector.load %arg3[%swap3A_2539, %swap3A_2540, %swap3A_2541] : memref<1x8x16416xf32, #tpu.memory_space<vmem>>, vector<1x1x201xf32>
    %swap3A_2543 = vector.shape_cast %swap3A_2542 : vector<1x1x201xf32> to vector<201xf32>
    %swap3A_2544 = vector.shape_cast %squeeze3A_2538 : vector<201xf32> to vector<1x1x201xf32>
    tpu.vector_store %arg3[%swap3A_2539, %swap3A_2540, %swap3A_2541], %swap3A_2544 {strides = array<i32>} : memref<1x8x16416xf32, #tpu.memory_space<vmem>>, vector<1x1x201xf32>,
    %slice3A_2545 = vector.extract_strided_slice %get3A_3 {offsets = [312, 312], sizes = [1, 200], strides = [1, 1]} : vector<512x512xf32> to vector<1x200xf32>
    %squeeze3A_2546 = vector.shape_cast %slice3A_2545 : vector<1x200xf32> to vector<200xf32>
    %swap3A_2547 = arith.constant 0 : index
    %swap3A_2548 = arith.constant 6 : index
    %swap3A_2549 = arith.constant 12732 : index
    %swap3A_2550 = vector.load %arg3[%swap3A_2547, %swap3A_2548, %swap3A_2549] : memref<1x8x16416xf32, #tpu.memory_space<vmem>>, vector<1x1x200xf32>
    %swap3A_2551 = vector.shape_cast %swap3A_2550 : vector<1x1x200xf32> to vector<200xf32>
    %swap3A_2552 = vector.shape_cast %squeeze3A_2546 : vector<200xf32> to vector<1x1x200xf32>
    tpu.vector_store %arg3[%swap3A_2547, %swap3A_2548, %swap3A_2549], %swap3A_2552 {strides = array<i32>} : memref<1x8x16416xf32, #tpu.memory_space<vmem>>, vector<1x1x200xf32>,
    %slice3A_2553 = vector.extract_strided_slice %get3A_3 {offsets = [313, 313], sizes = [1, 199], strides = [1, 1]} : vector<512x512xf32> to vector<1x199xf32>
    %squeeze3A_2554 = vector.shape_cast %slice3A_2553 : vector<1x199xf32> to vector<199xf32>
    %swap3A_2555 = arith.constant 0 : index
    %swap3A_2556 = arith.constant 6 : index
    %swap3A_2557 = arith.constant 12932 : index
    %swap3A_2558 = vector.load %arg3[%swap3A_2555, %swap3A_2556, %swap3A_2557] : memref<1x8x16416xf32, #tpu.memory_space<vmem>>, vector<1x1x199xf32>
    %swap3A_2559 = vector.shape_cast %swap3A_2558 : vector<1x1x199xf32> to vector<199xf32>
    %swap3A_2560 = vector.shape_cast %squeeze3A_2554 : vector<199xf32> to vector<1x1x199xf32>
    tpu.vector_store %arg3[%swap3A_2555, %swap3A_2556, %swap3A_2557], %swap3A_2560 {strides = array<i32>} : memref<1x8x16416xf32, #tpu.memory_space<vmem>>, vector<1x1x199xf32>,
    %slice3A_2561 = vector.extract_strided_slice %get3A_3 {offsets = [314, 314], sizes = [1, 198], strides = [1, 1]} : vector<512x512xf32> to vector<1x198xf32>
    %squeeze3A_2562 = vector.shape_cast %slice3A_2561 : vector<1x198xf32> to vector<198xf32>
    %swap3A_2563 = arith.constant 0 : index
    %swap3A_2564 = arith.constant 6 : index
    %swap3A_2565 = arith.constant 13131 : index
    %swap3A_2566 = vector.load %arg3[%swap3A_2563, %swap3A_2564, %swap3A_2565] : memref<1x8x16416xf32, #tpu.memory_space<vmem>>, vector<1x1x198xf32>
    %swap3A_2567 = vector.shape_cast %swap3A_2566 : vector<1x1x198xf32> to vector<198xf32>
    %swap3A_2568 = vector.shape_cast %squeeze3A_2562 : vector<198xf32> to vector<1x1x198xf32>
    tpu.vector_store %arg3[%swap3A_2563, %swap3A_2564, %swap3A_2565], %swap3A_2568 {strides = array<i32>} : memref<1x8x16416xf32, #tpu.memory_space<vmem>>, vector<1x1x198xf32>,
    %slice3A_2569 = vector.extract_strided_slice %get3A_3 {offsets = [315, 315], sizes = [1, 197], strides = [1, 1]} : vector<512x512xf32> to vector<1x197xf32>
    %squeeze3A_2570 = vector.shape_cast %slice3A_2569 : vector<1x197xf32> to vector<197xf32>
    %swap3A_2571 = arith.constant 0 : index
    %swap3A_2572 = arith.constant 6 : index
    %swap3A_2573 = arith.constant 13329 : index
    %swap3A_2574 = vector.load %arg3[%swap3A_2571, %swap3A_2572, %swap3A_2573] : memref<1x8x16416xf32, #tpu.memory_space<vmem>>, vector<1x1x197xf32>
    %swap3A_2575 = vector.shape_cast %swap3A_2574 : vector<1x1x197xf32> to vector<197xf32>
    %swap3A_2576 = vector.shape_cast %squeeze3A_2570 : vector<197xf32> to vector<1x1x197xf32>
    tpu.vector_store %arg3[%swap3A_2571, %swap3A_2572, %swap3A_2573], %swap3A_2576 {strides = array<i32>} : memref<1x8x16416xf32, #tpu.memory_space<vmem>>, vector<1x1x197xf32>,
    %slice3A_2577 = vector.extract_strided_slice %get3A_3 {offsets = [316, 316], sizes = [1, 196], strides = [1, 1]} : vector<512x512xf32> to vector<1x196xf32>
    %squeeze3A_2578 = vector.shape_cast %slice3A_2577 : vector<1x196xf32> to vector<196xf32>
    %swap3A_2579 = arith.constant 0 : index
    %swap3A_2580 = arith.constant 6 : index
    %swap3A_2581 = arith.constant 13526 : index
    %swap3A_2582 = vector.load %arg3[%swap3A_2579, %swap3A_2580, %swap3A_2581] : memref<1x8x16416xf32, #tpu.memory_space<vmem>>, vector<1x1x196xf32>
    %swap3A_2583 = vector.shape_cast %swap3A_2582 : vector<1x1x196xf32> to vector<196xf32>
    %swap3A_2584 = vector.shape_cast %squeeze3A_2578 : vector<196xf32> to vector<1x1x196xf32>
    tpu.vector_store %arg3[%swap3A_2579, %swap3A_2580, %swap3A_2581], %swap3A_2584 {strides = array<i32>} : memref<1x8x16416xf32, #tpu.memory_space<vmem>>, vector<1x1x196xf32>,
    %slice3A_2585 = vector.extract_strided_slice %get3A_3 {offsets = [317, 317], sizes = [1, 195], strides = [1, 1]} : vector<512x512xf32> to vector<1x195xf32>
    %squeeze3A_2586 = vector.shape_cast %slice3A_2585 : vector<1x195xf32> to vector<195xf32>
    %swap3A_2587 = arith.constant 0 : index
    %swap3A_2588 = arith.constant 6 : index
    %swap3A_2589 = arith.constant 13722 : index
    %swap3A_2590 = vector.load %arg3[%swap3A_2587, %swap3A_2588, %swap3A_2589] : memref<1x8x16416xf32, #tpu.memory_space<vmem>>, vector<1x1x195xf32>
    %swap3A_2591 = vector.shape_cast %swap3A_2590 : vector<1x1x195xf32> to vector<195xf32>
    %swap3A_2592 = vector.shape_cast %squeeze3A_2586 : vector<195xf32> to vector<1x1x195xf32>
    tpu.vector_store %arg3[%swap3A_2587, %swap3A_2588, %swap3A_2589], %swap3A_2592 {strides = array<i32>} : memref<1x8x16416xf32, #tpu.memory_space<vmem>>, vector<1x1x195xf32>,
    %slice3A_2593 = vector.extract_strided_slice %get3A_3 {offsets = [318, 318], sizes = [1, 194], strides = [1, 1]} : vector<512x512xf32> to vector<1x194xf32>
    %squeeze3A_2594 = vector.shape_cast %slice3A_2593 : vector<1x194xf32> to vector<194xf32>
    %swap3A_2595 = arith.constant 0 : index
    %swap3A_2596 = arith.constant 6 : index
    %swap3A_2597 = arith.constant 13917 : index
    %swap3A_2598 = vector.load %arg3[%swap3A_2595, %swap3A_2596, %swap3A_2597] : memref<1x8x16416xf32, #tpu.memory_space<vmem>>, vector<1x1x194xf32>
    %swap3A_2599 = vector.shape_cast %swap3A_2598 : vector<1x1x194xf32> to vector<194xf32>
    %swap3A_2600 = vector.shape_cast %squeeze3A_2594 : vector<194xf32> to vector<1x1x194xf32>
    tpu.vector_store %arg3[%swap3A_2595, %swap3A_2596, %swap3A_2597], %swap3A_2600 {strides = array<i32>} : memref<1x8x16416xf32, #tpu.memory_space<vmem>>, vector<1x1x194xf32>,
    %slice3A_2601 = vector.extract_strided_slice %get3A_3 {offsets = [319, 319], sizes = [1, 193], strides = [1, 1]} : vector<512x512xf32> to vector<1x193xf32>
    %squeeze3A_2602 = vector.shape_cast %slice3A_2601 : vector<1x193xf32> to vector<193xf32>
    %swap3A_2603 = arith.constant 0 : index
    %swap3A_2604 = arith.constant 6 : index
    %swap3A_2605 = arith.constant 14111 : index
    %swap3A_2606 = vector.load %arg3[%swap3A_2603, %swap3A_2604, %swap3A_2605] : memref<1x8x16416xf32, #tpu.memory_space<vmem>>, vector<1x1x193xf32>
    %swap3A_2607 = vector.shape_cast %swap3A_2606 : vector<1x1x193xf32> to vector<193xf32>
    %swap3A_2608 = vector.shape_cast %squeeze3A_2602 : vector<193xf32> to vector<1x1x193xf32>
    tpu.vector_store %arg3[%swap3A_2603, %swap3A_2604, %swap3A_2605], %swap3A_2608 {strides = array<i32>} : memref<1x8x16416xf32, #tpu.memory_space<vmem>>, vector<1x1x193xf32>,
    %slice3A_2609 = vector.extract_strided_slice %get3A_3 {offsets = [320, 320], sizes = [1, 192], strides = [1, 1]} : vector<512x512xf32> to vector<1x192xf32>
    %squeeze3A_2610 = vector.shape_cast %slice3A_2609 : vector<1x192xf32> to vector<192xf32>
    %swap3A_2611 = arith.constant 0 : index
    %swap3A_2612 = arith.constant 6 : index
    %swap3A_2613 = arith.constant 14304 : index
    %swap3A_2614 = vector.load %arg3[%swap3A_2611, %swap3A_2612, %swap3A_2613] : memref<1x8x16416xf32, #tpu.memory_space<vmem>>, vector<1x1x192xf32>
    %swap3A_2615 = vector.shape_cast %swap3A_2614 : vector<1x1x192xf32> to vector<192xf32>
    %swap3A_2616 = vector.shape_cast %squeeze3A_2610 : vector<192xf32> to vector<1x1x192xf32>
    tpu.vector_store %arg3[%swap3A_2611, %swap3A_2612, %swap3A_2613], %swap3A_2616 {strides = array<i32>} : memref<1x8x16416xf32, #tpu.memory_space<vmem>>, vector<1x1x192xf32>,
    %slice3A_2617 = vector.extract_strided_slice %get3A_3 {offsets = [321, 321], sizes = [1, 191], strides = [1, 1]} : vector<512x512xf32> to vector<1x191xf32>
    %squeeze3A_2618 = vector.shape_cast %slice3A_2617 : vector<1x191xf32> to vector<191xf32>
    %swap3A_2619 = arith.constant 0 : index
    %swap3A_2620 = arith.constant 6 : index
    %swap3A_2621 = arith.constant 14496 : index
    %swap3A_2622 = vector.load %arg3[%swap3A_2619, %swap3A_2620, %swap3A_2621] : memref<1x8x16416xf32, #tpu.memory_space<vmem>>, vector<1x1x191xf32>
    %swap3A_2623 = vector.shape_cast %swap3A_2622 : vector<1x1x191xf32> to vector<191xf32>
    %swap3A_2624 = vector.shape_cast %squeeze3A_2618 : vector<191xf32> to vector<1x1x191xf32>
    tpu.vector_store %arg3[%swap3A_2619, %swap3A_2620, %swap3A_2621], %swap3A_2624 {strides = array<i32>} : memref<1x8x16416xf32, #tpu.memory_space<vmem>>, vector<1x1x191xf32>,
    %slice3A_2625 = vector.extract_strided_slice %get3A_3 {offsets = [322, 322], sizes = [1, 190], strides = [1, 1]} : vector<512x512xf32> to vector<1x190xf32>
    %squeeze3A_2626 = vector.shape_cast %slice3A_2625 : vector<1x190xf32> to vector<190xf32>
    %swap3A_2627 = arith.constant 0 : index
    %swap3A_2628 = arith.constant 6 : index
    %swap3A_2629 = arith.constant 14687 : index
    %swap3A_2630 = vector.load %arg3[%swap3A_2627, %swap3A_2628, %swap3A_2629] : memref<1x8x16416xf32, #tpu.memory_space<vmem>>, vector<1x1x190xf32>
    %swap3A_2631 = vector.shape_cast %swap3A_2630 : vector<1x1x190xf32> to vector<190xf32>
    %swap3A_2632 = vector.shape_cast %squeeze3A_2626 : vector<190xf32> to vector<1x1x190xf32>
    tpu.vector_store %arg3[%swap3A_2627, %swap3A_2628, %swap3A_2629], %swap3A_2632 {strides = array<i32>} : memref<1x8x16416xf32, #tpu.memory_space<vmem>>, vector<1x1x190xf32>,
    %slice3A_2633 = vector.extract_strided_slice %get3A_3 {offsets = [323, 323], sizes = [1, 189], strides = [1, 1]} : vector<512x512xf32> to vector<1x189xf32>
    %squeeze3A_2634 = vector.shape_cast %slice3A_2633 : vector<1x189xf32> to vector<189xf32>
    %swap3A_2635 = arith.constant 0 : index
    %swap3A_2636 = arith.constant 6 : index
    %swap3A_2637 = arith.constant 14877 : index
    %swap3A_2638 = vector.load %arg3[%swap3A_2635, %swap3A_2636, %swap3A_2637] : memref<1x8x16416xf32, #tpu.memory_space<vmem>>, vector<1x1x189xf32>
    %swap3A_2639 = vector.shape_cast %swap3A_2638 : vector<1x1x189xf32> to vector<189xf32>
    %swap3A_2640 = vector.shape_cast %squeeze3A_2634 : vector<189xf32> to vector<1x1x189xf32>
    tpu.vector_store %arg3[%swap3A_2635, %swap3A_2636, %swap3A_2637], %swap3A_2640 {strides = array<i32>} : memref<1x8x16416xf32, #tpu.memory_space<vmem>>, vector<1x1x189xf32>,
    %slice3A_2641 = vector.extract_strided_slice %get3A_3 {offsets = [324, 324], sizes = [1, 188], strides = [1, 1]} : vector<512x512xf32> to vector<1x188xf32>
    %squeeze3A_2642 = vector.shape_cast %slice3A_2641 : vector<1x188xf32> to vector<188xf32>
    %swap3A_2643 = arith.constant 0 : index
    %swap3A_2644 = arith.constant 6 : index
    %swap3A_2645 = arith.constant 15066 : index
    %swap3A_2646 = vector.load %arg3[%swap3A_2643, %swap3A_2644, %swap3A_2645] : memref<1x8x16416xf32, #tpu.memory_space<vmem>>, vector<1x1x188xf32>
    %swap3A_2647 = vector.shape_cast %swap3A_2646 : vector<1x1x188xf32> to vector<188xf32>
    %swap3A_2648 = vector.shape_cast %squeeze3A_2642 : vector<188xf32> to vector<1x1x188xf32>
    tpu.vector_store %arg3[%swap3A_2643, %swap3A_2644, %swap3A_2645], %swap3A_2648 {strides = array<i32>} : memref<1x8x16416xf32, #tpu.memory_space<vmem>>, vector<1x1x188xf32>,
    %slice3A_2649 = vector.extract_strided_slice %get3A_3 {offsets = [325, 325], sizes = [1, 187], strides = [1, 1]} : vector<512x512xf32> to vector<1x187xf32>
    %squeeze3A_2650 = vector.shape_cast %slice3A_2649 : vector<1x187xf32> to vector<187xf32>
    %swap3A_2651 = arith.constant 0 : index
    %swap3A_2652 = arith.constant 6 : index
    %swap3A_2653 = arith.constant 15254 : index
    %swap3A_2654 = vector.load %arg3[%swap3A_2651, %swap3A_2652, %swap3A_2653] : memref<1x8x16416xf32, #tpu.memory_space<vmem>>, vector<1x1x187xf32>
    %swap3A_2655 = vector.shape_cast %swap3A_2654 : vector<1x1x187xf32> to vector<187xf32>
    %swap3A_2656 = vector.shape_cast %squeeze3A_2650 : vector<187xf32> to vector<1x1x187xf32>
    tpu.vector_store %arg3[%swap3A_2651, %swap3A_2652, %swap3A_2653], %swap3A_2656 {strides = array<i32>} : memref<1x8x16416xf32, #tpu.memory_space<vmem>>, vector<1x1x187xf32>,
    %slice3A_2657 = vector.extract_strided_slice %get3A_3 {offsets = [326, 326], sizes = [1, 186], strides = [1, 1]} : vector<512x512xf32> to vector<1x186xf32>
    %squeeze3A_2658 = vector.shape_cast %slice3A_2657 : vector<1x186xf32> to vector<186xf32>
    %swap3A_2659 = arith.constant 0 : index
    %swap3A_2660 = arith.constant 6 : index
    %swap3A_2661 = arith.constant 15441 : index
    %swap3A_2662 = vector.load %arg3[%swap3A_2659, %swap3A_2660, %swap3A_2661] : memref<1x8x16416xf32, #tpu.memory_space<vmem>>, vector<1x1x186xf32>
    %swap3A_2663 = vector.shape_cast %swap3A_2662 : vector<1x1x186xf32> to vector<186xf32>
    %swap3A_2664 = vector.shape_cast %squeeze3A_2658 : vector<186xf32> to vector<1x1x186xf32>
    tpu.vector_store %arg3[%swap3A_2659, %swap3A_2660, %swap3A_2661], %swap3A_2664 {strides = array<i32>} : memref<1x8x16416xf32, #tpu.memory_space<vmem>>, vector<1x1x186xf32>,
    %slice3A_2665 = vector.extract_strided_slice %get3A_3 {offsets = [327, 327], sizes = [1, 185], strides = [1, 1]} : vector<512x512xf32> to vector<1x185xf32>
    %squeeze3A_2666 = vector.shape_cast %slice3A_2665 : vector<1x185xf32> to vector<185xf32>
    %swap3A_2667 = arith.constant 0 : index
    %swap3A_2668 = arith.constant 6 : index
    %swap3A_2669 = arith.constant 15627 : index
    %swap3A_2670 = vector.load %arg3[%swap3A_2667, %swap3A_2668, %swap3A_2669] : memref<1x8x16416xf32, #tpu.memory_space<vmem>>, vector<1x1x185xf32>
    %swap3A_2671 = vector.shape_cast %swap3A_2670 : vector<1x1x185xf32> to vector<185xf32>
    %swap3A_2672 = vector.shape_cast %squeeze3A_2666 : vector<185xf32> to vector<1x1x185xf32>
    tpu.vector_store %arg3[%swap3A_2667, %swap3A_2668, %swap3A_2669], %swap3A_2672 {strides = array<i32>} : memref<1x8x16416xf32, #tpu.memory_space<vmem>>, vector<1x1x185xf32>,
    %slice3A_2673 = vector.extract_strided_slice %get3A_3 {offsets = [328, 328], sizes = [1, 184], strides = [1, 1]} : vector<512x512xf32> to vector<1x184xf32>
    %squeeze3A_2674 = vector.shape_cast %slice3A_2673 : vector<1x184xf32> to vector<184xf32>
    %swap3A_2675 = arith.constant 0 : index
    %swap3A_2676 = arith.constant 6 : index
    %swap3A_2677 = arith.constant 15812 : index
    %swap3A_2678 = vector.load %arg3[%swap3A_2675, %swap3A_2676, %swap3A_2677] : memref<1x8x16416xf32, #tpu.memory_space<vmem>>, vector<1x1x184xf32>
    %swap3A_2679 = vector.shape_cast %swap3A_2678 : vector<1x1x184xf32> to vector<184xf32>
    %swap3A_2680 = vector.shape_cast %squeeze3A_2674 : vector<184xf32> to vector<1x1x184xf32>
    tpu.vector_store %arg3[%swap3A_2675, %swap3A_2676, %swap3A_2677], %swap3A_2680 {strides = array<i32>} : memref<1x8x16416xf32, #tpu.memory_space<vmem>>, vector<1x1x184xf32>,
    %slice3A_2681 = vector.extract_strided_slice %get3A_3 {offsets = [329, 329], sizes = [1, 183], strides = [1, 1]} : vector<512x512xf32> to vector<1x183xf32>
    %squeeze3A_2682 = vector.shape_cast %slice3A_2681 : vector<1x183xf32> to vector<183xf32>
    %swap3A_2683 = arith.constant 0 : index
    %swap3A_2684 = arith.constant 6 : index
    %swap3A_2685 = arith.constant 15996 : index
    %swap3A_2686 = vector.load %arg3[%swap3A_2683, %swap3A_2684, %swap3A_2685] : memref<1x8x16416xf32, #tpu.memory_space<vmem>>, vector<1x1x183xf32>
    %swap3A_2687 = vector.shape_cast %swap3A_2686 : vector<1x1x183xf32> to vector<183xf32>
    %swap3A_2688 = vector.shape_cast %squeeze3A_2682 : vector<183xf32> to vector<1x1x183xf32>
    tpu.vector_store %arg3[%swap3A_2683, %swap3A_2684, %swap3A_2685], %swap3A_2688 {strides = array<i32>} : memref<1x8x16416xf32, #tpu.memory_space<vmem>>, vector<1x1x183xf32>,
    %slice3A_2689 = vector.extract_strided_slice %get3A_3 {offsets = [330, 330], sizes = [1, 182], strides = [1, 1]} : vector<512x512xf32> to vector<1x182xf32>
    %squeeze3A_2690 = vector.shape_cast %slice3A_2689 : vector<1x182xf32> to vector<182xf32>
    %swap3A_2691 = arith.constant 0 : index
    %swap3A_2692 = arith.constant 6 : index
    %swap3A_2693 = arith.constant 16179 : index
    %swap3A_2694 = vector.load %arg3[%swap3A_2691, %swap3A_2692, %swap3A_2693] : memref<1x8x16416xf32, #tpu.memory_space<vmem>>, vector<1x1x182xf32>
    %swap3A_2695 = vector.shape_cast %swap3A_2694 : vector<1x1x182xf32> to vector<182xf32>
    %swap3A_2696 = vector.shape_cast %squeeze3A_2690 : vector<182xf32> to vector<1x1x182xf32>
    tpu.vector_store %arg3[%swap3A_2691, %swap3A_2692, %swap3A_2693], %swap3A_2696 {strides = array<i32>} : memref<1x8x16416xf32, #tpu.memory_space<vmem>>, vector<1x1x182xf32>,
    %slice3A_2697 = vector.extract_strided_slice %get3A_3 {offsets = [331, 331], sizes = [1, 55], strides = [1, 1]} : vector<512x512xf32> to vector<1x55xf32>
    %squeeze3A_2698 = vector.shape_cast %slice3A_2697 : vector<1x55xf32> to vector<55xf32>
    %swap3A_2699 = arith.constant 0 : index
    %swap3A_2700 = arith.constant 6 : index
    %swap3A_2701 = arith.constant 16361 : index
    %swap3A_2702 = vector.load %arg3[%swap3A_2699, %swap3A_2700, %swap3A_2701] : memref<1x8x16416xf32, #tpu.memory_space<vmem>>, vector<1x1x55xf32>
    %swap3A_2703 = vector.shape_cast %swap3A_2702 : vector<1x1x55xf32> to vector<55xf32>
    %swap3A_2704 = vector.shape_cast %squeeze3A_2698 : vector<55xf32> to vector<1x1x55xf32>
    tpu.vector_store %arg3[%swap3A_2699, %swap3A_2700, %swap3A_2701], %swap3A_2704 {strides = array<i32>} : memref<1x8x16416xf32, #tpu.memory_space<vmem>>, vector<1x1x55xf32>,
    %slice3A_2705 = vector.extract_strided_slice %get3A_3 {offsets = [331, 386], sizes = [1, 126], strides = [1, 1]} : vector<512x512xf32> to vector<1x126xf32>
    %squeeze3A_2706 = vector.shape_cast %slice3A_2705 : vector<1x126xf32> to vector<126xf32>
    %swap3A_2707 = arith.constant 0 : index
    %swap3A_2708 = arith.constant 7 : index
    %swap3A_2709 = arith.constant 0 : index
    %swap3A_2710 = vector.load %arg3[%swap3A_2707, %swap3A_2708, %swap3A_2709] : memref<1x8x16416xf32, #tpu.memory_space<vmem>>, vector<1x1x126xf32>
    %swap3A_2711 = vector.shape_cast %swap3A_2710 : vector<1x1x126xf32> to vector<126xf32>
    %swap3A_2712 = vector.shape_cast %squeeze3A_2706 : vector<126xf32> to vector<1x1x126xf32>
    tpu.vector_store %arg3[%swap3A_2707, %swap3A_2708, %swap3A_2709], %swap3A_2712 {strides = array<i32>} : memref<1x8x16416xf32, #tpu.memory_space<vmem>>, vector<1x1x126xf32>,
    %slice3A_2713 = vector.extract_strided_slice %get3A_3 {offsets = [332, 332], sizes = [1, 180], strides = [1, 1]} : vector<512x512xf32> to vector<1x180xf32>
    %squeeze3A_2714 = vector.shape_cast %slice3A_2713 : vector<1x180xf32> to vector<180xf32>
    %swap3A_2715 = arith.constant 0 : index
    %swap3A_2716 = arith.constant 7 : index
    %swap3A_2717 = arith.constant 126 : index
    %swap3A_2718 = vector.load %arg3[%swap3A_2715, %swap3A_2716, %swap3A_2717] : memref<1x8x16416xf32, #tpu.memory_space<vmem>>, vector<1x1x180xf32>
    %swap3A_2719 = vector.shape_cast %swap3A_2718 : vector<1x1x180xf32> to vector<180xf32>
    %swap3A_2720 = vector.shape_cast %squeeze3A_2714 : vector<180xf32> to vector<1x1x180xf32>
    tpu.vector_store %arg3[%swap3A_2715, %swap3A_2716, %swap3A_2717], %swap3A_2720 {strides = array<i32>} : memref<1x8x16416xf32, #tpu.memory_space<vmem>>, vector<1x1x180xf32>,
    %slice3A_2721 = vector.extract_strided_slice %get3A_3 {offsets = [333, 333], sizes = [1, 179], strides = [1, 1]} : vector<512x512xf32> to vector<1x179xf32>
    %squeeze3A_2722 = vector.shape_cast %slice3A_2721 : vector<1x179xf32> to vector<179xf32>
    %swap3A_2723 = arith.constant 0 : index
    %swap3A_2724 = arith.constant 7 : index
    %swap3A_2725 = arith.constant 306 : index
    %swap3A_2726 = vector.load %arg3[%swap3A_2723, %swap3A_2724, %swap3A_2725] : memref<1x8x16416xf32, #tpu.memory_space<vmem>>, vector<1x1x179xf32>
    %swap3A_2727 = vector.shape_cast %swap3A_2726 : vector<1x1x179xf32> to vector<179xf32>
    %swap3A_2728 = vector.shape_cast %squeeze3A_2722 : vector<179xf32> to vector<1x1x179xf32>
    tpu.vector_store %arg3[%swap3A_2723, %swap3A_2724, %swap3A_2725], %swap3A_2728 {strides = array<i32>} : memref<1x8x16416xf32, #tpu.memory_space<vmem>>, vector<1x1x179xf32>,
    %slice3A_2729 = vector.extract_strided_slice %get3A_3 {offsets = [334, 334], sizes = [1, 178], strides = [1, 1]} : vector<512x512xf32> to vector<1x178xf32>
    %squeeze3A_2730 = vector.shape_cast %slice3A_2729 : vector<1x178xf32> to vector<178xf32>
    %swap3A_2731 = arith.constant 0 : index
    %swap3A_2732 = arith.constant 7 : index
    %swap3A_2733 = arith.constant 485 : index
    %swap3A_2734 = vector.load %arg3[%swap3A_2731, %swap3A_2732, %swap3A_2733] : memref<1x8x16416xf32, #tpu.memory_space<vmem>>, vector<1x1x178xf32>
    %swap3A_2735 = vector.shape_cast %swap3A_2734 : vector<1x1x178xf32> to vector<178xf32>
    %swap3A_2736 = vector.shape_cast %squeeze3A_2730 : vector<178xf32> to vector<1x1x178xf32>
    tpu.vector_store %arg3[%swap3A_2731, %swap3A_2732, %swap3A_2733], %swap3A_2736 {strides = array<i32>} : memref<1x8x16416xf32, #tpu.memory_space<vmem>>, vector<1x1x178xf32>,
    %slice3A_2737 = vector.extract_strided_slice %get3A_3 {offsets = [335, 335], sizes = [1, 177], strides = [1, 1]} : vector<512x512xf32> to vector<1x177xf32>
    %squeeze3A_2738 = vector.shape_cast %slice3A_2737 : vector<1x177xf32> to vector<177xf32>
    %swap3A_2739 = arith.constant 0 : index
    %swap3A_2740 = arith.constant 7 : index
    %swap3A_2741 = arith.constant 663 : index
    %swap3A_2742 = vector.load %arg3[%swap3A_2739, %swap3A_2740, %swap3A_2741] : memref<1x8x16416xf32, #tpu.memory_space<vmem>>, vector<1x1x177xf32>
    %swap3A_2743 = vector.shape_cast %swap3A_2742 : vector<1x1x177xf32> to vector<177xf32>
    %swap3A_2744 = vector.shape_cast %squeeze3A_2738 : vector<177xf32> to vector<1x1x177xf32>
    tpu.vector_store %arg3[%swap3A_2739, %swap3A_2740, %swap3A_2741], %swap3A_2744 {strides = array<i32>} : memref<1x8x16416xf32, #tpu.memory_space<vmem>>, vector<1x1x177xf32>,
    %slice3A_2745 = vector.extract_strided_slice %get3A_3 {offsets = [336, 336], sizes = [1, 176], strides = [1, 1]} : vector<512x512xf32> to vector<1x176xf32>
    %squeeze3A_2746 = vector.shape_cast %slice3A_2745 : vector<1x176xf32> to vector<176xf32>
    %swap3A_2747 = arith.constant 0 : index
    %swap3A_2748 = arith.constant 7 : index
    %swap3A_2749 = arith.constant 840 : index
    %swap3A_2750 = vector.load %arg3[%swap3A_2747, %swap3A_2748, %swap3A_2749] : memref<1x8x16416xf32, #tpu.memory_space<vmem>>, vector<1x1x176xf32>
    %swap3A_2751 = vector.shape_cast %swap3A_2750 : vector<1x1x176xf32> to vector<176xf32>
    %swap3A_2752 = vector.shape_cast %squeeze3A_2746 : vector<176xf32> to vector<1x1x176xf32>
    tpu.vector_store %arg3[%swap3A_2747, %swap3A_2748, %swap3A_2749], %swap3A_2752 {strides = array<i32>} : memref<1x8x16416xf32, #tpu.memory_space<vmem>>, vector<1x1x176xf32>,
    %slice3A_2753 = vector.extract_strided_slice %get3A_3 {offsets = [337, 337], sizes = [1, 175], strides = [1, 1]} : vector<512x512xf32> to vector<1x175xf32>
    %squeeze3A_2754 = vector.shape_cast %slice3A_2753 : vector<1x175xf32> to vector<175xf32>
    %swap3A_2755 = arith.constant 0 : index
    %swap3A_2756 = arith.constant 7 : index
    %swap3A_2757 = arith.constant 1016 : index
    %swap3A_2758 = vector.load %arg3[%swap3A_2755, %swap3A_2756, %swap3A_2757] : memref<1x8x16416xf32, #tpu.memory_space<vmem>>, vector<1x1x175xf32>
    %swap3A_2759 = vector.shape_cast %swap3A_2758 : vector<1x1x175xf32> to vector<175xf32>
    %swap3A_2760 = vector.shape_cast %squeeze3A_2754 : vector<175xf32> to vector<1x1x175xf32>
    tpu.vector_store %arg3[%swap3A_2755, %swap3A_2756, %swap3A_2757], %swap3A_2760 {strides = array<i32>} : memref<1x8x16416xf32, #tpu.memory_space<vmem>>, vector<1x1x175xf32>,
    %slice3A_2761 = vector.extract_strided_slice %get3A_3 {offsets = [338, 338], sizes = [1, 174], strides = [1, 1]} : vector<512x512xf32> to vector<1x174xf32>
    %squeeze3A_2762 = vector.shape_cast %slice3A_2761 : vector<1x174xf32> to vector<174xf32>
    %swap3A_2763 = arith.constant 0 : index
    %swap3A_2764 = arith.constant 7 : index
    %swap3A_2765 = arith.constant 1191 : index
    %swap3A_2766 = vector.load %arg3[%swap3A_2763, %swap3A_2764, %swap3A_2765] : memref<1x8x16416xf32, #tpu.memory_space<vmem>>, vector<1x1x174xf32>
    %swap3A_2767 = vector.shape_cast %swap3A_2766 : vector<1x1x174xf32> to vector<174xf32>
    %swap3A_2768 = vector.shape_cast %squeeze3A_2762 : vector<174xf32> to vector<1x1x174xf32>
    tpu.vector_store %arg3[%swap3A_2763, %swap3A_2764, %swap3A_2765], %swap3A_2768 {strides = array<i32>} : memref<1x8x16416xf32, #tpu.memory_space<vmem>>, vector<1x1x174xf32>,
    %slice3A_2769 = vector.extract_strided_slice %get3A_3 {offsets = [339, 339], sizes = [1, 173], strides = [1, 1]} : vector<512x512xf32> to vector<1x173xf32>
    %squeeze3A_2770 = vector.shape_cast %slice3A_2769 : vector<1x173xf32> to vector<173xf32>
    %swap3A_2771 = arith.constant 0 : index
    %swap3A_2772 = arith.constant 7 : index
    %swap3A_2773 = arith.constant 1365 : index
    %swap3A_2774 = vector.load %arg3[%swap3A_2771, %swap3A_2772, %swap3A_2773] : memref<1x8x16416xf32, #tpu.memory_space<vmem>>, vector<1x1x173xf32>
    %swap3A_2775 = vector.shape_cast %swap3A_2774 : vector<1x1x173xf32> to vector<173xf32>
    %swap3A_2776 = vector.shape_cast %squeeze3A_2770 : vector<173xf32> to vector<1x1x173xf32>
    tpu.vector_store %arg3[%swap3A_2771, %swap3A_2772, %swap3A_2773], %swap3A_2776 {strides = array<i32>} : memref<1x8x16416xf32, #tpu.memory_space<vmem>>, vector<1x1x173xf32>,
    %slice3A_2777 = vector.extract_strided_slice %get3A_3 {offsets = [340, 340], sizes = [1, 172], strides = [1, 1]} : vector<512x512xf32> to vector<1x172xf32>
    %squeeze3A_2778 = vector.shape_cast %slice3A_2777 : vector<1x172xf32> to vector<172xf32>
    %swap3A_2779 = arith.constant 0 : index
    %swap3A_2780 = arith.constant 7 : index
    %swap3A_2781 = arith.constant 1538 : index
    %swap3A_2782 = vector.load %arg3[%swap3A_2779, %swap3A_2780, %swap3A_2781] : memref<1x8x16416xf32, #tpu.memory_space<vmem>>, vector<1x1x172xf32>
    %swap3A_2783 = vector.shape_cast %swap3A_2782 : vector<1x1x172xf32> to vector<172xf32>
    %swap3A_2784 = vector.shape_cast %squeeze3A_2778 : vector<172xf32> to vector<1x1x172xf32>
    tpu.vector_store %arg3[%swap3A_2779, %swap3A_2780, %swap3A_2781], %swap3A_2784 {strides = array<i32>} : memref<1x8x16416xf32, #tpu.memory_space<vmem>>, vector<1x1x172xf32>,
    %slice3A_2785 = vector.extract_strided_slice %get3A_3 {offsets = [341, 341], sizes = [1, 171], strides = [1, 1]} : vector<512x512xf32> to vector<1x171xf32>
    %squeeze3A_2786 = vector.shape_cast %slice3A_2785 : vector<1x171xf32> to vector<171xf32>
    %swap3A_2787 = arith.constant 0 : index
    %swap3A_2788 = arith.constant 7 : index
    %swap3A_2789 = arith.constant 1710 : index
    %swap3A_2790 = vector.load %arg3[%swap3A_2787, %swap3A_2788, %swap3A_2789] : memref<1x8x16416xf32, #tpu.memory_space<vmem>>, vector<1x1x171xf32>
    %swap3A_2791 = vector.shape_cast %swap3A_2790 : vector<1x1x171xf32> to vector<171xf32>
    %swap3A_2792 = vector.shape_cast %squeeze3A_2786 : vector<171xf32> to vector<1x1x171xf32>
    tpu.vector_store %arg3[%swap3A_2787, %swap3A_2788, %swap3A_2789], %swap3A_2792 {strides = array<i32>} : memref<1x8x16416xf32, #tpu.memory_space<vmem>>, vector<1x1x171xf32>,
    %slice3A_2793 = vector.extract_strided_slice %get3A_3 {offsets = [342, 342], sizes = [1, 170], strides = [1, 1]} : vector<512x512xf32> to vector<1x170xf32>
    %squeeze3A_2794 = vector.shape_cast %slice3A_2793 : vector<1x170xf32> to vector<170xf32>
    %swap3A_2795 = arith.constant 0 : index
    %swap3A_2796 = arith.constant 7 : index
    %swap3A_2797 = arith.constant 1881 : index
    %swap3A_2798 = vector.load %arg3[%swap3A_2795, %swap3A_2796, %swap3A_2797] : memref<1x8x16416xf32, #tpu.memory_space<vmem>>, vector<1x1x170xf32>
    %swap3A_2799 = vector.shape_cast %swap3A_2798 : vector<1x1x170xf32> to vector<170xf32>
    %swap3A_2800 = vector.shape_cast %squeeze3A_2794 : vector<170xf32> to vector<1x1x170xf32>
    tpu.vector_store %arg3[%swap3A_2795, %swap3A_2796, %swap3A_2797], %swap3A_2800 {strides = array<i32>} : memref<1x8x16416xf32, #tpu.memory_space<vmem>>, vector<1x1x170xf32>,
    %slice3A_2801 = vector.extract_strided_slice %get3A_3 {offsets = [343, 343], sizes = [1, 169], strides = [1, 1]} : vector<512x512xf32> to vector<1x169xf32>
    %squeeze3A_2802 = vector.shape_cast %slice3A_2801 : vector<1x169xf32> to vector<169xf32>
    %swap3A_2803 = arith.constant 0 : index
    %swap3A_2804 = arith.constant 7 : index
    %swap3A_2805 = arith.constant 2051 : index
    %swap3A_2806 = vector.load %arg3[%swap3A_2803, %swap3A_2804, %swap3A_2805] : memref<1x8x16416xf32, #tpu.memory_space<vmem>>, vector<1x1x169xf32>
    %swap3A_2807 = vector.shape_cast %swap3A_2806 : vector<1x1x169xf32> to vector<169xf32>
    %swap3A_2808 = vector.shape_cast %squeeze3A_2802 : vector<169xf32> to vector<1x1x169xf32>
    tpu.vector_store %arg3[%swap3A_2803, %swap3A_2804, %swap3A_2805], %swap3A_2808 {strides = array<i32>} : memref<1x8x16416xf32, #tpu.memory_space<vmem>>, vector<1x1x169xf32>,
    %slice3A_2809 = vector.extract_strided_slice %get3A_3 {offsets = [344, 344], sizes = [1, 168], strides = [1, 1]} : vector<512x512xf32> to vector<1x168xf32>
    %squeeze3A_2810 = vector.shape_cast %slice3A_2809 : vector<1x168xf32> to vector<168xf32>
    %swap3A_2811 = arith.constant 0 : index
    %swap3A_2812 = arith.constant 7 : index
    %swap3A_2813 = arith.constant 2220 : index
    %swap3A_2814 = vector.load %arg3[%swap3A_2811, %swap3A_2812, %swap3A_2813] : memref<1x8x16416xf32, #tpu.memory_space<vmem>>, vector<1x1x168xf32>
    %swap3A_2815 = vector.shape_cast %swap3A_2814 : vector<1x1x168xf32> to vector<168xf32>
    %swap3A_2816 = vector.shape_cast %squeeze3A_2810 : vector<168xf32> to vector<1x1x168xf32>
    tpu.vector_store %arg3[%swap3A_2811, %swap3A_2812, %swap3A_2813], %swap3A_2816 {strides = array<i32>} : memref<1x8x16416xf32, #tpu.memory_space<vmem>>, vector<1x1x168xf32>,
    %slice3A_2817 = vector.extract_strided_slice %get3A_3 {offsets = [345, 345], sizes = [1, 167], strides = [1, 1]} : vector<512x512xf32> to vector<1x167xf32>
    %squeeze3A_2818 = vector.shape_cast %slice3A_2817 : vector<1x167xf32> to vector<167xf32>
    %swap3A_2819 = arith.constant 0 : index
    %swap3A_2820 = arith.constant 7 : index
    %swap3A_2821 = arith.constant 2388 : index
    %swap3A_2822 = vector.load %arg3[%swap3A_2819, %swap3A_2820, %swap3A_2821] : memref<1x8x16416xf32, #tpu.memory_space<vmem>>, vector<1x1x167xf32>
    %swap3A_2823 = vector.shape_cast %swap3A_2822 : vector<1x1x167xf32> to vector<167xf32>
    %swap3A_2824 = vector.shape_cast %squeeze3A_2818 : vector<167xf32> to vector<1x1x167xf32>
    tpu.vector_store %arg3[%swap3A_2819, %swap3A_2820, %swap3A_2821], %swap3A_2824 {strides = array<i32>} : memref<1x8x16416xf32, #tpu.memory_space<vmem>>, vector<1x1x167xf32>,
    %slice3A_2825 = vector.extract_strided_slice %get3A_3 {offsets = [346, 346], sizes = [1, 166], strides = [1, 1]} : vector<512x512xf32> to vector<1x166xf32>
    %squeeze3A_2826 = vector.shape_cast %slice3A_2825 : vector<1x166xf32> to vector<166xf32>
    %swap3A_2827 = arith.constant 0 : index
    %swap3A_2828 = arith.constant 7 : index
    %swap3A_2829 = arith.constant 2555 : index
    %swap3A_2830 = vector.load %arg3[%swap3A_2827, %swap3A_2828, %swap3A_2829] : memref<1x8x16416xf32, #tpu.memory_space<vmem>>, vector<1x1x166xf32>
    %swap3A_2831 = vector.shape_cast %swap3A_2830 : vector<1x1x166xf32> to vector<166xf32>
    %swap3A_2832 = vector.shape_cast %squeeze3A_2826 : vector<166xf32> to vector<1x1x166xf32>
    tpu.vector_store %arg3[%swap3A_2827, %swap3A_2828, %swap3A_2829], %swap3A_2832 {strides = array<i32>} : memref<1x8x16416xf32, #tpu.memory_space<vmem>>, vector<1x1x166xf32>,
    %slice3A_2833 = vector.extract_strided_slice %get3A_3 {offsets = [347, 347], sizes = [1, 165], strides = [1, 1]} : vector<512x512xf32> to vector<1x165xf32>
    %squeeze3A_2834 = vector.shape_cast %slice3A_2833 : vector<1x165xf32> to vector<165xf32>
    %swap3A_2835 = arith.constant 0 : index
    %swap3A_2836 = arith.constant 7 : index
    %swap3A_2837 = arith.constant 2721 : index
    %swap3A_2838 = vector.load %arg3[%swap3A_2835, %swap3A_2836, %swap3A_2837] : memref<1x8x16416xf32, #tpu.memory_space<vmem>>, vector<1x1x165xf32>
    %swap3A_2839 = vector.shape_cast %swap3A_2838 : vector<1x1x165xf32> to vector<165xf32>
    %swap3A_2840 = vector.shape_cast %squeeze3A_2834 : vector<165xf32> to vector<1x1x165xf32>
    tpu.vector_store %arg3[%swap3A_2835, %swap3A_2836, %swap3A_2837], %swap3A_2840 {strides = array<i32>} : memref<1x8x16416xf32, #tpu.memory_space<vmem>>, vector<1x1x165xf32>,
    %slice3A_2841 = vector.extract_strided_slice %get3A_3 {offsets = [348, 348], sizes = [1, 164], strides = [1, 1]} : vector<512x512xf32> to vector<1x164xf32>
    %squeeze3A_2842 = vector.shape_cast %slice3A_2841 : vector<1x164xf32> to vector<164xf32>
    %swap3A_2843 = arith.constant 0 : index
    %swap3A_2844 = arith.constant 7 : index
    %swap3A_2845 = arith.constant 2886 : index
    %swap3A_2846 = vector.load %arg3[%swap3A_2843, %swap3A_2844, %swap3A_2845] : memref<1x8x16416xf32, #tpu.memory_space<vmem>>, vector<1x1x164xf32>
    %swap3A_2847 = vector.shape_cast %swap3A_2846 : vector<1x1x164xf32> to vector<164xf32>
    %swap3A_2848 = vector.shape_cast %squeeze3A_2842 : vector<164xf32> to vector<1x1x164xf32>
    tpu.vector_store %arg3[%swap3A_2843, %swap3A_2844, %swap3A_2845], %swap3A_2848 {strides = array<i32>} : memref<1x8x16416xf32, #tpu.memory_space<vmem>>, vector<1x1x164xf32>,
    %slice3A_2849 = vector.extract_strided_slice %get3A_3 {offsets = [349, 349], sizes = [1, 163], strides = [1, 1]} : vector<512x512xf32> to vector<1x163xf32>
    %squeeze3A_2850 = vector.shape_cast %slice3A_2849 : vector<1x163xf32> to vector<163xf32>
    %swap3A_2851 = arith.constant 0 : index
    %swap3A_2852 = arith.constant 7 : index
    %swap3A_2853 = arith.constant 3050 : index
    %swap3A_2854 = vector.load %arg3[%swap3A_2851, %swap3A_2852, %swap3A_2853] : memref<1x8x16416xf32, #tpu.memory_space<vmem>>, vector<1x1x163xf32>
    %swap3A_2855 = vector.shape_cast %swap3A_2854 : vector<1x1x163xf32> to vector<163xf32>
    %swap3A_2856 = vector.shape_cast %squeeze3A_2850 : vector<163xf32> to vector<1x1x163xf32>
    tpu.vector_store %arg3[%swap3A_2851, %swap3A_2852, %swap3A_2853], %swap3A_2856 {strides = array<i32>} : memref<1x8x16416xf32, #tpu.memory_space<vmem>>, vector<1x1x163xf32>,
    %slice3A_2857 = vector.extract_strided_slice %get3A_3 {offsets = [350, 350], sizes = [1, 162], strides = [1, 1]} : vector<512x512xf32> to vector<1x162xf32>
    %squeeze3A_2858 = vector.shape_cast %slice3A_2857 : vector<1x162xf32> to vector<162xf32>
    %swap3A_2859 = arith.constant 0 : index
    %swap3A_2860 = arith.constant 7 : index
    %swap3A_2861 = arith.constant 3213 : index
    %swap3A_2862 = vector.load %arg3[%swap3A_2859, %swap3A_2860, %swap3A_2861] : memref<1x8x16416xf32, #tpu.memory_space<vmem>>, vector<1x1x162xf32>
    %swap3A_2863 = vector.shape_cast %swap3A_2862 : vector<1x1x162xf32> to vector<162xf32>
    %swap3A_2864 = vector.shape_cast %squeeze3A_2858 : vector<162xf32> to vector<1x1x162xf32>
    tpu.vector_store %arg3[%swap3A_2859, %swap3A_2860, %swap3A_2861], %swap3A_2864 {strides = array<i32>} : memref<1x8x16416xf32, #tpu.memory_space<vmem>>, vector<1x1x162xf32>,
    %slice3A_2865 = vector.extract_strided_slice %get3A_3 {offsets = [351, 351], sizes = [1, 161], strides = [1, 1]} : vector<512x512xf32> to vector<1x161xf32>
    %squeeze3A_2866 = vector.shape_cast %slice3A_2865 : vector<1x161xf32> to vector<161xf32>
    %swap3A_2867 = arith.constant 0 : index
    %swap3A_2868 = arith.constant 7 : index
    %swap3A_2869 = arith.constant 3375 : index
    %swap3A_2870 = vector.load %arg3[%swap3A_2867, %swap3A_2868, %swap3A_2869] : memref<1x8x16416xf32, #tpu.memory_space<vmem>>, vector<1x1x161xf32>
    %swap3A_2871 = vector.shape_cast %swap3A_2870 : vector<1x1x161xf32> to vector<161xf32>
    %swap3A_2872 = vector.shape_cast %squeeze3A_2866 : vector<161xf32> to vector<1x1x161xf32>
    tpu.vector_store %arg3[%swap3A_2867, %swap3A_2868, %swap3A_2869], %swap3A_2872 {strides = array<i32>} : memref<1x8x16416xf32, #tpu.memory_space<vmem>>, vector<1x1x161xf32>,
    %slice3A_2873 = vector.extract_strided_slice %get3A_3 {offsets = [352, 352], sizes = [1, 160], strides = [1, 1]} : vector<512x512xf32> to vector<1x160xf32>
    %squeeze3A_2874 = vector.shape_cast %slice3A_2873 : vector<1x160xf32> to vector<160xf32>
    %swap3A_2875 = arith.constant 0 : index
    %swap3A_2876 = arith.constant 7 : index
    %swap3A_2877 = arith.constant 3536 : index
    %swap3A_2878 = vector.load %arg3[%swap3A_2875, %swap3A_2876, %swap3A_2877] : memref<1x8x16416xf32, #tpu.memory_space<vmem>>, vector<1x1x160xf32>
    %swap3A_2879 = vector.shape_cast %swap3A_2878 : vector<1x1x160xf32> to vector<160xf32>
    %swap3A_2880 = vector.shape_cast %squeeze3A_2874 : vector<160xf32> to vector<1x1x160xf32>
    tpu.vector_store %arg3[%swap3A_2875, %swap3A_2876, %swap3A_2877], %swap3A_2880 {strides = array<i32>} : memref<1x8x16416xf32, #tpu.memory_space<vmem>>, vector<1x1x160xf32>,
    %slice3A_2881 = vector.extract_strided_slice %get3A_3 {offsets = [353, 353], sizes = [1, 159], strides = [1, 1]} : vector<512x512xf32> to vector<1x159xf32>
    %squeeze3A_2882 = vector.shape_cast %slice3A_2881 : vector<1x159xf32> to vector<159xf32>
    %swap3A_2883 = arith.constant 0 : index
    %swap3A_2884 = arith.constant 7 : index
    %swap3A_2885 = arith.constant 3696 : index
    %swap3A_2886 = vector.load %arg3[%swap3A_2883, %swap3A_2884, %swap3A_2885] : memref<1x8x16416xf32, #tpu.memory_space<vmem>>, vector<1x1x159xf32>
    %swap3A_2887 = vector.shape_cast %swap3A_2886 : vector<1x1x159xf32> to vector<159xf32>
    %swap3A_2888 = vector.shape_cast %squeeze3A_2882 : vector<159xf32> to vector<1x1x159xf32>
    tpu.vector_store %arg3[%swap3A_2883, %swap3A_2884, %swap3A_2885], %swap3A_2888 {strides = array<i32>} : memref<1x8x16416xf32, #tpu.memory_space<vmem>>, vector<1x1x159xf32>,
    %slice3A_2889 = vector.extract_strided_slice %get3A_3 {offsets = [354, 354], sizes = [1, 158], strides = [1, 1]} : vector<512x512xf32> to vector<1x158xf32>
    %squeeze3A_2890 = vector.shape_cast %slice3A_2889 : vector<1x158xf32> to vector<158xf32>
    %swap3A_2891 = arith.constant 0 : index
    %swap3A_2892 = arith.constant 7 : index
    %swap3A_2893 = arith.constant 3855 : index
    %swap3A_2894 = vector.load %arg3[%swap3A_2891, %swap3A_2892, %swap3A_2893] : memref<1x8x16416xf32, #tpu.memory_space<vmem>>, vector<1x1x158xf32>
    %swap3A_2895 = vector.shape_cast %swap3A_2894 : vector<1x1x158xf32> to vector<158xf32>
    %swap3A_2896 = vector.shape_cast %squeeze3A_2890 : vector<158xf32> to vector<1x1x158xf32>
    tpu.vector_store %arg3[%swap3A_2891, %swap3A_2892, %swap3A_2893], %swap3A_2896 {strides = array<i32>} : memref<1x8x16416xf32, #tpu.memory_space<vmem>>, vector<1x1x158xf32>,
    %slice3A_2897 = vector.extract_strided_slice %get3A_3 {offsets = [355, 355], sizes = [1, 157], strides = [1, 1]} : vector<512x512xf32> to vector<1x157xf32>
    %squeeze3A_2898 = vector.shape_cast %slice3A_2897 : vector<1x157xf32> to vector<157xf32>
    %swap3A_2899 = arith.constant 0 : index
    %swap3A_2900 = arith.constant 7 : index
    %swap3A_2901 = arith.constant 4013 : index
    %swap3A_2902 = vector.load %arg3[%swap3A_2899, %swap3A_2900, %swap3A_2901] : memref<1x8x16416xf32, #tpu.memory_space<vmem>>, vector<1x1x157xf32>
    %swap3A_2903 = vector.shape_cast %swap3A_2902 : vector<1x1x157xf32> to vector<157xf32>
    %swap3A_2904 = vector.shape_cast %squeeze3A_2898 : vector<157xf32> to vector<1x1x157xf32>
    tpu.vector_store %arg3[%swap3A_2899, %swap3A_2900, %swap3A_2901], %swap3A_2904 {strides = array<i32>} : memref<1x8x16416xf32, #tpu.memory_space<vmem>>, vector<1x1x157xf32>,
    %slice3A_2905 = vector.extract_strided_slice %get3A_3 {offsets = [356, 356], sizes = [1, 156], strides = [1, 1]} : vector<512x512xf32> to vector<1x156xf32>
    %squeeze3A_2906 = vector.shape_cast %slice3A_2905 : vector<1x156xf32> to vector<156xf32>
    %swap3A_2907 = arith.constant 0 : index
    %swap3A_2908 = arith.constant 7 : index
    %swap3A_2909 = arith.constant 4170 : index
    %swap3A_2910 = vector.load %arg3[%swap3A_2907, %swap3A_2908, %swap3A_2909] : memref<1x8x16416xf32, #tpu.memory_space<vmem>>, vector<1x1x156xf32>
    %swap3A_2911 = vector.shape_cast %swap3A_2910 : vector<1x1x156xf32> to vector<156xf32>
    %swap3A_2912 = vector.shape_cast %squeeze3A_2906 : vector<156xf32> to vector<1x1x156xf32>
    tpu.vector_store %arg3[%swap3A_2907, %swap3A_2908, %swap3A_2909], %swap3A_2912 {strides = array<i32>} : memref<1x8x16416xf32, #tpu.memory_space<vmem>>, vector<1x1x156xf32>,
    %slice3A_2913 = vector.extract_strided_slice %get3A_3 {offsets = [357, 357], sizes = [1, 155], strides = [1, 1]} : vector<512x512xf32> to vector<1x155xf32>
    %squeeze3A_2914 = vector.shape_cast %slice3A_2913 : vector<1x155xf32> to vector<155xf32>
    %swap3A_2915 = arith.constant 0 : index
    %swap3A_2916 = arith.constant 7 : index
    %swap3A_2917 = arith.constant 4326 : index
    %swap3A_2918 = vector.load %arg3[%swap3A_2915, %swap3A_2916, %swap3A_2917] : memref<1x8x16416xf32, #tpu.memory_space<vmem>>, vector<1x1x155xf32>
    %swap3A_2919 = vector.shape_cast %swap3A_2918 : vector<1x1x155xf32> to vector<155xf32>
    %swap3A_2920 = vector.shape_cast %squeeze3A_2914 : vector<155xf32> to vector<1x1x155xf32>
    tpu.vector_store %arg3[%swap3A_2915, %swap3A_2916, %swap3A_2917], %swap3A_2920 {strides = array<i32>} : memref<1x8x16416xf32, #tpu.memory_space<vmem>>, vector<1x1x155xf32>,
    %slice3A_2921 = vector.extract_strided_slice %get3A_3 {offsets = [358, 358], sizes = [1, 154], strides = [1, 1]} : vector<512x512xf32> to vector<1x154xf32>
    %squeeze3A_2922 = vector.shape_cast %slice3A_2921 : vector<1x154xf32> to vector<154xf32>
    %swap3A_2923 = arith.constant 0 : index
    %swap3A_2924 = arith.constant 7 : index
    %swap3A_2925 = arith.constant 4481 : index
    %swap3A_2926 = vector.load %arg3[%swap3A_2923, %swap3A_2924, %swap3A_2925] : memref<1x8x16416xf32, #tpu.memory_space<vmem>>, vector<1x1x154xf32>
    %swap3A_2927 = vector.shape_cast %swap3A_2926 : vector<1x1x154xf32> to vector<154xf32>
    %swap3A_2928 = vector.shape_cast %squeeze3A_2922 : vector<154xf32> to vector<1x1x154xf32>
    tpu.vector_store %arg3[%swap3A_2923, %swap3A_2924, %swap3A_2925], %swap3A_2928 {strides = array<i32>} : memref<1x8x16416xf32, #tpu.memory_space<vmem>>, vector<1x1x154xf32>,
    %slice3A_2929 = vector.extract_strided_slice %get3A_3 {offsets = [359, 359], sizes = [1, 153], strides = [1, 1]} : vector<512x512xf32> to vector<1x153xf32>
    %squeeze3A_2930 = vector.shape_cast %slice3A_2929 : vector<1x153xf32> to vector<153xf32>
    %swap3A_2931 = arith.constant 0 : index
    %swap3A_2932 = arith.constant 7 : index
    %swap3A_2933 = arith.constant 4635 : index
    %swap3A_2934 = vector.load %arg3[%swap3A_2931, %swap3A_2932, %swap3A_2933] : memref<1x8x16416xf32, #tpu.memory_space<vmem>>, vector<1x1x153xf32>
    %swap3A_2935 = vector.shape_cast %swap3A_2934 : vector<1x1x153xf32> to vector<153xf32>
    %swap3A_2936 = vector.shape_cast %squeeze3A_2930 : vector<153xf32> to vector<1x1x153xf32>
    tpu.vector_store %arg3[%swap3A_2931, %swap3A_2932, %swap3A_2933], %swap3A_2936 {strides = array<i32>} : memref<1x8x16416xf32, #tpu.memory_space<vmem>>, vector<1x1x153xf32>,
    %slice3A_2937 = vector.extract_strided_slice %get3A_3 {offsets = [360, 360], sizes = [1, 152], strides = [1, 1]} : vector<512x512xf32> to vector<1x152xf32>
    %squeeze3A_2938 = vector.shape_cast %slice3A_2937 : vector<1x152xf32> to vector<152xf32>
    %swap3A_2939 = arith.constant 0 : index
    %swap3A_2940 = arith.constant 7 : index
    %swap3A_2941 = arith.constant 4788 : index
    %swap3A_2942 = vector.load %arg3[%swap3A_2939, %swap3A_2940, %swap3A_2941] : memref<1x8x16416xf32, #tpu.memory_space<vmem>>, vector<1x1x152xf32>
    %swap3A_2943 = vector.shape_cast %swap3A_2942 : vector<1x1x152xf32> to vector<152xf32>
    %swap3A_2944 = vector.shape_cast %squeeze3A_2938 : vector<152xf32> to vector<1x1x152xf32>
    tpu.vector_store %arg3[%swap3A_2939, %swap3A_2940, %swap3A_2941], %swap3A_2944 {strides = array<i32>} : memref<1x8x16416xf32, #tpu.memory_space<vmem>>, vector<1x1x152xf32>,
    %slice3A_2945 = vector.extract_strided_slice %get3A_3 {offsets = [361, 361], sizes = [1, 151], strides = [1, 1]} : vector<512x512xf32> to vector<1x151xf32>
    %squeeze3A_2946 = vector.shape_cast %slice3A_2945 : vector<1x151xf32> to vector<151xf32>
    %swap3A_2947 = arith.constant 0 : index
    %swap3A_2948 = arith.constant 7 : index
    %swap3A_2949 = arith.constant 4940 : index
    %swap3A_2950 = vector.load %arg3[%swap3A_2947, %swap3A_2948, %swap3A_2949] : memref<1x8x16416xf32, #tpu.memory_space<vmem>>, vector<1x1x151xf32>
    %swap3A_2951 = vector.shape_cast %swap3A_2950 : vector<1x1x151xf32> to vector<151xf32>
    %swap3A_2952 = vector.shape_cast %squeeze3A_2946 : vector<151xf32> to vector<1x1x151xf32>
    tpu.vector_store %arg3[%swap3A_2947, %swap3A_2948, %swap3A_2949], %swap3A_2952 {strides = array<i32>} : memref<1x8x16416xf32, #tpu.memory_space<vmem>>, vector<1x1x151xf32>,
    %slice3A_2953 = vector.extract_strided_slice %get3A_3 {offsets = [362, 362], sizes = [1, 150], strides = [1, 1]} : vector<512x512xf32> to vector<1x150xf32>
    %squeeze3A_2954 = vector.shape_cast %slice3A_2953 : vector<1x150xf32> to vector<150xf32>
    %swap3A_2955 = arith.constant 0 : index
    %swap3A_2956 = arith.constant 7 : index
    %swap3A_2957 = arith.constant 5091 : index
    %swap3A_2958 = vector.load %arg3[%swap3A_2955, %swap3A_2956, %swap3A_2957] : memref<1x8x16416xf32, #tpu.memory_space<vmem>>, vector<1x1x150xf32>
    %swap3A_2959 = vector.shape_cast %swap3A_2958 : vector<1x1x150xf32> to vector<150xf32>
    %swap3A_2960 = vector.shape_cast %squeeze3A_2954 : vector<150xf32> to vector<1x1x150xf32>
    tpu.vector_store %arg3[%swap3A_2955, %swap3A_2956, %swap3A_2957], %swap3A_2960 {strides = array<i32>} : memref<1x8x16416xf32, #tpu.memory_space<vmem>>, vector<1x1x150xf32>,
    %slice3A_2961 = vector.extract_strided_slice %get3A_3 {offsets = [363, 363], sizes = [1, 149], strides = [1, 1]} : vector<512x512xf32> to vector<1x149xf32>
    %squeeze3A_2962 = vector.shape_cast %slice3A_2961 : vector<1x149xf32> to vector<149xf32>
    %swap3A_2963 = arith.constant 0 : index
    %swap3A_2964 = arith.constant 7 : index
    %swap3A_2965 = arith.constant 5241 : index
    %swap3A_2966 = vector.load %arg3[%swap3A_2963, %swap3A_2964, %swap3A_2965] : memref<1x8x16416xf32, #tpu.memory_space<vmem>>, vector<1x1x149xf32>
    %swap3A_2967 = vector.shape_cast %swap3A_2966 : vector<1x1x149xf32> to vector<149xf32>
    %swap3A_2968 = vector.shape_cast %squeeze3A_2962 : vector<149xf32> to vector<1x1x149xf32>
    tpu.vector_store %arg3[%swap3A_2963, %swap3A_2964, %swap3A_2965], %swap3A_2968 {strides = array<i32>} : memref<1x8x16416xf32, #tpu.memory_space<vmem>>, vector<1x1x149xf32>,
    %slice3A_2969 = vector.extract_strided_slice %get3A_3 {offsets = [364, 364], sizes = [1, 148], strides = [1, 1]} : vector<512x512xf32> to vector<1x148xf32>
    %squeeze3A_2970 = vector.shape_cast %slice3A_2969 : vector<1x148xf32> to vector<148xf32>
    %swap3A_2971 = arith.constant 0 : index
    %swap3A_2972 = arith.constant 7 : index
    %swap3A_2973 = arith.constant 5390 : index
    %swap3A_2974 = vector.load %arg3[%swap3A_2971, %swap3A_2972, %swap3A_2973] : memref<1x8x16416xf32, #tpu.memory_space<vmem>>, vector<1x1x148xf32>
    %swap3A_2975 = vector.shape_cast %swap3A_2974 : vector<1x1x148xf32> to vector<148xf32>
    %swap3A_2976 = vector.shape_cast %squeeze3A_2970 : vector<148xf32> to vector<1x1x148xf32>
    tpu.vector_store %arg3[%swap3A_2971, %swap3A_2972, %swap3A_2973], %swap3A_2976 {strides = array<i32>} : memref<1x8x16416xf32, #tpu.memory_space<vmem>>, vector<1x1x148xf32>,
    %slice3A_2977 = vector.extract_strided_slice %get3A_3 {offsets = [365, 365], sizes = [1, 147], strides = [1, 1]} : vector<512x512xf32> to vector<1x147xf32>
    %squeeze3A_2978 = vector.shape_cast %slice3A_2977 : vector<1x147xf32> to vector<147xf32>
    %swap3A_2979 = arith.constant 0 : index
    %swap3A_2980 = arith.constant 7 : index
    %swap3A_2981 = arith.constant 5538 : index
    %swap3A_2982 = vector.load %arg3[%swap3A_2979, %swap3A_2980, %swap3A_2981] : memref<1x8x16416xf32, #tpu.memory_space<vmem>>, vector<1x1x147xf32>
    %swap3A_2983 = vector.shape_cast %swap3A_2982 : vector<1x1x147xf32> to vector<147xf32>
    %swap3A_2984 = vector.shape_cast %squeeze3A_2978 : vector<147xf32> to vector<1x1x147xf32>
    tpu.vector_store %arg3[%swap3A_2979, %swap3A_2980, %swap3A_2981], %swap3A_2984 {strides = array<i32>} : memref<1x8x16416xf32, #tpu.memory_space<vmem>>, vector<1x1x147xf32>,
    %slice3A_2985 = vector.extract_strided_slice %get3A_3 {offsets = [366, 366], sizes = [1, 146], strides = [1, 1]} : vector<512x512xf32> to vector<1x146xf32>
    %squeeze3A_2986 = vector.shape_cast %slice3A_2985 : vector<1x146xf32> to vector<146xf32>
    %swap3A_2987 = arith.constant 0 : index
    %swap3A_2988 = arith.constant 7 : index
    %swap3A_2989 = arith.constant 5685 : index
    %swap3A_2990 = vector.load %arg3[%swap3A_2987, %swap3A_2988, %swap3A_2989] : memref<1x8x16416xf32, #tpu.memory_space<vmem>>, vector<1x1x146xf32>
    %swap3A_2991 = vector.shape_cast %swap3A_2990 : vector<1x1x146xf32> to vector<146xf32>
    %swap3A_2992 = vector.shape_cast %squeeze3A_2986 : vector<146xf32> to vector<1x1x146xf32>
    tpu.vector_store %arg3[%swap3A_2987, %swap3A_2988, %swap3A_2989], %swap3A_2992 {strides = array<i32>} : memref<1x8x16416xf32, #tpu.memory_space<vmem>>, vector<1x1x146xf32>,
    %slice3A_2993 = vector.extract_strided_slice %get3A_3 {offsets = [367, 367], sizes = [1, 145], strides = [1, 1]} : vector<512x512xf32> to vector<1x145xf32>
    %squeeze3A_2994 = vector.shape_cast %slice3A_2993 : vector<1x145xf32> to vector<145xf32>
    %swap3A_2995 = arith.constant 0 : index
    %swap3A_2996 = arith.constant 7 : index
    %swap3A_2997 = arith.constant 5831 : index
    %swap3A_2998 = vector.load %arg3[%swap3A_2995, %swap3A_2996, %swap3A_2997] : memref<1x8x16416xf32, #tpu.memory_space<vmem>>, vector<1x1x145xf32>
    %swap3A_2999 = vector.shape_cast %swap3A_2998 : vector<1x1x145xf32> to vector<145xf32>
    %swap3A_3000 = vector.shape_cast %squeeze3A_2994 : vector<145xf32> to vector<1x1x145xf32>
    tpu.vector_store %arg3[%swap3A_2995, %swap3A_2996, %swap3A_2997], %swap3A_3000 {strides = array<i32>} : memref<1x8x16416xf32, #tpu.memory_space<vmem>>, vector<1x1x145xf32>,
    %slice3A_3001 = vector.extract_strided_slice %get3A_3 {offsets = [368, 368], sizes = [1, 144], strides = [1, 1]} : vector<512x512xf32> to vector<1x144xf32>
    %squeeze3A_3002 = vector.shape_cast %slice3A_3001 : vector<1x144xf32> to vector<144xf32>
    %swap3A_3003 = arith.constant 0 : index
    %swap3A_3004 = arith.constant 7 : index
    %swap3A_3005 = arith.constant 5976 : index
    %swap3A_3006 = vector.load %arg3[%swap3A_3003, %swap3A_3004, %swap3A_3005] : memref<1x8x16416xf32, #tpu.memory_space<vmem>>, vector<1x1x144xf32>
    %swap3A_3007 = vector.shape_cast %swap3A_3006 : vector<1x1x144xf32> to vector<144xf32>
    %swap3A_3008 = vector.shape_cast %squeeze3A_3002 : vector<144xf32> to vector<1x1x144xf32>
    tpu.vector_store %arg3[%swap3A_3003, %swap3A_3004, %swap3A_3005], %swap3A_3008 {strides = array<i32>} : memref<1x8x16416xf32, #tpu.memory_space<vmem>>, vector<1x1x144xf32>,
    %slice3A_3009 = vector.extract_strided_slice %get3A_3 {offsets = [369, 369], sizes = [1, 143], strides = [1, 1]} : vector<512x512xf32> to vector<1x143xf32>
    %squeeze3A_3010 = vector.shape_cast %slice3A_3009 : vector<1x143xf32> to vector<143xf32>
    %swap3A_3011 = arith.constant 0 : index
    %swap3A_3012 = arith.constant 7 : index
    %swap3A_3013 = arith.constant 6120 : index
    %swap3A_3014 = vector.load %arg3[%swap3A_3011, %swap3A_3012, %swap3A_3013] : memref<1x8x16416xf32, #tpu.memory_space<vmem>>, vector<1x1x143xf32>
    %swap3A_3015 = vector.shape_cast %swap3A_3014 : vector<1x1x143xf32> to vector<143xf32>
    %swap3A_3016 = vector.shape_cast %squeeze3A_3010 : vector<143xf32> to vector<1x1x143xf32>
    tpu.vector_store %arg3[%swap3A_3011, %swap3A_3012, %swap3A_3013], %swap3A_3016 {strides = array<i32>} : memref<1x8x16416xf32, #tpu.memory_space<vmem>>, vector<1x1x143xf32>,
    %slice3A_3017 = vector.extract_strided_slice %get3A_3 {offsets = [370, 370], sizes = [1, 142], strides = [1, 1]} : vector<512x512xf32> to vector<1x142xf32>
    %squeeze3A_3018 = vector.shape_cast %slice3A_3017 : vector<1x142xf32> to vector<142xf32>
    %swap3A_3019 = arith.constant 0 : index
    %swap3A_3020 = arith.constant 7 : index
    %swap3A_3021 = arith.constant 6263 : index
    %swap3A_3022 = vector.load %arg3[%swap3A_3019, %swap3A_3020, %swap3A_3021] : memref<1x8x16416xf32, #tpu.memory_space<vmem>>, vector<1x1x142xf32>
    %swap3A_3023 = vector.shape_cast %swap3A_3022 : vector<1x1x142xf32> to vector<142xf32>
    %swap3A_3024 = vector.shape_cast %squeeze3A_3018 : vector<142xf32> to vector<1x1x142xf32>
    tpu.vector_store %arg3[%swap3A_3019, %swap3A_3020, %swap3A_3021], %swap3A_3024 {strides = array<i32>} : memref<1x8x16416xf32, #tpu.memory_space<vmem>>, vector<1x1x142xf32>,
    %slice3A_3025 = vector.extract_strided_slice %get3A_3 {offsets = [371, 371], sizes = [1, 141], strides = [1, 1]} : vector<512x512xf32> to vector<1x141xf32>
    %squeeze3A_3026 = vector.shape_cast %slice3A_3025 : vector<1x141xf32> to vector<141xf32>
    %swap3A_3027 = arith.constant 0 : index
    %swap3A_3028 = arith.constant 7 : index
    %swap3A_3029 = arith.constant 6405 : index
    %swap3A_3030 = vector.load %arg3[%swap3A_3027, %swap3A_3028, %swap3A_3029] : memref<1x8x16416xf32, #tpu.memory_space<vmem>>, vector<1x1x141xf32>
    %swap3A_3031 = vector.shape_cast %swap3A_3030 : vector<1x1x141xf32> to vector<141xf32>
    %swap3A_3032 = vector.shape_cast %squeeze3A_3026 : vector<141xf32> to vector<1x1x141xf32>
    tpu.vector_store %arg3[%swap3A_3027, %swap3A_3028, %swap3A_3029], %swap3A_3032 {strides = array<i32>} : memref<1x8x16416xf32, #tpu.memory_space<vmem>>, vector<1x1x141xf32>,
    %slice3A_3033 = vector.extract_strided_slice %get3A_3 {offsets = [372, 372], sizes = [1, 140], strides = [1, 1]} : vector<512x512xf32> to vector<1x140xf32>
    %squeeze3A_3034 = vector.shape_cast %slice3A_3033 : vector<1x140xf32> to vector<140xf32>
    %swap3A_3035 = arith.constant 0 : index
    %swap3A_3036 = arith.constant 7 : index
    %swap3A_3037 = arith.constant 6546 : index
    %swap3A_3038 = vector.load %arg3[%swap3A_3035, %swap3A_3036, %swap3A_3037] : memref<1x8x16416xf32, #tpu.memory_space<vmem>>, vector<1x1x140xf32>
    %swap3A_3039 = vector.shape_cast %swap3A_3038 : vector<1x1x140xf32> to vector<140xf32>
    %swap3A_3040 = vector.shape_cast %squeeze3A_3034 : vector<140xf32> to vector<1x1x140xf32>
    tpu.vector_store %arg3[%swap3A_3035, %swap3A_3036, %swap3A_3037], %swap3A_3040 {strides = array<i32>} : memref<1x8x16416xf32, #tpu.memory_space<vmem>>, vector<1x1x140xf32>,
    %slice3A_3041 = vector.extract_strided_slice %get3A_3 {offsets = [373, 373], sizes = [1, 139], strides = [1, 1]} : vector<512x512xf32> to vector<1x139xf32>
    %squeeze3A_3042 = vector.shape_cast %slice3A_3041 : vector<1x139xf32> to vector<139xf32>
    %swap3A_3043 = arith.constant 0 : index
    %swap3A_3044 = arith.constant 7 : index
    %swap3A_3045 = arith.constant 6686 : index
    %swap3A_3046 = vector.load %arg3[%swap3A_3043, %swap3A_3044, %swap3A_3045] : memref<1x8x16416xf32, #tpu.memory_space<vmem>>, vector<1x1x139xf32>
    %swap3A_3047 = vector.shape_cast %swap3A_3046 : vector<1x1x139xf32> to vector<139xf32>
    %swap3A_3048 = vector.shape_cast %squeeze3A_3042 : vector<139xf32> to vector<1x1x139xf32>
    tpu.vector_store %arg3[%swap3A_3043, %swap3A_3044, %swap3A_3045], %swap3A_3048 {strides = array<i32>} : memref<1x8x16416xf32, #tpu.memory_space<vmem>>, vector<1x1x139xf32>,
    %slice3A_3049 = vector.extract_strided_slice %get3A_3 {offsets = [374, 374], sizes = [1, 138], strides = [1, 1]} : vector<512x512xf32> to vector<1x138xf32>
    %squeeze3A_3050 = vector.shape_cast %slice3A_3049 : vector<1x138xf32> to vector<138xf32>
    %swap3A_3051 = arith.constant 0 : index
    %swap3A_3052 = arith.constant 7 : index
    %swap3A_3053 = arith.constant 6825 : index
    %swap3A_3054 = vector.load %arg3[%swap3A_3051, %swap3A_3052, %swap3A_3053] : memref<1x8x16416xf32, #tpu.memory_space<vmem>>, vector<1x1x138xf32>
    %swap3A_3055 = vector.shape_cast %swap3A_3054 : vector<1x1x138xf32> to vector<138xf32>
    %swap3A_3056 = vector.shape_cast %squeeze3A_3050 : vector<138xf32> to vector<1x1x138xf32>
    tpu.vector_store %arg3[%swap3A_3051, %swap3A_3052, %swap3A_3053], %swap3A_3056 {strides = array<i32>} : memref<1x8x16416xf32, #tpu.memory_space<vmem>>, vector<1x1x138xf32>,
    %slice3A_3057 = vector.extract_strided_slice %get3A_3 {offsets = [375, 375], sizes = [1, 137], strides = [1, 1]} : vector<512x512xf32> to vector<1x137xf32>
    %squeeze3A_3058 = vector.shape_cast %slice3A_3057 : vector<1x137xf32> to vector<137xf32>
    %swap3A_3059 = arith.constant 0 : index
    %swap3A_3060 = arith.constant 7 : index
    %swap3A_3061 = arith.constant 6963 : index
    %swap3A_3062 = vector.load %arg3[%swap3A_3059, %swap3A_3060, %swap3A_3061] : memref<1x8x16416xf32, #tpu.memory_space<vmem>>, vector<1x1x137xf32>
    %swap3A_3063 = vector.shape_cast %swap3A_3062 : vector<1x1x137xf32> to vector<137xf32>
    %swap3A_3064 = vector.shape_cast %squeeze3A_3058 : vector<137xf32> to vector<1x1x137xf32>
    tpu.vector_store %arg3[%swap3A_3059, %swap3A_3060, %swap3A_3061], %swap3A_3064 {strides = array<i32>} : memref<1x8x16416xf32, #tpu.memory_space<vmem>>, vector<1x1x137xf32>,
    %slice3A_3065 = vector.extract_strided_slice %get3A_3 {offsets = [376, 376], sizes = [1, 136], strides = [1, 1]} : vector<512x512xf32> to vector<1x136xf32>
    %squeeze3A_3066 = vector.shape_cast %slice3A_3065 : vector<1x136xf32> to vector<136xf32>
    %swap3A_3067 = arith.constant 0 : index
    %swap3A_3068 = arith.constant 7 : index
    %swap3A_3069 = arith.constant 7100 : index
    %swap3A_3070 = vector.load %arg3[%swap3A_3067, %swap3A_3068, %swap3A_3069] : memref<1x8x16416xf32, #tpu.memory_space<vmem>>, vector<1x1x136xf32>
    %swap3A_3071 = vector.shape_cast %swap3A_3070 : vector<1x1x136xf32> to vector<136xf32>
    %swap3A_3072 = vector.shape_cast %squeeze3A_3066 : vector<136xf32> to vector<1x1x136xf32>
    tpu.vector_store %arg3[%swap3A_3067, %swap3A_3068, %swap3A_3069], %swap3A_3072 {strides = array<i32>} : memref<1x8x16416xf32, #tpu.memory_space<vmem>>, vector<1x1x136xf32>,
    %slice3A_3073 = vector.extract_strided_slice %get3A_3 {offsets = [377, 377], sizes = [1, 135], strides = [1, 1]} : vector<512x512xf32> to vector<1x135xf32>
    %squeeze3A_3074 = vector.shape_cast %slice3A_3073 : vector<1x135xf32> to vector<135xf32>
    %swap3A_3075 = arith.constant 0 : index
    %swap3A_3076 = arith.constant 7 : index
    %swap3A_3077 = arith.constant 7236 : index
    %swap3A_3078 = vector.load %arg3[%swap3A_3075, %swap3A_3076, %swap3A_3077] : memref<1x8x16416xf32, #tpu.memory_space<vmem>>, vector<1x1x135xf32>
    %swap3A_3079 = vector.shape_cast %swap3A_3078 : vector<1x1x135xf32> to vector<135xf32>
    %swap3A_3080 = vector.shape_cast %squeeze3A_3074 : vector<135xf32> to vector<1x1x135xf32>
    tpu.vector_store %arg3[%swap3A_3075, %swap3A_3076, %swap3A_3077], %swap3A_3080 {strides = array<i32>} : memref<1x8x16416xf32, #tpu.memory_space<vmem>>, vector<1x1x135xf32>,
    %slice3A_3081 = vector.extract_strided_slice %get3A_3 {offsets = [378, 378], sizes = [1, 134], strides = [1, 1]} : vector<512x512xf32> to vector<1x134xf32>
    %squeeze3A_3082 = vector.shape_cast %slice3A_3081 : vector<1x134xf32> to vector<134xf32>
    %swap3A_3083 = arith.constant 0 : index
    %swap3A_3084 = arith.constant 7 : index
    %swap3A_3085 = arith.constant 7371 : index
    %swap3A_3086 = vector.load %arg3[%swap3A_3083, %swap3A_3084, %swap3A_3085] : memref<1x8x16416xf32, #tpu.memory_space<vmem>>, vector<1x1x134xf32>
    %swap3A_3087 = vector.shape_cast %swap3A_3086 : vector<1x1x134xf32> to vector<134xf32>
    %swap3A_3088 = vector.shape_cast %squeeze3A_3082 : vector<134xf32> to vector<1x1x134xf32>
    tpu.vector_store %arg3[%swap3A_3083, %swap3A_3084, %swap3A_3085], %swap3A_3088 {strides = array<i32>} : memref<1x8x16416xf32, #tpu.memory_space<vmem>>, vector<1x1x134xf32>,
    %slice3A_3089 = vector.extract_strided_slice %get3A_3 {offsets = [379, 379], sizes = [1, 133], strides = [1, 1]} : vector<512x512xf32> to vector<1x133xf32>
    %squeeze3A_3090 = vector.shape_cast %slice3A_3089 : vector<1x133xf32> to vector<133xf32>
    %swap3A_3091 = arith.constant 0 : index
    %swap3A_3092 = arith.constant 7 : index
    %swap3A_3093 = arith.constant 7505 : index
    %swap3A_3094 = vector.load %arg3[%swap3A_3091, %swap3A_3092, %swap3A_3093] : memref<1x8x16416xf32, #tpu.memory_space<vmem>>, vector<1x1x133xf32>
    %swap3A_3095 = vector.shape_cast %swap3A_3094 : vector<1x1x133xf32> to vector<133xf32>
    %swap3A_3096 = vector.shape_cast %squeeze3A_3090 : vector<133xf32> to vector<1x1x133xf32>
    tpu.vector_store %arg3[%swap3A_3091, %swap3A_3092, %swap3A_3093], %swap3A_3096 {strides = array<i32>} : memref<1x8x16416xf32, #tpu.memory_space<vmem>>, vector<1x1x133xf32>,
    %slice3A_3097 = vector.extract_strided_slice %get3A_3 {offsets = [380, 380], sizes = [1, 132], strides = [1, 1]} : vector<512x512xf32> to vector<1x132xf32>
    %squeeze3A_3098 = vector.shape_cast %slice3A_3097 : vector<1x132xf32> to vector<132xf32>
    %swap3A_3099 = arith.constant 0 : index
    %swap3A_3100 = arith.constant 7 : index
    %swap3A_3101 = arith.constant 7638 : index
    %swap3A_3102 = vector.load %arg3[%swap3A_3099, %swap3A_3100, %swap3A_3101] : memref<1x8x16416xf32, #tpu.memory_space<vmem>>, vector<1x1x132xf32>
    %swap3A_3103 = vector.shape_cast %swap3A_3102 : vector<1x1x132xf32> to vector<132xf32>
    %swap3A_3104 = vector.shape_cast %squeeze3A_3098 : vector<132xf32> to vector<1x1x132xf32>
    tpu.vector_store %arg3[%swap3A_3099, %swap3A_3100, %swap3A_3101], %swap3A_3104 {strides = array<i32>} : memref<1x8x16416xf32, #tpu.memory_space<vmem>>, vector<1x1x132xf32>,
    %slice3A_3105 = vector.extract_strided_slice %get3A_3 {offsets = [381, 381], sizes = [1, 131], strides = [1, 1]} : vector<512x512xf32> to vector<1x131xf32>
    %squeeze3A_3106 = vector.shape_cast %slice3A_3105 : vector<1x131xf32> to vector<131xf32>
    %swap3A_3107 = arith.constant 0 : index
    %swap3A_3108 = arith.constant 7 : index
    %swap3A_3109 = arith.constant 7770 : index
    %swap3A_3110 = vector.load %arg3[%swap3A_3107, %swap3A_3108, %swap3A_3109] : memref<1x8x16416xf32, #tpu.memory_space<vmem>>, vector<1x1x131xf32>
    %swap3A_3111 = vector.shape_cast %swap3A_3110 : vector<1x1x131xf32> to vector<131xf32>
    %swap3A_3112 = vector.shape_cast %squeeze3A_3106 : vector<131xf32> to vector<1x1x131xf32>
    tpu.vector_store %arg3[%swap3A_3107, %swap3A_3108, %swap3A_3109], %swap3A_3112 {strides = array<i32>} : memref<1x8x16416xf32, #tpu.memory_space<vmem>>, vector<1x1x131xf32>,
    %slice3A_3113 = vector.extract_strided_slice %get3A_3 {offsets = [382, 382], sizes = [1, 130], strides = [1, 1]} : vector<512x512xf32> to vector<1x130xf32>
    %squeeze3A_3114 = vector.shape_cast %slice3A_3113 : vector<1x130xf32> to vector<130xf32>
    %swap3A_3115 = arith.constant 0 : index
    %swap3A_3116 = arith.constant 7 : index
    %swap3A_3117 = arith.constant 7901 : index
    %swap3A_3118 = vector.load %arg3[%swap3A_3115, %swap3A_3116, %swap3A_3117] : memref<1x8x16416xf32, #tpu.memory_space<vmem>>, vector<1x1x130xf32>
    %swap3A_3119 = vector.shape_cast %swap3A_3118 : vector<1x1x130xf32> to vector<130xf32>
    %swap3A_3120 = vector.shape_cast %squeeze3A_3114 : vector<130xf32> to vector<1x1x130xf32>
    tpu.vector_store %arg3[%swap3A_3115, %swap3A_3116, %swap3A_3117], %swap3A_3120 {strides = array<i32>} : memref<1x8x16416xf32, #tpu.memory_space<vmem>>, vector<1x1x130xf32>,
    %slice3A_3121 = vector.extract_strided_slice %get3A_3 {offsets = [383, 383], sizes = [1, 129], strides = [1, 1]} : vector<512x512xf32> to vector<1x129xf32>
    %squeeze3A_3122 = vector.shape_cast %slice3A_3121 : vector<1x129xf32> to vector<129xf32>
    %swap3A_3123 = arith.constant 0 : index
    %swap3A_3124 = arith.constant 7 : index
    %swap3A_3125 = arith.constant 8031 : index
    %swap3A_3126 = vector.load %arg3[%swap3A_3123, %swap3A_3124, %swap3A_3125] : memref<1x8x16416xf32, #tpu.memory_space<vmem>>, vector<1x1x129xf32>
    %swap3A_3127 = vector.shape_cast %swap3A_3126 : vector<1x1x129xf32> to vector<129xf32>
    %swap3A_3128 = vector.shape_cast %squeeze3A_3122 : vector<129xf32> to vector<1x1x129xf32>
    tpu.vector_store %arg3[%swap3A_3123, %swap3A_3124, %swap3A_3125], %swap3A_3128 {strides = array<i32>} : memref<1x8x16416xf32, #tpu.memory_space<vmem>>, vector<1x1x129xf32>,
    %slice3A_3129 = vector.extract_strided_slice %get3A_3 {offsets = [384, 384], sizes = [1, 128], strides = [1, 1]} : vector<512x512xf32> to vector<1x128xf32>
    %squeeze3A_3130 = vector.shape_cast %slice3A_3129 : vector<1x128xf32> to vector<128xf32>
    %swap3A_3131 = arith.constant 0 : index
    %swap3A_3132 = arith.constant 7 : index
    %swap3A_3133 = arith.constant 8160 : index
    %swap3A_3134 = vector.load %arg3[%swap3A_3131, %swap3A_3132, %swap3A_3133] : memref<1x8x16416xf32, #tpu.memory_space<vmem>>, vector<1x1x128xf32>
    %swap3A_3135 = vector.shape_cast %swap3A_3134 : vector<1x1x128xf32> to vector<128xf32>
    %swap3A_3136 = vector.shape_cast %squeeze3A_3130 : vector<128xf32> to vector<1x1x128xf32>
    tpu.vector_store %arg3[%swap3A_3131, %swap3A_3132, %swap3A_3133], %swap3A_3136 {strides = array<i32>} : memref<1x8x16416xf32, #tpu.memory_space<vmem>>, vector<1x1x128xf32>,
    %slice3A_3137 = vector.extract_strided_slice %get3A_3 {offsets = [385, 385], sizes = [1, 127], strides = [1, 1]} : vector<512x512xf32> to vector<1x127xf32>
    %squeeze3A_3138 = vector.shape_cast %slice3A_3137 : vector<1x127xf32> to vector<127xf32>
    %swap3A_3139 = arith.constant 0 : index
    %swap3A_3140 = arith.constant 7 : index
    %swap3A_3141 = arith.constant 8288 : index
    %swap3A_3142 = vector.load %arg3[%swap3A_3139, %swap3A_3140, %swap3A_3141] : memref<1x8x16416xf32, #tpu.memory_space<vmem>>, vector<1x1x127xf32>
    %swap3A_3143 = vector.shape_cast %swap3A_3142 : vector<1x1x127xf32> to vector<127xf32>
    %swap3A_3144 = vector.shape_cast %squeeze3A_3138 : vector<127xf32> to vector<1x1x127xf32>
    tpu.vector_store %arg3[%swap3A_3139, %swap3A_3140, %swap3A_3141], %swap3A_3144 {strides = array<i32>} : memref<1x8x16416xf32, #tpu.memory_space<vmem>>, vector<1x1x127xf32>,
    %slice3A_3145 = vector.extract_strided_slice %get3A_3 {offsets = [386, 386], sizes = [1, 126], strides = [1, 1]} : vector<512x512xf32> to vector<1x126xf32>
    %squeeze3A_3146 = vector.shape_cast %slice3A_3145 : vector<1x126xf32> to vector<126xf32>
    %swap3A_3147 = arith.constant 0 : index
    %swap3A_3148 = arith.constant 7 : index
    %swap3A_3149 = arith.constant 8415 : index
    %swap3A_3150 = vector.load %arg3[%swap3A_3147, %swap3A_3148, %swap3A_3149] : memref<1x8x16416xf32, #tpu.memory_space<vmem>>, vector<1x1x126xf32>
    %swap3A_3151 = vector.shape_cast %swap3A_3150 : vector<1x1x126xf32> to vector<126xf32>
    %swap3A_3152 = vector.shape_cast %squeeze3A_3146 : vector<126xf32> to vector<1x1x126xf32>
    tpu.vector_store %arg3[%swap3A_3147, %swap3A_3148, %swap3A_3149], %swap3A_3152 {strides = array<i32>} : memref<1x8x16416xf32, #tpu.memory_space<vmem>>, vector<1x1x126xf32>,
    %slice3A_3153 = vector.extract_strided_slice %get3A_3 {offsets = [387, 387], sizes = [1, 125], strides = [1, 1]} : vector<512x512xf32> to vector<1x125xf32>
    %squeeze3A_3154 = vector.shape_cast %slice3A_3153 : vector<1x125xf32> to vector<125xf32>
    %swap3A_3155 = arith.constant 0 : index
    %swap3A_3156 = arith.constant 7 : index
    %swap3A_3157 = arith.constant 8541 : index
    %swap3A_3158 = vector.load %arg3[%swap3A_3155, %swap3A_3156, %swap3A_3157] : memref<1x8x16416xf32, #tpu.memory_space<vmem>>, vector<1x1x125xf32>
    %swap3A_3159 = vector.shape_cast %swap3A_3158 : vector<1x1x125xf32> to vector<125xf32>
    %swap3A_3160 = vector.shape_cast %squeeze3A_3154 : vector<125xf32> to vector<1x1x125xf32>
    tpu.vector_store %arg3[%swap3A_3155, %swap3A_3156, %swap3A_3157], %swap3A_3160 {strides = array<i32>} : memref<1x8x16416xf32, #tpu.memory_space<vmem>>, vector<1x1x125xf32>,
    %slice3A_3161 = vector.extract_strided_slice %get3A_3 {offsets = [388, 388], sizes = [1, 124], strides = [1, 1]} : vector<512x512xf32> to vector<1x124xf32>
    %squeeze3A_3162 = vector.shape_cast %slice3A_3161 : vector<1x124xf32> to vector<124xf32>
    %swap3A_3163 = arith.constant 0 : index
    %swap3A_3164 = arith.constant 7 : index
    %swap3A_3165 = arith.constant 8666 : index
    %swap3A_3166 = vector.load %arg3[%swap3A_3163, %swap3A_3164, %swap3A_3165] : memref<1x8x16416xf32, #tpu.memory_space<vmem>>, vector<1x1x124xf32>
    %swap3A_3167 = vector.shape_cast %swap3A_3166 : vector<1x1x124xf32> to vector<124xf32>
    %swap3A_3168 = vector.shape_cast %squeeze3A_3162 : vector<124xf32> to vector<1x1x124xf32>
    tpu.vector_store %arg3[%swap3A_3163, %swap3A_3164, %swap3A_3165], %swap3A_3168 {strides = array<i32>} : memref<1x8x16416xf32, #tpu.memory_space<vmem>>, vector<1x1x124xf32>,
    %slice3A_3169 = vector.extract_strided_slice %get3A_3 {offsets = [389, 389], sizes = [1, 123], strides = [1, 1]} : vector<512x512xf32> to vector<1x123xf32>
    %squeeze3A_3170 = vector.shape_cast %slice3A_3169 : vector<1x123xf32> to vector<123xf32>
    %swap3A_3171 = arith.constant 0 : index
    %swap3A_3172 = arith.constant 7 : index
    %swap3A_3173 = arith.constant 8790 : index
    %swap3A_3174 = vector.load %arg3[%swap3A_3171, %swap3A_3172, %swap3A_3173] : memref<1x8x16416xf32, #tpu.memory_space<vmem>>, vector<1x1x123xf32>
    %swap3A_3175 = vector.shape_cast %swap3A_3174 : vector<1x1x123xf32> to vector<123xf32>
    %swap3A_3176 = vector.shape_cast %squeeze3A_3170 : vector<123xf32> to vector<1x1x123xf32>
    tpu.vector_store %arg3[%swap3A_3171, %swap3A_3172, %swap3A_3173], %swap3A_3176 {strides = array<i32>} : memref<1x8x16416xf32, #tpu.memory_space<vmem>>, vector<1x1x123xf32>,
    %slice3A_3177 = vector.extract_strided_slice %get3A_3 {offsets = [390, 390], sizes = [1, 122], strides = [1, 1]} : vector<512x512xf32> to vector<1x122xf32>
    %squeeze3A_3178 = vector.shape_cast %slice3A_3177 : vector<1x122xf32> to vector<122xf32>
    %swap3A_3179 = arith.constant 0 : index
    %swap3A_3180 = arith.constant 7 : index
    %swap3A_3181 = arith.constant 8913 : index
    %swap3A_3182 = vector.load %arg3[%swap3A_3179, %swap3A_3180, %swap3A_3181] : memref<1x8x16416xf32, #tpu.memory_space<vmem>>, vector<1x1x122xf32>
    %swap3A_3183 = vector.shape_cast %swap3A_3182 : vector<1x1x122xf32> to vector<122xf32>
    %swap3A_3184 = vector.shape_cast %squeeze3A_3178 : vector<122xf32> to vector<1x1x122xf32>
    tpu.vector_store %arg3[%swap3A_3179, %swap3A_3180, %swap3A_3181], %swap3A_3184 {strides = array<i32>} : memref<1x8x16416xf32, #tpu.memory_space<vmem>>, vector<1x1x122xf32>,
    %slice3A_3185 = vector.extract_strided_slice %get3A_3 {offsets = [391, 391], sizes = [1, 121], strides = [1, 1]} : vector<512x512xf32> to vector<1x121xf32>
    %squeeze3A_3186 = vector.shape_cast %slice3A_3185 : vector<1x121xf32> to vector<121xf32>
    %swap3A_3187 = arith.constant 0 : index
    %swap3A_3188 = arith.constant 7 : index
    %swap3A_3189 = arith.constant 9035 : index
    %swap3A_3190 = vector.load %arg3[%swap3A_3187, %swap3A_3188, %swap3A_3189] : memref<1x8x16416xf32, #tpu.memory_space<vmem>>, vector<1x1x121xf32>
    %swap3A_3191 = vector.shape_cast %swap3A_3190 : vector<1x1x121xf32> to vector<121xf32>
    %swap3A_3192 = vector.shape_cast %squeeze3A_3186 : vector<121xf32> to vector<1x1x121xf32>
    tpu.vector_store %arg3[%swap3A_3187, %swap3A_3188, %swap3A_3189], %swap3A_3192 {strides = array<i32>} : memref<1x8x16416xf32, #tpu.memory_space<vmem>>, vector<1x1x121xf32>,
    %slice3A_3193 = vector.extract_strided_slice %get3A_3 {offsets = [392, 392], sizes = [1, 120], strides = [1, 1]} : vector<512x512xf32> to vector<1x120xf32>
    %squeeze3A_3194 = vector.shape_cast %slice3A_3193 : vector<1x120xf32> to vector<120xf32>
    %swap3A_3195 = arith.constant 0 : index
    %swap3A_3196 = arith.constant 7 : index
    %swap3A_3197 = arith.constant 9156 : index
    %swap3A_3198 = vector.load %arg3[%swap3A_3195, %swap3A_3196, %swap3A_3197] : memref<1x8x16416xf32, #tpu.memory_space<vmem>>, vector<1x1x120xf32>
    %swap3A_3199 = vector.shape_cast %swap3A_3198 : vector<1x1x120xf32> to vector<120xf32>
    %swap3A_3200 = vector.shape_cast %squeeze3A_3194 : vector<120xf32> to vector<1x1x120xf32>
    tpu.vector_store %arg3[%swap3A_3195, %swap3A_3196, %swap3A_3197], %swap3A_3200 {strides = array<i32>} : memref<1x8x16416xf32, #tpu.memory_space<vmem>>, vector<1x1x120xf32>,
    %slice3A_3201 = vector.extract_strided_slice %get3A_3 {offsets = [393, 393], sizes = [1, 119], strides = [1, 1]} : vector<512x512xf32> to vector<1x119xf32>
    %squeeze3A_3202 = vector.shape_cast %slice3A_3201 : vector<1x119xf32> to vector<119xf32>
    %swap3A_3203 = arith.constant 0 : index
    %swap3A_3204 = arith.constant 7 : index
    %swap3A_3205 = arith.constant 9276 : index
    %swap3A_3206 = vector.load %arg3[%swap3A_3203, %swap3A_3204, %swap3A_3205] : memref<1x8x16416xf32, #tpu.memory_space<vmem>>, vector<1x1x119xf32>
    %swap3A_3207 = vector.shape_cast %swap3A_3206 : vector<1x1x119xf32> to vector<119xf32>
    %swap3A_3208 = vector.shape_cast %squeeze3A_3202 : vector<119xf32> to vector<1x1x119xf32>
    tpu.vector_store %arg3[%swap3A_3203, %swap3A_3204, %swap3A_3205], %swap3A_3208 {strides = array<i32>} : memref<1x8x16416xf32, #tpu.memory_space<vmem>>, vector<1x1x119xf32>,
    %slice3A_3209 = vector.extract_strided_slice %get3A_3 {offsets = [394, 394], sizes = [1, 118], strides = [1, 1]} : vector<512x512xf32> to vector<1x118xf32>
    %squeeze3A_3210 = vector.shape_cast %slice3A_3209 : vector<1x118xf32> to vector<118xf32>
    %swap3A_3211 = arith.constant 0 : index
    %swap3A_3212 = arith.constant 7 : index
    %swap3A_3213 = arith.constant 9395 : index
    %swap3A_3214 = vector.load %arg3[%swap3A_3211, %swap3A_3212, %swap3A_3213] : memref<1x8x16416xf32, #tpu.memory_space<vmem>>, vector<1x1x118xf32>
    %swap3A_3215 = vector.shape_cast %swap3A_3214 : vector<1x1x118xf32> to vector<118xf32>
    %swap3A_3216 = vector.shape_cast %squeeze3A_3210 : vector<118xf32> to vector<1x1x118xf32>
    tpu.vector_store %arg3[%swap3A_3211, %swap3A_3212, %swap3A_3213], %swap3A_3216 {strides = array<i32>} : memref<1x8x16416xf32, #tpu.memory_space<vmem>>, vector<1x1x118xf32>,
    %slice3A_3217 = vector.extract_strided_slice %get3A_3 {offsets = [395, 395], sizes = [1, 117], strides = [1, 1]} : vector<512x512xf32> to vector<1x117xf32>
    %squeeze3A_3218 = vector.shape_cast %slice3A_3217 : vector<1x117xf32> to vector<117xf32>
    %swap3A_3219 = arith.constant 0 : index
    %swap3A_3220 = arith.constant 7 : index
    %swap3A_3221 = arith.constant 9513 : index
    %swap3A_3222 = vector.load %arg3[%swap3A_3219, %swap3A_3220, %swap3A_3221] : memref<1x8x16416xf32, #tpu.memory_space<vmem>>, vector<1x1x117xf32>
    %swap3A_3223 = vector.shape_cast %swap3A_3222 : vector<1x1x117xf32> to vector<117xf32>
    %swap3A_3224 = vector.shape_cast %squeeze3A_3218 : vector<117xf32> to vector<1x1x117xf32>
    tpu.vector_store %arg3[%swap3A_3219, %swap3A_3220, %swap3A_3221], %swap3A_3224 {strides = array<i32>} : memref<1x8x16416xf32, #tpu.memory_space<vmem>>, vector<1x1x117xf32>,
    %slice3A_3225 = vector.extract_strided_slice %get3A_3 {offsets = [396, 396], sizes = [1, 116], strides = [1, 1]} : vector<512x512xf32> to vector<1x116xf32>
    %squeeze3A_3226 = vector.shape_cast %slice3A_3225 : vector<1x116xf32> to vector<116xf32>
    %swap3A_3227 = arith.constant 0 : index
    %swap3A_3228 = arith.constant 7 : index
    %swap3A_3229 = arith.constant 9630 : index
    %swap3A_3230 = vector.load %arg3[%swap3A_3227, %swap3A_3228, %swap3A_3229] : memref<1x8x16416xf32, #tpu.memory_space<vmem>>, vector<1x1x116xf32>
    %swap3A_3231 = vector.shape_cast %swap3A_3230 : vector<1x1x116xf32> to vector<116xf32>
    %swap3A_3232 = vector.shape_cast %squeeze3A_3226 : vector<116xf32> to vector<1x1x116xf32>
    tpu.vector_store %arg3[%swap3A_3227, %swap3A_3228, %swap3A_3229], %swap3A_3232 {strides = array<i32>} : memref<1x8x16416xf32, #tpu.memory_space<vmem>>, vector<1x1x116xf32>,
    %slice3A_3233 = vector.extract_strided_slice %get3A_3 {offsets = [397, 397], sizes = [1, 115], strides = [1, 1]} : vector<512x512xf32> to vector<1x115xf32>
    %squeeze3A_3234 = vector.shape_cast %slice3A_3233 : vector<1x115xf32> to vector<115xf32>
    %swap3A_3235 = arith.constant 0 : index
    %swap3A_3236 = arith.constant 7 : index
    %swap3A_3237 = arith.constant 9746 : index
    %swap3A_3238 = vector.load %arg3[%swap3A_3235, %swap3A_3236, %swap3A_3237] : memref<1x8x16416xf32, #tpu.memory_space<vmem>>, vector<1x1x115xf32>
    %swap3A_3239 = vector.shape_cast %swap3A_3238 : vector<1x1x115xf32> to vector<115xf32>
    %swap3A_3240 = vector.shape_cast %squeeze3A_3234 : vector<115xf32> to vector<1x1x115xf32>
    tpu.vector_store %arg3[%swap3A_3235, %swap3A_3236, %swap3A_3237], %swap3A_3240 {strides = array<i32>} : memref<1x8x16416xf32, #tpu.memory_space<vmem>>, vector<1x1x115xf32>,
    %slice3A_3241 = vector.extract_strided_slice %get3A_3 {offsets = [398, 398], sizes = [1, 114], strides = [1, 1]} : vector<512x512xf32> to vector<1x114xf32>
    %squeeze3A_3242 = vector.shape_cast %slice3A_3241 : vector<1x114xf32> to vector<114xf32>
    %swap3A_3243 = arith.constant 0 : index
    %swap3A_3244 = arith.constant 7 : index
    %swap3A_3245 = arith.constant 9861 : index
    %swap3A_3246 = vector.load %arg3[%swap3A_3243, %swap3A_3244, %swap3A_3245] : memref<1x8x16416xf32, #tpu.memory_space<vmem>>, vector<1x1x114xf32>
    %swap3A_3247 = vector.shape_cast %swap3A_3246 : vector<1x1x114xf32> to vector<114xf32>
    %swap3A_3248 = vector.shape_cast %squeeze3A_3242 : vector<114xf32> to vector<1x1x114xf32>
    tpu.vector_store %arg3[%swap3A_3243, %swap3A_3244, %swap3A_3245], %swap3A_3248 {strides = array<i32>} : memref<1x8x16416xf32, #tpu.memory_space<vmem>>, vector<1x1x114xf32>,
    %slice3A_3249 = vector.extract_strided_slice %get3A_3 {offsets = [399, 399], sizes = [1, 113], strides = [1, 1]} : vector<512x512xf32> to vector<1x113xf32>
    %squeeze3A_3250 = vector.shape_cast %slice3A_3249 : vector<1x113xf32> to vector<113xf32>
    %swap3A_3251 = arith.constant 0 : index
    %swap3A_3252 = arith.constant 7 : index
    %swap3A_3253 = arith.constant 9975 : index
    %swap3A_3254 = vector.load %arg3[%swap3A_3251, %swap3A_3252, %swap3A_3253] : memref<1x8x16416xf32, #tpu.memory_space<vmem>>, vector<1x1x113xf32>
    %swap3A_3255 = vector.shape_cast %swap3A_3254 : vector<1x1x113xf32> to vector<113xf32>
    %swap3A_3256 = vector.shape_cast %squeeze3A_3250 : vector<113xf32> to vector<1x1x113xf32>
    tpu.vector_store %arg3[%swap3A_3251, %swap3A_3252, %swap3A_3253], %swap3A_3256 {strides = array<i32>} : memref<1x8x16416xf32, #tpu.memory_space<vmem>>, vector<1x1x113xf32>,
    %slice3A_3257 = vector.extract_strided_slice %get3A_3 {offsets = [400, 400], sizes = [1, 112], strides = [1, 1]} : vector<512x512xf32> to vector<1x112xf32>
    %squeeze3A_3258 = vector.shape_cast %slice3A_3257 : vector<1x112xf32> to vector<112xf32>
    %swap3A_3259 = arith.constant 0 : index
    %swap3A_3260 = arith.constant 7 : index
    %swap3A_3261 = arith.constant 10088 : index
    %swap3A_3262 = vector.load %arg3[%swap3A_3259, %swap3A_3260, %swap3A_3261] : memref<1x8x16416xf32, #tpu.memory_space<vmem>>, vector<1x1x112xf32>
    %swap3A_3263 = vector.shape_cast %swap3A_3262 : vector<1x1x112xf32> to vector<112xf32>
    %swap3A_3264 = vector.shape_cast %squeeze3A_3258 : vector<112xf32> to vector<1x1x112xf32>
    tpu.vector_store %arg3[%swap3A_3259, %swap3A_3260, %swap3A_3261], %swap3A_3264 {strides = array<i32>} : memref<1x8x16416xf32, #tpu.memory_space<vmem>>, vector<1x1x112xf32>,
    %slice3A_3265 = vector.extract_strided_slice %get3A_3 {offsets = [401, 401], sizes = [1, 111], strides = [1, 1]} : vector<512x512xf32> to vector<1x111xf32>
    %squeeze3A_3266 = vector.shape_cast %slice3A_3265 : vector<1x111xf32> to vector<111xf32>
    %swap3A_3267 = arith.constant 0 : index
    %swap3A_3268 = arith.constant 7 : index
    %swap3A_3269 = arith.constant 10200 : index
    %swap3A_3270 = vector.load %arg3[%swap3A_3267, %swap3A_3268, %swap3A_3269] : memref<1x8x16416xf32, #tpu.memory_space<vmem>>, vector<1x1x111xf32>
    %swap3A_3271 = vector.shape_cast %swap3A_3270 : vector<1x1x111xf32> to vector<111xf32>
    %swap3A_3272 = vector.shape_cast %squeeze3A_3266 : vector<111xf32> to vector<1x1x111xf32>
    tpu.vector_store %arg3[%swap3A_3267, %swap3A_3268, %swap3A_3269], %swap3A_3272 {strides = array<i32>} : memref<1x8x16416xf32, #tpu.memory_space<vmem>>, vector<1x1x111xf32>,
    %slice3A_3273 = vector.extract_strided_slice %get3A_3 {offsets = [402, 402], sizes = [1, 110], strides = [1, 1]} : vector<512x512xf32> to vector<1x110xf32>
    %squeeze3A_3274 = vector.shape_cast %slice3A_3273 : vector<1x110xf32> to vector<110xf32>
    %swap3A_3275 = arith.constant 0 : index
    %swap3A_3276 = arith.constant 7 : index
    %swap3A_3277 = arith.constant 10311 : index
    %swap3A_3278 = vector.load %arg3[%swap3A_3275, %swap3A_3276, %swap3A_3277] : memref<1x8x16416xf32, #tpu.memory_space<vmem>>, vector<1x1x110xf32>
    %swap3A_3279 = vector.shape_cast %swap3A_3278 : vector<1x1x110xf32> to vector<110xf32>
    %swap3A_3280 = vector.shape_cast %squeeze3A_3274 : vector<110xf32> to vector<1x1x110xf32>
    tpu.vector_store %arg3[%swap3A_3275, %swap3A_3276, %swap3A_3277], %swap3A_3280 {strides = array<i32>} : memref<1x8x16416xf32, #tpu.memory_space<vmem>>, vector<1x1x110xf32>,
    %slice3A_3281 = vector.extract_strided_slice %get3A_3 {offsets = [403, 403], sizes = [1, 109], strides = [1, 1]} : vector<512x512xf32> to vector<1x109xf32>
    %squeeze3A_3282 = vector.shape_cast %slice3A_3281 : vector<1x109xf32> to vector<109xf32>
    %swap3A_3283 = arith.constant 0 : index
    %swap3A_3284 = arith.constant 7 : index
    %swap3A_3285 = arith.constant 10421 : index
    %swap3A_3286 = vector.load %arg3[%swap3A_3283, %swap3A_3284, %swap3A_3285] : memref<1x8x16416xf32, #tpu.memory_space<vmem>>, vector<1x1x109xf32>
    %swap3A_3287 = vector.shape_cast %swap3A_3286 : vector<1x1x109xf32> to vector<109xf32>
    %swap3A_3288 = vector.shape_cast %squeeze3A_3282 : vector<109xf32> to vector<1x1x109xf32>
    tpu.vector_store %arg3[%swap3A_3283, %swap3A_3284, %swap3A_3285], %swap3A_3288 {strides = array<i32>} : memref<1x8x16416xf32, #tpu.memory_space<vmem>>, vector<1x1x109xf32>,
    %slice3A_3289 = vector.extract_strided_slice %get3A_3 {offsets = [404, 404], sizes = [1, 108], strides = [1, 1]} : vector<512x512xf32> to vector<1x108xf32>
    %squeeze3A_3290 = vector.shape_cast %slice3A_3289 : vector<1x108xf32> to vector<108xf32>
    %swap3A_3291 = arith.constant 0 : index
    %swap3A_3292 = arith.constant 7 : index
    %swap3A_3293 = arith.constant 10530 : index
    %swap3A_3294 = vector.load %arg3[%swap3A_3291, %swap3A_3292, %swap3A_3293] : memref<1x8x16416xf32, #tpu.memory_space<vmem>>, vector<1x1x108xf32>
    %swap3A_3295 = vector.shape_cast %swap3A_3294 : vector<1x1x108xf32> to vector<108xf32>
    %swap3A_3296 = vector.shape_cast %squeeze3A_3290 : vector<108xf32> to vector<1x1x108xf32>
    tpu.vector_store %arg3[%swap3A_3291, %swap3A_3292, %swap3A_3293], %swap3A_3296 {strides = array<i32>} : memref<1x8x16416xf32, #tpu.memory_space<vmem>>, vector<1x1x108xf32>,
    %slice3A_3297 = vector.extract_strided_slice %get3A_3 {offsets = [405, 405], sizes = [1, 107], strides = [1, 1]} : vector<512x512xf32> to vector<1x107xf32>
    %squeeze3A_3298 = vector.shape_cast %slice3A_3297 : vector<1x107xf32> to vector<107xf32>
    %swap3A_3299 = arith.constant 0 : index
    %swap3A_3300 = arith.constant 7 : index
    %swap3A_3301 = arith.constant 10638 : index
    %swap3A_3302 = vector.load %arg3[%swap3A_3299, %swap3A_3300, %swap3A_3301] : memref<1x8x16416xf32, #tpu.memory_space<vmem>>, vector<1x1x107xf32>
    %swap3A_3303 = vector.shape_cast %swap3A_3302 : vector<1x1x107xf32> to vector<107xf32>
    %swap3A_3304 = vector.shape_cast %squeeze3A_3298 : vector<107xf32> to vector<1x1x107xf32>
    tpu.vector_store %arg3[%swap3A_3299, %swap3A_3300, %swap3A_3301], %swap3A_3304 {strides = array<i32>} : memref<1x8x16416xf32, #tpu.memory_space<vmem>>, vector<1x1x107xf32>,
    %slice3A_3305 = vector.extract_strided_slice %get3A_3 {offsets = [406, 406], sizes = [1, 106], strides = [1, 1]} : vector<512x512xf32> to vector<1x106xf32>
    %squeeze3A_3306 = vector.shape_cast %slice3A_3305 : vector<1x106xf32> to vector<106xf32>
    %swap3A_3307 = arith.constant 0 : index
    %swap3A_3308 = arith.constant 7 : index
    %swap3A_3309 = arith.constant 10745 : index
    %swap3A_3310 = vector.load %arg3[%swap3A_3307, %swap3A_3308, %swap3A_3309] : memref<1x8x16416xf32, #tpu.memory_space<vmem>>, vector<1x1x106xf32>
    %swap3A_3311 = vector.shape_cast %swap3A_3310 : vector<1x1x106xf32> to vector<106xf32>
    %swap3A_3312 = vector.shape_cast %squeeze3A_3306 : vector<106xf32> to vector<1x1x106xf32>
    tpu.vector_store %arg3[%swap3A_3307, %swap3A_3308, %swap3A_3309], %swap3A_3312 {strides = array<i32>} : memref<1x8x16416xf32, #tpu.memory_space<vmem>>, vector<1x1x106xf32>,
    %slice3A_3313 = vector.extract_strided_slice %get3A_3 {offsets = [407, 407], sizes = [1, 105], strides = [1, 1]} : vector<512x512xf32> to vector<1x105xf32>
    %squeeze3A_3314 = vector.shape_cast %slice3A_3313 : vector<1x105xf32> to vector<105xf32>
    %swap3A_3315 = arith.constant 0 : index
    %swap3A_3316 = arith.constant 7 : index
    %swap3A_3317 = arith.constant 10851 : index
    %swap3A_3318 = vector.load %arg3[%swap3A_3315, %swap3A_3316, %swap3A_3317] : memref<1x8x16416xf32, #tpu.memory_space<vmem>>, vector<1x1x105xf32>
    %swap3A_3319 = vector.shape_cast %swap3A_3318 : vector<1x1x105xf32> to vector<105xf32>
    %swap3A_3320 = vector.shape_cast %squeeze3A_3314 : vector<105xf32> to vector<1x1x105xf32>
    tpu.vector_store %arg3[%swap3A_3315, %swap3A_3316, %swap3A_3317], %swap3A_3320 {strides = array<i32>} : memref<1x8x16416xf32, #tpu.memory_space<vmem>>, vector<1x1x105xf32>,
    %slice3A_3321 = vector.extract_strided_slice %get3A_3 {offsets = [408, 408], sizes = [1, 104], strides = [1, 1]} : vector<512x512xf32> to vector<1x104xf32>
    %squeeze3A_3322 = vector.shape_cast %slice3A_3321 : vector<1x104xf32> to vector<104xf32>
    %swap3A_3323 = arith.constant 0 : index
    %swap3A_3324 = arith.constant 7 : index
    %swap3A_3325 = arith.constant 10956 : index
    %swap3A_3326 = vector.load %arg3[%swap3A_3323, %swap3A_3324, %swap3A_3325] : memref<1x8x16416xf32, #tpu.memory_space<vmem>>, vector<1x1x104xf32>
    %swap3A_3327 = vector.shape_cast %swap3A_3326 : vector<1x1x104xf32> to vector<104xf32>
    %swap3A_3328 = vector.shape_cast %squeeze3A_3322 : vector<104xf32> to vector<1x1x104xf32>
    tpu.vector_store %arg3[%swap3A_3323, %swap3A_3324, %swap3A_3325], %swap3A_3328 {strides = array<i32>} : memref<1x8x16416xf32, #tpu.memory_space<vmem>>, vector<1x1x104xf32>,
    %slice3A_3329 = vector.extract_strided_slice %get3A_3 {offsets = [409, 409], sizes = [1, 103], strides = [1, 1]} : vector<512x512xf32> to vector<1x103xf32>
    %squeeze3A_3330 = vector.shape_cast %slice3A_3329 : vector<1x103xf32> to vector<103xf32>
    %swap3A_3331 = arith.constant 0 : index
    %swap3A_3332 = arith.constant 7 : index
    %swap3A_3333 = arith.constant 11060 : index
    %swap3A_3334 = vector.load %arg3[%swap3A_3331, %swap3A_3332, %swap3A_3333] : memref<1x8x16416xf32, #tpu.memory_space<vmem>>, vector<1x1x103xf32>
    %swap3A_3335 = vector.shape_cast %swap3A_3334 : vector<1x1x103xf32> to vector<103xf32>
    %swap3A_3336 = vector.shape_cast %squeeze3A_3330 : vector<103xf32> to vector<1x1x103xf32>
    tpu.vector_store %arg3[%swap3A_3331, %swap3A_3332, %swap3A_3333], %swap3A_3336 {strides = array<i32>} : memref<1x8x16416xf32, #tpu.memory_space<vmem>>, vector<1x1x103xf32>,
    %slice3A_3337 = vector.extract_strided_slice %get3A_3 {offsets = [410, 410], sizes = [1, 102], strides = [1, 1]} : vector<512x512xf32> to vector<1x102xf32>
    %squeeze3A_3338 = vector.shape_cast %slice3A_3337 : vector<1x102xf32> to vector<102xf32>
    %swap3A_3339 = arith.constant 0 : index
    %swap3A_3340 = arith.constant 7 : index
    %swap3A_3341 = arith.constant 11163 : index
    %swap3A_3342 = vector.load %arg3[%swap3A_3339, %swap3A_3340, %swap3A_3341] : memref<1x8x16416xf32, #tpu.memory_space<vmem>>, vector<1x1x102xf32>
    %swap3A_3343 = vector.shape_cast %swap3A_3342 : vector<1x1x102xf32> to vector<102xf32>
    %swap3A_3344 = vector.shape_cast %squeeze3A_3338 : vector<102xf32> to vector<1x1x102xf32>
    tpu.vector_store %arg3[%swap3A_3339, %swap3A_3340, %swap3A_3341], %swap3A_3344 {strides = array<i32>} : memref<1x8x16416xf32, #tpu.memory_space<vmem>>, vector<1x1x102xf32>,
    %slice3A_3345 = vector.extract_strided_slice %get3A_3 {offsets = [411, 411], sizes = [1, 101], strides = [1, 1]} : vector<512x512xf32> to vector<1x101xf32>
    %squeeze3A_3346 = vector.shape_cast %slice3A_3345 : vector<1x101xf32> to vector<101xf32>
    %swap3A_3347 = arith.constant 0 : index
    %swap3A_3348 = arith.constant 7 : index
    %swap3A_3349 = arith.constant 11265 : index
    %swap3A_3350 = vector.load %arg3[%swap3A_3347, %swap3A_3348, %swap3A_3349] : memref<1x8x16416xf32, #tpu.memory_space<vmem>>, vector<1x1x101xf32>
    %swap3A_3351 = vector.shape_cast %swap3A_3350 : vector<1x1x101xf32> to vector<101xf32>
    %swap3A_3352 = vector.shape_cast %squeeze3A_3346 : vector<101xf32> to vector<1x1x101xf32>
    tpu.vector_store %arg3[%swap3A_3347, %swap3A_3348, %swap3A_3349], %swap3A_3352 {strides = array<i32>} : memref<1x8x16416xf32, #tpu.memory_space<vmem>>, vector<1x1x101xf32>,
    %slice3A_3353 = vector.extract_strided_slice %get3A_3 {offsets = [412, 412], sizes = [1, 100], strides = [1, 1]} : vector<512x512xf32> to vector<1x100xf32>
    %squeeze3A_3354 = vector.shape_cast %slice3A_3353 : vector<1x100xf32> to vector<100xf32>
    %swap3A_3355 = arith.constant 0 : index
    %swap3A_3356 = arith.constant 7 : index
    %swap3A_3357 = arith.constant 11366 : index
    %swap3A_3358 = vector.load %arg3[%swap3A_3355, %swap3A_3356, %swap3A_3357] : memref<1x8x16416xf32, #tpu.memory_space<vmem>>, vector<1x1x100xf32>
    %swap3A_3359 = vector.shape_cast %swap3A_3358 : vector<1x1x100xf32> to vector<100xf32>
    %swap3A_3360 = vector.shape_cast %squeeze3A_3354 : vector<100xf32> to vector<1x1x100xf32>
    tpu.vector_store %arg3[%swap3A_3355, %swap3A_3356, %swap3A_3357], %swap3A_3360 {strides = array<i32>} : memref<1x8x16416xf32, #tpu.memory_space<vmem>>, vector<1x1x100xf32>,
    %slice3A_3361 = vector.extract_strided_slice %get3A_3 {offsets = [413, 413], sizes = [1, 99], strides = [1, 1]} : vector<512x512xf32> to vector<1x99xf32>
    %squeeze3A_3362 = vector.shape_cast %slice3A_3361 : vector<1x99xf32> to vector<99xf32>
    %swap3A_3363 = arith.constant 0 : index
    %swap3A_3364 = arith.constant 7 : index
    %swap3A_3365 = arith.constant 11466 : index
    %swap3A_3366 = vector.load %arg3[%swap3A_3363, %swap3A_3364, %swap3A_3365] : memref<1x8x16416xf32, #tpu.memory_space<vmem>>, vector<1x1x99xf32>
    %swap3A_3367 = vector.shape_cast %swap3A_3366 : vector<1x1x99xf32> to vector<99xf32>
    %swap3A_3368 = vector.shape_cast %squeeze3A_3362 : vector<99xf32> to vector<1x1x99xf32>
    tpu.vector_store %arg3[%swap3A_3363, %swap3A_3364, %swap3A_3365], %swap3A_3368 {strides = array<i32>} : memref<1x8x16416xf32, #tpu.memory_space<vmem>>, vector<1x1x99xf32>,
    %slice3A_3369 = vector.extract_strided_slice %get3A_3 {offsets = [414, 414], sizes = [1, 98], strides = [1, 1]} : vector<512x512xf32> to vector<1x98xf32>
    %squeeze3A_3370 = vector.shape_cast %slice3A_3369 : vector<1x98xf32> to vector<98xf32>
    %swap3A_3371 = arith.constant 0 : index
    %swap3A_3372 = arith.constant 7 : index
    %swap3A_3373 = arith.constant 11565 : index
    %swap3A_3374 = vector.load %arg3[%swap3A_3371, %swap3A_3372, %swap3A_3373] : memref<1x8x16416xf32, #tpu.memory_space<vmem>>, vector<1x1x98xf32>
    %swap3A_3375 = vector.shape_cast %swap3A_3374 : vector<1x1x98xf32> to vector<98xf32>
    %swap3A_3376 = vector.shape_cast %squeeze3A_3370 : vector<98xf32> to vector<1x1x98xf32>
    tpu.vector_store %arg3[%swap3A_3371, %swap3A_3372, %swap3A_3373], %swap3A_3376 {strides = array<i32>} : memref<1x8x16416xf32, #tpu.memory_space<vmem>>, vector<1x1x98xf32>,
    %slice3A_3377 = vector.extract_strided_slice %get3A_3 {offsets = [415, 415], sizes = [1, 97], strides = [1, 1]} : vector<512x512xf32> to vector<1x97xf32>
    %squeeze3A_3378 = vector.shape_cast %slice3A_3377 : vector<1x97xf32> to vector<97xf32>
    %swap3A_3379 = arith.constant 0 : index
    %swap3A_3380 = arith.constant 7 : index
    %swap3A_3381 = arith.constant 11663 : index
    %swap3A_3382 = vector.load %arg3[%swap3A_3379, %swap3A_3380, %swap3A_3381] : memref<1x8x16416xf32, #tpu.memory_space<vmem>>, vector<1x1x97xf32>
    %swap3A_3383 = vector.shape_cast %swap3A_3382 : vector<1x1x97xf32> to vector<97xf32>
    %swap3A_3384 = vector.shape_cast %squeeze3A_3378 : vector<97xf32> to vector<1x1x97xf32>
    tpu.vector_store %arg3[%swap3A_3379, %swap3A_3380, %swap3A_3381], %swap3A_3384 {strides = array<i32>} : memref<1x8x16416xf32, #tpu.memory_space<vmem>>, vector<1x1x97xf32>,
    %slice3A_3385 = vector.extract_strided_slice %get3A_3 {offsets = [416, 416], sizes = [1, 96], strides = [1, 1]} : vector<512x512xf32> to vector<1x96xf32>
    %squeeze3A_3386 = vector.shape_cast %slice3A_3385 : vector<1x96xf32> to vector<96xf32>
    %swap3A_3387 = arith.constant 0 : index
    %swap3A_3388 = arith.constant 7 : index
    %swap3A_3389 = arith.constant 11760 : index
    %swap3A_3390 = vector.load %arg3[%swap3A_3387, %swap3A_3388, %swap3A_3389] : memref<1x8x16416xf32, #tpu.memory_space<vmem>>, vector<1x1x96xf32>
    %swap3A_3391 = vector.shape_cast %swap3A_3390 : vector<1x1x96xf32> to vector<96xf32>
    %swap3A_3392 = vector.shape_cast %squeeze3A_3386 : vector<96xf32> to vector<1x1x96xf32>
    tpu.vector_store %arg3[%swap3A_3387, %swap3A_3388, %swap3A_3389], %swap3A_3392 {strides = array<i32>} : memref<1x8x16416xf32, #tpu.memory_space<vmem>>, vector<1x1x96xf32>,
    %slice3A_3393 = vector.extract_strided_slice %get3A_3 {offsets = [417, 417], sizes = [1, 95], strides = [1, 1]} : vector<512x512xf32> to vector<1x95xf32>
    %squeeze3A_3394 = vector.shape_cast %slice3A_3393 : vector<1x95xf32> to vector<95xf32>
    %swap3A_3395 = arith.constant 0 : index
    %swap3A_3396 = arith.constant 7 : index
    %swap3A_3397 = arith.constant 11856 : index
    %swap3A_3398 = vector.load %arg3[%swap3A_3395, %swap3A_3396, %swap3A_3397] : memref<1x8x16416xf32, #tpu.memory_space<vmem>>, vector<1x1x95xf32>
    %swap3A_3399 = vector.shape_cast %swap3A_3398 : vector<1x1x95xf32> to vector<95xf32>
    %swap3A_3400 = vector.shape_cast %squeeze3A_3394 : vector<95xf32> to vector<1x1x95xf32>
    tpu.vector_store %arg3[%swap3A_3395, %swap3A_3396, %swap3A_3397], %swap3A_3400 {strides = array<i32>} : memref<1x8x16416xf32, #tpu.memory_space<vmem>>, vector<1x1x95xf32>,
    %slice3A_3401 = vector.extract_strided_slice %get3A_3 {offsets = [418, 418], sizes = [1, 94], strides = [1, 1]} : vector<512x512xf32> to vector<1x94xf32>
    %squeeze3A_3402 = vector.shape_cast %slice3A_3401 : vector<1x94xf32> to vector<94xf32>
    %swap3A_3403 = arith.constant 0 : index
    %swap3A_3404 = arith.constant 7 : index
    %swap3A_3405 = arith.constant 11951 : index
    %swap3A_3406 = vector.load %arg3[%swap3A_3403, %swap3A_3404, %swap3A_3405] : memref<1x8x16416xf32, #tpu.memory_space<vmem>>, vector<1x1x94xf32>
    %swap3A_3407 = vector.shape_cast %swap3A_3406 : vector<1x1x94xf32> to vector<94xf32>
    %swap3A_3408 = vector.shape_cast %squeeze3A_3402 : vector<94xf32> to vector<1x1x94xf32>
    tpu.vector_store %arg3[%swap3A_3403, %swap3A_3404, %swap3A_3405], %swap3A_3408 {strides = array<i32>} : memref<1x8x16416xf32, #tpu.memory_space<vmem>>, vector<1x1x94xf32>,
    %slice3A_3409 = vector.extract_strided_slice %get3A_3 {offsets = [419, 419], sizes = [1, 93], strides = [1, 1]} : vector<512x512xf32> to vector<1x93xf32>
    %squeeze3A_3410 = vector.shape_cast %slice3A_3409 : vector<1x93xf32> to vector<93xf32>
    %swap3A_3411 = arith.constant 0 : index
    %swap3A_3412 = arith.constant 7 : index
    %swap3A_3413 = arith.constant 12045 : index
    %swap3A_3414 = vector.load %arg3[%swap3A_3411, %swap3A_3412, %swap3A_3413] : memref<1x8x16416xf32, #tpu.memory_space<vmem>>, vector<1x1x93xf32>
    %swap3A_3415 = vector.shape_cast %swap3A_3414 : vector<1x1x93xf32> to vector<93xf32>
    %swap3A_3416 = vector.shape_cast %squeeze3A_3410 : vector<93xf32> to vector<1x1x93xf32>
    tpu.vector_store %arg3[%swap3A_3411, %swap3A_3412, %swap3A_3413], %swap3A_3416 {strides = array<i32>} : memref<1x8x16416xf32, #tpu.memory_space<vmem>>, vector<1x1x93xf32>,
    %slice3A_3417 = vector.extract_strided_slice %get3A_3 {offsets = [420, 420], sizes = [1, 92], strides = [1, 1]} : vector<512x512xf32> to vector<1x92xf32>
    %squeeze3A_3418 = vector.shape_cast %slice3A_3417 : vector<1x92xf32> to vector<92xf32>
    %swap3A_3419 = arith.constant 0 : index
    %swap3A_3420 = arith.constant 7 : index
    %swap3A_3421 = arith.constant 12138 : index
    %swap3A_3422 = vector.load %arg3[%swap3A_3419, %swap3A_3420, %swap3A_3421] : memref<1x8x16416xf32, #tpu.memory_space<vmem>>, vector<1x1x92xf32>
    %swap3A_3423 = vector.shape_cast %swap3A_3422 : vector<1x1x92xf32> to vector<92xf32>
    %swap3A_3424 = vector.shape_cast %squeeze3A_3418 : vector<92xf32> to vector<1x1x92xf32>
    tpu.vector_store %arg3[%swap3A_3419, %swap3A_3420, %swap3A_3421], %swap3A_3424 {strides = array<i32>} : memref<1x8x16416xf32, #tpu.memory_space<vmem>>, vector<1x1x92xf32>,
    %slice3A_3425 = vector.extract_strided_slice %get3A_3 {offsets = [421, 421], sizes = [1, 91], strides = [1, 1]} : vector<512x512xf32> to vector<1x91xf32>
    %squeeze3A_3426 = vector.shape_cast %slice3A_3425 : vector<1x91xf32> to vector<91xf32>
    %swap3A_3427 = arith.constant 0 : index
    %swap3A_3428 = arith.constant 7 : index
    %swap3A_3429 = arith.constant 12230 : index
    %swap3A_3430 = vector.load %arg3[%swap3A_3427, %swap3A_3428, %swap3A_3429] : memref<1x8x16416xf32, #tpu.memory_space<vmem>>, vector<1x1x91xf32>
    %swap3A_3431 = vector.shape_cast %swap3A_3430 : vector<1x1x91xf32> to vector<91xf32>
    %swap3A_3432 = vector.shape_cast %squeeze3A_3426 : vector<91xf32> to vector<1x1x91xf32>
    tpu.vector_store %arg3[%swap3A_3427, %swap3A_3428, %swap3A_3429], %swap3A_3432 {strides = array<i32>} : memref<1x8x16416xf32, #tpu.memory_space<vmem>>, vector<1x1x91xf32>,
    %slice3A_3433 = vector.extract_strided_slice %get3A_3 {offsets = [422, 422], sizes = [1, 90], strides = [1, 1]} : vector<512x512xf32> to vector<1x90xf32>
    %squeeze3A_3434 = vector.shape_cast %slice3A_3433 : vector<1x90xf32> to vector<90xf32>
    %swap3A_3435 = arith.constant 0 : index
    %swap3A_3436 = arith.constant 7 : index
    %swap3A_3437 = arith.constant 12321 : index
    %swap3A_3438 = vector.load %arg3[%swap3A_3435, %swap3A_3436, %swap3A_3437] : memref<1x8x16416xf32, #tpu.memory_space<vmem>>, vector<1x1x90xf32>
    %swap3A_3439 = vector.shape_cast %swap3A_3438 : vector<1x1x90xf32> to vector<90xf32>
    %swap3A_3440 = vector.shape_cast %squeeze3A_3434 : vector<90xf32> to vector<1x1x90xf32>
    tpu.vector_store %arg3[%swap3A_3435, %swap3A_3436, %swap3A_3437], %swap3A_3440 {strides = array<i32>} : memref<1x8x16416xf32, #tpu.memory_space<vmem>>, vector<1x1x90xf32>,
    %slice3A_3441 = vector.extract_strided_slice %get3A_3 {offsets = [423, 423], sizes = [1, 89], strides = [1, 1]} : vector<512x512xf32> to vector<1x89xf32>
    %squeeze3A_3442 = vector.shape_cast %slice3A_3441 : vector<1x89xf32> to vector<89xf32>
    %swap3A_3443 = arith.constant 0 : index
    %swap3A_3444 = arith.constant 7 : index
    %swap3A_3445 = arith.constant 12411 : index
    %swap3A_3446 = vector.load %arg3[%swap3A_3443, %swap3A_3444, %swap3A_3445] : memref<1x8x16416xf32, #tpu.memory_space<vmem>>, vector<1x1x89xf32>
    %swap3A_3447 = vector.shape_cast %swap3A_3446 : vector<1x1x89xf32> to vector<89xf32>
    %swap3A_3448 = vector.shape_cast %squeeze3A_3442 : vector<89xf32> to vector<1x1x89xf32>
    tpu.vector_store %arg3[%swap3A_3443, %swap3A_3444, %swap3A_3445], %swap3A_3448 {strides = array<i32>} : memref<1x8x16416xf32, #tpu.memory_space<vmem>>, vector<1x1x89xf32>,
    %slice3A_3449 = vector.extract_strided_slice %get3A_3 {offsets = [424, 424], sizes = [1, 88], strides = [1, 1]} : vector<512x512xf32> to vector<1x88xf32>
    %squeeze3A_3450 = vector.shape_cast %slice3A_3449 : vector<1x88xf32> to vector<88xf32>
    %swap3A_3451 = arith.constant 0 : index
    %swap3A_3452 = arith.constant 7 : index
    %swap3A_3453 = arith.constant 12500 : index
    %swap3A_3454 = vector.load %arg3[%swap3A_3451, %swap3A_3452, %swap3A_3453] : memref<1x8x16416xf32, #tpu.memory_space<vmem>>, vector<1x1x88xf32>
    %swap3A_3455 = vector.shape_cast %swap3A_3454 : vector<1x1x88xf32> to vector<88xf32>
    %swap3A_3456 = vector.shape_cast %squeeze3A_3450 : vector<88xf32> to vector<1x1x88xf32>
    tpu.vector_store %arg3[%swap3A_3451, %swap3A_3452, %swap3A_3453], %swap3A_3456 {strides = array<i32>} : memref<1x8x16416xf32, #tpu.memory_space<vmem>>, vector<1x1x88xf32>,
    %slice3A_3457 = vector.extract_strided_slice %get3A_3 {offsets = [425, 425], sizes = [1, 87], strides = [1, 1]} : vector<512x512xf32> to vector<1x87xf32>
    %squeeze3A_3458 = vector.shape_cast %slice3A_3457 : vector<1x87xf32> to vector<87xf32>
    %swap3A_3459 = arith.constant 0 : index
    %swap3A_3460 = arith.constant 7 : index
    %swap3A_3461 = arith.constant 12588 : index
    %swap3A_3462 = vector.load %arg3[%swap3A_3459, %swap3A_3460, %swap3A_3461] : memref<1x8x16416xf32, #tpu.memory_space<vmem>>, vector<1x1x87xf32>
    %swap3A_3463 = vector.shape_cast %swap3A_3462 : vector<1x1x87xf32> to vector<87xf32>
    %swap3A_3464 = vector.shape_cast %squeeze3A_3458 : vector<87xf32> to vector<1x1x87xf32>
    tpu.vector_store %arg3[%swap3A_3459, %swap3A_3460, %swap3A_3461], %swap3A_3464 {strides = array<i32>} : memref<1x8x16416xf32, #tpu.memory_space<vmem>>, vector<1x1x87xf32>,
    %slice3A_3465 = vector.extract_strided_slice %get3A_3 {offsets = [426, 426], sizes = [1, 86], strides = [1, 1]} : vector<512x512xf32> to vector<1x86xf32>
    %squeeze3A_3466 = vector.shape_cast %slice3A_3465 : vector<1x86xf32> to vector<86xf32>
    %swap3A_3467 = arith.constant 0 : index
    %swap3A_3468 = arith.constant 7 : index
    %swap3A_3469 = arith.constant 12675 : index
    %swap3A_3470 = vector.load %arg3[%swap3A_3467, %swap3A_3468, %swap3A_3469] : memref<1x8x16416xf32, #tpu.memory_space<vmem>>, vector<1x1x86xf32>
    %swap3A_3471 = vector.shape_cast %swap3A_3470 : vector<1x1x86xf32> to vector<86xf32>
    %swap3A_3472 = vector.shape_cast %squeeze3A_3466 : vector<86xf32> to vector<1x1x86xf32>
    tpu.vector_store %arg3[%swap3A_3467, %swap3A_3468, %swap3A_3469], %swap3A_3472 {strides = array<i32>} : memref<1x8x16416xf32, #tpu.memory_space<vmem>>, vector<1x1x86xf32>,
    %slice3A_3473 = vector.extract_strided_slice %get3A_3 {offsets = [427, 427], sizes = [1, 85], strides = [1, 1]} : vector<512x512xf32> to vector<1x85xf32>
    %squeeze3A_3474 = vector.shape_cast %slice3A_3473 : vector<1x85xf32> to vector<85xf32>
    %swap3A_3475 = arith.constant 0 : index
    %swap3A_3476 = arith.constant 7 : index
    %swap3A_3477 = arith.constant 12761 : index
    %swap3A_3478 = vector.load %arg3[%swap3A_3475, %swap3A_3476, %swap3A_3477] : memref<1x8x16416xf32, #tpu.memory_space<vmem>>, vector<1x1x85xf32>
    %swap3A_3479 = vector.shape_cast %swap3A_3478 : vector<1x1x85xf32> to vector<85xf32>
    %swap3A_3480 = vector.shape_cast %squeeze3A_3474 : vector<85xf32> to vector<1x1x85xf32>
    tpu.vector_store %arg3[%swap3A_3475, %swap3A_3476, %swap3A_3477], %swap3A_3480 {strides = array<i32>} : memref<1x8x16416xf32, #tpu.memory_space<vmem>>, vector<1x1x85xf32>,
    %slice3A_3481 = vector.extract_strided_slice %get3A_3 {offsets = [428, 428], sizes = [1, 84], strides = [1, 1]} : vector<512x512xf32> to vector<1x84xf32>
    %squeeze3A_3482 = vector.shape_cast %slice3A_3481 : vector<1x84xf32> to vector<84xf32>
    %swap3A_3483 = arith.constant 0 : index
    %swap3A_3484 = arith.constant 7 : index
    %swap3A_3485 = arith.constant 12846 : index
    %swap3A_3486 = vector.load %arg3[%swap3A_3483, %swap3A_3484, %swap3A_3485] : memref<1x8x16416xf32, #tpu.memory_space<vmem>>, vector<1x1x84xf32>
    %swap3A_3487 = vector.shape_cast %swap3A_3486 : vector<1x1x84xf32> to vector<84xf32>
    %swap3A_3488 = vector.shape_cast %squeeze3A_3482 : vector<84xf32> to vector<1x1x84xf32>
    tpu.vector_store %arg3[%swap3A_3483, %swap3A_3484, %swap3A_3485], %swap3A_3488 {strides = array<i32>} : memref<1x8x16416xf32, #tpu.memory_space<vmem>>, vector<1x1x84xf32>,
    %slice3A_3489 = vector.extract_strided_slice %get3A_3 {offsets = [429, 429], sizes = [1, 83], strides = [1, 1]} : vector<512x512xf32> to vector<1x83xf32>
    %squeeze3A_3490 = vector.shape_cast %slice3A_3489 : vector<1x83xf32> to vector<83xf32>
    %swap3A_3491 = arith.constant 0 : index
    %swap3A_3492 = arith.constant 7 : index
    %swap3A_3493 = arith.constant 12930 : index
    %swap3A_3494 = vector.load %arg3[%swap3A_3491, %swap3A_3492, %swap3A_3493] : memref<1x8x16416xf32, #tpu.memory_space<vmem>>, vector<1x1x83xf32>
    %swap3A_3495 = vector.shape_cast %swap3A_3494 : vector<1x1x83xf32> to vector<83xf32>
    %swap3A_3496 = vector.shape_cast %squeeze3A_3490 : vector<83xf32> to vector<1x1x83xf32>
    tpu.vector_store %arg3[%swap3A_3491, %swap3A_3492, %swap3A_3493], %swap3A_3496 {strides = array<i32>} : memref<1x8x16416xf32, #tpu.memory_space<vmem>>, vector<1x1x83xf32>,
    %slice3A_3497 = vector.extract_strided_slice %get3A_3 {offsets = [430, 430], sizes = [1, 82], strides = [1, 1]} : vector<512x512xf32> to vector<1x82xf32>
    %squeeze3A_3498 = vector.shape_cast %slice3A_3497 : vector<1x82xf32> to vector<82xf32>
    %swap3A_3499 = arith.constant 0 : index
    %swap3A_3500 = arith.constant 7 : index
    %swap3A_3501 = arith.constant 13013 : index
    %swap3A_3502 = vector.load %arg3[%swap3A_3499, %swap3A_3500, %swap3A_3501] : memref<1x8x16416xf32, #tpu.memory_space<vmem>>, vector<1x1x82xf32>
    %swap3A_3503 = vector.shape_cast %swap3A_3502 : vector<1x1x82xf32> to vector<82xf32>
    %swap3A_3504 = vector.shape_cast %squeeze3A_3498 : vector<82xf32> to vector<1x1x82xf32>
    tpu.vector_store %arg3[%swap3A_3499, %swap3A_3500, %swap3A_3501], %swap3A_3504 {strides = array<i32>} : memref<1x8x16416xf32, #tpu.memory_space<vmem>>, vector<1x1x82xf32>,
    %slice3A_3505 = vector.extract_strided_slice %get3A_3 {offsets = [431, 431], sizes = [1, 81], strides = [1, 1]} : vector<512x512xf32> to vector<1x81xf32>
    %squeeze3A_3506 = vector.shape_cast %slice3A_3505 : vector<1x81xf32> to vector<81xf32>
    %swap3A_3507 = arith.constant 0 : index
    %swap3A_3508 = arith.constant 7 : index
    %swap3A_3509 = arith.constant 13095 : index
    %swap3A_3510 = vector.load %arg3[%swap3A_3507, %swap3A_3508, %swap3A_3509] : memref<1x8x16416xf32, #tpu.memory_space<vmem>>, vector<1x1x81xf32>
    %swap3A_3511 = vector.shape_cast %swap3A_3510 : vector<1x1x81xf32> to vector<81xf32>
    %swap3A_3512 = vector.shape_cast %squeeze3A_3506 : vector<81xf32> to vector<1x1x81xf32>
    tpu.vector_store %arg3[%swap3A_3507, %swap3A_3508, %swap3A_3509], %swap3A_3512 {strides = array<i32>} : memref<1x8x16416xf32, #tpu.memory_space<vmem>>, vector<1x1x81xf32>,
    %slice3A_3513 = vector.extract_strided_slice %get3A_3 {offsets = [432, 432], sizes = [1, 80], strides = [1, 1]} : vector<512x512xf32> to vector<1x80xf32>
    %squeeze3A_3514 = vector.shape_cast %slice3A_3513 : vector<1x80xf32> to vector<80xf32>
    %swap3A_3515 = arith.constant 0 : index
    %swap3A_3516 = arith.constant 7 : index
    %swap3A_3517 = arith.constant 13176 : index
    %swap3A_3518 = vector.load %arg3[%swap3A_3515, %swap3A_3516, %swap3A_3517] : memref<1x8x16416xf32, #tpu.memory_space<vmem>>, vector<1x1x80xf32>
    %swap3A_3519 = vector.shape_cast %swap3A_3518 : vector<1x1x80xf32> to vector<80xf32>
    %swap3A_3520 = vector.shape_cast %squeeze3A_3514 : vector<80xf32> to vector<1x1x80xf32>
    tpu.vector_store %arg3[%swap3A_3515, %swap3A_3516, %swap3A_3517], %swap3A_3520 {strides = array<i32>} : memref<1x8x16416xf32, #tpu.memory_space<vmem>>, vector<1x1x80xf32>,
    %slice3A_3521 = vector.extract_strided_slice %get3A_3 {offsets = [433, 433], sizes = [1, 79], strides = [1, 1]} : vector<512x512xf32> to vector<1x79xf32>
    %squeeze3A_3522 = vector.shape_cast %slice3A_3521 : vector<1x79xf32> to vector<79xf32>
    %swap3A_3523 = arith.constant 0 : index
    %swap3A_3524 = arith.constant 7 : index
    %swap3A_3525 = arith.constant 13256 : index
    %swap3A_3526 = vector.load %arg3[%swap3A_3523, %swap3A_3524, %swap3A_3525] : memref<1x8x16416xf32, #tpu.memory_space<vmem>>, vector<1x1x79xf32>
    %swap3A_3527 = vector.shape_cast %swap3A_3526 : vector<1x1x79xf32> to vector<79xf32>
    %swap3A_3528 = vector.shape_cast %squeeze3A_3522 : vector<79xf32> to vector<1x1x79xf32>
    tpu.vector_store %arg3[%swap3A_3523, %swap3A_3524, %swap3A_3525], %swap3A_3528 {strides = array<i32>} : memref<1x8x16416xf32, #tpu.memory_space<vmem>>, vector<1x1x79xf32>,
    %slice3A_3529 = vector.extract_strided_slice %get3A_3 {offsets = [434, 434], sizes = [1, 78], strides = [1, 1]} : vector<512x512xf32> to vector<1x78xf32>
    %squeeze3A_3530 = vector.shape_cast %slice3A_3529 : vector<1x78xf32> to vector<78xf32>
    %swap3A_3531 = arith.constant 0 : index
    %swap3A_3532 = arith.constant 7 : index
    %swap3A_3533 = arith.constant 13335 : index
    %swap3A_3534 = vector.load %arg3[%swap3A_3531, %swap3A_3532, %swap3A_3533] : memref<1x8x16416xf32, #tpu.memory_space<vmem>>, vector<1x1x78xf32>
    %swap3A_3535 = vector.shape_cast %swap3A_3534 : vector<1x1x78xf32> to vector<78xf32>
    %swap3A_3536 = vector.shape_cast %squeeze3A_3530 : vector<78xf32> to vector<1x1x78xf32>
    tpu.vector_store %arg3[%swap3A_3531, %swap3A_3532, %swap3A_3533], %swap3A_3536 {strides = array<i32>} : memref<1x8x16416xf32, #tpu.memory_space<vmem>>, vector<1x1x78xf32>,
    %slice3A_3537 = vector.extract_strided_slice %get3A_3 {offsets = [435, 435], sizes = [1, 77], strides = [1, 1]} : vector<512x512xf32> to vector<1x77xf32>
    %squeeze3A_3538 = vector.shape_cast %slice3A_3537 : vector<1x77xf32> to vector<77xf32>
    %swap3A_3539 = arith.constant 0 : index
    %swap3A_3540 = arith.constant 7 : index
    %swap3A_3541 = arith.constant 13413 : index
    %swap3A_3542 = vector.load %arg3[%swap3A_3539, %swap3A_3540, %swap3A_3541] : memref<1x8x16416xf32, #tpu.memory_space<vmem>>, vector<1x1x77xf32>
    %swap3A_3543 = vector.shape_cast %swap3A_3542 : vector<1x1x77xf32> to vector<77xf32>
    %swap3A_3544 = vector.shape_cast %squeeze3A_3538 : vector<77xf32> to vector<1x1x77xf32>
    tpu.vector_store %arg3[%swap3A_3539, %swap3A_3540, %swap3A_3541], %swap3A_3544 {strides = array<i32>} : memref<1x8x16416xf32, #tpu.memory_space<vmem>>, vector<1x1x77xf32>,
    %slice3A_3545 = vector.extract_strided_slice %get3A_3 {offsets = [436, 436], sizes = [1, 76], strides = [1, 1]} : vector<512x512xf32> to vector<1x76xf32>
    %squeeze3A_3546 = vector.shape_cast %slice3A_3545 : vector<1x76xf32> to vector<76xf32>
    %swap3A_3547 = arith.constant 0 : index
    %swap3A_3548 = arith.constant 7 : index
    %swap3A_3549 = arith.constant 13490 : index
    %swap3A_3550 = vector.load %arg3[%swap3A_3547, %swap3A_3548, %swap3A_3549] : memref<1x8x16416xf32, #tpu.memory_space<vmem>>, vector<1x1x76xf32>
    %swap3A_3551 = vector.shape_cast %swap3A_3550 : vector<1x1x76xf32> to vector<76xf32>
    %swap3A_3552 = vector.shape_cast %squeeze3A_3546 : vector<76xf32> to vector<1x1x76xf32>
    tpu.vector_store %arg3[%swap3A_3547, %swap3A_3548, %swap3A_3549], %swap3A_3552 {strides = array<i32>} : memref<1x8x16416xf32, #tpu.memory_space<vmem>>, vector<1x1x76xf32>,
    %slice3A_3553 = vector.extract_strided_slice %get3A_3 {offsets = [437, 437], sizes = [1, 75], strides = [1, 1]} : vector<512x512xf32> to vector<1x75xf32>
    %squeeze3A_3554 = vector.shape_cast %slice3A_3553 : vector<1x75xf32> to vector<75xf32>
    %swap3A_3555 = arith.constant 0 : index
    %swap3A_3556 = arith.constant 7 : index
    %swap3A_3557 = arith.constant 13566 : index
    %swap3A_3558 = vector.load %arg3[%swap3A_3555, %swap3A_3556, %swap3A_3557] : memref<1x8x16416xf32, #tpu.memory_space<vmem>>, vector<1x1x75xf32>
    %swap3A_3559 = vector.shape_cast %swap3A_3558 : vector<1x1x75xf32> to vector<75xf32>
    %swap3A_3560 = vector.shape_cast %squeeze3A_3554 : vector<75xf32> to vector<1x1x75xf32>
    tpu.vector_store %arg3[%swap3A_3555, %swap3A_3556, %swap3A_3557], %swap3A_3560 {strides = array<i32>} : memref<1x8x16416xf32, #tpu.memory_space<vmem>>, vector<1x1x75xf32>,
    %slice3A_3561 = vector.extract_strided_slice %get3A_3 {offsets = [438, 438], sizes = [1, 74], strides = [1, 1]} : vector<512x512xf32> to vector<1x74xf32>
    %squeeze3A_3562 = vector.shape_cast %slice3A_3561 : vector<1x74xf32> to vector<74xf32>
    %swap3A_3563 = arith.constant 0 : index
    %swap3A_3564 = arith.constant 7 : index
    %swap3A_3565 = arith.constant 13641 : index
    %swap3A_3566 = vector.load %arg3[%swap3A_3563, %swap3A_3564, %swap3A_3565] : memref<1x8x16416xf32, #tpu.memory_space<vmem>>, vector<1x1x74xf32>
    %swap3A_3567 = vector.shape_cast %swap3A_3566 : vector<1x1x74xf32> to vector<74xf32>
    %swap3A_3568 = vector.shape_cast %squeeze3A_3562 : vector<74xf32> to vector<1x1x74xf32>
    tpu.vector_store %arg3[%swap3A_3563, %swap3A_3564, %swap3A_3565], %swap3A_3568 {strides = array<i32>} : memref<1x8x16416xf32, #tpu.memory_space<vmem>>, vector<1x1x74xf32>,
    %slice3A_3569 = vector.extract_strided_slice %get3A_3 {offsets = [439, 439], sizes = [1, 73], strides = [1, 1]} : vector<512x512xf32> to vector<1x73xf32>
    %squeeze3A_3570 = vector.shape_cast %slice3A_3569 : vector<1x73xf32> to vector<73xf32>
    %swap3A_3571 = arith.constant 0 : index
    %swap3A_3572 = arith.constant 7 : index
    %swap3A_3573 = arith.constant 13715 : index
    %swap3A_3574 = vector.load %arg3[%swap3A_3571, %swap3A_3572, %swap3A_3573] : memref<1x8x16416xf32, #tpu.memory_space<vmem>>, vector<1x1x73xf32>
    %swap3A_3575 = vector.shape_cast %swap3A_3574 : vector<1x1x73xf32> to vector<73xf32>
    %swap3A_3576 = vector.shape_cast %squeeze3A_3570 : vector<73xf32> to vector<1x1x73xf32>
    tpu.vector_store %arg3[%swap3A_3571, %swap3A_3572, %swap3A_3573], %swap3A_3576 {strides = array<i32>} : memref<1x8x16416xf32, #tpu.memory_space<vmem>>, vector<1x1x73xf32>,
    %slice3A_3577 = vector.extract_strided_slice %get3A_3 {offsets = [440, 440], sizes = [1, 72], strides = [1, 1]} : vector<512x512xf32> to vector<1x72xf32>
    %squeeze3A_3578 = vector.shape_cast %slice3A_3577 : vector<1x72xf32> to vector<72xf32>
    %swap3A_3579 = arith.constant 0 : index
    %swap3A_3580 = arith.constant 7 : index
    %swap3A_3581 = arith.constant 13788 : index
    %swap3A_3582 = vector.load %arg3[%swap3A_3579, %swap3A_3580, %swap3A_3581] : memref<1x8x16416xf32, #tpu.memory_space<vmem>>, vector<1x1x72xf32>
    %swap3A_3583 = vector.shape_cast %swap3A_3582 : vector<1x1x72xf32> to vector<72xf32>
    %swap3A_3584 = vector.shape_cast %squeeze3A_3578 : vector<72xf32> to vector<1x1x72xf32>
    tpu.vector_store %arg3[%swap3A_3579, %swap3A_3580, %swap3A_3581], %swap3A_3584 {strides = array<i32>} : memref<1x8x16416xf32, #tpu.memory_space<vmem>>, vector<1x1x72xf32>,
    %slice3A_3585 = vector.extract_strided_slice %get3A_3 {offsets = [441, 441], sizes = [1, 71], strides = [1, 1]} : vector<512x512xf32> to vector<1x71xf32>
    %squeeze3A_3586 = vector.shape_cast %slice3A_3585 : vector<1x71xf32> to vector<71xf32>
    %swap3A_3587 = arith.constant 0 : index
    %swap3A_3588 = arith.constant 7 : index
    %swap3A_3589 = arith.constant 13860 : index
    %swap3A_3590 = vector.load %arg3[%swap3A_3587, %swap3A_3588, %swap3A_3589] : memref<1x8x16416xf32, #tpu.memory_space<vmem>>, vector<1x1x71xf32>
    %swap3A_3591 = vector.shape_cast %swap3A_3590 : vector<1x1x71xf32> to vector<71xf32>
    %swap3A_3592 = vector.shape_cast %squeeze3A_3586 : vector<71xf32> to vector<1x1x71xf32>
    tpu.vector_store %arg3[%swap3A_3587, %swap3A_3588, %swap3A_3589], %swap3A_3592 {strides = array<i32>} : memref<1x8x16416xf32, #tpu.memory_space<vmem>>, vector<1x1x71xf32>,
    %slice3A_3593 = vector.extract_strided_slice %get3A_3 {offsets = [442, 442], sizes = [1, 70], strides = [1, 1]} : vector<512x512xf32> to vector<1x70xf32>
    %squeeze3A_3594 = vector.shape_cast %slice3A_3593 : vector<1x70xf32> to vector<70xf32>
    %swap3A_3595 = arith.constant 0 : index
    %swap3A_3596 = arith.constant 7 : index
    %swap3A_3597 = arith.constant 13931 : index
    %swap3A_3598 = vector.load %arg3[%swap3A_3595, %swap3A_3596, %swap3A_3597] : memref<1x8x16416xf32, #tpu.memory_space<vmem>>, vector<1x1x70xf32>
    %swap3A_3599 = vector.shape_cast %swap3A_3598 : vector<1x1x70xf32> to vector<70xf32>
    %swap3A_3600 = vector.shape_cast %squeeze3A_3594 : vector<70xf32> to vector<1x1x70xf32>
    tpu.vector_store %arg3[%swap3A_3595, %swap3A_3596, %swap3A_3597], %swap3A_3600 {strides = array<i32>} : memref<1x8x16416xf32, #tpu.memory_space<vmem>>, vector<1x1x70xf32>,
    %slice3A_3601 = vector.extract_strided_slice %get3A_3 {offsets = [443, 443], sizes = [1, 69], strides = [1, 1]} : vector<512x512xf32> to vector<1x69xf32>
    %squeeze3A_3602 = vector.shape_cast %slice3A_3601 : vector<1x69xf32> to vector<69xf32>
    %swap3A_3603 = arith.constant 0 : index
    %swap3A_3604 = arith.constant 7 : index
    %swap3A_3605 = arith.constant 14001 : index
    %swap3A_3606 = vector.load %arg3[%swap3A_3603, %swap3A_3604, %swap3A_3605] : memref<1x8x16416xf32, #tpu.memory_space<vmem>>, vector<1x1x69xf32>
    %swap3A_3607 = vector.shape_cast %swap3A_3606 : vector<1x1x69xf32> to vector<69xf32>
    %swap3A_3608 = vector.shape_cast %squeeze3A_3602 : vector<69xf32> to vector<1x1x69xf32>
    tpu.vector_store %arg3[%swap3A_3603, %swap3A_3604, %swap3A_3605], %swap3A_3608 {strides = array<i32>} : memref<1x8x16416xf32, #tpu.memory_space<vmem>>, vector<1x1x69xf32>,
    %slice3A_3609 = vector.extract_strided_slice %get3A_3 {offsets = [444, 444], sizes = [1, 68], strides = [1, 1]} : vector<512x512xf32> to vector<1x68xf32>
    %squeeze3A_3610 = vector.shape_cast %slice3A_3609 : vector<1x68xf32> to vector<68xf32>
    %swap3A_3611 = arith.constant 0 : index
    %swap3A_3612 = arith.constant 7 : index
    %swap3A_3613 = arith.constant 14070 : index
    %swap3A_3614 = vector.load %arg3[%swap3A_3611, %swap3A_3612, %swap3A_3613] : memref<1x8x16416xf32, #tpu.memory_space<vmem>>, vector<1x1x68xf32>
    %swap3A_3615 = vector.shape_cast %swap3A_3614 : vector<1x1x68xf32> to vector<68xf32>
    %swap3A_3616 = vector.shape_cast %squeeze3A_3610 : vector<68xf32> to vector<1x1x68xf32>
    tpu.vector_store %arg3[%swap3A_3611, %swap3A_3612, %swap3A_3613], %swap3A_3616 {strides = array<i32>} : memref<1x8x16416xf32, #tpu.memory_space<vmem>>, vector<1x1x68xf32>,
    %slice3A_3617 = vector.extract_strided_slice %get3A_3 {offsets = [445, 445], sizes = [1, 67], strides = [1, 1]} : vector<512x512xf32> to vector<1x67xf32>
    %squeeze3A_3618 = vector.shape_cast %slice3A_3617 : vector<1x67xf32> to vector<67xf32>
    %swap3A_3619 = arith.constant 0 : index
    %swap3A_3620 = arith.constant 7 : index
    %swap3A_3621 = arith.constant 14138 : index
    %swap3A_3622 = vector.load %arg3[%swap3A_3619, %swap3A_3620, %swap3A_3621] : memref<1x8x16416xf32, #tpu.memory_space<vmem>>, vector<1x1x67xf32>
    %swap3A_3623 = vector.shape_cast %swap3A_3622 : vector<1x1x67xf32> to vector<67xf32>
    %swap3A_3624 = vector.shape_cast %squeeze3A_3618 : vector<67xf32> to vector<1x1x67xf32>
    tpu.vector_store %arg3[%swap3A_3619, %swap3A_3620, %swap3A_3621], %swap3A_3624 {strides = array<i32>} : memref<1x8x16416xf32, #tpu.memory_space<vmem>>, vector<1x1x67xf32>,
    %slice3A_3625 = vector.extract_strided_slice %get3A_3 {offsets = [446, 446], sizes = [1, 66], strides = [1, 1]} : vector<512x512xf32> to vector<1x66xf32>
    %squeeze3A_3626 = vector.shape_cast %slice3A_3625 : vector<1x66xf32> to vector<66xf32>
    %swap3A_3627 = arith.constant 0 : index
    %swap3A_3628 = arith.constant 7 : index
    %swap3A_3629 = arith.constant 14205 : index
    %swap3A_3630 = vector.load %arg3[%swap3A_3627, %swap3A_3628, %swap3A_3629] : memref<1x8x16416xf32, #tpu.memory_space<vmem>>, vector<1x1x66xf32>
    %swap3A_3631 = vector.shape_cast %swap3A_3630 : vector<1x1x66xf32> to vector<66xf32>
    %swap3A_3632 = vector.shape_cast %squeeze3A_3626 : vector<66xf32> to vector<1x1x66xf32>
    tpu.vector_store %arg3[%swap3A_3627, %swap3A_3628, %swap3A_3629], %swap3A_3632 {strides = array<i32>} : memref<1x8x16416xf32, #tpu.memory_space<vmem>>, vector<1x1x66xf32>,
    %slice3A_3633 = vector.extract_strided_slice %get3A_3 {offsets = [447, 447], sizes = [1, 65], strides = [1, 1]} : vector<512x512xf32> to vector<1x65xf32>
    %squeeze3A_3634 = vector.shape_cast %slice3A_3633 : vector<1x65xf32> to vector<65xf32>
    %swap3A_3635 = arith.constant 0 : index
    %swap3A_3636 = arith.constant 7 : index
    %swap3A_3637 = arith.constant 14271 : index
    %swap3A_3638 = vector.load %arg3[%swap3A_3635, %swap3A_3636, %swap3A_3637] : memref<1x8x16416xf32, #tpu.memory_space<vmem>>, vector<1x1x65xf32>
    %swap3A_3639 = vector.shape_cast %swap3A_3638 : vector<1x1x65xf32> to vector<65xf32>
    %swap3A_3640 = vector.shape_cast %squeeze3A_3634 : vector<65xf32> to vector<1x1x65xf32>
    tpu.vector_store %arg3[%swap3A_3635, %swap3A_3636, %swap3A_3637], %swap3A_3640 {strides = array<i32>} : memref<1x8x16416xf32, #tpu.memory_space<vmem>>, vector<1x1x65xf32>,
    %slice3A_3641 = vector.extract_strided_slice %get3A_3 {offsets = [448, 448], sizes = [1, 64], strides = [1, 1]} : vector<512x512xf32> to vector<1x64xf32>
    %squeeze3A_3642 = vector.shape_cast %slice3A_3641 : vector<1x64xf32> to vector<64xf32>
    %swap3A_3643 = arith.constant 0 : index
    %swap3A_3644 = arith.constant 7 : index
    %swap3A_3645 = arith.constant 14336 : index
    %swap3A_3646 = vector.load %arg3[%swap3A_3643, %swap3A_3644, %swap3A_3645] : memref<1x8x16416xf32, #tpu.memory_space<vmem>>, vector<1x1x64xf32>
    %swap3A_3647 = vector.shape_cast %swap3A_3646 : vector<1x1x64xf32> to vector<64xf32>
    %swap3A_3648 = vector.shape_cast %squeeze3A_3642 : vector<64xf32> to vector<1x1x64xf32>
    tpu.vector_store %arg3[%swap3A_3643, %swap3A_3644, %swap3A_3645], %swap3A_3648 {strides = array<i32>} : memref<1x8x16416xf32, #tpu.memory_space<vmem>>, vector<1x1x64xf32>,
    %slice3A_3649 = vector.extract_strided_slice %get3A_3 {offsets = [449, 449], sizes = [1, 63], strides = [1, 1]} : vector<512x512xf32> to vector<1x63xf32>
    %squeeze3A_3650 = vector.shape_cast %slice3A_3649 : vector<1x63xf32> to vector<63xf32>
    %swap3A_3651 = arith.constant 0 : index
    %swap3A_3652 = arith.constant 7 : index
    %swap3A_3653 = arith.constant 14400 : index
    %swap3A_3654 = vector.load %arg3[%swap3A_3651, %swap3A_3652, %swap3A_3653] : memref<1x8x16416xf32, #tpu.memory_space<vmem>>, vector<1x1x63xf32>
    %swap3A_3655 = vector.shape_cast %swap3A_3654 : vector<1x1x63xf32> to vector<63xf32>
    %swap3A_3656 = vector.shape_cast %squeeze3A_3650 : vector<63xf32> to vector<1x1x63xf32>
    tpu.vector_store %arg3[%swap3A_3651, %swap3A_3652, %swap3A_3653], %swap3A_3656 {strides = array<i32>} : memref<1x8x16416xf32, #tpu.memory_space<vmem>>, vector<1x1x63xf32>,
    %slice3A_3657 = vector.extract_strided_slice %get3A_3 {offsets = [450, 450], sizes = [1, 62], strides = [1, 1]} : vector<512x512xf32> to vector<1x62xf32>
    %squeeze3A_3658 = vector.shape_cast %slice3A_3657 : vector<1x62xf32> to vector<62xf32>
    %swap3A_3659 = arith.constant 0 : index
    %swap3A_3660 = arith.constant 7 : index
    %swap3A_3661 = arith.constant 14463 : index
    %swap3A_3662 = vector.load %arg3[%swap3A_3659, %swap3A_3660, %swap3A_3661] : memref<1x8x16416xf32, #tpu.memory_space<vmem>>, vector<1x1x62xf32>
    %swap3A_3663 = vector.shape_cast %swap3A_3662 : vector<1x1x62xf32> to vector<62xf32>
    %swap3A_3664 = vector.shape_cast %squeeze3A_3658 : vector<62xf32> to vector<1x1x62xf32>
    tpu.vector_store %arg3[%swap3A_3659, %swap3A_3660, %swap3A_3661], %swap3A_3664 {strides = array<i32>} : memref<1x8x16416xf32, #tpu.memory_space<vmem>>, vector<1x1x62xf32>,
    %slice3A_3665 = vector.extract_strided_slice %get3A_3 {offsets = [451, 451], sizes = [1, 61], strides = [1, 1]} : vector<512x512xf32> to vector<1x61xf32>
    %squeeze3A_3666 = vector.shape_cast %slice3A_3665 : vector<1x61xf32> to vector<61xf32>
    %swap3A_3667 = arith.constant 0 : index
    %swap3A_3668 = arith.constant 7 : index
    %swap3A_3669 = arith.constant 14525 : index
    %swap3A_3670 = vector.load %arg3[%swap3A_3667, %swap3A_3668, %swap3A_3669] : memref<1x8x16416xf32, #tpu.memory_space<vmem>>, vector<1x1x61xf32>
    %swap3A_3671 = vector.shape_cast %swap3A_3670 : vector<1x1x61xf32> to vector<61xf32>
    %swap3A_3672 = vector.shape_cast %squeeze3A_3666 : vector<61xf32> to vector<1x1x61xf32>
    tpu.vector_store %arg3[%swap3A_3667, %swap3A_3668, %swap3A_3669], %swap3A_3672 {strides = array<i32>} : memref<1x8x16416xf32, #tpu.memory_space<vmem>>, vector<1x1x61xf32>,
    %slice3A_3673 = vector.extract_strided_slice %get3A_3 {offsets = [452, 452], sizes = [1, 60], strides = [1, 1]} : vector<512x512xf32> to vector<1x60xf32>
    %squeeze3A_3674 = vector.shape_cast %slice3A_3673 : vector<1x60xf32> to vector<60xf32>
    %swap3A_3675 = arith.constant 0 : index
    %swap3A_3676 = arith.constant 7 : index
    %swap3A_3677 = arith.constant 14586 : index
    %swap3A_3678 = vector.load %arg3[%swap3A_3675, %swap3A_3676, %swap3A_3677] : memref<1x8x16416xf32, #tpu.memory_space<vmem>>, vector<1x1x60xf32>
    %swap3A_3679 = vector.shape_cast %swap3A_3678 : vector<1x1x60xf32> to vector<60xf32>
    %swap3A_3680 = vector.shape_cast %squeeze3A_3674 : vector<60xf32> to vector<1x1x60xf32>
    tpu.vector_store %arg3[%swap3A_3675, %swap3A_3676, %swap3A_3677], %swap3A_3680 {strides = array<i32>} : memref<1x8x16416xf32, #tpu.memory_space<vmem>>, vector<1x1x60xf32>,
    %slice3A_3681 = vector.extract_strided_slice %get3A_3 {offsets = [453, 453], sizes = [1, 59], strides = [1, 1]} : vector<512x512xf32> to vector<1x59xf32>
    %squeeze3A_3682 = vector.shape_cast %slice3A_3681 : vector<1x59xf32> to vector<59xf32>
    %swap3A_3683 = arith.constant 0 : index
    %swap3A_3684 = arith.constant 7 : index
    %swap3A_3685 = arith.constant 14646 : index
    %swap3A_3686 = vector.load %arg3[%swap3A_3683, %swap3A_3684, %swap3A_3685] : memref<1x8x16416xf32, #tpu.memory_space<vmem>>, vector<1x1x59xf32>
    %swap3A_3687 = vector.shape_cast %swap3A_3686 : vector<1x1x59xf32> to vector<59xf32>
    %swap3A_3688 = vector.shape_cast %squeeze3A_3682 : vector<59xf32> to vector<1x1x59xf32>
    tpu.vector_store %arg3[%swap3A_3683, %swap3A_3684, %swap3A_3685], %swap3A_3688 {strides = array<i32>} : memref<1x8x16416xf32, #tpu.memory_space<vmem>>, vector<1x1x59xf32>,
    %slice3A_3689 = vector.extract_strided_slice %get3A_3 {offsets = [454, 454], sizes = [1, 58], strides = [1, 1]} : vector<512x512xf32> to vector<1x58xf32>
    %squeeze3A_3690 = vector.shape_cast %slice3A_3689 : vector<1x58xf32> to vector<58xf32>
    %swap3A_3691 = arith.constant 0 : index
    %swap3A_3692 = arith.constant 7 : index
    %swap3A_3693 = arith.constant 14705 : index
    %swap3A_3694 = vector.load %arg3[%swap3A_3691, %swap3A_3692, %swap3A_3693] : memref<1x8x16416xf32, #tpu.memory_space<vmem>>, vector<1x1x58xf32>
    %swap3A_3695 = vector.shape_cast %swap3A_3694 : vector<1x1x58xf32> to vector<58xf32>
    %swap3A_3696 = vector.shape_cast %squeeze3A_3690 : vector<58xf32> to vector<1x1x58xf32>
    tpu.vector_store %arg3[%swap3A_3691, %swap3A_3692, %swap3A_3693], %swap3A_3696 {strides = array<i32>} : memref<1x8x16416xf32, #tpu.memory_space<vmem>>, vector<1x1x58xf32>,
    %slice3A_3697 = vector.extract_strided_slice %get3A_3 {offsets = [455, 455], sizes = [1, 57], strides = [1, 1]} : vector<512x512xf32> to vector<1x57xf32>
    %squeeze3A_3698 = vector.shape_cast %slice3A_3697 : vector<1x57xf32> to vector<57xf32>
    %swap3A_3699 = arith.constant 0 : index
    %swap3A_3700 = arith.constant 7 : index
    %swap3A_3701 = arith.constant 14763 : index
    %swap3A_3702 = vector.load %arg3[%swap3A_3699, %swap3A_3700, %swap3A_3701] : memref<1x8x16416xf32, #tpu.memory_space<vmem>>, vector<1x1x57xf32>
    %swap3A_3703 = vector.shape_cast %swap3A_3702 : vector<1x1x57xf32> to vector<57xf32>
    %swap3A_3704 = vector.shape_cast %squeeze3A_3698 : vector<57xf32> to vector<1x1x57xf32>
    tpu.vector_store %arg3[%swap3A_3699, %swap3A_3700, %swap3A_3701], %swap3A_3704 {strides = array<i32>} : memref<1x8x16416xf32, #tpu.memory_space<vmem>>, vector<1x1x57xf32>,
    %slice3A_3705 = vector.extract_strided_slice %get3A_3 {offsets = [456, 456], sizes = [1, 56], strides = [1, 1]} : vector<512x512xf32> to vector<1x56xf32>
    %squeeze3A_3706 = vector.shape_cast %slice3A_3705 : vector<1x56xf32> to vector<56xf32>
    %swap3A_3707 = arith.constant 0 : index
    %swap3A_3708 = arith.constant 7 : index
    %swap3A_3709 = arith.constant 14820 : index
    %swap3A_3710 = vector.load %arg3[%swap3A_3707, %swap3A_3708, %swap3A_3709] : memref<1x8x16416xf32, #tpu.memory_space<vmem>>, vector<1x1x56xf32>
    %swap3A_3711 = vector.shape_cast %swap3A_3710 : vector<1x1x56xf32> to vector<56xf32>
    %swap3A_3712 = vector.shape_cast %squeeze3A_3706 : vector<56xf32> to vector<1x1x56xf32>
    tpu.vector_store %arg3[%swap3A_3707, %swap3A_3708, %swap3A_3709], %swap3A_3712 {strides = array<i32>} : memref<1x8x16416xf32, #tpu.memory_space<vmem>>, vector<1x1x56xf32>,
    %slice3A_3713 = vector.extract_strided_slice %get3A_3 {offsets = [457, 457], sizes = [1, 55], strides = [1, 1]} : vector<512x512xf32> to vector<1x55xf32>
    %squeeze3A_3714 = vector.shape_cast %slice3A_3713 : vector<1x55xf32> to vector<55xf32>
    %swap3A_3715 = arith.constant 0 : index
    %swap3A_3716 = arith.constant 7 : index
    %swap3A_3717 = arith.constant 14876 : index
    %swap3A_3718 = vector.load %arg3[%swap3A_3715, %swap3A_3716, %swap3A_3717] : memref<1x8x16416xf32, #tpu.memory_space<vmem>>, vector<1x1x55xf32>
    %swap3A_3719 = vector.shape_cast %swap3A_3718 : vector<1x1x55xf32> to vector<55xf32>
    %swap3A_3720 = vector.shape_cast %squeeze3A_3714 : vector<55xf32> to vector<1x1x55xf32>
    tpu.vector_store %arg3[%swap3A_3715, %swap3A_3716, %swap3A_3717], %swap3A_3720 {strides = array<i32>} : memref<1x8x16416xf32, #tpu.memory_space<vmem>>, vector<1x1x55xf32>,
    %slice3A_3721 = vector.extract_strided_slice %get3A_3 {offsets = [458, 458], sizes = [1, 54], strides = [1, 1]} : vector<512x512xf32> to vector<1x54xf32>
    %squeeze3A_3722 = vector.shape_cast %slice3A_3721 : vector<1x54xf32> to vector<54xf32>
    %swap3A_3723 = arith.constant 0 : index
    %swap3A_3724 = arith.constant 7 : index
    %swap3A_3725 = arith.constant 14931 : index
    %swap3A_3726 = vector.load %arg3[%swap3A_3723, %swap3A_3724, %swap3A_3725] : memref<1x8x16416xf32, #tpu.memory_space<vmem>>, vector<1x1x54xf32>
    %swap3A_3727 = vector.shape_cast %swap3A_3726 : vector<1x1x54xf32> to vector<54xf32>
    %swap3A_3728 = vector.shape_cast %squeeze3A_3722 : vector<54xf32> to vector<1x1x54xf32>
    tpu.vector_store %arg3[%swap3A_3723, %swap3A_3724, %swap3A_3725], %swap3A_3728 {strides = array<i32>} : memref<1x8x16416xf32, #tpu.memory_space<vmem>>, vector<1x1x54xf32>,
    %slice3A_3729 = vector.extract_strided_slice %get3A_3 {offsets = [459, 459], sizes = [1, 53], strides = [1, 1]} : vector<512x512xf32> to vector<1x53xf32>
    %squeeze3A_3730 = vector.shape_cast %slice3A_3729 : vector<1x53xf32> to vector<53xf32>
    %swap3A_3731 = arith.constant 0 : index
    %swap3A_3732 = arith.constant 7 : index
    %swap3A_3733 = arith.constant 14985 : index
    %swap3A_3734 = vector.load %arg3[%swap3A_3731, %swap3A_3732, %swap3A_3733] : memref<1x8x16416xf32, #tpu.memory_space<vmem>>, vector<1x1x53xf32>
    %swap3A_3735 = vector.shape_cast %swap3A_3734 : vector<1x1x53xf32> to vector<53xf32>
    %swap3A_3736 = vector.shape_cast %squeeze3A_3730 : vector<53xf32> to vector<1x1x53xf32>
    tpu.vector_store %arg3[%swap3A_3731, %swap3A_3732, %swap3A_3733], %swap3A_3736 {strides = array<i32>} : memref<1x8x16416xf32, #tpu.memory_space<vmem>>, vector<1x1x53xf32>,
    %slice3A_3737 = vector.extract_strided_slice %get3A_3 {offsets = [460, 460], sizes = [1, 52], strides = [1, 1]} : vector<512x512xf32> to vector<1x52xf32>
    %squeeze3A_3738 = vector.shape_cast %slice3A_3737 : vector<1x52xf32> to vector<52xf32>
    %swap3A_3739 = arith.constant 0 : index
    %swap3A_3740 = arith.constant 7 : index
    %swap3A_3741 = arith.constant 15038 : index
    %swap3A_3742 = vector.load %arg3[%swap3A_3739, %swap3A_3740, %swap3A_3741] : memref<1x8x16416xf32, #tpu.memory_space<vmem>>, vector<1x1x52xf32>
    %swap3A_3743 = vector.shape_cast %swap3A_3742 : vector<1x1x52xf32> to vector<52xf32>
    %swap3A_3744 = vector.shape_cast %squeeze3A_3738 : vector<52xf32> to vector<1x1x52xf32>
    tpu.vector_store %arg3[%swap3A_3739, %swap3A_3740, %swap3A_3741], %swap3A_3744 {strides = array<i32>} : memref<1x8x16416xf32, #tpu.memory_space<vmem>>, vector<1x1x52xf32>,
    %slice3A_3745 = vector.extract_strided_slice %get3A_3 {offsets = [461, 461], sizes = [1, 51], strides = [1, 1]} : vector<512x512xf32> to vector<1x51xf32>
    %squeeze3A_3746 = vector.shape_cast %slice3A_3745 : vector<1x51xf32> to vector<51xf32>
    %swap3A_3747 = arith.constant 0 : index
    %swap3A_3748 = arith.constant 7 : index
    %swap3A_3749 = arith.constant 15090 : index
    %swap3A_3750 = vector.load %arg3[%swap3A_3747, %swap3A_3748, %swap3A_3749] : memref<1x8x16416xf32, #tpu.memory_space<vmem>>, vector<1x1x51xf32>
    %swap3A_3751 = vector.shape_cast %swap3A_3750 : vector<1x1x51xf32> to vector<51xf32>
    %swap3A_3752 = vector.shape_cast %squeeze3A_3746 : vector<51xf32> to vector<1x1x51xf32>
    tpu.vector_store %arg3[%swap3A_3747, %swap3A_3748, %swap3A_3749], %swap3A_3752 {strides = array<i32>} : memref<1x8x16416xf32, #tpu.memory_space<vmem>>, vector<1x1x51xf32>,
    %slice3A_3753 = vector.extract_strided_slice %get3A_3 {offsets = [462, 462], sizes = [1, 50], strides = [1, 1]} : vector<512x512xf32> to vector<1x50xf32>
    %squeeze3A_3754 = vector.shape_cast %slice3A_3753 : vector<1x50xf32> to vector<50xf32>
    %swap3A_3755 = arith.constant 0 : index
    %swap3A_3756 = arith.constant 7 : index
    %swap3A_3757 = arith.constant 15141 : index
    %swap3A_3758 = vector.load %arg3[%swap3A_3755, %swap3A_3756, %swap3A_3757] : memref<1x8x16416xf32, #tpu.memory_space<vmem>>, vector<1x1x50xf32>
    %swap3A_3759 = vector.shape_cast %swap3A_3758 : vector<1x1x50xf32> to vector<50xf32>
    %swap3A_3760 = vector.shape_cast %squeeze3A_3754 : vector<50xf32> to vector<1x1x50xf32>
    tpu.vector_store %arg3[%swap3A_3755, %swap3A_3756, %swap3A_3757], %swap3A_3760 {strides = array<i32>} : memref<1x8x16416xf32, #tpu.memory_space<vmem>>, vector<1x1x50xf32>,
    %slice3A_3761 = vector.extract_strided_slice %get3A_3 {offsets = [463, 463], sizes = [1, 49], strides = [1, 1]} : vector<512x512xf32> to vector<1x49xf32>
    %squeeze3A_3762 = vector.shape_cast %slice3A_3761 : vector<1x49xf32> to vector<49xf32>
    %swap3A_3763 = arith.constant 0 : index
    %swap3A_3764 = arith.constant 7 : index
    %swap3A_3765 = arith.constant 15191 : index
    %swap3A_3766 = vector.load %arg3[%swap3A_3763, %swap3A_3764, %swap3A_3765] : memref<1x8x16416xf32, #tpu.memory_space<vmem>>, vector<1x1x49xf32>
    %swap3A_3767 = vector.shape_cast %swap3A_3766 : vector<1x1x49xf32> to vector<49xf32>
    %swap3A_3768 = vector.shape_cast %squeeze3A_3762 : vector<49xf32> to vector<1x1x49xf32>
    tpu.vector_store %arg3[%swap3A_3763, %swap3A_3764, %swap3A_3765], %swap3A_3768 {strides = array<i32>} : memref<1x8x16416xf32, #tpu.memory_space<vmem>>, vector<1x1x49xf32>,
    %slice3A_3769 = vector.extract_strided_slice %get3A_3 {offsets = [464, 464], sizes = [1, 48], strides = [1, 1]} : vector<512x512xf32> to vector<1x48xf32>
    %squeeze3A_3770 = vector.shape_cast %slice3A_3769 : vector<1x48xf32> to vector<48xf32>
    %swap3A_3771 = arith.constant 0 : index
    %swap3A_3772 = arith.constant 7 : index
    %swap3A_3773 = arith.constant 15240 : index
    %swap3A_3774 = vector.load %arg3[%swap3A_3771, %swap3A_3772, %swap3A_3773] : memref<1x8x16416xf32, #tpu.memory_space<vmem>>, vector<1x1x48xf32>
    %swap3A_3775 = vector.shape_cast %swap3A_3774 : vector<1x1x48xf32> to vector<48xf32>
    %swap3A_3776 = vector.shape_cast %squeeze3A_3770 : vector<48xf32> to vector<1x1x48xf32>
    tpu.vector_store %arg3[%swap3A_3771, %swap3A_3772, %swap3A_3773], %swap3A_3776 {strides = array<i32>} : memref<1x8x16416xf32, #tpu.memory_space<vmem>>, vector<1x1x48xf32>,
    %slice3A_3777 = vector.extract_strided_slice %get3A_3 {offsets = [465, 465], sizes = [1, 47], strides = [1, 1]} : vector<512x512xf32> to vector<1x47xf32>
    %squeeze3A_3778 = vector.shape_cast %slice3A_3777 : vector<1x47xf32> to vector<47xf32>
    %swap3A_3779 = arith.constant 0 : index
    %swap3A_3780 = arith.constant 7 : index
    %swap3A_3781 = arith.constant 15288 : index
    %swap3A_3782 = vector.load %arg3[%swap3A_3779, %swap3A_3780, %swap3A_3781] : memref<1x8x16416xf32, #tpu.memory_space<vmem>>, vector<1x1x47xf32>
    %swap3A_3783 = vector.shape_cast %swap3A_3782 : vector<1x1x47xf32> to vector<47xf32>
    %swap3A_3784 = vector.shape_cast %squeeze3A_3778 : vector<47xf32> to vector<1x1x47xf32>
    tpu.vector_store %arg3[%swap3A_3779, %swap3A_3780, %swap3A_3781], %swap3A_3784 {strides = array<i32>} : memref<1x8x16416xf32, #tpu.memory_space<vmem>>, vector<1x1x47xf32>,
    %slice3A_3785 = vector.extract_strided_slice %get3A_3 {offsets = [466, 466], sizes = [1, 46], strides = [1, 1]} : vector<512x512xf32> to vector<1x46xf32>
    %squeeze3A_3786 = vector.shape_cast %slice3A_3785 : vector<1x46xf32> to vector<46xf32>
    %swap3A_3787 = arith.constant 0 : index
    %swap3A_3788 = arith.constant 7 : index
    %swap3A_3789 = arith.constant 15335 : index
    %swap3A_3790 = vector.load %arg3[%swap3A_3787, %swap3A_3788, %swap3A_3789] : memref<1x8x16416xf32, #tpu.memory_space<vmem>>, vector<1x1x46xf32>
    %swap3A_3791 = vector.shape_cast %swap3A_3790 : vector<1x1x46xf32> to vector<46xf32>
    %swap3A_3792 = vector.shape_cast %squeeze3A_3786 : vector<46xf32> to vector<1x1x46xf32>
    tpu.vector_store %arg3[%swap3A_3787, %swap3A_3788, %swap3A_3789], %swap3A_3792 {strides = array<i32>} : memref<1x8x16416xf32, #tpu.memory_space<vmem>>, vector<1x1x46xf32>,
    %slice3A_3793 = vector.extract_strided_slice %get3A_3 {offsets = [467, 467], sizes = [1, 45], strides = [1, 1]} : vector<512x512xf32> to vector<1x45xf32>
    %squeeze3A_3794 = vector.shape_cast %slice3A_3793 : vector<1x45xf32> to vector<45xf32>
    %swap3A_3795 = arith.constant 0 : index
    %swap3A_3796 = arith.constant 7 : index
    %swap3A_3797 = arith.constant 15381 : index
    %swap3A_3798 = vector.load %arg3[%swap3A_3795, %swap3A_3796, %swap3A_3797] : memref<1x8x16416xf32, #tpu.memory_space<vmem>>, vector<1x1x45xf32>
    %swap3A_3799 = vector.shape_cast %swap3A_3798 : vector<1x1x45xf32> to vector<45xf32>
    %swap3A_3800 = vector.shape_cast %squeeze3A_3794 : vector<45xf32> to vector<1x1x45xf32>
    tpu.vector_store %arg3[%swap3A_3795, %swap3A_3796, %swap3A_3797], %swap3A_3800 {strides = array<i32>} : memref<1x8x16416xf32, #tpu.memory_space<vmem>>, vector<1x1x45xf32>,
    %slice3A_3801 = vector.extract_strided_slice %get3A_3 {offsets = [468, 468], sizes = [1, 44], strides = [1, 1]} : vector<512x512xf32> to vector<1x44xf32>
    %squeeze3A_3802 = vector.shape_cast %slice3A_3801 : vector<1x44xf32> to vector<44xf32>
    %swap3A_3803 = arith.constant 0 : index
    %swap3A_3804 = arith.constant 7 : index
    %swap3A_3805 = arith.constant 15426 : index
    %swap3A_3806 = vector.load %arg3[%swap3A_3803, %swap3A_3804, %swap3A_3805] : memref<1x8x16416xf32, #tpu.memory_space<vmem>>, vector<1x1x44xf32>
    %swap3A_3807 = vector.shape_cast %swap3A_3806 : vector<1x1x44xf32> to vector<44xf32>
    %swap3A_3808 = vector.shape_cast %squeeze3A_3802 : vector<44xf32> to vector<1x1x44xf32>
    tpu.vector_store %arg3[%swap3A_3803, %swap3A_3804, %swap3A_3805], %swap3A_3808 {strides = array<i32>} : memref<1x8x16416xf32, #tpu.memory_space<vmem>>, vector<1x1x44xf32>,
    %slice3A_3809 = vector.extract_strided_slice %get3A_3 {offsets = [469, 469], sizes = [1, 43], strides = [1, 1]} : vector<512x512xf32> to vector<1x43xf32>
    %squeeze3A_3810 = vector.shape_cast %slice3A_3809 : vector<1x43xf32> to vector<43xf32>
    %swap3A_3811 = arith.constant 0 : index
    %swap3A_3812 = arith.constant 7 : index
    %swap3A_3813 = arith.constant 15470 : index
    %swap3A_3814 = vector.load %arg3[%swap3A_3811, %swap3A_3812, %swap3A_3813] : memref<1x8x16416xf32, #tpu.memory_space<vmem>>, vector<1x1x43xf32>
    %swap3A_3815 = vector.shape_cast %swap3A_3814 : vector<1x1x43xf32> to vector<43xf32>
    %swap3A_3816 = vector.shape_cast %squeeze3A_3810 : vector<43xf32> to vector<1x1x43xf32>
    tpu.vector_store %arg3[%swap3A_3811, %swap3A_3812, %swap3A_3813], %swap3A_3816 {strides = array<i32>} : memref<1x8x16416xf32, #tpu.memory_space<vmem>>, vector<1x1x43xf32>,
    %slice3A_3817 = vector.extract_strided_slice %get3A_3 {offsets = [470, 470], sizes = [1, 42], strides = [1, 1]} : vector<512x512xf32> to vector<1x42xf32>
    %squeeze3A_3818 = vector.shape_cast %slice3A_3817 : vector<1x42xf32> to vector<42xf32>
    %swap3A_3819 = arith.constant 0 : index
    %swap3A_3820 = arith.constant 7 : index
    %swap3A_3821 = arith.constant 15513 : index
    %swap3A_3822 = vector.load %arg3[%swap3A_3819, %swap3A_3820, %swap3A_3821] : memref<1x8x16416xf32, #tpu.memory_space<vmem>>, vector<1x1x42xf32>
    %swap3A_3823 = vector.shape_cast %swap3A_3822 : vector<1x1x42xf32> to vector<42xf32>
    %swap3A_3824 = vector.shape_cast %squeeze3A_3818 : vector<42xf32> to vector<1x1x42xf32>
    tpu.vector_store %arg3[%swap3A_3819, %swap3A_3820, %swap3A_3821], %swap3A_3824 {strides = array<i32>} : memref<1x8x16416xf32, #tpu.memory_space<vmem>>, vector<1x1x42xf32>,
    %slice3A_3825 = vector.extract_strided_slice %get3A_3 {offsets = [471, 471], sizes = [1, 41], strides = [1, 1]} : vector<512x512xf32> to vector<1x41xf32>
    %squeeze3A_3826 = vector.shape_cast %slice3A_3825 : vector<1x41xf32> to vector<41xf32>
    %swap3A_3827 = arith.constant 0 : index
    %swap3A_3828 = arith.constant 7 : index
    %swap3A_3829 = arith.constant 15555 : index
    %swap3A_3830 = vector.load %arg3[%swap3A_3827, %swap3A_3828, %swap3A_3829] : memref<1x8x16416xf32, #tpu.memory_space<vmem>>, vector<1x1x41xf32>
    %swap3A_3831 = vector.shape_cast %swap3A_3830 : vector<1x1x41xf32> to vector<41xf32>
    %swap3A_3832 = vector.shape_cast %squeeze3A_3826 : vector<41xf32> to vector<1x1x41xf32>
    tpu.vector_store %arg3[%swap3A_3827, %swap3A_3828, %swap3A_3829], %swap3A_3832 {strides = array<i32>} : memref<1x8x16416xf32, #tpu.memory_space<vmem>>, vector<1x1x41xf32>,
    %slice3A_3833 = vector.extract_strided_slice %get3A_3 {offsets = [472, 472], sizes = [1, 40], strides = [1, 1]} : vector<512x512xf32> to vector<1x40xf32>
    %squeeze3A_3834 = vector.shape_cast %slice3A_3833 : vector<1x40xf32> to vector<40xf32>
    %swap3A_3835 = arith.constant 0 : index
    %swap3A_3836 = arith.constant 7 : index
    %swap3A_3837 = arith.constant 15596 : index
    %swap3A_3838 = vector.load %arg3[%swap3A_3835, %swap3A_3836, %swap3A_3837] : memref<1x8x16416xf32, #tpu.memory_space<vmem>>, vector<1x1x40xf32>
    %swap3A_3839 = vector.shape_cast %swap3A_3838 : vector<1x1x40xf32> to vector<40xf32>
    %swap3A_3840 = vector.shape_cast %squeeze3A_3834 : vector<40xf32> to vector<1x1x40xf32>
    tpu.vector_store %arg3[%swap3A_3835, %swap3A_3836, %swap3A_3837], %swap3A_3840 {strides = array<i32>} : memref<1x8x16416xf32, #tpu.memory_space<vmem>>, vector<1x1x40xf32>,
    %slice3A_3841 = vector.extract_strided_slice %get3A_3 {offsets = [473, 473], sizes = [1, 39], strides = [1, 1]} : vector<512x512xf32> to vector<1x39xf32>
    %squeeze3A_3842 = vector.shape_cast %slice3A_3841 : vector<1x39xf32> to vector<39xf32>
    %swap3A_3843 = arith.constant 0 : index
    %swap3A_3844 = arith.constant 7 : index
    %swap3A_3845 = arith.constant 15636 : index
    %swap3A_3846 = vector.load %arg3[%swap3A_3843, %swap3A_3844, %swap3A_3845] : memref<1x8x16416xf32, #tpu.memory_space<vmem>>, vector<1x1x39xf32>
    %swap3A_3847 = vector.shape_cast %swap3A_3846 : vector<1x1x39xf32> to vector<39xf32>
    %swap3A_3848 = vector.shape_cast %squeeze3A_3842 : vector<39xf32> to vector<1x1x39xf32>
    tpu.vector_store %arg3[%swap3A_3843, %swap3A_3844, %swap3A_3845], %swap3A_3848 {strides = array<i32>} : memref<1x8x16416xf32, #tpu.memory_space<vmem>>, vector<1x1x39xf32>,
    %slice3A_3849 = vector.extract_strided_slice %get3A_3 {offsets = [474, 474], sizes = [1, 38], strides = [1, 1]} : vector<512x512xf32> to vector<1x38xf32>
    %squeeze3A_3850 = vector.shape_cast %slice3A_3849 : vector<1x38xf32> to vector<38xf32>
    %swap3A_3851 = arith.constant 0 : index
    %swap3A_3852 = arith.constant 7 : index
    %swap3A_3853 = arith.constant 15675 : index
    %swap3A_3854 = vector.load %arg3[%swap3A_3851, %swap3A_3852, %swap3A_3853] : memref<1x8x16416xf32, #tpu.memory_space<vmem>>, vector<1x1x38xf32>
    %swap3A_3855 = vector.shape_cast %swap3A_3854 : vector<1x1x38xf32> to vector<38xf32>
    %swap3A_3856 = vector.shape_cast %squeeze3A_3850 : vector<38xf32> to vector<1x1x38xf32>
    tpu.vector_store %arg3[%swap3A_3851, %swap3A_3852, %swap3A_3853], %swap3A_3856 {strides = array<i32>} : memref<1x8x16416xf32, #tpu.memory_space<vmem>>, vector<1x1x38xf32>,
    %slice3A_3857 = vector.extract_strided_slice %get3A_3 {offsets = [475, 475], sizes = [1, 37], strides = [1, 1]} : vector<512x512xf32> to vector<1x37xf32>
    %squeeze3A_3858 = vector.shape_cast %slice3A_3857 : vector<1x37xf32> to vector<37xf32>
    %swap3A_3859 = arith.constant 0 : index
    %swap3A_3860 = arith.constant 7 : index
    %swap3A_3861 = arith.constant 15713 : index
    %swap3A_3862 = vector.load %arg3[%swap3A_3859, %swap3A_3860, %swap3A_3861] : memref<1x8x16416xf32, #tpu.memory_space<vmem>>, vector<1x1x37xf32>
    %swap3A_3863 = vector.shape_cast %swap3A_3862 : vector<1x1x37xf32> to vector<37xf32>
    %swap3A_3864 = vector.shape_cast %squeeze3A_3858 : vector<37xf32> to vector<1x1x37xf32>
    tpu.vector_store %arg3[%swap3A_3859, %swap3A_3860, %swap3A_3861], %swap3A_3864 {strides = array<i32>} : memref<1x8x16416xf32, #tpu.memory_space<vmem>>, vector<1x1x37xf32>,
    %slice3A_3865 = vector.extract_strided_slice %get3A_3 {offsets = [476, 476], sizes = [1, 36], strides = [1, 1]} : vector<512x512xf32> to vector<1x36xf32>
    %squeeze3A_3866 = vector.shape_cast %slice3A_3865 : vector<1x36xf32> to vector<36xf32>
    %swap3A_3867 = arith.constant 0 : index
    %swap3A_3868 = arith.constant 7 : index
    %swap3A_3869 = arith.constant 15750 : index
    %swap3A_3870 = vector.load %arg3[%swap3A_3867, %swap3A_3868, %swap3A_3869] : memref<1x8x16416xf32, #tpu.memory_space<vmem>>, vector<1x1x36xf32>
    %swap3A_3871 = vector.shape_cast %swap3A_3870 : vector<1x1x36xf32> to vector<36xf32>
    %swap3A_3872 = vector.shape_cast %squeeze3A_3866 : vector<36xf32> to vector<1x1x36xf32>
    tpu.vector_store %arg3[%swap3A_3867, %swap3A_3868, %swap3A_3869], %swap3A_3872 {strides = array<i32>} : memref<1x8x16416xf32, #tpu.memory_space<vmem>>, vector<1x1x36xf32>,
    %slice3A_3873 = vector.extract_strided_slice %get3A_3 {offsets = [477, 477], sizes = [1, 35], strides = [1, 1]} : vector<512x512xf32> to vector<1x35xf32>
    %squeeze3A_3874 = vector.shape_cast %slice3A_3873 : vector<1x35xf32> to vector<35xf32>
    %swap3A_3875 = arith.constant 0 : index
    %swap3A_3876 = arith.constant 7 : index
    %swap3A_3877 = arith.constant 15786 : index
    %swap3A_3878 = vector.load %arg3[%swap3A_3875, %swap3A_3876, %swap3A_3877] : memref<1x8x16416xf32, #tpu.memory_space<vmem>>, vector<1x1x35xf32>
    %swap3A_3879 = vector.shape_cast %swap3A_3878 : vector<1x1x35xf32> to vector<35xf32>
    %swap3A_3880 = vector.shape_cast %squeeze3A_3874 : vector<35xf32> to vector<1x1x35xf32>
    tpu.vector_store %arg3[%swap3A_3875, %swap3A_3876, %swap3A_3877], %swap3A_3880 {strides = array<i32>} : memref<1x8x16416xf32, #tpu.memory_space<vmem>>, vector<1x1x35xf32>,
    %slice3A_3881 = vector.extract_strided_slice %get3A_3 {offsets = [478, 478], sizes = [1, 34], strides = [1, 1]} : vector<512x512xf32> to vector<1x34xf32>
    %squeeze3A_3882 = vector.shape_cast %slice3A_3881 : vector<1x34xf32> to vector<34xf32>
    %swap3A_3883 = arith.constant 0 : index
    %swap3A_3884 = arith.constant 7 : index
    %swap3A_3885 = arith.constant 15821 : index
    %swap3A_3886 = vector.load %arg3[%swap3A_3883, %swap3A_3884, %swap3A_3885] : memref<1x8x16416xf32, #tpu.memory_space<vmem>>, vector<1x1x34xf32>
    %swap3A_3887 = vector.shape_cast %swap3A_3886 : vector<1x1x34xf32> to vector<34xf32>
    %swap3A_3888 = vector.shape_cast %squeeze3A_3882 : vector<34xf32> to vector<1x1x34xf32>
    tpu.vector_store %arg3[%swap3A_3883, %swap3A_3884, %swap3A_3885], %swap3A_3888 {strides = array<i32>} : memref<1x8x16416xf32, #tpu.memory_space<vmem>>, vector<1x1x34xf32>,
    %slice3A_3889 = vector.extract_strided_slice %get3A_3 {offsets = [479, 479], sizes = [1, 33], strides = [1, 1]} : vector<512x512xf32> to vector<1x33xf32>
    %squeeze3A_3890 = vector.shape_cast %slice3A_3889 : vector<1x33xf32> to vector<33xf32>
    %swap3A_3891 = arith.constant 0 : index
    %swap3A_3892 = arith.constant 7 : index
    %swap3A_3893 = arith.constant 15855 : index
    %swap3A_3894 = vector.load %arg3[%swap3A_3891, %swap3A_3892, %swap3A_3893] : memref<1x8x16416xf32, #tpu.memory_space<vmem>>, vector<1x1x33xf32>
    %swap3A_3895 = vector.shape_cast %swap3A_3894 : vector<1x1x33xf32> to vector<33xf32>
    %swap3A_3896 = vector.shape_cast %squeeze3A_3890 : vector<33xf32> to vector<1x1x33xf32>
    tpu.vector_store %arg3[%swap3A_3891, %swap3A_3892, %swap3A_3893], %swap3A_3896 {strides = array<i32>} : memref<1x8x16416xf32, #tpu.memory_space<vmem>>, vector<1x1x33xf32>,
    %slice3A_3897 = vector.extract_strided_slice %get3A_3 {offsets = [480, 480], sizes = [1, 32], strides = [1, 1]} : vector<512x512xf32> to vector<1x32xf32>
    %squeeze3A_3898 = vector.shape_cast %slice3A_3897 : vector<1x32xf32> to vector<32xf32>
    %swap3A_3899 = arith.constant 0 : index
    %swap3A_3900 = arith.constant 7 : index
    %swap3A_3901 = arith.constant 15888 : index
    %swap3A_3902 = vector.load %arg3[%swap3A_3899, %swap3A_3900, %swap3A_3901] : memref<1x8x16416xf32, #tpu.memory_space<vmem>>, vector<1x1x32xf32>
    %swap3A_3903 = vector.shape_cast %swap3A_3902 : vector<1x1x32xf32> to vector<32xf32>
    %swap3A_3904 = vector.shape_cast %squeeze3A_3898 : vector<32xf32> to vector<1x1x32xf32>
    tpu.vector_store %arg3[%swap3A_3899, %swap3A_3900, %swap3A_3901], %swap3A_3904 {strides = array<i32>} : memref<1x8x16416xf32, #tpu.memory_space<vmem>>, vector<1x1x32xf32>,
    %slice3A_3905 = vector.extract_strided_slice %get3A_3 {offsets = [481, 481], sizes = [1, 31], strides = [1, 1]} : vector<512x512xf32> to vector<1x31xf32>
    %squeeze3A_3906 = vector.shape_cast %slice3A_3905 : vector<1x31xf32> to vector<31xf32>
    %swap3A_3907 = arith.constant 0 : index
    %swap3A_3908 = arith.constant 7 : index
    %swap3A_3909 = arith.constant 15920 : index
    %swap3A_3910 = vector.load %arg3[%swap3A_3907, %swap3A_3908, %swap3A_3909] : memref<1x8x16416xf32, #tpu.memory_space<vmem>>, vector<1x1x31xf32>
    %swap3A_3911 = vector.shape_cast %swap3A_3910 : vector<1x1x31xf32> to vector<31xf32>
    %swap3A_3912 = vector.shape_cast %squeeze3A_3906 : vector<31xf32> to vector<1x1x31xf32>
    tpu.vector_store %arg3[%swap3A_3907, %swap3A_3908, %swap3A_3909], %swap3A_3912 {strides = array<i32>} : memref<1x8x16416xf32, #tpu.memory_space<vmem>>, vector<1x1x31xf32>,
    %slice3A_3913 = vector.extract_strided_slice %get3A_3 {offsets = [482, 482], sizes = [1, 30], strides = [1, 1]} : vector<512x512xf32> to vector<1x30xf32>
    %squeeze3A_3914 = vector.shape_cast %slice3A_3913 : vector<1x30xf32> to vector<30xf32>
    %swap3A_3915 = arith.constant 0 : index
    %swap3A_3916 = arith.constant 7 : index
    %swap3A_3917 = arith.constant 15951 : index
    %swap3A_3918 = vector.load %arg3[%swap3A_3915, %swap3A_3916, %swap3A_3917] : memref<1x8x16416xf32, #tpu.memory_space<vmem>>, vector<1x1x30xf32>
    %swap3A_3919 = vector.shape_cast %swap3A_3918 : vector<1x1x30xf32> to vector<30xf32>
    %swap3A_3920 = vector.shape_cast %squeeze3A_3914 : vector<30xf32> to vector<1x1x30xf32>
    tpu.vector_store %arg3[%swap3A_3915, %swap3A_3916, %swap3A_3917], %swap3A_3920 {strides = array<i32>} : memref<1x8x16416xf32, #tpu.memory_space<vmem>>, vector<1x1x30xf32>,
    %slice3A_3921 = vector.extract_strided_slice %get3A_3 {offsets = [483, 483], sizes = [1, 29], strides = [1, 1]} : vector<512x512xf32> to vector<1x29xf32>
    %squeeze3A_3922 = vector.shape_cast %slice3A_3921 : vector<1x29xf32> to vector<29xf32>
    %swap3A_3923 = arith.constant 0 : index
    %swap3A_3924 = arith.constant 7 : index
    %swap3A_3925 = arith.constant 15981 : index
    %swap3A_3926 = vector.load %arg3[%swap3A_3923, %swap3A_3924, %swap3A_3925] : memref<1x8x16416xf32, #tpu.memory_space<vmem>>, vector<1x1x29xf32>
    %swap3A_3927 = vector.shape_cast %swap3A_3926 : vector<1x1x29xf32> to vector<29xf32>
    %swap3A_3928 = vector.shape_cast %squeeze3A_3922 : vector<29xf32> to vector<1x1x29xf32>
    tpu.vector_store %arg3[%swap3A_3923, %swap3A_3924, %swap3A_3925], %swap3A_3928 {strides = array<i32>} : memref<1x8x16416xf32, #tpu.memory_space<vmem>>, vector<1x1x29xf32>,
    %slice3A_3929 = vector.extract_strided_slice %get3A_3 {offsets = [484, 484], sizes = [1, 28], strides = [1, 1]} : vector<512x512xf32> to vector<1x28xf32>
    %squeeze3A_3930 = vector.shape_cast %slice3A_3929 : vector<1x28xf32> to vector<28xf32>
    %swap3A_3931 = arith.constant 0 : index
    %swap3A_3932 = arith.constant 7 : index
    %swap3A_3933 = arith.constant 16010 : index
    %swap3A_3934 = vector.load %arg3[%swap3A_3931, %swap3A_3932, %swap3A_3933] : memref<1x8x16416xf32, #tpu.memory_space<vmem>>, vector<1x1x28xf32>
    %swap3A_3935 = vector.shape_cast %swap3A_3934 : vector<1x1x28xf32> to vector<28xf32>
    %swap3A_3936 = vector.shape_cast %squeeze3A_3930 : vector<28xf32> to vector<1x1x28xf32>
    tpu.vector_store %arg3[%swap3A_3931, %swap3A_3932, %swap3A_3933], %swap3A_3936 {strides = array<i32>} : memref<1x8x16416xf32, #tpu.memory_space<vmem>>, vector<1x1x28xf32>,
    %slice3A_3937 = vector.extract_strided_slice %get3A_3 {offsets = [485, 485], sizes = [1, 27], strides = [1, 1]} : vector<512x512xf32> to vector<1x27xf32>
    %squeeze3A_3938 = vector.shape_cast %slice3A_3937 : vector<1x27xf32> to vector<27xf32>
    %swap3A_3939 = arith.constant 0 : index
    %swap3A_3940 = arith.constant 7 : index
    %swap3A_3941 = arith.constant 16038 : index
    %swap3A_3942 = vector.load %arg3[%swap3A_3939, %swap3A_3940, %swap3A_3941] : memref<1x8x16416xf32, #tpu.memory_space<vmem>>, vector<1x1x27xf32>
    %swap3A_3943 = vector.shape_cast %swap3A_3942 : vector<1x1x27xf32> to vector<27xf32>
    %swap3A_3944 = vector.shape_cast %squeeze3A_3938 : vector<27xf32> to vector<1x1x27xf32>
    tpu.vector_store %arg3[%swap3A_3939, %swap3A_3940, %swap3A_3941], %swap3A_3944 {strides = array<i32>} : memref<1x8x16416xf32, #tpu.memory_space<vmem>>, vector<1x1x27xf32>,
    %slice3A_3945 = vector.extract_strided_slice %get3A_3 {offsets = [486, 486], sizes = [1, 26], strides = [1, 1]} : vector<512x512xf32> to vector<1x26xf32>
    %squeeze3A_3946 = vector.shape_cast %slice3A_3945 : vector<1x26xf32> to vector<26xf32>
    %swap3A_3947 = arith.constant 0 : index
    %swap3A_3948 = arith.constant 7 : index
    %swap3A_3949 = arith.constant 16065 : index
    %swap3A_3950 = vector.load %arg3[%swap3A_3947, %swap3A_3948, %swap3A_3949] : memref<1x8x16416xf32, #tpu.memory_space<vmem>>, vector<1x1x26xf32>
    %swap3A_3951 = vector.shape_cast %swap3A_3950 : vector<1x1x26xf32> to vector<26xf32>
    %swap3A_3952 = vector.shape_cast %squeeze3A_3946 : vector<26xf32> to vector<1x1x26xf32>
    tpu.vector_store %arg3[%swap3A_3947, %swap3A_3948, %swap3A_3949], %swap3A_3952 {strides = array<i32>} : memref<1x8x16416xf32, #tpu.memory_space<vmem>>, vector<1x1x26xf32>,
    %slice3A_3953 = vector.extract_strided_slice %get3A_3 {offsets = [487, 487], sizes = [1, 25], strides = [1, 1]} : vector<512x512xf32> to vector<1x25xf32>
    %squeeze3A_3954 = vector.shape_cast %slice3A_3953 : vector<1x25xf32> to vector<25xf32>
    %swap3A_3955 = arith.constant 0 : index
    %swap3A_3956 = arith.constant 7 : index
    %swap3A_3957 = arith.constant 16091 : index
    %swap3A_3958 = vector.load %arg3[%swap3A_3955, %swap3A_3956, %swap3A_3957] : memref<1x8x16416xf32, #tpu.memory_space<vmem>>, vector<1x1x25xf32>
    %swap3A_3959 = vector.shape_cast %swap3A_3958 : vector<1x1x25xf32> to vector<25xf32>
    %swap3A_3960 = vector.shape_cast %squeeze3A_3954 : vector<25xf32> to vector<1x1x25xf32>
    tpu.vector_store %arg3[%swap3A_3955, %swap3A_3956, %swap3A_3957], %swap3A_3960 {strides = array<i32>} : memref<1x8x16416xf32, #tpu.memory_space<vmem>>, vector<1x1x25xf32>,
    %slice3A_3961 = vector.extract_strided_slice %get3A_3 {offsets = [488, 488], sizes = [1, 24], strides = [1, 1]} : vector<512x512xf32> to vector<1x24xf32>
    %squeeze3A_3962 = vector.shape_cast %slice3A_3961 : vector<1x24xf32> to vector<24xf32>
    %swap3A_3963 = arith.constant 0 : index
    %swap3A_3964 = arith.constant 7 : index
    %swap3A_3965 = arith.constant 16116 : index
    %swap3A_3966 = vector.load %arg3[%swap3A_3963, %swap3A_3964, %swap3A_3965] : memref<1x8x16416xf32, #tpu.memory_space<vmem>>, vector<1x1x24xf32>
    %swap3A_3967 = vector.shape_cast %swap3A_3966 : vector<1x1x24xf32> to vector<24xf32>
    %swap3A_3968 = vector.shape_cast %squeeze3A_3962 : vector<24xf32> to vector<1x1x24xf32>
    tpu.vector_store %arg3[%swap3A_3963, %swap3A_3964, %swap3A_3965], %swap3A_3968 {strides = array<i32>} : memref<1x8x16416xf32, #tpu.memory_space<vmem>>, vector<1x1x24xf32>,
    %slice3A_3969 = vector.extract_strided_slice %get3A_3 {offsets = [489, 489], sizes = [1, 23], strides = [1, 1]} : vector<512x512xf32> to vector<1x23xf32>
    %squeeze3A_3970 = vector.shape_cast %slice3A_3969 : vector<1x23xf32> to vector<23xf32>
    %swap3A_3971 = arith.constant 0 : index
    %swap3A_3972 = arith.constant 7 : index
    %swap3A_3973 = arith.constant 16140 : index
    %swap3A_3974 = vector.load %arg3[%swap3A_3971, %swap3A_3972, %swap3A_3973] : memref<1x8x16416xf32, #tpu.memory_space<vmem>>, vector<1x1x23xf32>
    %swap3A_3975 = vector.shape_cast %swap3A_3974 : vector<1x1x23xf32> to vector<23xf32>
    %swap3A_3976 = vector.shape_cast %squeeze3A_3970 : vector<23xf32> to vector<1x1x23xf32>
    tpu.vector_store %arg3[%swap3A_3971, %swap3A_3972, %swap3A_3973], %swap3A_3976 {strides = array<i32>} : memref<1x8x16416xf32, #tpu.memory_space<vmem>>, vector<1x1x23xf32>,
    %slice3A_3977 = vector.extract_strided_slice %get3A_3 {offsets = [490, 490], sizes = [1, 22], strides = [1, 1]} : vector<512x512xf32> to vector<1x22xf32>
    %squeeze3A_3978 = vector.shape_cast %slice3A_3977 : vector<1x22xf32> to vector<22xf32>
    %swap3A_3979 = arith.constant 0 : index
    %swap3A_3980 = arith.constant 7 : index
    %swap3A_3981 = arith.constant 16163 : index
    %swap3A_3982 = vector.load %arg3[%swap3A_3979, %swap3A_3980, %swap3A_3981] : memref<1x8x16416xf32, #tpu.memory_space<vmem>>, vector<1x1x22xf32>
    %swap3A_3983 = vector.shape_cast %swap3A_3982 : vector<1x1x22xf32> to vector<22xf32>
    %swap3A_3984 = vector.shape_cast %squeeze3A_3978 : vector<22xf32> to vector<1x1x22xf32>
    tpu.vector_store %arg3[%swap3A_3979, %swap3A_3980, %swap3A_3981], %swap3A_3984 {strides = array<i32>} : memref<1x8x16416xf32, #tpu.memory_space<vmem>>, vector<1x1x22xf32>,
    %slice3A_3985 = vector.extract_strided_slice %get3A_3 {offsets = [491, 491], sizes = [1, 21], strides = [1, 1]} : vector<512x512xf32> to vector<1x21xf32>
    %squeeze3A_3986 = vector.shape_cast %slice3A_3985 : vector<1x21xf32> to vector<21xf32>
    %swap3A_3987 = arith.constant 0 : index
    %swap3A_3988 = arith.constant 7 : index
    %swap3A_3989 = arith.constant 16185 : index
    %swap3A_3990 = vector.load %arg3[%swap3A_3987, %swap3A_3988, %swap3A_3989] : memref<1x8x16416xf32, #tpu.memory_space<vmem>>, vector<1x1x21xf32>
    %swap3A_3991 = vector.shape_cast %swap3A_3990 : vector<1x1x21xf32> to vector<21xf32>
    %swap3A_3992 = vector.shape_cast %squeeze3A_3986 : vector<21xf32> to vector<1x1x21xf32>
    tpu.vector_store %arg3[%swap3A_3987, %swap3A_3988, %swap3A_3989], %swap3A_3992 {strides = array<i32>} : memref<1x8x16416xf32, #tpu.memory_space<vmem>>, vector<1x1x21xf32>,
    %slice3A_3993 = vector.extract_strided_slice %get3A_3 {offsets = [492, 492], sizes = [1, 20], strides = [1, 1]} : vector<512x512xf32> to vector<1x20xf32>
    %squeeze3A_3994 = vector.shape_cast %slice3A_3993 : vector<1x20xf32> to vector<20xf32>
    %swap3A_3995 = arith.constant 0 : index
    %swap3A_3996 = arith.constant 7 : index
    %swap3A_3997 = arith.constant 16206 : index
    %swap3A_3998 = vector.load %arg3[%swap3A_3995, %swap3A_3996, %swap3A_3997] : memref<1x8x16416xf32, #tpu.memory_space<vmem>>, vector<1x1x20xf32>
    %swap3A_3999 = vector.shape_cast %swap3A_3998 : vector<1x1x20xf32> to vector<20xf32>
    %swap3A_4000 = vector.shape_cast %squeeze3A_3994 : vector<20xf32> to vector<1x1x20xf32>
    tpu.vector_store %arg3[%swap3A_3995, %swap3A_3996, %swap3A_3997], %swap3A_4000 {strides = array<i32>} : memref<1x8x16416xf32, #tpu.memory_space<vmem>>, vector<1x1x20xf32>,
    %slice3A_4001 = vector.extract_strided_slice %get3A_3 {offsets = [493, 493], sizes = [1, 19], strides = [1, 1]} : vector<512x512xf32> to vector<1x19xf32>
    %squeeze3A_4002 = vector.shape_cast %slice3A_4001 : vector<1x19xf32> to vector<19xf32>
    %swap3A_4003 = arith.constant 0 : index
    %swap3A_4004 = arith.constant 7 : index
    %swap3A_4005 = arith.constant 16226 : index
    %swap3A_4006 = vector.load %arg3[%swap3A_4003, %swap3A_4004, %swap3A_4005] : memref<1x8x16416xf32, #tpu.memory_space<vmem>>, vector<1x1x19xf32>
    %swap3A_4007 = vector.shape_cast %swap3A_4006 : vector<1x1x19xf32> to vector<19xf32>
    %swap3A_4008 = vector.shape_cast %squeeze3A_4002 : vector<19xf32> to vector<1x1x19xf32>
    tpu.vector_store %arg3[%swap3A_4003, %swap3A_4004, %swap3A_4005], %swap3A_4008 {strides = array<i32>} : memref<1x8x16416xf32, #tpu.memory_space<vmem>>, vector<1x1x19xf32>,
    %slice3A_4009 = vector.extract_strided_slice %get3A_3 {offsets = [494, 494], sizes = [1, 18], strides = [1, 1]} : vector<512x512xf32> to vector<1x18xf32>
    %squeeze3A_4010 = vector.shape_cast %slice3A_4009 : vector<1x18xf32> to vector<18xf32>
    %swap3A_4011 = arith.constant 0 : index
    %swap3A_4012 = arith.constant 7 : index
    %swap3A_4013 = arith.constant 16245 : index
    %swap3A_4014 = vector.load %arg3[%swap3A_4011, %swap3A_4012, %swap3A_4013] : memref<1x8x16416xf32, #tpu.memory_space<vmem>>, vector<1x1x18xf32>
    %swap3A_4015 = vector.shape_cast %swap3A_4014 : vector<1x1x18xf32> to vector<18xf32>
    %swap3A_4016 = vector.shape_cast %squeeze3A_4010 : vector<18xf32> to vector<1x1x18xf32>
    tpu.vector_store %arg3[%swap3A_4011, %swap3A_4012, %swap3A_4013], %swap3A_4016 {strides = array<i32>} : memref<1x8x16416xf32, #tpu.memory_space<vmem>>, vector<1x1x18xf32>,
    %slice3A_4017 = vector.extract_strided_slice %get3A_3 {offsets = [495, 495], sizes = [1, 17], strides = [1, 1]} : vector<512x512xf32> to vector<1x17xf32>
    %squeeze3A_4018 = vector.shape_cast %slice3A_4017 : vector<1x17xf32> to vector<17xf32>
    %swap3A_4019 = arith.constant 0 : index
    %swap3A_4020 = arith.constant 7 : index
    %swap3A_4021 = arith.constant 16263 : index
    %swap3A_4022 = vector.load %arg3[%swap3A_4019, %swap3A_4020, %swap3A_4021] : memref<1x8x16416xf32, #tpu.memory_space<vmem>>, vector<1x1x17xf32>
    %swap3A_4023 = vector.shape_cast %swap3A_4022 : vector<1x1x17xf32> to vector<17xf32>
    %swap3A_4024 = vector.shape_cast %squeeze3A_4018 : vector<17xf32> to vector<1x1x17xf32>
    tpu.vector_store %arg3[%swap3A_4019, %swap3A_4020, %swap3A_4021], %swap3A_4024 {strides = array<i32>} : memref<1x8x16416xf32, #tpu.memory_space<vmem>>, vector<1x1x17xf32>,
    %slice3A_4025 = vector.extract_strided_slice %get3A_3 {offsets = [496, 496], sizes = [1, 16], strides = [1, 1]} : vector<512x512xf32> to vector<1x16xf32>
    %squeeze3A_4026 = vector.shape_cast %slice3A_4025 : vector<1x16xf32> to vector<16xf32>
    %swap3A_4027 = arith.constant 0 : index
    %swap3A_4028 = arith.constant 7 : index
    %swap3A_4029 = arith.constant 16280 : index
    %swap3A_4030 = vector.load %arg3[%swap3A_4027, %swap3A_4028, %swap3A_4029] : memref<1x8x16416xf32, #tpu.memory_space<vmem>>, vector<1x1x16xf32>
    %swap3A_4031 = vector.shape_cast %swap3A_4030 : vector<1x1x16xf32> to vector<16xf32>
    %swap3A_4032 = vector.shape_cast %squeeze3A_4026 : vector<16xf32> to vector<1x1x16xf32>
    tpu.vector_store %arg3[%swap3A_4027, %swap3A_4028, %swap3A_4029], %swap3A_4032 {strides = array<i32>} : memref<1x8x16416xf32, #tpu.memory_space<vmem>>, vector<1x1x16xf32>,
    %slice3A_4033 = vector.extract_strided_slice %get3A_3 {offsets = [497, 497], sizes = [1, 15], strides = [1, 1]} : vector<512x512xf32> to vector<1x15xf32>
    %squeeze3A_4034 = vector.shape_cast %slice3A_4033 : vector<1x15xf32> to vector<15xf32>
    %swap3A_4035 = arith.constant 0 : index
    %swap3A_4036 = arith.constant 7 : index
    %swap3A_4037 = arith.constant 16296 : index
    %swap3A_4038 = vector.load %arg3[%swap3A_4035, %swap3A_4036, %swap3A_4037] : memref<1x8x16416xf32, #tpu.memory_space<vmem>>, vector<1x1x15xf32>
    %swap3A_4039 = vector.shape_cast %swap3A_4038 : vector<1x1x15xf32> to vector<15xf32>
    %swap3A_4040 = vector.shape_cast %squeeze3A_4034 : vector<15xf32> to vector<1x1x15xf32>
    tpu.vector_store %arg3[%swap3A_4035, %swap3A_4036, %swap3A_4037], %swap3A_4040 {strides = array<i32>} : memref<1x8x16416xf32, #tpu.memory_space<vmem>>, vector<1x1x15xf32>,
    %slice3A_4041 = vector.extract_strided_slice %get3A_3 {offsets = [498, 498], sizes = [1, 14], strides = [1, 1]} : vector<512x512xf32> to vector<1x14xf32>
    %squeeze3A_4042 = vector.shape_cast %slice3A_4041 : vector<1x14xf32> to vector<14xf32>
    %swap3A_4043 = arith.constant 0 : index
    %swap3A_4044 = arith.constant 7 : index
    %swap3A_4045 = arith.constant 16311 : index
    %swap3A_4046 = vector.load %arg3[%swap3A_4043, %swap3A_4044, %swap3A_4045] : memref<1x8x16416xf32, #tpu.memory_space<vmem>>, vector<1x1x14xf32>
    %swap3A_4047 = vector.shape_cast %swap3A_4046 : vector<1x1x14xf32> to vector<14xf32>
    %swap3A_4048 = vector.shape_cast %squeeze3A_4042 : vector<14xf32> to vector<1x1x14xf32>
    tpu.vector_store %arg3[%swap3A_4043, %swap3A_4044, %swap3A_4045], %swap3A_4048 {strides = array<i32>} : memref<1x8x16416xf32, #tpu.memory_space<vmem>>, vector<1x1x14xf32>,
    %slice3A_4049 = vector.extract_strided_slice %get3A_3 {offsets = [499, 499], sizes = [1, 13], strides = [1, 1]} : vector<512x512xf32> to vector<1x13xf32>
    %squeeze3A_4050 = vector.shape_cast %slice3A_4049 : vector<1x13xf32> to vector<13xf32>
    %swap3A_4051 = arith.constant 0 : index
    %swap3A_4052 = arith.constant 7 : index
    %swap3A_4053 = arith.constant 16325 : index
    %swap3A_4054 = vector.load %arg3[%swap3A_4051, %swap3A_4052, %swap3A_4053] : memref<1x8x16416xf32, #tpu.memory_space<vmem>>, vector<1x1x13xf32>
    %swap3A_4055 = vector.shape_cast %swap3A_4054 : vector<1x1x13xf32> to vector<13xf32>
    %swap3A_4056 = vector.shape_cast %squeeze3A_4050 : vector<13xf32> to vector<1x1x13xf32>
    tpu.vector_store %arg3[%swap3A_4051, %swap3A_4052, %swap3A_4053], %swap3A_4056 {strides = array<i32>} : memref<1x8x16416xf32, #tpu.memory_space<vmem>>, vector<1x1x13xf32>,
    %slice3A_4057 = vector.extract_strided_slice %get3A_3 {offsets = [500, 500], sizes = [1, 12], strides = [1, 1]} : vector<512x512xf32> to vector<1x12xf32>
    %squeeze3A_4058 = vector.shape_cast %slice3A_4057 : vector<1x12xf32> to vector<12xf32>
    %swap3A_4059 = arith.constant 0 : index
    %swap3A_4060 = arith.constant 7 : index
    %swap3A_4061 = arith.constant 16338 : index
    %swap3A_4062 = vector.load %arg3[%swap3A_4059, %swap3A_4060, %swap3A_4061] : memref<1x8x16416xf32, #tpu.memory_space<vmem>>, vector<1x1x12xf32>
    %swap3A_4063 = vector.shape_cast %swap3A_4062 : vector<1x1x12xf32> to vector<12xf32>
    %swap3A_4064 = vector.shape_cast %squeeze3A_4058 : vector<12xf32> to vector<1x1x12xf32>
    tpu.vector_store %arg3[%swap3A_4059, %swap3A_4060, %swap3A_4061], %swap3A_4064 {strides = array<i32>} : memref<1x8x16416xf32, #tpu.memory_space<vmem>>, vector<1x1x12xf32>,
    %slice3A_4065 = vector.extract_strided_slice %get3A_3 {offsets = [501, 501], sizes = [1, 11], strides = [1, 1]} : vector<512x512xf32> to vector<1x11xf32>
    %squeeze3A_4066 = vector.shape_cast %slice3A_4065 : vector<1x11xf32> to vector<11xf32>
    %swap3A_4067 = arith.constant 0 : index
    %swap3A_4068 = arith.constant 7 : index
    %swap3A_4069 = arith.constant 16350 : index
    %swap3A_4070 = vector.load %arg3[%swap3A_4067, %swap3A_4068, %swap3A_4069] : memref<1x8x16416xf32, #tpu.memory_space<vmem>>, vector<1x1x11xf32>
    %swap3A_4071 = vector.shape_cast %swap3A_4070 : vector<1x1x11xf32> to vector<11xf32>
    %swap3A_4072 = vector.shape_cast %squeeze3A_4066 : vector<11xf32> to vector<1x1x11xf32>
    tpu.vector_store %arg3[%swap3A_4067, %swap3A_4068, %swap3A_4069], %swap3A_4072 {strides = array<i32>} : memref<1x8x16416xf32, #tpu.memory_space<vmem>>, vector<1x1x11xf32>,
    %slice3A_4073 = vector.extract_strided_slice %get3A_3 {offsets = [502, 502], sizes = [1, 10], strides = [1, 1]} : vector<512x512xf32> to vector<1x10xf32>
    %squeeze3A_4074 = vector.shape_cast %slice3A_4073 : vector<1x10xf32> to vector<10xf32>
    %swap3A_4075 = arith.constant 0 : index
    %swap3A_4076 = arith.constant 7 : index
    %swap3A_4077 = arith.constant 16361 : index
    %swap3A_4078 = vector.load %arg3[%swap3A_4075, %swap3A_4076, %swap3A_4077] : memref<1x8x16416xf32, #tpu.memory_space<vmem>>, vector<1x1x10xf32>
    %swap3A_4079 = vector.shape_cast %swap3A_4078 : vector<1x1x10xf32> to vector<10xf32>
    %swap3A_4080 = vector.shape_cast %squeeze3A_4074 : vector<10xf32> to vector<1x1x10xf32>
    tpu.vector_store %arg3[%swap3A_4075, %swap3A_4076, %swap3A_4077], %swap3A_4080 {strides = array<i32>} : memref<1x8x16416xf32, #tpu.memory_space<vmem>>, vector<1x1x10xf32>,
    %slice3A_4081 = vector.extract_strided_slice %get3A_3 {offsets = [503, 503], sizes = [1, 9], strides = [1, 1]} : vector<512x512xf32> to vector<1x9xf32>
    %squeeze3A_4082 = vector.shape_cast %slice3A_4081 : vector<1x9xf32> to vector<9xf32>
    %swap3A_4083 = arith.constant 0 : index
    %swap3A_4084 = arith.constant 7 : index
    %swap3A_4085 = arith.constant 16371 : index
    %swap3A_4086 = vector.load %arg3[%swap3A_4083, %swap3A_4084, %swap3A_4085] : memref<1x8x16416xf32, #tpu.memory_space<vmem>>, vector<1x1x9xf32>
    %swap3A_4087 = vector.shape_cast %swap3A_4086 : vector<1x1x9xf32> to vector<9xf32>
    %swap3A_4088 = vector.shape_cast %squeeze3A_4082 : vector<9xf32> to vector<1x1x9xf32>
    tpu.vector_store %arg3[%swap3A_4083, %swap3A_4084, %swap3A_4085], %swap3A_4088 {strides = array<i32>} : memref<1x8x16416xf32, #tpu.memory_space<vmem>>, vector<1x1x9xf32>,
    %slice3A_4089 = vector.extract_strided_slice %get3A_3 {offsets = [504, 504], sizes = [1, 8], strides = [1, 1]} : vector<512x512xf32> to vector<1x8xf32>
    %squeeze3A_4090 = vector.shape_cast %slice3A_4089 : vector<1x8xf32> to vector<8xf32>
    %swap3A_4091 = arith.constant 0 : index
    %swap3A_4092 = arith.constant 7 : index
    %swap3A_4093 = arith.constant 16380 : index
    %swap3A_4094 = vector.load %arg3[%swap3A_4091, %swap3A_4092, %swap3A_4093] : memref<1x8x16416xf32, #tpu.memory_space<vmem>>, vector<1x1x8xf32>
    %swap3A_4095 = vector.shape_cast %swap3A_4094 : vector<1x1x8xf32> to vector<8xf32>
    %swap3A_4096 = vector.shape_cast %squeeze3A_4090 : vector<8xf32> to vector<1x1x8xf32>
    tpu.vector_store %arg3[%swap3A_4091, %swap3A_4092, %swap3A_4093], %swap3A_4096 {strides = array<i32>} : memref<1x8x16416xf32, #tpu.memory_space<vmem>>, vector<1x1x8xf32>,
    %slice3A_4097 = vector.extract_strided_slice %get3A_3 {offsets = [505, 505], sizes = [1, 7], strides = [1, 1]} : vector<512x512xf32> to vector<1x7xf32>
    %squeeze3A_4098 = vector.shape_cast %slice3A_4097 : vector<1x7xf32> to vector<7xf32>
    %swap3A_4099 = arith.constant 0 : index
    %swap3A_4100 = arith.constant 7 : index
    %swap3A_4101 = arith.constant 16388 : index
    %swap3A_4102 = vector.load %arg3[%swap3A_4099, %swap3A_4100, %swap3A_4101] : memref<1x8x16416xf32, #tpu.memory_space<vmem>>, vector<1x1x7xf32>
    %swap3A_4103 = vector.shape_cast %swap3A_4102 : vector<1x1x7xf32> to vector<7xf32>
    %swap3A_4104 = vector.shape_cast %squeeze3A_4098 : vector<7xf32> to vector<1x1x7xf32>
    tpu.vector_store %arg3[%swap3A_4099, %swap3A_4100, %swap3A_4101], %swap3A_4104 {strides = array<i32>} : memref<1x8x16416xf32, #tpu.memory_space<vmem>>, vector<1x1x7xf32>,
    %slice3A_4105 = vector.extract_strided_slice %get3A_3 {offsets = [506, 506], sizes = [1, 6], strides = [1, 1]} : vector<512x512xf32> to vector<1x6xf32>
    %squeeze3A_4106 = vector.shape_cast %slice3A_4105 : vector<1x6xf32> to vector<6xf32>
    %swap3A_4107 = arith.constant 0 : index
    %swap3A_4108 = arith.constant 7 : index
    %swap3A_4109 = arith.constant 16395 : index
    %swap3A_4110 = vector.load %arg3[%swap3A_4107, %swap3A_4108, %swap3A_4109] : memref<1x8x16416xf32, #tpu.memory_space<vmem>>, vector<1x1x6xf32>
    %swap3A_4111 = vector.shape_cast %swap3A_4110 : vector<1x1x6xf32> to vector<6xf32>
    %swap3A_4112 = vector.shape_cast %squeeze3A_4106 : vector<6xf32> to vector<1x1x6xf32>
    tpu.vector_store %arg3[%swap3A_4107, %swap3A_4108, %swap3A_4109], %swap3A_4112 {strides = array<i32>} : memref<1x8x16416xf32, #tpu.memory_space<vmem>>, vector<1x1x6xf32>,
    %slice3A_4113 = vector.extract_strided_slice %get3A_3 {offsets = [507, 507], sizes = [1, 5], strides = [1, 1]} : vector<512x512xf32> to vector<1x5xf32>
    %squeeze3A_4114 = vector.shape_cast %slice3A_4113 : vector<1x5xf32> to vector<5xf32>
    %swap3A_4115 = arith.constant 0 : index
    %swap3A_4116 = arith.constant 7 : index
    %swap3A_4117 = arith.constant 16401 : index
    %swap3A_4118 = vector.load %arg3[%swap3A_4115, %swap3A_4116, %swap3A_4117] : memref<1x8x16416xf32, #tpu.memory_space<vmem>>, vector<1x1x5xf32>
    %swap3A_4119 = vector.shape_cast %swap3A_4118 : vector<1x1x5xf32> to vector<5xf32>
    %swap3A_4120 = vector.shape_cast %squeeze3A_4114 : vector<5xf32> to vector<1x1x5xf32>
    tpu.vector_store %arg3[%swap3A_4115, %swap3A_4116, %swap3A_4117], %swap3A_4120 {strides = array<i32>} : memref<1x8x16416xf32, #tpu.memory_space<vmem>>, vector<1x1x5xf32>,
    %slice3A_4121 = vector.extract_strided_slice %get3A_3 {offsets = [508, 508], sizes = [1, 4], strides = [1, 1]} : vector<512x512xf32> to vector<1x4xf32>
    %squeeze3A_4122 = vector.shape_cast %slice3A_4121 : vector<1x4xf32> to vector<4xf32>
    %swap3A_4123 = arith.constant 0 : index
    %swap3A_4124 = arith.constant 7 : index
    %swap3A_4125 = arith.constant 16406 : index
    %swap3A_4126 = vector.load %arg3[%swap3A_4123, %swap3A_4124, %swap3A_4125] : memref<1x8x16416xf32, #tpu.memory_space<vmem>>, vector<1x1x4xf32>
    %swap3A_4127 = vector.shape_cast %swap3A_4126 : vector<1x1x4xf32> to vector<4xf32>
    %swap3A_4128 = vector.shape_cast %squeeze3A_4122 : vector<4xf32> to vector<1x1x4xf32>
    tpu.vector_store %arg3[%swap3A_4123, %swap3A_4124, %swap3A_4125], %swap3A_4128 {strides = array<i32>} : memref<1x8x16416xf32, #tpu.memory_space<vmem>>, vector<1x1x4xf32>,
    %slice3A_4129 = vector.extract_strided_slice %get3A_3 {offsets = [509, 509], sizes = [1, 3], strides = [1, 1]} : vector<512x512xf32> to vector<1x3xf32>
    %squeeze3A_4130 = vector.shape_cast %slice3A_4129 : vector<1x3xf32> to vector<3xf32>
    %swap3A_4131 = arith.constant 0 : index
    %swap3A_4132 = arith.constant 7 : index
    %swap3A_4133 = arith.constant 16410 : index
    %swap3A_4134 = vector.load %arg3[%swap3A_4131, %swap3A_4132, %swap3A_4133] : memref<1x8x16416xf32, #tpu.memory_space<vmem>>, vector<1x1x3xf32>
    %swap3A_4135 = vector.shape_cast %swap3A_4134 : vector<1x1x3xf32> to vector<3xf32>
    %swap3A_4136 = vector.shape_cast %squeeze3A_4130 : vector<3xf32> to vector<1x1x3xf32>
    tpu.vector_store %arg3[%swap3A_4131, %swap3A_4132, %swap3A_4133], %swap3A_4136 {strides = array<i32>} : memref<1x8x16416xf32, #tpu.memory_space<vmem>>, vector<1x1x3xf32>,
    %slice3A_4137 = vector.extract_strided_slice %get3A_3 {offsets = [510, 510], sizes = [1, 2], strides = [1, 1]} : vector<512x512xf32> to vector<1x2xf32>
    %squeeze3A_4138 = vector.shape_cast %slice3A_4137 : vector<1x2xf32> to vector<2xf32>
    %swap3A_4139 = arith.constant 0 : index
    %swap3A_4140 = arith.constant 7 : index
    %swap3A_4141 = arith.constant 16413 : index
    %swap3A_4142 = vector.load %arg3[%swap3A_4139, %swap3A_4140, %swap3A_4141] : memref<1x8x16416xf32, #tpu.memory_space<vmem>>, vector<1x1x2xf32>
    %swap3A_4143 = vector.shape_cast %swap3A_4142 : vector<1x1x2xf32> to vector<2xf32>
    %swap3A_4144 = vector.shape_cast %squeeze3A_4138 : vector<2xf32> to vector<1x1x2xf32>
    tpu.vector_store %arg3[%swap3A_4139, %swap3A_4140, %swap3A_4141], %swap3A_4144 {strides = array<i32>} : memref<1x8x16416xf32, #tpu.memory_space<vmem>>, vector<1x1x2xf32>,
    %slice3A_4145 = vector.extract_strided_slice %get3A_3 {offsets = [511, 511], sizes = [1, 1], strides = [1, 1]} : vector<512x512xf32> to vector<1x1xf32>
    %squeeze3A_4146 = vector.shape_cast %slice3A_4145 : vector<1x1xf32> to vector<1xf32>
    %swap3A_4147 = arith.constant 0 : index
    %swap3A_4148 = arith.constant 7 : index
    %swap3A_4149 = arith.constant 16415 : index
    %swap3A_4150 = vector.load %arg3[%swap3A_4147, %swap3A_4148, %swap3A_4149] : memref<1x8x16416xf32, #tpu.memory_space<vmem>>, vector<1x1x1xf32>
    %swap3A_4151 = vector.shape_cast %swap3A_4150 : vector<1x1x1xf32> to vector<1xf32>
    %swap3A_4152 = vector.shape_cast %squeeze3A_4146 : vector<1xf32> to vector<1x1x1xf32>
    tpu.vector_store %arg3[%swap3A_4147, %swap3A_4148, %swap3A_4149], %swap3A_4152 {strides = array<i32>} : memref<1x8x16416xf32, #tpu.memory_space<vmem>>, vector<1x1x1xf32>,
    %get3A_4153 = arith.constant 0 : index
    %get3A_4154 = arith.constant 0 : index
    %get3A_4155 = arith.constant 0 : index
    %get3A_4156 = vector.load %arg3[%get3A_4153, %get3A_4154, %get3A_4155] : memref<1x8x16416xf32, #tpu.memory_space<vmem>>, vector<1x8x16416xf32>
    %get3A_4157 = vector.shape_cast %get3A_4156 : vector<1x8x16416xf32> to vector<8x16416xf32>
    %get3A_4158 = arith.constant 0 : index
    %get3A_4159 = arith.constant 0 : index
    %get3A_4160 = arith.constant 0 : index
    %get3A_4161 = vector.load %arg2[%get3A_4158, %get3A_4159, %get3A_4160] : memref<1x8x16416xf32, #tpu.memory_space<vmem>>, vector<1x8x16416xf32>
    %get3A_4162 = vector.shape_cast %get3A_4161 : vector<1x8x16416xf32> to vector<8x16416xf32>
    %abs3A = math.absf %get3A_4157 : vector<8x16416xf32>
    %mul3A = arith.mulf %get3A_4162, %get3A_4162 : vector<8x16416xf32>
    %mul3A_4163 = arith.mulf %abs3A, %mul3A : vector<8x16416xf32>
    %reduce_sum3A = vector.shape_cast %mul3A_4163 : vector<8x16416xf32> to vector<1x8x16416xf32>
    %reduce_sum3A_4164 = arith.constant dense<0.000000e+00> : vector<1xf32>
    %reduce_sum3A_4165 = vector.multi_reduction <add>, %reduce_sum3A, %reduce_sum3A_4164 [1, 2] : vector<1x8x16416xf32> to vector<1xf32>
    %reduce_sum3A_4166 = vector.shape_cast %reduce_sum3A_4165 : vector<1xf32> to vector<1x1x1xf32>
    %reduce_sum3A_4167 = vector.extract %reduce_sum3A_4166[0, 0, 0] : f32 from vector<1x1x1xf32>
    %rsqrt3A = math.rsqrt %reduce_sum3A_4167 : f32
    %abs3A_4168 = math.absf %get3A_4157 : vector<8x16416xf32>
    %mul3A_4169 = vector.broadcast %rsqrt3A : f32 to vector<8x16416xf32>
    %mul3A_4170 = arith.mulf %get3A_4162, %mul3A_4169 : vector<8x16416xf32>
    %mul3A_4171 = arith.mulf %get3A_4157, %mul3A_4170 : vector<8x16416xf32>
    %max3A = arith.constant 9.99999991E-38 : f32
    %max3A_4172 = vector.broadcast %max3A : f32 to vector<8x16416xf32>
    %max3A_4173 = arith.maximumf %abs3A_4168, %max3A_4172 : vector<8x16416xf32>
    %rsqrt3A_4174 = math.rsqrt %max3A_4173 : vector<8x16416xf32>
    %mul3A_4175 = arith.mulf %mul3A_4171, %rsqrt3A_4174 : vector<8x16416xf32>
    %swap3A_4176 = arith.constant 0 : index
    %swap3A_4177 = arith.constant 0 : index
    %swap3A_4178 = arith.constant 0 : index
    %swap3A_4179 = vector.load %arg3[%swap3A_4176, %swap3A_4177, %swap3A_4178] : memref<1x8x16416xf32, #tpu.memory_space<vmem>>, vector<1x8x16416xf32>
    %swap3A_4180 = vector.shape_cast %swap3A_4179 : vector<1x8x16416xf32> to vector<8x16416xf32>
    %swap3A_4181 = vector.shape_cast %mul3A_4175 : vector<8x16416xf32> to vector<1x8x16416xf32>
    tpu.vector_store %arg3[%swap3A_4176, %swap3A_4177, %swap3A_4178], %swap3A_4181 {strides = array<i32>} : memref<1x8x16416xf32, #tpu.memory_space<vmem>>, vector<1x8x16416xf32>,
    return
  }
  func.func @transform_0(%arg0: i32) -> (i32, i32, i32) {
    %c0_i32 = arith.constant 0 : i32
    %c0_i32_0 = arith.constant 0 : i32
    %c0_i32_1 = arith.constant 0 : i32
    return %arg0, %c0_i32, %c0_i32_0 : i32, i32, i32
  }
  func.func @transform_1(%arg0: i32) -> (i32, i32, i32) {
    %c0_i32 = arith.constant 0 : i32
    %c0_i32_0 = arith.constant 0 : i32
    %c0_i32_1 = arith.constant 0 : i32
    %c0_i32_2 = arith.constant 0 : i32
    return %c0_i32, %c0_i32_0, %c0_i32_1 : i32, i32, i32
  }
  func.func @transform_2(%arg0: i32) -> (i32, i32, i32) {
    %c0_i32 = arith.constant 0 : i32
    %c0_i32_0 = arith.constant 0 : i32
    %c0_i32_1 = arith.constant 0 : i32
    return %arg0, %c0_i32, %c0_i32_0 : i32, i32, i32
  }
}

</mosaic_0001>

<sc_bundles>
// kernel: sparse-core-data-format-call.cloned.1.call-start
scs
called_computation_lowered:
.L_overlay_start_0:
0x0: {  	s2 =	sld [smem:$0x3FD9]  }
0x1: {  	s3 =	sld [smem:$0x3FFE];
	_ =	sdelay $0x1  }
0x2: {  	s1 =	srdreg.scid  }
0x3: {  	s0 =	sand.u32 $0x1, s1  }
0x4: {  	s18 =	sshll.u32 s0, $0xA;
	s2 =	sadd.s32 s3, s2  }
0x5: {  	s2 =	sadd.s32 s2, s18  }
0x6: {  	[smem:$0x3FC7] =	sst s2  }
0x7: {  	_ = 	snop  }
0x8: {  	s2 =	sld [smem:$0x3FD0];
	(tm) =	ssettm $0x1  }
0x9: {  	s19 =	sld [smem:$0x3FFB];
	_ =	sdelay $0x3  }
0xa: {  	_ =	strace s19  }
0xb: {  	s3 =	sld [smem:$0x3FFC];
	_ =	sdelay $0x3  }
0xc: {  	_ =	strace s3  }
0xd: {  	s3 =	sld [smem:$0x3FFD];
	_ =	sdelay $0x3  }
0xe: {  	_ =	strace s3  }
0xf: {  	_ =	strace $0x8FFFFFFF  }
0x10: {  	s20 =	sld [smem:$0x3FDB];
	_ =	sdelay $0x1  }
0x11: {  	s4 =	simm.s32 $_scs_section_size  }
0x12: {  	s5 =	simm.s32 $_size__tile_overlayer_lowered;
	s6 =	simm.s32 $_tile_overlayer_lowered  }
0x13: {  	s23 =	simm.s32 $0x1BFF;
	s22 =	sshll.u32 s6, $0x1;
	s3 =	sadd.s32 s4, s20  }
0x14: {  	s7 =	simm.s32 $0x0;
	s21 =	sshll.u32 s5, $0x1;
	s5 =	sadd.s32 s22, s3  }
0x15: {  	[timem:s7], [sflag:s23] =	dma.local [hbm:s5], s21  }
0x16: {  	_ =	swait.ge [sflag:s23], s21  }
0x17: {  	s4 =	ssub.s32 $0x0, s21;
	[sflag:s23] =	ssyncset.done $0x0  }
0x18: {  	[sflag:s23] =	ssyncadd.s32 s4;
	_ =	sdelay $0x1  }
0x19: {  	s24 =	simm.s32 $0x1B8B  }
0x1a: {  	_ =	swait.ge [sflag:s24], $0x1  }
0x1b: {  	[sflag:s24] =	ssyncset.done $0x0  }
0x1c: {  	s26 =	simm.s32 $0x1B8E;
	s25 =	sld [smem:$0x3FFE];
	[sflag:s24] =	ssyncadd.s32 $0xFFFFFFFF  }
0x1d: {  	s27 =	simm.s32 $execute0_lowered;
	[smem:$0x3FD2] =	sst s26  }
0x1e: {  	s5 =	sshll.u32 s27, $0x1;
	_ =	strace $0x80000046;
	[dreg:$0x1] =	wrdreg $0xFFFFFFFF  }
0x1f: {  	s28 =	simm.s32 $_size_execute0_lowered;
	s3 =	sadd.s32 s3, s5;
	[dreg:$0x0] =	wrdreg $0x0  }
0x20: {  	s5 =	sshll.u32 s28, $0x1;
	[dreg:$0x2] =	wrdreg s3  }
0x21: {  	[dreg:$0x3] =	wrdreg s5  }
0x22: {  	[dreg:$0x4] =	wrdreg $0xC0  }
0x23: {  	_ =	task [dreg:s7], $0x5FFFF  }
0x24: {  	[dreg:$0x1] =	wrdreg $0xFFFFFFFF  }
0x25: {  	[dreg:$0x0] =	wrdreg $0x60  }
0x26: {  	[dreg:$0x2] =	wrdreg s25  }
0x27: {  	[dreg:$0x3] =	wrdreg s2  }
0x28: {  	[dreg:$0x4] =	wrdreg $0x9  }
0x29: {  	_ =	task.clear_ibuf [dreg:s7], $0x5FFFF;
	_ =	strace $0x90000046  }
0x2a: {  	s29 =	simm.s32 $0x9;
	_ =	strace $0x80000048  }
0x2b: {  	_ =	swait.ge [sflag:s29], $0x1  }
0x2c: {  	[sflag:s29] =	ssyncadd.s32 $0xFFFFFFFF  }
0x2d: {  	_ =	strace $0x90000048  }
0x2e: {  	_ =	sfence  }
0x2f: {  	s30 =	sld [smem:$0x0];
	_ =	sdelay $0x2  }
0x30: {  	s31 =	sshll.u32 s1, $0xD;
	s1 =	sshrl.u32 s1, $0x2  }
0x31: {  	s3 =	sand.u32 $0x4000, s31;
	s1 =	sadd.s32 s1, s30  }
0x32: {  	s0 =	sor.u32 s3, s0;
	s1 =	sshll.u32 s1, $0x11  }
0x33: {  	s0 =	sor.u32 s1, s0  }
0x34: {  	s0 =	sadd.s32 $0x8F2B, s0  }
0x35: {  	[sflag:s0] =	ssyncadd.remote.s32 $0x1  }
0x36: {  	_ =	sfence.sel $0xFFFF  }
0x37: {  	[dreg:$0x0] =	wrdreg $0xFFFFFFFF;
	(pc) =	sbr.abs _section_cstart, $3  }
0x38: {  	[dreg:$0x1] =	wrdreg $0xFFFFFFFF  }
0x39: {  	_ =	task.clear_ibuf [dreg:s7], $0x2FFFF;
	_ =	strace $0x9FFFFFFF  }
0x3a: {  	(tm) =	ssettm $0x7FFFFFFF  }
0x3b: {  	_ =	shalt  }
tec
execute0_lowered:
.L_overlay_start_1:
0x0: {  	(tag) =	ssettag $0x1  }
0x1: {  	s0 =	srdreg.scid  }
0x2: {  	s1 =	sshll.u32 s0, $0x4  }
0x3: {  	s4 =	rddreg [dreg:$0x0];
	s0 =	stileid.u32;
	s1 =	sand.u32 $0x10, s1  }
0x4: {  	s2 =	rddreg [dreg:$0x1];
	s7 =	simm.s32 $0x1;
	s1 =	sor.u32 s0, s1  }
0x5: {  	s8 =	simm.s32 $0x2;
	s11 =	simm.s32 $0x0;
	s3 =	sshll.u32 s1, $0x7  }
0x6: {  	s10 =	simm.s32 $0x0;
	s4 =	sadd.s32 $0x204600, s4;
	s6 =	ssub.s32 $0x20100, s3  }
.Ltmp0:
0x7: {  	s1 =	rddreg [dreg:$0x2];
	s5 =	sand.u32 $0xF80, s6;
	(pc) =	sbr.rel .LBB1_1-.Ltmp0, $4  }
0x8: {  	_ =	strace $0x80000047;
	s9 =	smov.u32 s3;
	p0 =	sne.s32 s5, $0x0  }
0x9: {  	s6 =	sshrl.u32 s6, $0xC;
	s5 =	simm.s32 $0x1;
	s7 =	simm.s32 @!p0 $0x0  }
0xa: {  	[sflag:s5] =	ssyncpa.u1 $0x0;
	p0 =	por $0x0, $0x0;
	s6 =	sadd.s32 s7, s6  }
0xb: {  	[sflag:s8] =	ssyncpa.u1 $0x0;
	s8 =	simm.s32 $0x100800;
	s7 =	sadd.s32 $0x1, s6  }
.LBB1_4:
0xc: {  	v5 =	vld [tilespmem:s15+$0xFFFFFFD0];
	[tilespmem:s14+$0x2040 ss:$0x81] =	vst.msk $0xffff, v3;
	s17 =	sshll.u32 s11, $0x3  }
0xd: {  	v58 =	vld [tilespmem:s15+$0xFFFFFFE0];
	[tilespmem:s14+$0x2850 ss:$0x81] =	vst.msk $0xffff, v4;
	s25 =	sand.u32 $0x7F, s11;
	s17 =	sand.u32 $0xFFFFFC00, s17  }
0xe: {  	s16 =	sshra.s32 s16, $0x2;
	v59 =	vld [tilespmem:s15+$0xFFFFFFF0];
	[tilespmem:s14+$0x3060 ss:$0x81] =	vst.msk $0xffff, v2;
	s11 =	sor.u32 s25, s17  }
0xf: {  	v60 =	vld [tilespmem:s15+$0x0];
	[tilespmem:s14+$0x0 ss:$0x81] =	vst.msk $0xffff, v0;
	s13 =	sadd.s32 s16, s13;
	s26 =	smulhi.u32 $0xFF803FE1, s11  }
0x10: {  	v61 =	vld [tilespmem:s15+$0x10];
	[tilespmem:s13+$0x3870 ss:$0x81] =	vst.msk $0xffff, v1  }
0x11: {  	v62 =	vld [tilespmem:s15+$0x20];
	s27 =	smulhi.u32 $0xFF803FE1, s17;
	[tilespmem:s13+$0x810 ss:$0x81] =	vst.msk $0xffff, v5;
	s14 =	sshrl.u32 s26, $0x11  }
0x12: {  	v63 =	vld [tilespmem:s15+$0xFFFFFFC0];
	[tilespmem:s13+$0x1020 ss:$0x81] =	vst.msk $0xffff, v58;
	s14 =	smul.u32 $0x20100, s14  }
0x13: {  	s28 =	sshrl.u32 s27, $0x11;
	[tilespmem:s13+$0x1830 ss:$0x81] =	vst.msk $0xffff, v59  }
0x14: {  	[tilespmem:s13+$0x2040 ss:$0x81] =	vst.msk $0xffff, v60;
	s29 =	sand.u32 $0x7F, s28;
	s11 =	ssub.s32 s11, s14  }
0x15: {  	[tilespmem:s13+$0x2850 ss:$0x81] =	vst.msk $0xffff, v61;
	s14 =	smul.u32 $0x4020, s29;
	s30 =	sshrl.u32 s11, $0x3;
	s11 =	sand.u32 $0x7, s11  }
0x16: {  	[tilespmem:s13+$0x3060 ss:$0x81] =	vst.msk $0xffff, v62;
	s15 =	sadd.s32 s2, s30;
	s11 =	sshll.u32 s11, $0x12  }
0x17: {  	[tilespmem:s13+$0x0 ss:$0x81] =	vst.msk $0xffff, v63;
	s31 =	sadd.s32 s14, s15;
	s11 =	sor.u32 $0x400, s11  }
0x18: {  	[hbm4b:s31+s11] =	stream.strided.scatter [tilespmem:s12], [sflag:$0x2], $0x4000, s8, s11, $0x20;
	[tilespmem:$0x10100] =	vst v63  }
.LBB1_5:
0x19: {  	s13 =	sadd.s32 $0x1000, s9  }
0x1a: {  	p2 =	sgt.s32 s13, $0x200FF  }
0x1b: {  	s13 =	smov.u32 @p2 s3;
	p2 =	sne.s32 s10, s7  }
.Ltmp1:
0x1c: {  	p1 =	slt.u32 s10, $0x2;
	(pc) =	sbr.rel @!p2 .LBB1_6-.Ltmp1, $4  }
0x1d: {  	s12 =	simm.s32 @!p1 $0x2  }
0x1e: {  	s14 =	sadd.s32 $0x1, s10;
	_ =	swait.ge @!p1 [sflag:s12], $0x4000  }
0x1f: {  	s11 =	smov.u32 s9;
	p0 =	por !p0, !p0;
	[sflag:s12] =	ssyncset.done @!p1 $0x0  }
0x20: {  	s10 =	smov.u32 s14;
	s9 =	smov.u32 s13;
	[sflag:s12] =	ssyncadd.s32 @!p1 $0xFFFFC000  }
.LBB1_1:
0x21: {  	p1 =	sge.u32 s10, s6  }
0x22: {  	s12 =	sand.u32 @!p1 $0x1FFFFFF, s9  }
0x23: {  	s13 =	smulhi.u32 @!p1 $0x3FE01, s12;
	_ =	sdelay $0x1  }
0x24: {  	s13 =	sshrl.u32 @!p1 s13, $0x3  }
0x25: {  	s13 =	smul.u32 @!p1 $0x20100, s13;
	_ =	sdelay $0x1  }
0x26: {  	s14 =	sxor.u32 @!p1 $0xFFFFFFFF, s10;
	s12 =	ssub.s32 @!p1 s12, s13  }
0x27: {  	s31 =	sadd.s32 $0xFFFFFFFF, s10;
	s13 =	sshll.u32 @!p1 s14, $0xE;
	s12 =	sshll.u32 @!p1 s12, $0x4  }
0x28: {  	s14 =	simm.s32 @!p1 $0x0;
	s13 =	sand.u32 @!p1 $0x4000, s13;
	s12 =	sadd.s32 @!p1 s4, s12  }
0x29: {  	[tilespmem:s13], [sflag:$0x1] =	stream.linear.gather @!p1 [hbm4b:s12+s14], $0x4000, $0x38;
	[tilespmem:$0x10100] =	vst v63  }
0x2a: {  	p1 =	sge.u32 s31, s6  }
.Ltmp2:
0x2b: {  	_ = 	snop;
	(pc) =	sbr.rel @p1 .LBB1_5-.Ltmp2, $1  }
0x2c: {  	_ =	sdelay $0x3  }
0x2d: {  	s12 =	simm.s32 $0x1  }
0x2e: {  	_ =	swait.ge [sflag:s5], $0x4000;
	s12 =	simm.s32 @!p0 $0x0  }
0x2f: {  	[sflag:s5] =	ssyncset.done $0x0;
	s13 =	sshll.u32 s12, $0xE  }
0x30: {  	[sflag:s5] =	ssyncadd.s32 $0xFFFFC000;
	s15 =	sor.u32 $0x40, s13  }
0x31: {  	s12 =	smul.u32 $0x10200, s12;
	v0 =	vld [tilespmem:s15+$0x30]  }
0x32: {  	v1 =	vld [tilespmem:s15+$0xFFFFFFD0]  }
0x33: {  	s12 =	sshrl.u32 s12, $0x2;
	v5 =	vld [tilespmem:s15+$0xFFFFFFE0]  }
0x34: {  	v6 =	vld [tilespmem:s15+$0xFFFFFFF0];
	s13 =	sor.u32 $0x8000, s12  }
0x35: {  	s31 =	sand.u32 $0x1, s10;
	v3 =	vld [tilespmem:s15+$0x0];
	s14 =	sadd.s32 $0x0, s13  }
0x36: {  	v4 =	vld [tilespmem:s15+$0x10];
	s12 =	smul.u32 $0x10200, s31;
	[tilespmem:s14+$0x3870 ss:$0x81] =	vst.msk $0xffff, v0  }
0x37: {  	v2 =	vld [tilespmem:s15+$0x20];
	[tilespmem:s14+$0x810 ss:$0x81] =	vst.msk $0xffff, v1  }
0x38: {  	s12 =	sshrl.u32 s12, $0x2;
	v0 =	vld [tilespmem:s15+$0xFFFFFFC0];
	[tilespmem:s14+$0x1020 ss:$0x81] =	vst.msk $0xffff, v5;
	s15 =	sadd.s32 $0x80, s15  }
0x39: {  	s16 =	simm.s32 $0x4;
	s17 =	simm.s32 $0x8;
	s12 =	sor.u32 $0x8000, s12;
	[tilespmem:s14+$0x1830 ss:$0x81] =	vst.msk $0xffff, v6;
	v1 =	vld [tilespmem:s15+$0x30]  }
.LBB1_3:
0x3a: {  	p1 =	sne.s32 s17, $0x1FC;
	v5 =	vld [tilespmem:s15+$0xFFFFFFD0];
	[tilespmem:s14+$0x2040 ss:$0x81] =	vst.msk $0xffff, v3  }
0x3b: {  	v6 =	vld [tilespmem:s15+$0xFFFFFFE0];
	[tilespmem:s14+$0x2850 ss:$0x81] =	vst.msk $0xffff, v4  }
0x3c: {  	s18 =	sshra.s32 s16, $0x2;
	s16 =	smov.u32 s17;
	v7 =	vld [tilespmem:s15+$0xFFFFFFF0];
	[tilespmem:s14+$0x3060 ss:$0x81] =	vst.msk $0xffff, v2  }
.Ltmp3:
0x3d: {  	v3 =	vld [tilespmem:s15+$0x0];
	[tilespmem:s14+$0x0 ss:$0x81] =	vst.msk $0xffff, v0;
	s14 =	sadd.s32 s18, s13;
	(pc) =	sbr.rel @p1 .LBB1_3-.Ltmp3, $4  }
0x3e: {  	v4 =	vld [tilespmem:s15+$0x10];
	[tilespmem:s14+$0x3870 ss:$0x81] =	vst.msk $0xffff, v1  }
0x3f: {  	[tilespmem:s14+$0x810 ss:$0x81] =	vst.msk $0xffff, v5;
	v2 =	vld [tilespmem:s15+$0x20]  }
0x40: {  	v0 =	vld [tilespmem:s15+$0xFFFFFFC0];
	[tilespmem:s14+$0x1020 ss:$0x81] =	vst.msk $0xffff, v6;
	s15 =	sadd.s32 $0x80, s15  }
0x41: {  	s17 =	sadd.s32 $0x4, s17;
	v1 =	vld [tilespmem:s15+$0x30];
	[tilespmem:s14+$0x1830 ss:$0x81] =	vst.msk $0xffff, v7  }
.Ltmp4:
0x42: {  	_ = 	snop;
	(pc) =	sbr.rel .LBB1_4-.Ltmp4, $1  }
0x43: {  	_ =	sdelay $0x3  }
.LBB1_6:
0x44: {  	_ =	sfence.sel $0x180000  }
0x45: {  	s2 =	simm.s32 $0x1;
	[bflag:$0x0] =	sbarrier.arrive $0xFFFF  }
0x46: {  	s31 =	simm.s32 $0x2;
	[sflag:s2] =	ssyncpa.u1 $0x1  }
0x47: {  	[sflag:s31] =	ssyncpa.u1 $0x1  }
0x48: {  	p0 =	sne.s32 s0, $0x0;
	_ =	strace $0x90000047  }
0x49: {  	s0 =	sadd.s32 @!p0 $0x100000, s1;
	[bflag:$0x2] =	sbarrier.arrive $0xFFFF  }
0x4a: {  	[sflag:s0] =	ssyncadd.tile.s32 @!p0 $0x1;
	_ =	shalt  }
.Lfunc_end1:
_tile_overlayer_lowered:
.L_overlay_start_2:
0x4b: {  	(tag) =	ssettag $0x2  }
0x4c: {  	s0 =	rddreg [dreg:$0x0];
	s2 =	stileid.u32  }
0x4d: {  	s1 =	rddreg [dreg:$0x1];
	p0 =	sne.s32 s2, $0x0  }
0x4e: {  	s3 =	rddreg [dreg:$0x2];
	[bflag:$0x3] =	sbarrier.arrive $0xFFFF;
	s2 =	simm.s32 @!p0 $0x1C01  }
0x4f: {  	[timem:s3], [sflag:s2] =	dma.local @!p0 [hbm:s0], s1  }
0x50: {  	s0 =	simm.s32 @!p0 $0x1  }
0x51: {  	_ =	swait.ge @!p0 [sflag:s0], s1  }
0x52: {  	s1 =	ssub.s32 @!p0 $0x0, s1;
	[sflag:s0] =	ssyncset.done @!p0 $0x0  }
0x53: {  	[sflag:s0] =	ssyncadd.s32 @!p0 s1  }
0x54: {  	[bflag:$0x3] =	sbarrier.arrive $0xFFFF  }
0x55: {  	_ =	shalt  }

</sc_bundles>
